<compile_context>
chip_gen: v7x
topology: tpu7x:2x2x1
jax: 0.10.2.dev20260603
libtpu: 0.0.44.dev20260713+nightly
codegen_flags: <defaults>
</compile_context>

<pallas_src>
import functools

import jax
import jax.numpy as jnp
from jax import lax
from jax.experimental import pallas as pl
from jax.experimental.pallas import tpu as pltpu
from jax.experimental.pallas import tpu_sc as plsc

N = 10000
E = 320000
F = 128
G = 64
NC = 2
NS = 16
L = 16
NW = NC * NS
EPW = E // NW
K = 80
NCHUNK = EPW // K
NBUF = 2
NPT = N // NS
BN = 2000
GRID = N // BN


def _sc_scatter_body(y_hbm, row_hbm, col_hbm, z_hbm, out_hbm,
                     acc, ridx, cidx0, cidx1, rows, g0, g1, i0, i1):
    c = lax.axis_index("c")
    s = lax.axis_index("s")
    wid = s * NC + c
    cidx = (cidx0, cidx1)
    gsem = (g0, g1)
    isem = (i0, i1)

    pltpu.sync_copy(row_hbm.at[wid], ridx)
    pltpu.sync_copy(z_hbm.at[s], acc.at[pl.ds(s * NPT, NPT)])

    for b in range(NBUF):
        pltpu.async_copy(col_hbm.at[wid, b, 0], cidx[b], isem[b])
        pltpu.async_copy(y_hbm.at[ridx.at[b]], rows.at[b], gsem[b])
    plsc.subcore_barrier()

    def _wait_g(b):
        pltpu.make_async_copy(y_hbm.at[ridx.at[0]], rows.at[b], gsem[b]).wait()

    def _wait_i(b):
        pltpu.make_async_copy(col_hbm.at[wid, 0, 0], cidx[b], isem[b]).wait()

    def _group(g, carry):
        for b in range(NBUF):
            j = g * NBUF + b
            _wait_g(b)
            _wait_i(b)
            pltpu.sync_copy(rows.at[b], acc.at[cidx[b]], add=True)
            pltpu.async_copy(col_hbm.at[wid, j + NBUF, 0], cidx[b], isem[b])
            pltpu.async_copy(y_hbm.at[ridx.at[j + NBUF]], rows.at[b], gsem[b])
        return carry

    NG = (NCHUNK - NBUF) // NBUF
    lax.fori_loop(0, NG, _group, 0)
    for j in range(NG * NBUF, NCHUNK):
        b = j % NBUF
        _wait_g(b)
        _wait_i(b)
        pltpu.sync_copy(rows.at[b], acc.at[cidx[b]], add=True)
        if j + NBUF < NCHUNK:
            pltpu.async_copy(col_hbm.at[wid, j + NBUF, 0], cidx[b], isem[b])
            pltpu.async_copy(y_hbm.at[ridx.at[j + NBUF]], rows.at[b], gsem[b])
    plsc.subcore_barrier()

    pltpu.sync_copy(acc.at[pl.ds(s * NPT, NPT)], out_hbm.at[c * NS + s])


def _sc_degree_body(col_hbm, ones_hbm, z_hbm, out_hbm, acc, cidx0, cidx1,
                    ones_b, i0, i1):
    c = lax.axis_index("c")
    s = lax.axis_index("s")
    wid = s * NC + c
    cidx = (cidx0, cidx1)
    isem = (i0, i1)

    pltpu.sync_copy(ones_hbm, ones_b)
    pltpu.sync_copy(z_hbm.at[s], acc.at[pl.ds(s * NPT, NPT)])
    for b in range(NBUF):
        pltpu.async_copy(col_hbm.at[wid, b, 0], cidx[b], isem[b])
    plsc.subcore_barrier()

    def _wait_i(b):
        pltpu.make_async_copy(col_hbm.at[wid, 0, 0], cidx[b], isem[b]).wait()

    def _group(g, carry):
        for b in range(NBUF):
            j = g * NBUF + b
            _wait_i(b)
            pltpu.sync_copy(ones_b, acc.at[cidx[b]], add=True)
            pltpu.async_copy(col_hbm.at[wid, j + NBUF, 0], cidx[b], isem[b])
        return carry

    NG = (NCHUNK - NBUF) // NBUF
    lax.fori_loop(0, NG, _group, 0)
    for j in range(NG * NBUF, NCHUNK):
        b = j % NBUF
        _wait_i(b)
        pltpu.sync_copy(ones_b, acc.at[cidx[b]], add=True)
        if j + NBUF < NCHUNK:
            pltpu.async_copy(col_hbm.at[wid, j + NBUF, 0], cidx[b], isem[b])
    plsc.subcore_barrier()

    pltpu.sync_copy(acc.at[pl.ds(s * NPT, NPT)], out_hbm.at[c * NS + s])


@functools.lru_cache(maxsize=None)
def _sc_kernels():
    mesh = plsc.VectorSubcoreMesh(core_axis_name="c", subcore_axis_name="s",
                                  num_cores=NC, num_subcores=NS)
    scatter = functools.partial(
        pl.kernel,
        out_type=jax.ShapeDtypeStruct((NC * NS, NPT, F), jnp.float32),
        mesh=mesh,
        scratch_types=[
            pltpu.VMEM_SHARED((N, F), jnp.float32),
            pltpu.VMEM((NCHUNK, K), jnp.int32),
            pltpu.VMEM((K,), jnp.int32),
            pltpu.VMEM((K,), jnp.int32),
            pltpu.VMEM((NBUF, K, F), jnp.float32),
            pltpu.SemaphoreType.DMA,
            pltpu.SemaphoreType.DMA,
            pltpu.SemaphoreType.DMA,
            pltpu.SemaphoreType.DMA,
        ],
    )(_sc_scatter_body)
    degree = functools.partial(
        pl.kernel,
        out_type=jax.ShapeDtypeStruct((NC * NS, NPT, F), jnp.float32),
        mesh=mesh,
        scratch_types=[
            pltpu.VMEM_SHARED((N, F), jnp.float32),
            pltpu.VMEM((K,), jnp.int32),
            pltpu.VMEM((K,), jnp.int32),
            pltpu.VMEM((K, F), jnp.float32),
            pltpu.SemaphoreType.DMA,
            pltpu.SemaphoreType.DMA,
        ],
    )(_sc_degree_body)
    return scatter, degree



def _tc_mm_body(x_ref, w_ref, o_ref):
    o_ref[...] = jnp.dot(x_ref[...], w_ref[...],
                         preferred_element_type=jnp.float32)


def _tc_mm(x, w):
    return pl.pallas_call(
        _tc_mm_body,
        grid=(GRID,),
        in_specs=[
            pl.BlockSpec((BN, F), lambda i: (i, 0)),
            pl.BlockSpec((F, F), lambda i: (0, 0)),
        ],
        out_specs=pl.BlockSpec((BN, F), lambda i: (i, 0)),
        out_shape=jax.ShapeDtypeStruct((N, F), jnp.float32),
    )(x, w)


def _tc_pre_body(p_ref, xw_ref, y_ref, dis_ref):
    deg = p_ref[0, :, 0:1] + p_ref[1, :, 0:1] + 1.0
    dis = lax.rsqrt(deg)
    dis_ref[...] = dis
    y_ref[...] = dis * xw_ref[...]


def _tc_pre(p, xw):
    return pl.pallas_call(
        _tc_pre_body,
        grid=(GRID,),
        in_specs=[
            pl.BlockSpec((NC, BN, F), lambda i: (0, i, 0)),
            pl.BlockSpec((BN, F), lambda i: (i, 0)),
        ],
        out_specs=[
            pl.BlockSpec((BN, F), lambda i: (i, 0)),
            pl.BlockSpec((BN, 1), lambda i: (i, 0)),
        ],
        out_shape=[
            jax.ShapeDtypeStruct((N, F), jnp.float32),
            jax.ShapeDtypeStruct((N, 1), jnp.float32),
        ],
    )(p, xw)


def _tc_mid_body(s_ref, y_ref, dis_ref, b_ref, w_ref, yo_ref):
    t = s_ref[0] + s_ref[1] + y_ref[...]
    h = jnp.maximum(dis_ref[...] * t + b_ref[...], 0.0)
    yo_ref[...] = dis_ref[...] * jnp.dot(h, w_ref[...],
                                         preferred_element_type=jnp.float32)


def _tc_mid(s, y, dis, b, w):
    return pl.pallas_call(
        _tc_mid_body,
        grid=(GRID,),
        in_specs=[
            pl.BlockSpec((NC, BN, F), lambda i: (0, i, 0)),
            pl.BlockSpec((BN, F), lambda i: (i, 0)),
            pl.BlockSpec((BN, 1), lambda i: (i, 0)),
            pl.BlockSpec((1, F), lambda i: (0, 0)),
            pl.BlockSpec((F, F), lambda i: (0, 0)),
        ],
        out_specs=pl.BlockSpec((BN, F), lambda i: (i, 0)),
        out_shape=jax.ShapeDtypeStruct((N, F), jnp.float32),
    )(s, y, dis, b, w)


def _tc_fin_body(s_ref, y_ref, dis_ref, b_ref, seg_ref, wh_ref, bh_ref,
                 out_ref, sums, cnts):
    i = pl.program_id(0)

    @pl.when(i == 0)
    def _init():
        sums[...] = jnp.zeros_like(sums)
        cnts[...] = jnp.zeros_like(cnts)

    t = s_ref[0] + s_ref[1] + y_ref[...]
    h = dis_ref[...] * t + b_ref[...]
    onehot = (seg_ref[...] == lax.broadcasted_iota(jnp.int32, (1, G), 1)
              ).astype(jnp.float32)
    dn = (((0,), (0,)), ((), ()))
    sums[...] += lax.dot_general(onehot, h, dn,
                                 preferred_element_type=jnp.float32)
    cnts[...] += lax.dot_general(onehot, jnp.ones_like(h), dn,
                                 preferred_element_type=jnp.float32)

    @pl.when(i == GRID - 1)
    def _fin():
        pooled = sums[...] / jnp.maximum(cnts[...], 1.0)
        out_ref[...] = jnp.dot(pooled, wh_ref[...],
                               preferred_element_type=jnp.float32) + bh_ref[...]


def _tc_fin(s, y, dis, b, seg, wh, bh):
    return pl.pallas_call(
        _tc_fin_body,
        grid=(GRID,),
        in_specs=[
            pl.BlockSpec((NC, BN, F), lambda i: (0, i, 0)),
            pl.BlockSpec((BN, F), lambda i: (i, 0)),
            pl.BlockSpec((BN, 1), lambda i: (i, 0)),
            pl.BlockSpec((1, F), lambda i: (0, 0)),
            pl.BlockSpec((BN, 1), lambda i: (i, 0)),
            pl.BlockSpec((F, 1), lambda i: (0, 0)),
            pl.BlockSpec((1, 1), lambda i: (0, 0)),
        ],
        out_specs=pl.BlockSpec((G, 1), lambda i: (0, 0)),
        out_shape=jax.ShapeDtypeStruct((G, 1), jnp.float32),
        scratch_shapes=[
            pltpu.VMEM((G, F), jnp.float32),
            pltpu.VMEM((G, F), jnp.float32),
        ],
    )(s, y, dis, b, seg, wh, bh)



def kernel(x, edge_index, batch, W1, b1, W2, b2, W3, b3, W4, b4, Wh, bh):
    row = edge_index[0].astype(jnp.int32).reshape(NW, NCHUNK, K)
    col = edge_index[1].astype(jnp.int32).reshape(NW, NCHUNK, 1, K)
    seg = batch.astype(jnp.int32).reshape(N, 1)
    zf = jnp.zeros((NS, NPT, F), jnp.float32)
    ones_kf = jnp.ones((K, F), jnp.float32)
    _sc_scatter, _sc_degree = _sc_kernels()

    xw1 = _tc_mm(x, W1)
    p = _sc_degree(col, ones_kf, zf).reshape(NC, N, F)
    y, dis = _tc_pre(p, xw1)

    s = _sc_scatter(y, row, col, zf).reshape(NC, N, F)
    y = _tc_mid(s, y, dis, b1.reshape(1, F), W2)
    s = _sc_scatter(y, row, col, zf).reshape(NC, N, F)
    y = _tc_mid(s, y, dis, b2.reshape(1, F), W3)
    s = _sc_scatter(y, row, col, zf).reshape(NC, N, F)
    y = _tc_mid(s, y, dis, b3.reshape(1, F), W4)
    s = _sc_scatter(y, row, col, zf).reshape(NC, N, F)
    return _tc_fin(s, y, dis, b4.reshape(1, F), seg, Wh, bh.reshape(1, 1))

# --- scband reference (transcript-rebuilt; emitter-appended) ---
"""Pipeline reference for scband-gcn-25383256719507 (READ-ONLY COPY).

The authoritative reference and input builder live on the scoring server;
editing this copy changes nothing except your own understanding.
"""

import jax, jax.numpy as jnp
import numpy as np

N = 10000
E = 320000
D = 128
H = 128
G = 64


def setup_inputs(seed: int = 0) -> dict:
    key = jax.random.key(seed)
    ks = [jax.random.fold_in(key, i) for i in range(16)]
    x = jax.random.normal(ks[0], (N, D), dtype=jnp.float32)
    edge_index = jax.random.randint(ks[1], (2, E), 0, N, dtype=jnp.int64)
    batch = jnp.sort(jax.random.randint(ks[2], (N,), 0, G, dtype=jnp.int64))
    def lin(k, fan_in, fan_out):
        return jax.random.normal(k, (fan_in, fan_out), dtype=jnp.float32) * (1.0 / np.sqrt(fan_in))
    W1 = lin(ks[3], D, H); b1 = jnp.zeros((H,), jnp.float32)
    W2 = lin(ks[4], H, H); b2 = jnp.zeros((H,), jnp.float32)
    W3 = lin(ks[5], H, H); b3 = jnp.zeros((H,), jnp.float32)
    W4 = lin(ks[6], H, H); b4 = jnp.zeros((H,), jnp.float32)
    Wh = lin(ks[7], H, 1); bh = jnp.zeros((1,), jnp.float32)
    return {"x": x, "edge_index": edge_index, "batch": batch,
            "W1": W1, "b1": b1, "W2": W2, "b2": b2,
            "W3": W3, "b3": b3, "W4": W4, "b4": b4,
            "Wh": Wh, "bh": bh}


def _gcn_conv(x, edge_index, W, b):
    # GCNConv: D^{-1/2} (A + I) D^{-1/2} X W + b
    n = x.shape[0]
    loops = jnp.arange(n, dtype=edge_index.dtype)
    row = jnp.concatenate([edge_index[0], loops])
    col = jnp.concatenate([edge_index[1], loops])
    xw = x @ W
    ones = jnp.ones(row.shape[0], dtype=x.dtype)
    deg = jnp.zeros((n,), x.dtype).at[col].add(ones)
    deg_inv_sqrt = jax.lax.rsqrt(jnp.maximum(deg, 1e-12))
    norm = deg_inv_sqrt[row] * deg_inv_sqrt[col]
    msg = xw[row] * norm[:, None]
    out = jnp.zeros((n, W.shape[1]), x.dtype).at[col].add(msg)
    return out + b


def reference(x, edge_index, batch, W1, b1, W2, b2, W3, b3, W4, b4, Wh, bh):
    h = jax.nn.relu(_gcn_conv(x, edge_index, W1, b1))
    h = jax.nn.relu(_gcn_conv(h, edge_index, W2, b2))
    h = jax.nn.relu(_gcn_conv(h, edge_index, W3, b3))
    h = _gcn_conv(h, edge_index, W4, b4)
    sums = jax.ops.segment_sum(h, batch, num_segments=G)
    counts = jax.ops.segment_sum(jnp.ones((h.shape[0], 1), h.dtype), batch, num_segments=G)
    pooled = sums / jnp.maximum(counts, 1.0)
    return pooled @ Wh + bh

if __name__ == "__main__":
    import jax
    _d = setup_inputs()
    print(jax.jit(kernel)(*tuple(_d.values())))

</pallas_src>

<mosaic_0001>
#map = affine_map<(d0, d1) -> (0, 0)>
#map1 = affine_map<(d0, d1) -> (0, 0, 0)>
#map2 = affine_map<(d0, d1) -> (0, 0, 0, 0)>
module attributes {stable_mosaic.version = 14 : i64} {
  func.func @_sc_scatter_body(%arg0: i32, %arg1: i32, %arg2: memref<10000x128xf32, #tpu.memory_space<hbm>>, %arg3: memref<32x125x80xi32, #tpu.memory_space<hbm>>, %arg4: memref<32x125x1x80xi32, #tpu.memory_space<hbm>>, %arg5: memref<16x625x128xf32, #tpu.memory_space<hbm>>, %arg6: memref<32x625x128xf32, #tpu.memory_space<hbm>>, %arg7: memref<10000x128xf32, #tpu.memory_space<vmem_shared>>, %arg8: memref<125x80xi32, #tpu.memory_space<vmem>>, %arg9: memref<80xi32, #tpu.memory_space<vmem>>, %arg10: memref<80xi32, #tpu.memory_space<vmem>>, %arg11: memref<2x80x128xf32, #tpu.memory_space<vmem>>, %arg12: memref<!tpu.dma_semaphore, #tpu.memory_space<semaphore_mem>>, %arg13: memref<!tpu.dma_semaphore, #tpu.memory_space<semaphore_mem>>, %arg14: memref<!tpu.dma_semaphore, #tpu.memory_space<semaphore_mem>>, %arg15: memref<!tpu.dma_semaphore, #tpu.memory_space<semaphore_mem>>) attributes {dimension_semantics = [#tpu.dimension_semantics<core_parallel>, #tpu.dimension_semantics<subcore_parallel>], iteration_bounds = array<i64: 2, 16>, scalar_prefetch = 0 : i64, scratch_operands = 9 : i64, tpu.core_type = #tpu.core_type<sc_vector_subcore>, window_params = [{transform_indices = #map}, {transform_indices = #map1}, {transform_indices = #map2}, {transform_indices = #map1}, {transform_indices = #map1}]} {
    %mul3A = arith.constant 2 : i32
    %mul3A_0 = arith.muli %arg1, %mul3A : i32
    %add3A = arith.addi %mul3A_0, %arg0 : i32
    "tpu.region"() ({
      %run_scoped3A_134 = tpu.sem_alloc : memref<!tpu.dma_semaphore, #tpu.memory_space<semaphore_mem>>
      %dma_start3A_135 = arith.constant 0 : i32
      %dma_start3A_136 = arith.constant 0 : i32
      %dma_start3A_137 = tpu.memref_slice %arg3[%add3A, %dma_start3A_135, %dma_start3A_136] : memref<32x125x80xi32, #tpu.memory_space<hbm>> -> memref<1x125x80xi32, #tpu.memory_space<hbm>>
      %dma_start3A_138 = tpu.memref_squeeze %dma_start3A_137 : memref<1x125x80xi32, #tpu.memory_space<hbm>> -> memref<125x80xi32, #tpu.memory_space<hbm>>
      %dma_start3A_139 = arith.constant 0 : i32
      %dma_start3A_140 = arith.constant 0 : i32
      %dma_start3A_141 = tpu.memref_slice %arg3[%add3A, %dma_start3A_139, %dma_start3A_140] : memref<32x125x80xi32, #tpu.memory_space<hbm>> -> memref<1x125x80xi32, #tpu.memory_space<hbm>>
      %dma_start3A_142 = tpu.memref_squeeze %dma_start3A_141 : memref<1x125x80xi32, #tpu.memory_space<hbm>> -> memref<125x80xi32, #tpu.memory_space<hbm>>
      tpu.enqueue_dma source(%dma_start3A_142 : memref<125x80xi32, #tpu.memory_space<hbm>>) target(%arg8 : memref<125x80xi32, #tpu.memory_space<vmem>>) target_semaphore(%run_scoped3A_134 : memref<!tpu.dma_semaphore, #tpu.memory_space<semaphore_mem>>)
      %dma_wait3A_143 = arith.constant 0 : i32
      %dma_wait3A_144 = arith.constant 0 : i32
      %dma_wait3A_145 = tpu.memref_slice %arg3[%add3A, %dma_wait3A_143, %dma_wait3A_144] : memref<32x125x80xi32, #tpu.memory_space<hbm>> -> memref<1x125x80xi32, #tpu.memory_space<hbm>>
      %dma_wait3A_146 = tpu.memref_squeeze %dma_wait3A_145 : memref<1x125x80xi32, #tpu.memory_space<hbm>> -> memref<125x80xi32, #tpu.memory_space<hbm>>
      %dma_wait3A_147 = arith.constant 0 : i32
      %dma_wait3A_148 = arith.constant 0 : i32
      %dma_wait3A_149 = tpu.memref_slice %arg3[%add3A, %dma_wait3A_147, %dma_wait3A_148] : memref<32x125x80xi32, #tpu.memory_space<hbm>> -> memref<1x125x80xi32, #tpu.memory_space<hbm>>
      %dma_wait3A_150 = tpu.memref_squeeze %dma_wait3A_149 : memref<1x125x80xi32, #tpu.memory_space<hbm>> -> memref<125x80xi32, #tpu.memory_space<hbm>>
      tpu.wait_dma2 semaphore(%run_scoped3A_134 : memref<!tpu.dma_semaphore, #tpu.memory_space<semaphore_mem>>) src(%dma_wait3A_150 : memref<125x80xi32, #tpu.memory_space<hbm>>) dst(%arg8 : memref<125x80xi32, #tpu.memory_space<vmem>>)
      tpu.yield
    }) : () -> ()
    %mul3A_1 = arith.constant 625 : i32
    %mul3A_2 = arith.muli %arg1, %mul3A_1 : i32
    "tpu.region"() ({
      %run_scoped3A_134 = tpu.sem_alloc : memref<!tpu.dma_semaphore, #tpu.memory_space<semaphore_mem>>
      %dma_start3A_135 = arith.constant 0 : i32
      %dma_start3A_136 = tpu.memref_slice %arg7[%mul3A_2, %dma_start3A_135] : memref<10000x128xf32, #tpu.memory_space<vmem_shared>> -> memref<625x128xf32, #tpu.memory_space<vmem_shared>>
      %dma_start3A_137 = arith.constant 0 : i32
      %dma_start3A_138 = arith.constant 0 : i32
      %dma_start3A_139 = tpu.memref_slice %arg5[%arg1, %dma_start3A_137, %dma_start3A_138] : memref<16x625x128xf32, #tpu.memory_space<hbm>> -> memref<1x625x128xf32, #tpu.memory_space<hbm>>
      %dma_start3A_140 = tpu.memref_squeeze %dma_start3A_139 : memref<1x625x128xf32, #tpu.memory_space<hbm>> -> memref<625x128xf32, #tpu.memory_space<hbm>>
      tpu.enqueue_dma source(%dma_start3A_140 : memref<625x128xf32, #tpu.memory_space<hbm>>) target(%dma_start3A_136 : memref<625x128xf32, #tpu.memory_space<vmem_shared>>) target_semaphore(%run_scoped3A_134 : memref<!tpu.dma_semaphore, #tpu.memory_space<semaphore_mem>>)
      %dma_wait3A_141 = arith.constant 0 : i32
      %dma_wait3A_142 = tpu.memref_slice %arg7[%mul3A_2, %dma_wait3A_141] : memref<10000x128xf32, #tpu.memory_space<vmem_shared>> -> memref<625x128xf32, #tpu.memory_space<vmem_shared>>
      %dma_wait3A_143 = arith.constant 0 : i32
      %dma_wait3A_144 = arith.constant 0 : i32
      %dma_wait3A_145 = tpu.memref_slice %arg5[%arg1, %dma_wait3A_143, %dma_wait3A_144] : memref<16x625x128xf32, #tpu.memory_space<hbm>> -> memref<1x625x128xf32, #tpu.memory_space<hbm>>
      %dma_wait3A_146 = tpu.memref_squeeze %dma_wait3A_145 : memref<1x625x128xf32, #tpu.memory_space<hbm>> -> memref<625x128xf32, #tpu.memory_space<hbm>>
      tpu.wait_dma2 semaphore(%run_scoped3A_134 : memref<!tpu.dma_semaphore, #tpu.memory_space<semaphore_mem>>) src(%dma_wait3A_146 : memref<625x128xf32, #tpu.memory_space<hbm>>) dst(%dma_wait3A_142 : memref<625x128xf32, #tpu.memory_space<vmem_shared>>)
      tpu.yield
    }) : () -> ()
    %dma_start3A = arith.constant 0 : i32
    %dma_start3A_3 = arith.constant 0 : i32
    %dma_start3A_4 = arith.constant 0 : i32
    %dma_start3A_5 = tpu.memref_slice %arg4[%add3A, %dma_start3A, %dma_start3A_3, %dma_start3A_4] : memref<32x125x1x80xi32, #tpu.memory_space<hbm>> -> memref<1x1x1x80xi32, #tpu.memory_space<hbm>>
    %dma_start3A_6 = tpu.memref_squeeze %dma_start3A_5 : memref<1x1x1x80xi32, #tpu.memory_space<hbm>> -> memref<80xi32, #tpu.memory_space<hbm>>
    %dma_start3A_7 = arith.constant 0 : i32
    %dma_start3A_8 = tpu.memref_slice %arg4[%add3A, %dma_start3A, %dma_start3A_3, %dma_start3A_7] : memref<32x125x1x80xi32, #tpu.memory_space<hbm>> -> memref<1x1x1x80xi32, #tpu.memory_space<hbm>>
    %dma_start3A_9 = tpu.memref_squeeze %dma_start3A_8 : memref<1x1x1x80xi32, #tpu.memory_space<hbm>> -> memref<80xi32, #tpu.memory_space<hbm>>
    tpu.enqueue_dma source(%dma_start3A_9 : memref<80xi32, #tpu.memory_space<hbm>>) target(%arg9 : memref<80xi32, #tpu.memory_space<vmem>>) target_semaphore(%arg14 : memref<!tpu.dma_semaphore, #tpu.memory_space<semaphore_mem>>)
    %dma_start3A_10 = arith.constant 0 : i32
    %dma_start3A_11 = arith.constant 0 : i32
    %dma_start3A_12 = arith.constant 0 : i32
    %dma_start3A_13 = arith.constant 0 : i32
    %dma_start3A_14 = tpu.memref_slice %arg11[%dma_start3A_11, %dma_start3A_12, %dma_start3A_13] : memref<2x80x128xf32, #tpu.memory_space<vmem>> -> memref<1x80x128xf32, #tpu.memory_space<vmem>>
    %dma_start3A_15 = tpu.memref_squeeze %dma_start3A_14 : memref<1x80x128xf32, #tpu.memory_space<vmem>> -> memref<80x128xf32, #tpu.memory_space<vmem>>
    %dma_start3A_16 = arith.constant 0 : i32
    %dma_start3A_17 = tpu.memref_slice %arg8[%dma_start3A_10, %dma_start3A_16] : memref<125x80xi32, #tpu.memory_space<vmem>> -> memref<1x80xi32, #tpu.memory_space<vmem>>
    %dma_start3A_18 = tpu.memref_squeeze %dma_start3A_17 : memref<1x80xi32, #tpu.memory_space<vmem>> -> memref<80xi32, #tpu.memory_space<vmem>>
    %dma_start3A_19 = arith.constant 0 : i32
    %dma_start3A_20 = arith.constant 0 : i32
    %dma_start3A_21 = tpu.memref_slice %arg2[%dma_start3A_19, %dma_start3A_20] : memref<10000x128xf32, #tpu.memory_space<hbm>> -> memref<10000x128xf32, #tpu.memory_space<hbm>>
    tpu.enqueue_indirect_dma source(%dma_start3A_21 : memref<10000x128xf32, #tpu.memory_space<hbm>>) target(%dma_start3A_15 : memref<80x128xf32, #tpu.memory_space<vmem>>) offsets(%dma_start3A_18 : memref<80xi32, #tpu.memory_space<vmem>>) semaphore(%arg12 : memref<!tpu.dma_semaphore, #tpu.memory_space<semaphore_mem>>)
    %dma_start3A_22 = arith.constant 1 : i32
    %dma_start3A_23 = arith.constant 0 : i32
    %dma_start3A_24 = arith.constant 0 : i32
    %dma_start3A_25 = tpu.memref_slice %arg4[%add3A, %dma_start3A_22, %dma_start3A_23, %dma_start3A_24] : memref<32x125x1x80xi32, #tpu.memory_space<hbm>> -> memref<1x1x1x80xi32, #tpu.memory_space<hbm>>
    %dma_start3A_26 = tpu.memref_squeeze %dma_start3A_25 : memref<1x1x1x80xi32, #tpu.memory_space<hbm>> -> memref<80xi32, #tpu.memory_space<hbm>>
    %dma_start3A_27 = arith.constant 0 : i32
    %dma_start3A_28 = tpu.memref_slice %arg4[%add3A, %dma_start3A_22, %dma_start3A_23, %dma_start3A_27] : memref<32x125x1x80xi32, #tpu.memory_space<hbm>> -> memref<1x1x1x80xi32, #tpu.memory_space<hbm>>
    %dma_start3A_29 = tpu.memref_squeeze %dma_start3A_28 : memref<1x1x1x80xi32, #tpu.memory_space<hbm>> -> memref<80xi32, #tpu.memory_space<hbm>>
    tpu.enqueue_dma source(%dma_start3A_29 : memref<80xi32, #tpu.memory_space<hbm>>) target(%arg10 : memref<80xi32, #tpu.memory_space<vmem>>) target_semaphore(%arg15 : memref<!tpu.dma_semaphore, #tpu.memory_space<semaphore_mem>>)
    %dma_start3A_30 = arith.constant 1 : i32
    %dma_start3A_31 = arith.constant 1 : i32
    %dma_start3A_32 = arith.constant 0 : i32
    %dma_start3A_33 = arith.constant 0 : i32
    %dma_start3A_34 = tpu.memref_slice %arg11[%dma_start3A_31, %dma_start3A_32, %dma_start3A_33] : memref<2x80x128xf32, #tpu.memory_space<vmem>> -> memref<1x80x128xf32, #tpu.memory_space<vmem>>
    %dma_start3A_35 = tpu.memref_squeeze %dma_start3A_34 : memref<1x80x128xf32, #tpu.memory_space<vmem>> -> memref<80x128xf32, #tpu.memory_space<vmem>>
    %dma_start3A_36 = arith.constant 0 : i32
    %dma_start3A_37 = tpu.memref_slice %arg8[%dma_start3A_30, %dma_start3A_36] : memref<125x80xi32, #tpu.memory_space<vmem>> -> memref<1x80xi32, #tpu.memory_space<vmem>>
    %dma_start3A_38 = tpu.memref_squeeze %dma_start3A_37 : memref<1x80xi32, #tpu.memory_space<vmem>> -> memref<80xi32, #tpu.memory_space<vmem>>
    %dma_start3A_39 = arith.constant 0 : i32
    %dma_start3A_40 = arith.constant 0 : i32
    %dma_start3A_41 = tpu.memref_slice %arg2[%dma_start3A_39, %dma_start3A_40] : memref<10000x128xf32, #tpu.memory_space<hbm>> -> memref<10000x128xf32, #tpu.memory_space<hbm>>
    tpu.enqueue_indirect_dma source(%dma_start3A_41 : memref<10000x128xf32, #tpu.memory_space<hbm>>) target(%dma_start3A_35 : memref<80x128xf32, #tpu.memory_space<vmem>>) offsets(%dma_start3A_38 : memref<80xi32, #tpu.memory_space<vmem>>) semaphore(%arg13 : memref<!tpu.dma_semaphore, #tpu.memory_space<semaphore_mem>>)
    %barrier3A = arith.constant 0 : index
    tpu.barrier barrier_id(%barrier3A)
    %scan3A = arith.constant 0 : i32
    %scan3A_42 = arith.constant 0 : i32
    %scan3A_43 = arith.constant 61 : i32
    %scan3A_44 = arith.addi %scan3A_42, %scan3A_43 : i32
    %scan3A_45 = arith.constant 1 : i32
    scf.for %scan3A_134 = %scan3A_42 to %scan3A_44 step %scan3A_45  : i32 {
      %mul3A_135 = arith.constant 2 : i32
      %mul3A_136 = arith.muli %scan3A_134, %mul3A_135 : i32
      %add3A_137 = arith.constant 0 : i32
      %add3A_138 = arith.addi %mul3A_136, %add3A_137 : i32
      %dma_wait3A_139 = arith.constant 0 : i32
      %dma_wait3A_140 = arith.constant 0 : i32
      %dma_wait3A_141 = arith.constant 0 : i32
      %dma_wait3A_142 = arith.constant 0 : i32
      %dma_wait3A_143 = tpu.memref_slice %arg11[%dma_wait3A_140, %dma_wait3A_141, %dma_wait3A_142] : memref<2x80x128xf32, #tpu.memory_space<vmem>> -> memref<1x80x128xf32, #tpu.memory_space<vmem>>
      %dma_wait3A_144 = tpu.memref_squeeze %dma_wait3A_143 : memref<1x80x128xf32, #tpu.memory_space<vmem>> -> memref<80x128xf32, #tpu.memory_space<vmem>>
      %dma_wait3A_145 = arith.constant 0 : i32
      %dma_wait3A_146 = tpu.memref_slice %arg8[%dma_wait3A_139, %dma_wait3A_145] : memref<125x80xi32, #tpu.memory_space<vmem>> -> memref<1x80xi32, #tpu.memory_space<vmem>>
      %dma_wait3A_147 = tpu.memref_squeeze %dma_wait3A_146 : memref<1x80xi32, #tpu.memory_space<vmem>> -> memref<80xi32, #tpu.memory_space<vmem>>
      %dma_wait3A_148 = arith.constant 0 : i32
      %dma_wait3A_149 = arith.constant 0 : i32
      %dma_wait3A_150 = tpu.memref_slice %arg2[%dma_wait3A_148, %dma_wait3A_149] : memref<10000x128xf32, #tpu.memory_space<hbm>> -> memref<10000x128xf32, #tpu.memory_space<hbm>>
      tpu.wait_indirect_dma semaphore(%arg12 : memref<!tpu.dma_semaphore, #tpu.memory_space<semaphore_mem>>) src(%dma_wait3A_150 : memref<10000x128xf32, #tpu.memory_space<hbm>>) dst(%dma_wait3A_144 : memref<80x128xf32, #tpu.memory_space<vmem>>)
      %dma_wait3A_151 = arith.constant 0 : i32
      %dma_wait3A_152 = arith.constant 0 : i32
      %dma_wait3A_153 = arith.constant 0 : i32
      %dma_wait3A_154 = tpu.memref_slice %arg4[%add3A, %dma_wait3A_151, %dma_wait3A_152, %dma_wait3A_153] : memref<32x125x1x80xi32, #tpu.memory_space<hbm>> -> memref<1x1x1x80xi32, #tpu.memory_space<hbm>>
      %dma_wait3A_155 = tpu.memref_squeeze %dma_wait3A_154 : memref<1x1x1x80xi32, #tpu.memory_space<hbm>> -> memref<80xi32, #tpu.memory_space<hbm>>
      %dma_wait3A_156 = arith.constant 0 : i32
      %dma_wait3A_157 = tpu.memref_slice %arg4[%add3A, %dma_wait3A_151, %dma_wait3A_152, %dma_wait3A_156] : memref<32x125x1x80xi32, #tpu.memory_space<hbm>> -> memref<1x1x1x80xi32, #tpu.memory_space<hbm>>
      %dma_wait3A_158 = tpu.memref_squeeze %dma_wait3A_157 : memref<1x1x1x80xi32, #tpu.memory_space<hbm>> -> memref<80xi32, #tpu.memory_space<hbm>>
      tpu.wait_dma2 semaphore(%arg14 : memref<!tpu.dma_semaphore, #tpu.memory_space<semaphore_mem>>) src(%dma_wait3A_158 : memref<80xi32, #tpu.memory_space<hbm>>) dst(%arg9 : memref<80xi32, #tpu.memory_space<vmem>>)
      %run_scoped3A_159 = arith.constant 0 : i32
      "tpu.region"() ({
        %run_scoped3A_229 = tpu.sem_alloc : memref<!tpu.dma_semaphore, #tpu.memory_space<semaphore_mem>>
        %dma_start3A_230 = arith.constant 0 : i32
        %dma_start3A_231 = arith.constant 0 : i32
        %dma_start3A_232 = tpu.memref_slice %arg11[%run_scoped3A_159, %dma_start3A_230, %dma_start3A_231] : memref<2x80x128xf32, #tpu.memory_space<vmem>> -> memref<1x80x128xf32, #tpu.memory_space<vmem>>
        %dma_start3A_233 = tpu.memref_squeeze %dma_start3A_232 : memref<1x80x128xf32, #tpu.memory_space<vmem>> -> memref<80x128xf32, #tpu.memory_space<vmem>>
        %dma_start3A_234 = arith.constant 0 : i32
        %dma_start3A_235 = arith.constant 0 : i32
        %dma_start3A_236 = tpu.memref_slice %arg7[%dma_start3A_234, %dma_start3A_235] : memref<10000x128xf32, #tpu.memory_space<vmem_shared>> -> memref<10000x128xf32, #tpu.memory_space<vmem_shared>>
        tpu.enqueue_indirect_dma source(%dma_start3A_233 : memref<80x128xf32, #tpu.memory_space<vmem>>) target(%dma_start3A_236 : memref<10000x128xf32, #tpu.memory_space<vmem_shared>>) offsets(%arg9 : memref<80xi32, #tpu.memory_space<vmem>>) semaphore(%run_scoped3A_229 : memref<!tpu.dma_semaphore, #tpu.memory_space<semaphore_mem>>) {add = true}
        %dma_wait3A_237 = arith.constant 0 : i32
        %dma_wait3A_238 = arith.constant 0 : i32
        %dma_wait3A_239 = tpu.memref_slice %arg11[%run_scoped3A_159, %dma_wait3A_237, %dma_wait3A_238] : memref<2x80x128xf32, #tpu.memory_space<vmem>> -> memref<1x80x128xf32, #tpu.memory_space<vmem>>
        %dma_wait3A_240 = tpu.memref_squeeze %dma_wait3A_239 : memref<1x80x128xf32, #tpu.memory_space<vmem>> -> memref<80x128xf32, #tpu.memory_space<vmem>>
        %dma_wait3A_241 = arith.constant 0 : i32
        %dma_wait3A_242 = arith.constant 0 : i32
        %dma_wait3A_243 = tpu.memref_slice %arg7[%dma_wait3A_241, %dma_wait3A_242] : memref<10000x128xf32, #tpu.memory_space<vmem_shared>> -> memref<10000x128xf32, #tpu.memory_space<vmem_shared>>
        tpu.wait_indirect_dma semaphore(%run_scoped3A_229 : memref<!tpu.dma_semaphore, #tpu.memory_space<semaphore_mem>>) src(%dma_wait3A_240 : memref<80x128xf32, #tpu.memory_space<vmem>>) dst(%dma_wait3A_243 : memref<10000x128xf32, #tpu.memory_space<vmem_shared>>)
        tpu.yield
      }) : () -> ()
      %add3A_160 = arith.constant 2 : i32
      %add3A_161 = arith.addi %add3A_138, %add3A_160 : i32
      %dma_start3A_162 = arith.constant 0 : i32
      %dma_start3A_163 = arith.constant 0 : i32
      %dma_start3A_164 = tpu.memref_slice %arg4[%add3A, %add3A_161, %dma_start3A_162, %dma_start3A_163] : memref<32x125x1x80xi32, #tpu.memory_space<hbm>> -> memref<1x1x1x80xi32, #tpu.memory_space<hbm>>
      %dma_start3A_165 = tpu.memref_squeeze %dma_start3A_164 : memref<1x1x1x80xi32, #tpu.memory_space<hbm>> -> memref<80xi32, #tpu.memory_space<hbm>>
      %dma_start3A_166 = arith.constant 0 : i32
      %dma_start3A_167 = tpu.memref_slice %arg4[%add3A, %add3A_161, %dma_start3A_162, %dma_start3A_166] : memref<32x125x1x80xi32, #tpu.memory_space<hbm>> -> memref<1x1x1x80xi32, #tpu.memory_space<hbm>>
      %dma_start3A_168 = tpu.memref_squeeze %dma_start3A_167 : memref<1x1x1x80xi32, #tpu.memory_space<hbm>> -> memref<80xi32, #tpu.memory_space<hbm>>
      tpu.enqueue_dma source(%dma_start3A_168 : memref<80xi32, #tpu.memory_space<hbm>>) target(%arg9 : memref<80xi32, #tpu.memory_space<vmem>>) target_semaphore(%arg14 : memref<!tpu.dma_semaphore, #tpu.memory_space<semaphore_mem>>)
      %add3A_169 = arith.constant 2 : i32
      %add3A_170 = arith.addi %add3A_138, %add3A_169 : i32
      %dma_start3A_171 = arith.constant 0 : i32
      %dma_start3A_172 = arith.constant 0 : i32
      %dma_start3A_173 = arith.constant 0 : i32
      %dma_start3A_174 = tpu.memref_slice %arg11[%dma_start3A_171, %dma_start3A_172, %dma_start3A_173] : memref<2x80x128xf32, #tpu.memory_space<vmem>> -> memref<1x80x128xf32, #tpu.memory_space<vmem>>
      %dma_start3A_175 = tpu.memref_squeeze %dma_start3A_174 : memref<1x80x128xf32, #tpu.memory_space<vmem>> -> memref<80x128xf32, #tpu.memory_space<vmem>>
      %dma_start3A_176 = arith.constant 0 : i32
      %dma_start3A_177 = tpu.memref_slice %arg8[%add3A_170, %dma_start3A_176] : memref<125x80xi32, #tpu.memory_space<vmem>> -> memref<1x80xi32, #tpu.memory_space<vmem>>
      %dma_start3A_178 = tpu.memref_squeeze %dma_start3A_177 : memref<1x80xi32, #tpu.memory_space<vmem>> -> memref<80xi32, #tpu.memory_space<vmem>>
      %dma_start3A_179 = arith.constant 0 : i32
      %dma_start3A_180 = arith.constant 0 : i32
      %dma_start3A_181 = tpu.memref_slice %arg2[%dma_start3A_179, %dma_start3A_180] : memref<10000x128xf32, #tpu.memory_space<hbm>> -> memref<10000x128xf32, #tpu.memory_space<hbm>>
      tpu.enqueue_indirect_dma source(%dma_start3A_181 : memref<10000x128xf32, #tpu.memory_space<hbm>>) target(%dma_start3A_175 : memref<80x128xf32, #tpu.memory_space<vmem>>) offsets(%dma_start3A_178 : memref<80xi32, #tpu.memory_space<vmem>>) semaphore(%arg12 : memref<!tpu.dma_semaphore, #tpu.memory_space<semaphore_mem>>)
      %mul3A_182 = arith.constant 2 : i32
      %mul3A_183 = arith.muli %scan3A_134, %mul3A_182 : i32
      %add3A_184 = arith.constant 1 : i32
      %add3A_185 = arith.addi %mul3A_183, %add3A_184 : i32
      %dma_wait3A_186 = arith.constant 0 : i32
      %dma_wait3A_187 = arith.constant 1 : i32
      %dma_wait3A_188 = arith.constant 0 : i32
      %dma_wait3A_189 = arith.constant 0 : i32
      %dma_wait3A_190 = tpu.memref_slice %arg11[%dma_wait3A_187, %dma_wait3A_188, %dma_wait3A_189] : memref<2x80x128xf32, #tpu.memory_space<vmem>> -> memref<1x80x128xf32, #tpu.memory_space<vmem>>
      %dma_wait3A_191 = tpu.memref_squeeze %dma_wait3A_190 : memref<1x80x128xf32, #tpu.memory_space<vmem>> -> memref<80x128xf32, #tpu.memory_space<vmem>>
      %dma_wait3A_192 = arith.constant 0 : i32
      %dma_wait3A_193 = tpu.memref_slice %arg8[%dma_wait3A_186, %dma_wait3A_192] : memref<125x80xi32, #tpu.memory_space<vmem>> -> memref<1x80xi32, #tpu.memory_space<vmem>>
      %dma_wait3A_194 = tpu.memref_squeeze %dma_wait3A_193 : memref<1x80xi32, #tpu.memory_space<vmem>> -> memref<80xi32, #tpu.memory_space<vmem>>
      %dma_wait3A_195 = arith.constant 0 : i32
      %dma_wait3A_196 = arith.constant 0 : i32
      %dma_wait3A_197 = tpu.memref_slice %arg2[%dma_wait3A_195, %dma_wait3A_196] : memref<10000x128xf32, #tpu.memory_space<hbm>> -> memref<10000x128xf32, #tpu.memory_space<hbm>>
      tpu.wait_indirect_dma semaphore(%arg13 : memref<!tpu.dma_semaphore, #tpu.memory_space<semaphore_mem>>) src(%dma_wait3A_197 : memref<10000x128xf32, #tpu.memory_space<hbm>>) dst(%dma_wait3A_191 : memref<80x128xf32, #tpu.memory_space<vmem>>)
      %dma_wait3A_198 = arith.constant 0 : i32
      %dma_wait3A_199 = arith.constant 0 : i32
      %dma_wait3A_200 = arith.constant 0 : i32
      %dma_wait3A_201 = tpu.memref_slice %arg4[%add3A, %dma_wait3A_198, %dma_wait3A_199, %dma_wait3A_200] : memref<32x125x1x80xi32, #tpu.memory_space<hbm>> -> memref<1x1x1x80xi32, #tpu.memory_space<hbm>>
      %dma_wait3A_202 = tpu.memref_squeeze %dma_wait3A_201 : memref<1x1x1x80xi32, #tpu.memory_space<hbm>> -> memref<80xi32, #tpu.memory_space<hbm>>
      %dma_wait3A_203 = arith.constant 0 : i32
      %dma_wait3A_204 = tpu.memref_slice %arg4[%add3A, %dma_wait3A_198, %dma_wait3A_199, %dma_wait3A_203] : memref<32x125x1x80xi32, #tpu.memory_space<hbm>> -> memref<1x1x1x80xi32, #tpu.memory_space<hbm>>
      %dma_wait3A_205 = tpu.memref_squeeze %dma_wait3A_204 : memref<1x1x1x80xi32, #tpu.memory_space<hbm>> -> memref<80xi32, #tpu.memory_space<hbm>>
      tpu.wait_dma2 semaphore(%arg15 : memref<!tpu.dma_semaphore, #tpu.memory_space<semaphore_mem>>) src(%dma_wait3A_205 : memref<80xi32, #tpu.memory_space<hbm>>) dst(%arg10 : memref<80xi32, #tpu.memory_space<vmem>>)
      %run_scoped3A_206 = arith.constant 1 : i32
      "tpu.region"() ({
        %run_scoped3A_229 = tpu.sem_alloc : memref<!tpu.dma_semaphore, #tpu.memory_space<semaphore_mem>>
        %dma_start3A_230 = arith.constant 0 : i32
        %dma_start3A_231 = arith.constant 0 : i32
        %dma_start3A_232 = tpu.memref_slice %arg11[%run_scoped3A_206, %dma_start3A_230, %dma_start3A_231] : memref<2x80x128xf32, #tpu.memory_space<vmem>> -> memref<1x80x128xf32, #tpu.memory_space<vmem>>
        %dma_start3A_233 = tpu.memref_squeeze %dma_start3A_232 : memref<1x80x128xf32, #tpu.memory_space<vmem>> -> memref<80x128xf32, #tpu.memory_space<vmem>>
        %dma_start3A_234 = arith.constant 0 : i32
        %dma_start3A_235 = arith.constant 0 : i32
        %dma_start3A_236 = tpu.memref_slice %arg7[%dma_start3A_234, %dma_start3A_235] : memref<10000x128xf32, #tpu.memory_space<vmem_shared>> -> memref<10000x128xf32, #tpu.memory_space<vmem_shared>>
        tpu.enqueue_indirect_dma source(%dma_start3A_233 : memref<80x128xf32, #tpu.memory_space<vmem>>) target(%dma_start3A_236 : memref<10000x128xf32, #tpu.memory_space<vmem_shared>>) offsets(%arg10 : memref<80xi32, #tpu.memory_space<vmem>>) semaphore(%run_scoped3A_229 : memref<!tpu.dma_semaphore, #tpu.memory_space<semaphore_mem>>) {add = true}
        %dma_wait3A_237 = arith.constant 0 : i32
        %dma_wait3A_238 = arith.constant 0 : i32
        %dma_wait3A_239 = tpu.memref_slice %arg11[%run_scoped3A_206, %dma_wait3A_237, %dma_wait3A_238] : memref<2x80x128xf32, #tpu.memory_space<vmem>> -> memref<1x80x128xf32, #tpu.memory_space<vmem>>
        %dma_wait3A_240 = tpu.memref_squeeze %dma_wait3A_239 : memref<1x80x128xf32, #tpu.memory_space<vmem>> -> memref<80x128xf32, #tpu.memory_space<vmem>>
        %dma_wait3A_241 = arith.constant 0 : i32
        %dma_wait3A_242 = arith.constant 0 : i32
        %dma_wait3A_243 = tpu.memref_slice %arg7[%dma_wait3A_241, %dma_wait3A_242] : memref<10000x128xf32, #tpu.memory_space<vmem_shared>> -> memref<10000x128xf32, #tpu.memory_space<vmem_shared>>
        tpu.wait_indirect_dma semaphore(%run_scoped3A_229 : memref<!tpu.dma_semaphore, #tpu.memory_space<semaphore_mem>>) src(%dma_wait3A_240 : memref<80x128xf32, #tpu.memory_space<vmem>>) dst(%dma_wait3A_243 : memref<10000x128xf32, #tpu.memory_space<vmem_shared>>)
        tpu.yield
      }) : () -> ()
      %add3A_207 = arith.constant 2 : i32
      %add3A_208 = arith.addi %add3A_185, %add3A_207 : i32
      %dma_start3A_209 = arith.constant 0 : i32
      %dma_start3A_210 = arith.constant 0 : i32
      %dma_start3A_211 = tpu.memref_slice %arg4[%add3A, %add3A_208, %dma_start3A_209, %dma_start3A_210] : memref<32x125x1x80xi32, #tpu.memory_space<hbm>> -> memref<1x1x1x80xi32, #tpu.memory_space<hbm>>
      %dma_start3A_212 = tpu.memref_squeeze %dma_start3A_211 : memref<1x1x1x80xi32, #tpu.memory_space<hbm>> -> memref<80xi32, #tpu.memory_space<hbm>>
      %dma_start3A_213 = arith.constant 0 : i32
      %dma_start3A_214 = tpu.memref_slice %arg4[%add3A, %add3A_208, %dma_start3A_209, %dma_start3A_213] : memref<32x125x1x80xi32, #tpu.memory_space<hbm>> -> memref<1x1x1x80xi32, #tpu.memory_space<hbm>>
      %dma_start3A_215 = tpu.memref_squeeze %dma_start3A_214 : memref<1x1x1x80xi32, #tpu.memory_space<hbm>> -> memref<80xi32, #tpu.memory_space<hbm>>
      tpu.enqueue_dma source(%dma_start3A_215 : memref<80xi32, #tpu.memory_space<hbm>>) target(%arg10 : memref<80xi32, #tpu.memory_space<vmem>>) target_semaphore(%arg15 : memref<!tpu.dma_semaphore, #tpu.memory_space<semaphore_mem>>)
      %add3A_216 = arith.constant 2 : i32
      %add3A_217 = arith.addi %add3A_185, %add3A_216 : i32
      %dma_start3A_218 = arith.constant 1 : i32
      %dma_start3A_219 = arith.constant 0 : i32
      %dma_start3A_220 = arith.constant 0 : i32
      %dma_start3A_221 = tpu.memref_slice %arg11[%dma_start3A_218, %dma_start3A_219, %dma_start3A_220] : memref<2x80x128xf32, #tpu.memory_space<vmem>> -> memref<1x80x128xf32, #tpu.memory_space<vmem>>
      %dma_start3A_222 = tpu.memref_squeeze %dma_start3A_221 : memref<1x80x128xf32, #tpu.memory_space<vmem>> -> memref<80x128xf32, #tpu.memory_space<vmem>>
      %dma_start3A_223 = arith.constant 0 : i32
      %dma_start3A_224 = tpu.memref_slice %arg8[%add3A_217, %dma_start3A_223] : memref<125x80xi32, #tpu.memory_space<vmem>> -> memref<1x80xi32, #tpu.memory_space<vmem>>
      %dma_start3A_225 = tpu.memref_squeeze %dma_start3A_224 : memref<1x80xi32, #tpu.memory_space<vmem>> -> memref<80xi32, #tpu.memory_space<vmem>>
      %dma_start3A_226 = arith.constant 0 : i32
      %dma_start3A_227 = arith.constant 0 : i32
      %dma_start3A_228 = tpu.memref_slice %arg2[%dma_start3A_226, %dma_start3A_227] : memref<10000x128xf32, #tpu.memory_space<hbm>> -> memref<10000x128xf32, #tpu.memory_space<hbm>>
      tpu.enqueue_indirect_dma source(%dma_start3A_228 : memref<10000x128xf32, #tpu.memory_space<hbm>>) target(%dma_start3A_222 : memref<80x128xf32, #tpu.memory_space<vmem>>) offsets(%dma_start3A_225 : memref<80xi32, #tpu.memory_space<vmem>>) semaphore(%arg13 : memref<!tpu.dma_semaphore, #tpu.memory_space<semaphore_mem>>)
    }
    %scan3A_46 = arith.constant 61 : i32
    %dma_wait3A = arith.constant 0 : i32
    %dma_wait3A_47 = arith.constant 0 : i32
    %dma_wait3A_48 = arith.constant 0 : i32
    %dma_wait3A_49 = arith.constant 0 : i32
    %dma_wait3A_50 = tpu.memref_slice %arg11[%dma_wait3A_47, %dma_wait3A_48, %dma_wait3A_49] : memref<2x80x128xf32, #tpu.memory_space<vmem>> -> memref<1x80x128xf32, #tpu.memory_space<vmem>>
    %dma_wait3A_51 = tpu.memref_squeeze %dma_wait3A_50 : memref<1x80x128xf32, #tpu.memory_space<vmem>> -> memref<80x128xf32, #tpu.memory_space<vmem>>
    %dma_wait3A_52 = arith.constant 0 : i32
    %dma_wait3A_53 = tpu.memref_slice %arg8[%dma_wait3A, %dma_wait3A_52] : memref<125x80xi32, #tpu.memory_space<vmem>> -> memref<1x80xi32, #tpu.memory_space<vmem>>
    %dma_wait3A_54 = tpu.memref_squeeze %dma_wait3A_53 : memref<1x80xi32, #tpu.memory_space<vmem>> -> memref<80xi32, #tpu.memory_space<vmem>>
    %dma_wait3A_55 = arith.constant 0 : i32
    %dma_wait3A_56 = arith.constant 0 : i32
    %dma_wait3A_57 = tpu.memref_slice %arg2[%dma_wait3A_55, %dma_wait3A_56] : memref<10000x128xf32, #tpu.memory_space<hbm>> -> memref<10000x128xf32, #tpu.memory_space<hbm>>
    tpu.wait_indirect_dma semaphore(%arg12 : memref<!tpu.dma_semaphore, #tpu.memory_space<semaphore_mem>>) src(%dma_wait3A_57 : memref<10000x128xf32, #tpu.memory_space<hbm>>) dst(%dma_wait3A_51 : memref<80x128xf32, #tpu.memory_space<vmem>>)
    %dma_wait3A_58 = arith.constant 0 : i32
    %dma_wait3A_59 = arith.constant 0 : i32
    %dma_wait3A_60 = arith.constant 0 : i32
    %dma_wait3A_61 = tpu.memref_slice %arg4[%add3A, %dma_wait3A_58, %dma_wait3A_59, %dma_wait3A_60] : memref<32x125x1x80xi32, #tpu.memory_space<hbm>> -> memref<1x1x1x80xi32, #tpu.memory_space<hbm>>
    %dma_wait3A_62 = tpu.memref_squeeze %dma_wait3A_61 : memref<1x1x1x80xi32, #tpu.memory_space<hbm>> -> memref<80xi32, #tpu.memory_space<hbm>>
    %dma_wait3A_63 = arith.constant 0 : i32
    %dma_wait3A_64 = tpu.memref_slice %arg4[%add3A, %dma_wait3A_58, %dma_wait3A_59, %dma_wait3A_63] : memref<32x125x1x80xi32, #tpu.memory_space<hbm>> -> memref<1x1x1x80xi32, #tpu.memory_space<hbm>>
    %dma_wait3A_65 = tpu.memref_squeeze %dma_wait3A_64 : memref<1x1x1x80xi32, #tpu.memory_space<hbm>> -> memref<80xi32, #tpu.memory_space<hbm>>
    tpu.wait_dma2 semaphore(%arg14 : memref<!tpu.dma_semaphore, #tpu.memory_space<semaphore_mem>>) src(%dma_wait3A_65 : memref<80xi32, #tpu.memory_space<hbm>>) dst(%arg9 : memref<80xi32, #tpu.memory_space<vmem>>)
    %run_scoped3A = arith.constant 0 : i32
    "tpu.region"() ({
      %run_scoped3A_134 = tpu.sem_alloc : memref<!tpu.dma_semaphore, #tpu.memory_space<semaphore_mem>>
      %dma_start3A_135 = arith.constant 0 : i32
      %dma_start3A_136 = arith.constant 0 : i32
      %dma_start3A_137 = tpu.memref_slice %arg11[%run_scoped3A, %dma_start3A_135, %dma_start3A_136] : memref<2x80x128xf32, #tpu.memory_space<vmem>> -> memref<1x80x128xf32, #tpu.memory_space<vmem>>
      %dma_start3A_138 = tpu.memref_squeeze %dma_start3A_137 : memref<1x80x128xf32, #tpu.memory_space<vmem>> -> memref<80x128xf32, #tpu.memory_space<vmem>>
      %dma_start3A_139 = arith.constant 0 : i32
      %dma_start3A_140 = arith.constant 0 : i32
      %dma_start3A_141 = tpu.memref_slice %arg7[%dma_start3A_139, %dma_start3A_140] : memref<10000x128xf32, #tpu.memory_space<vmem_shared>> -> memref<10000x128xf32, #tpu.memory_space<vmem_shared>>
      tpu.enqueue_indirect_dma source(%dma_start3A_138 : memref<80x128xf32, #tpu.memory_space<vmem>>) target(%dma_start3A_141 : memref<10000x128xf32, #tpu.memory_space<vmem_shared>>) offsets(%arg9 : memref<80xi32, #tpu.memory_space<vmem>>) semaphore(%run_scoped3A_134 : memref<!tpu.dma_semaphore, #tpu.memory_space<semaphore_mem>>) {add = true}
      %dma_wait3A_142 = arith.constant 0 : i32
      %dma_wait3A_143 = arith.constant 0 : i32
      %dma_wait3A_144 = tpu.memref_slice %arg11[%run_scoped3A, %dma_wait3A_142, %dma_wait3A_143] : memref<2x80x128xf32, #tpu.memory_space<vmem>> -> memref<1x80x128xf32, #tpu.memory_space<vmem>>
      %dma_wait3A_145 = tpu.memref_squeeze %dma_wait3A_144 : memref<1x80x128xf32, #tpu.memory_space<vmem>> -> memref<80x128xf32, #tpu.memory_space<vmem>>
      %dma_wait3A_146 = arith.constant 0 : i32
      %dma_wait3A_147 = arith.constant 0 : i32
      %dma_wait3A_148 = tpu.memref_slice %arg7[%dma_wait3A_146, %dma_wait3A_147] : memref<10000x128xf32, #tpu.memory_space<vmem_shared>> -> memref<10000x128xf32, #tpu.memory_space<vmem_shared>>
      tpu.wait_indirect_dma semaphore(%run_scoped3A_134 : memref<!tpu.dma_semaphore, #tpu.memory_space<semaphore_mem>>) src(%dma_wait3A_145 : memref<80x128xf32, #tpu.memory_space<vmem>>) dst(%dma_wait3A_148 : memref<10000x128xf32, #tpu.memory_space<vmem_shared>>)
      tpu.yield
    }) : () -> ()
    %dma_start3A_66 = arith.constant 124 : i32
    %dma_start3A_67 = arith.constant 0 : i32
    %dma_start3A_68 = arith.constant 0 : i32
    %dma_start3A_69 = tpu.memref_slice %arg4[%add3A, %dma_start3A_66, %dma_start3A_67, %dma_start3A_68] : memref<32x125x1x80xi32, #tpu.memory_space<hbm>> -> memref<1x1x1x80xi32, #tpu.memory_space<hbm>>
    %dma_start3A_70 = tpu.memref_squeeze %dma_start3A_69 : memref<1x1x1x80xi32, #tpu.memory_space<hbm>> -> memref<80xi32, #tpu.memory_space<hbm>>
    %dma_start3A_71 = arith.constant 0 : i32
    %dma_start3A_72 = tpu.memref_slice %arg4[%add3A, %dma_start3A_66, %dma_start3A_67, %dma_start3A_71] : memref<32x125x1x80xi32, #tpu.memory_space<hbm>> -> memref<1x1x1x80xi32, #tpu.memory_space<hbm>>
    %dma_start3A_73 = tpu.memref_squeeze %dma_start3A_72 : memref<1x1x1x80xi32, #tpu.memory_space<hbm>> -> memref<80xi32, #tpu.memory_space<hbm>>
    tpu.enqueue_dma source(%dma_start3A_73 : memref<80xi32, #tpu.memory_space<hbm>>) target(%arg9 : memref<80xi32, #tpu.memory_space<vmem>>) target_semaphore(%arg14 : memref<!tpu.dma_semaphore, #tpu.memory_space<semaphore_mem>>)
    %dma_start3A_74 = arith.constant 124 : i32
    %dma_start3A_75 = arith.constant 0 : i32
    %dma_start3A_76 = arith.constant 0 : i32
    %dma_start3A_77 = arith.constant 0 : i32
    %dma_start3A_78 = tpu.memref_slice %arg11[%dma_start3A_75, %dma_start3A_76, %dma_start3A_77] : memref<2x80x128xf32, #tpu.memory_space<vmem>> -> memref<1x80x128xf32, #tpu.memory_space<vmem>>
    %dma_start3A_79 = tpu.memref_squeeze %dma_start3A_78 : memref<1x80x128xf32, #tpu.memory_space<vmem>> -> memref<80x128xf32, #tpu.memory_space<vmem>>
    %dma_start3A_80 = arith.constant 0 : i32
    %dma_start3A_81 = tpu.memref_slice %arg8[%dma_start3A_74, %dma_start3A_80] : memref<125x80xi32, #tpu.memory_space<vmem>> -> memref<1x80xi32, #tpu.memory_space<vmem>>
    %dma_start3A_82 = tpu.memref_squeeze %dma_start3A_81 : memref<1x80xi32, #tpu.memory_space<vmem>> -> memref<80xi32, #tpu.memory_space<vmem>>
    %dma_start3A_83 = arith.constant 0 : i32
    %dma_start3A_84 = arith.constant 0 : i32
    %dma_start3A_85 = tpu.memref_slice %arg2[%dma_start3A_83, %dma_start3A_84] : memref<10000x128xf32, #tpu.memory_space<hbm>> -> memref<10000x128xf32, #tpu.memory_space<hbm>>
    tpu.enqueue_indirect_dma source(%dma_start3A_85 : memref<10000x128xf32, #tpu.memory_space<hbm>>) target(%dma_start3A_79 : memref<80x128xf32, #tpu.memory_space<vmem>>) offsets(%dma_start3A_82 : memref<80xi32, #tpu.memory_space<vmem>>) semaphore(%arg12 : memref<!tpu.dma_semaphore, #tpu.memory_space<semaphore_mem>>)
    %dma_wait3A_86 = arith.constant 0 : i32
    %dma_wait3A_87 = arith.constant 1 : i32
    %dma_wait3A_88 = arith.constant 0 : i32
    %dma_wait3A_89 = arith.constant 0 : i32
    %dma_wait3A_90 = tpu.memref_slice %arg11[%dma_wait3A_87, %dma_wait3A_88, %dma_wait3A_89] : memref<2x80x128xf32, #tpu.memory_space<vmem>> -> memref<1x80x128xf32, #tpu.memory_space<vmem>>
    %dma_wait3A_91 = tpu.memref_squeeze %dma_wait3A_90 : memref<1x80x128xf32, #tpu.memory_space<vmem>> -> memref<80x128xf32, #tpu.memory_space<vmem>>
    %dma_wait3A_92 = arith.constant 0 : i32
    %dma_wait3A_93 = tpu.memref_slice %arg8[%dma_wait3A_86, %dma_wait3A_92] : memref<125x80xi32, #tpu.memory_space<vmem>> -> memref<1x80xi32, #tpu.memory_space<vmem>>
    %dma_wait3A_94 = tpu.memref_squeeze %dma_wait3A_93 : memref<1x80xi32, #tpu.memory_space<vmem>> -> memref<80xi32, #tpu.memory_space<vmem>>
    %dma_wait3A_95 = arith.constant 0 : i32
    %dma_wait3A_96 = arith.constant 0 : i32
    %dma_wait3A_97 = tpu.memref_slice %arg2[%dma_wait3A_95, %dma_wait3A_96] : memref<10000x128xf32, #tpu.memory_space<hbm>> -> memref<10000x128xf32, #tpu.memory_space<hbm>>
    tpu.wait_indirect_dma semaphore(%arg13 : memref<!tpu.dma_semaphore, #tpu.memory_space<semaphore_mem>>) src(%dma_wait3A_97 : memref<10000x128xf32, #tpu.memory_space<hbm>>) dst(%dma_wait3A_91 : memref<80x128xf32, #tpu.memory_space<vmem>>)
    %dma_wait3A_98 = arith.constant 0 : i32
    %dma_wait3A_99 = arith.constant 0 : i32
    %dma_wait3A_100 = arith.constant 0 : i32
    %dma_wait3A_101 = tpu.memref_slice %arg4[%add3A, %dma_wait3A_98, %dma_wait3A_99, %dma_wait3A_100] : memref<32x125x1x80xi32, #tpu.memory_space<hbm>> -> memref<1x1x1x80xi32, #tpu.memory_space<hbm>>
    %dma_wait3A_102 = tpu.memref_squeeze %dma_wait3A_101 : memref<1x1x1x80xi32, #tpu.memory_space<hbm>> -> memref<80xi32, #tpu.memory_space<hbm>>
    %dma_wait3A_103 = arith.constant 0 : i32
    %dma_wait3A_104 = tpu.memref_slice %arg4[%add3A, %dma_wait3A_98, %dma_wait3A_99, %dma_wait3A_103] : memref<32x125x1x80xi32, #tpu.memory_space<hbm>> -> memref<1x1x1x80xi32, #tpu.memory_space<hbm>>
    %dma_wait3A_105 = tpu.memref_squeeze %dma_wait3A_104 : memref<1x1x1x80xi32, #tpu.memory_space<hbm>> -> memref<80xi32, #tpu.memory_space<hbm>>
    tpu.wait_dma2 semaphore(%arg15 : memref<!tpu.dma_semaphore, #tpu.memory_space<semaphore_mem>>) src(%dma_wait3A_105 : memref<80xi32, #tpu.memory_space<hbm>>) dst(%arg10 : memref<80xi32, #tpu.memory_space<vmem>>)
    %run_scoped3A_106 = arith.constant 1 : i32
    "tpu.region"() ({
      %run_scoped3A_134 = tpu.sem_alloc : memref<!tpu.dma_semaphore, #tpu.memory_space<semaphore_mem>>
      %dma_start3A_135 = arith.constant 0 : i32
      %dma_start3A_136 = arith.constant 0 : i32
      %dma_start3A_137 = tpu.memref_slice %arg11[%run_scoped3A_106, %dma_start3A_135, %dma_start3A_136] : memref<2x80x128xf32, #tpu.memory_space<vmem>> -> memref<1x80x128xf32, #tpu.memory_space<vmem>>
      %dma_start3A_138 = tpu.memref_squeeze %dma_start3A_137 : memref<1x80x128xf32, #tpu.memory_space<vmem>> -> memref<80x128xf32, #tpu.memory_space<vmem>>
      %dma_start3A_139 = arith.constant 0 : i32
      %dma_start3A_140 = arith.constant 0 : i32
      %dma_start3A_141 = tpu.memref_slice %arg7[%dma_start3A_139, %dma_start3A_140] : memref<10000x128xf32, #tpu.memory_space<vmem_shared>> -> memref<10000x128xf32, #tpu.memory_space<vmem_shared>>
      tpu.enqueue_indirect_dma source(%dma_start3A_138 : memref<80x128xf32, #tpu.memory_space<vmem>>) target(%dma_start3A_141 : memref<10000x128xf32, #tpu.memory_space<vmem_shared>>) offsets(%arg10 : memref<80xi32, #tpu.memory_space<vmem>>) semaphore(%run_scoped3A_134 : memref<!tpu.dma_semaphore, #tpu.memory_space<semaphore_mem>>) {add = true}
      %dma_wait3A_142 = arith.constant 0 : i32
      %dma_wait3A_143 = arith.constant 0 : i32
      %dma_wait3A_144 = tpu.memref_slice %arg11[%run_scoped3A_106, %dma_wait3A_142, %dma_wait3A_143] : memref<2x80x128xf32, #tpu.memory_space<vmem>> -> memref<1x80x128xf32, #tpu.memory_space<vmem>>
      %dma_wait3A_145 = tpu.memref_squeeze %dma_wait3A_144 : memref<1x80x128xf32, #tpu.memory_space<vmem>> -> memref<80x128xf32, #tpu.memory_space<vmem>>
      %dma_wait3A_146 = arith.constant 0 : i32
      %dma_wait3A_147 = arith.constant 0 : i32
      %dma_wait3A_148 = tpu.memref_slice %arg7[%dma_wait3A_146, %dma_wait3A_147] : memref<10000x128xf32, #tpu.memory_space<vmem_shared>> -> memref<10000x128xf32, #tpu.memory_space<vmem_shared>>
      tpu.wait_indirect_dma semaphore(%run_scoped3A_134 : memref<!tpu.dma_semaphore, #tpu.memory_space<semaphore_mem>>) src(%dma_wait3A_145 : memref<80x128xf32, #tpu.memory_space<vmem>>) dst(%dma_wait3A_148 : memref<10000x128xf32, #tpu.memory_space<vmem_shared>>)
      tpu.yield
    }) : () -> ()
    %dma_wait3A_107 = arith.constant 0 : i32
    %dma_wait3A_108 = arith.constant 0 : i32
    %dma_wait3A_109 = arith.constant 0 : i32
    %dma_wait3A_110 = arith.constant 0 : i32
    %dma_wait3A_111 = tpu.memref_slice %arg11[%dma_wait3A_108, %dma_wait3A_109, %dma_wait3A_110] : memref<2x80x128xf32, #tpu.memory_space<vmem>> -> memref<1x80x128xf32, #tpu.memory_space<vmem>>
    %dma_wait3A_112 = tpu.memref_squeeze %dma_wait3A_111 : memref<1x80x128xf32, #tpu.memory_space<vmem>> -> memref<80x128xf32, #tpu.memory_space<vmem>>
    %dma_wait3A_113 = arith.constant 0 : i32
    %dma_wait3A_114 = tpu.memref_slice %arg8[%dma_wait3A_107, %dma_wait3A_113] : memref<125x80xi32, #tpu.memory_space<vmem>> -> memref<1x80xi32, #tpu.memory_space<vmem>>
    %dma_wait3A_115 = tpu.memref_squeeze %dma_wait3A_114 : memref<1x80xi32, #tpu.memory_space<vmem>> -> memref<80xi32, #tpu.memory_space<vmem>>
    %dma_wait3A_116 = arith.constant 0 : i32
    %dma_wait3A_117 = arith.constant 0 : i32
    %dma_wait3A_118 = tpu.memref_slice %arg2[%dma_wait3A_116, %dma_wait3A_117] : memref<10000x128xf32, #tpu.memory_space<hbm>> -> memref<10000x128xf32, #tpu.memory_space<hbm>>
    tpu.wait_indirect_dma semaphore(%arg12 : memref<!tpu.dma_semaphore, #tpu.memory_space<semaphore_mem>>) src(%dma_wait3A_118 : memref<10000x128xf32, #tpu.memory_space<hbm>>) dst(%dma_wait3A_112 : memref<80x128xf32, #tpu.memory_space<vmem>>)
    %dma_wait3A_119 = arith.constant 0 : i32
    %dma_wait3A_120 = arith.constant 0 : i32
    %dma_wait3A_121 = arith.constant 0 : i32
    %dma_wait3A_122 = tpu.memref_slice %arg4[%add3A, %dma_wait3A_119, %dma_wait3A_120, %dma_wait3A_121] : memref<32x125x1x80xi32, #tpu.memory_space<hbm>> -> memref<1x1x1x80xi32, #tpu.memory_space<hbm>>
    %dma_wait3A_123 = tpu.memref_squeeze %dma_wait3A_122 : memref<1x1x1x80xi32, #tpu.memory_space<hbm>> -> memref<80xi32, #tpu.memory_space<hbm>>
    %dma_wait3A_124 = arith.constant 0 : i32
    %dma_wait3A_125 = tpu.memref_slice %arg4[%add3A, %dma_wait3A_119, %dma_wait3A_120, %dma_wait3A_124] : memref<32x125x1x80xi32, #tpu.memory_space<hbm>> -> memref<1x1x1x80xi32, #tpu.memory_space<hbm>>
    %dma_wait3A_126 = tpu.memref_squeeze %dma_wait3A_125 : memref<1x1x1x80xi32, #tpu.memory_space<hbm>> -> memref<80xi32, #tpu.memory_space<hbm>>
    tpu.wait_dma2 semaphore(%arg14 : memref<!tpu.dma_semaphore, #tpu.memory_space<semaphore_mem>>) src(%dma_wait3A_126 : memref<80xi32, #tpu.memory_space<hbm>>) dst(%arg9 : memref<80xi32, #tpu.memory_space<vmem>>)
    %run_scoped3A_127 = arith.constant 0 : i32
    "tpu.region"() ({
      %run_scoped3A_134 = tpu.sem_alloc : memref<!tpu.dma_semaphore, #tpu.memory_space<semaphore_mem>>
      %dma_start3A_135 = arith.constant 0 : i32
      %dma_start3A_136 = arith.constant 0 : i32
      %dma_start3A_137 = tpu.memref_slice %arg11[%run_scoped3A_127, %dma_start3A_135, %dma_start3A_136] : memref<2x80x128xf32, #tpu.memory_space<vmem>> -> memref<1x80x128xf32, #tpu.memory_space<vmem>>
      %dma_start3A_138 = tpu.memref_squeeze %dma_start3A_137 : memref<1x80x128xf32, #tpu.memory_space<vmem>> -> memref<80x128xf32, #tpu.memory_space<vmem>>
      %dma_start3A_139 = arith.constant 0 : i32
      %dma_start3A_140 = arith.constant 0 : i32
      %dma_start3A_141 = tpu.memref_slice %arg7[%dma_start3A_139, %dma_start3A_140] : memref<10000x128xf32, #tpu.memory_space<vmem_shared>> -> memref<10000x128xf32, #tpu.memory_space<vmem_shared>>
      tpu.enqueue_indirect_dma source(%dma_start3A_138 : memref<80x128xf32, #tpu.memory_space<vmem>>) target(%dma_start3A_141 : memref<10000x128xf32, #tpu.memory_space<vmem_shared>>) offsets(%arg9 : memref<80xi32, #tpu.memory_space<vmem>>) semaphore(%run_scoped3A_134 : memref<!tpu.dma_semaphore, #tpu.memory_space<semaphore_mem>>) {add = true}
      %dma_wait3A_142 = arith.constant 0 : i32
      %dma_wait3A_143 = arith.constant 0 : i32
      %dma_wait3A_144 = tpu.memref_slice %arg11[%run_scoped3A_127, %dma_wait3A_142, %dma_wait3A_143] : memref<2x80x128xf32, #tpu.memory_space<vmem>> -> memref<1x80x128xf32, #tpu.memory_space<vmem>>
      %dma_wait3A_145 = tpu.memref_squeeze %dma_wait3A_144 : memref<1x80x128xf32, #tpu.memory_space<vmem>> -> memref<80x128xf32, #tpu.memory_space<vmem>>
      %dma_wait3A_146 = arith.constant 0 : i32
      %dma_wait3A_147 = arith.constant 0 : i32
      %dma_wait3A_148 = tpu.memref_slice %arg7[%dma_wait3A_146, %dma_wait3A_147] : memref<10000x128xf32, #tpu.memory_space<vmem_shared>> -> memref<10000x128xf32, #tpu.memory_space<vmem_shared>>
      tpu.wait_indirect_dma semaphore(%run_scoped3A_134 : memref<!tpu.dma_semaphore, #tpu.memory_space<semaphore_mem>>) src(%dma_wait3A_145 : memref<80x128xf32, #tpu.memory_space<vmem>>) dst(%dma_wait3A_148 : memref<10000x128xf32, #tpu.memory_space<vmem_shared>>)
      tpu.yield
    }) : () -> ()
    %barrier3A_128 = arith.constant 0 : index
    tpu.barrier barrier_id(%barrier3A_128)
    %mul3A_129 = arith.constant 625 : i32
    %mul3A_130 = arith.muli %arg1, %mul3A_129 : i32
    %mul3A_131 = arith.constant 16 : i32
    %mul3A_132 = arith.muli %arg0, %mul3A_131 : i32
    %add3A_133 = arith.addi %mul3A_132, %arg1 : i32
    "tpu.region"() ({
      %run_scoped3A_134 = tpu.sem_alloc : memref<!tpu.dma_semaphore, #tpu.memory_space<semaphore_mem>>
      %dma_start3A_135 = arith.constant 0 : i32
      %dma_start3A_136 = arith.constant 0 : i32
      %dma_start3A_137 = tpu.memref_slice %arg6[%add3A_133, %dma_start3A_135, %dma_start3A_136] : memref<32x625x128xf32, #tpu.memory_space<hbm>> -> memref<1x625x128xf32, #tpu.memory_space<hbm>>
      %dma_start3A_138 = tpu.memref_squeeze %dma_start3A_137 : memref<1x625x128xf32, #tpu.memory_space<hbm>> -> memref<625x128xf32, #tpu.memory_space<hbm>>
      %dma_start3A_139 = arith.constant 0 : i32
      %dma_start3A_140 = tpu.memref_slice %arg7[%mul3A_130, %dma_start3A_139] : memref<10000x128xf32, #tpu.memory_space<vmem_shared>> -> memref<625x128xf32, #tpu.memory_space<vmem_shared>>
      tpu.enqueue_dma source(%dma_start3A_140 : memref<625x128xf32, #tpu.memory_space<vmem_shared>>) target(%dma_start3A_138 : memref<625x128xf32, #tpu.memory_space<hbm>>) target_semaphore(%run_scoped3A_134 : memref<!tpu.dma_semaphore, #tpu.memory_space<semaphore_mem>>)
      %dma_wait3A_141 = arith.constant 0 : i32
      %dma_wait3A_142 = arith.constant 0 : i32
      %dma_wait3A_143 = tpu.memref_slice %arg6[%add3A_133, %dma_wait3A_141, %dma_wait3A_142] : memref<32x625x128xf32, #tpu.memory_space<hbm>> -> memref<1x625x128xf32, #tpu.memory_space<hbm>>
      %dma_wait3A_144 = tpu.memref_squeeze %dma_wait3A_143 : memref<1x625x128xf32, #tpu.memory_space<hbm>> -> memref<625x128xf32, #tpu.memory_space<hbm>>
      %dma_wait3A_145 = arith.constant 0 : i32
      %dma_wait3A_146 = tpu.memref_slice %arg7[%mul3A_130, %dma_wait3A_145] : memref<10000x128xf32, #tpu.memory_space<vmem_shared>> -> memref<625x128xf32, #tpu.memory_space<vmem_shared>>
      tpu.wait_dma2 semaphore(%run_scoped3A_134 : memref<!tpu.dma_semaphore, #tpu.memory_space<semaphore_mem>>) src(%dma_wait3A_146 : memref<625x128xf32, #tpu.memory_space<vmem_shared>>) dst(%dma_wait3A_144 : memref<625x128xf32, #tpu.memory_space<hbm>>)
      tpu.yield
    }) : () -> ()
    return
  }
}

#map = affine_map<(d0, d1) -> (0, 0, 0, 0)>
#map1 = affine_map<(d0, d1) -> (0, 0)>
#map2 = affine_map<(d0, d1) -> (0, 0, 0)>
module attributes {stable_mosaic.version = 14 : i64} {
  func.func @_sc_degree_body(%arg0: i32, %arg1: i32, %arg2: memref<32x125x1x80xi32, #tpu.memory_space<hbm>>, %arg3: memref<80x128xf32, #tpu.memory_space<hbm>>, %arg4: memref<16x625x128xf32, #tpu.memory_space<hbm>>, %arg5: memref<32x625x128xf32, #tpu.memory_space<hbm>>, %arg6: memref<10000x128xf32, #tpu.memory_space<vmem_shared>>, %arg7: memref<80xi32, #tpu.memory_space<vmem>>, %arg8: memref<80xi32, #tpu.memory_space<vmem>>, %arg9: memref<80x128xf32, #tpu.memory_space<vmem>>, %arg10: memref<!tpu.dma_semaphore, #tpu.memory_space<semaphore_mem>>, %arg11: memref<!tpu.dma_semaphore, #tpu.memory_space<semaphore_mem>>) attributes {dimension_semantics = [#tpu.dimension_semantics<core_parallel>, #tpu.dimension_semantics<subcore_parallel>], iteration_bounds = array<i64: 2, 16>, scalar_prefetch = 0 : i64, scratch_operands = 6 : i64, tpu.core_type = #tpu.core_type<sc_vector_subcore>, window_params = [{transform_indices = #map}, {transform_indices = #map1}, {transform_indices = #map2}, {transform_indices = #map2}]} {
    %mul3A = arith.constant 2 : i32
    %mul3A_0 = arith.muli %arg1, %mul3A : i32
    %add3A = arith.addi %mul3A_0, %arg0 : i32
    "tpu.region"() ({
      %run_scoped3A = tpu.sem_alloc : memref<!tpu.dma_semaphore, #tpu.memory_space<semaphore_mem>>
      tpu.enqueue_dma source(%arg3 : memref<80x128xf32, #tpu.memory_space<hbm>>) target(%arg9 : memref<80x128xf32, #tpu.memory_space<vmem>>) target_semaphore(%run_scoped3A : memref<!tpu.dma_semaphore, #tpu.memory_space<semaphore_mem>>)
      tpu.wait_dma2 semaphore(%run_scoped3A : memref<!tpu.dma_semaphore, #tpu.memory_space<semaphore_mem>>) src(%arg3 : memref<80x128xf32, #tpu.memory_space<hbm>>) dst(%arg9 : memref<80x128xf32, #tpu.memory_space<vmem>>)
      tpu.yield
    }) : () -> ()
    %mul3A_1 = arith.constant 625 : i32
    %mul3A_2 = arith.muli %arg1, %mul3A_1 : i32
    "tpu.region"() ({
      %run_scoped3A = tpu.sem_alloc : memref<!tpu.dma_semaphore, #tpu.memory_space<semaphore_mem>>
      %dma_start3A_60 = arith.constant 0 : i32
      %dma_start3A_61 = tpu.memref_slice %arg6[%mul3A_2, %dma_start3A_60] : memref<10000x128xf32, #tpu.memory_space<vmem_shared>> -> memref<625x128xf32, #tpu.memory_space<vmem_shared>>
      %dma_start3A_62 = arith.constant 0 : i32
      %dma_start3A_63 = arith.constant 0 : i32
      %dma_start3A_64 = tpu.memref_slice %arg4[%arg1, %dma_start3A_62, %dma_start3A_63] : memref<16x625x128xf32, #tpu.memory_space<hbm>> -> memref<1x625x128xf32, #tpu.memory_space<hbm>>
      %dma_start3A_65 = tpu.memref_squeeze %dma_start3A_64 : memref<1x625x128xf32, #tpu.memory_space<hbm>> -> memref<625x128xf32, #tpu.memory_space<hbm>>
      tpu.enqueue_dma source(%dma_start3A_65 : memref<625x128xf32, #tpu.memory_space<hbm>>) target(%dma_start3A_61 : memref<625x128xf32, #tpu.memory_space<vmem_shared>>) target_semaphore(%run_scoped3A : memref<!tpu.dma_semaphore, #tpu.memory_space<semaphore_mem>>)
      %dma_wait3A_66 = arith.constant 0 : i32
      %dma_wait3A_67 = tpu.memref_slice %arg6[%mul3A_2, %dma_wait3A_66] : memref<10000x128xf32, #tpu.memory_space<vmem_shared>> -> memref<625x128xf32, #tpu.memory_space<vmem_shared>>
      %dma_wait3A_68 = arith.constant 0 : i32
      %dma_wait3A_69 = arith.constant 0 : i32
      %dma_wait3A_70 = tpu.memref_slice %arg4[%arg1, %dma_wait3A_68, %dma_wait3A_69] : memref<16x625x128xf32, #tpu.memory_space<hbm>> -> memref<1x625x128xf32, #tpu.memory_space<hbm>>
      %dma_wait3A_71 = tpu.memref_squeeze %dma_wait3A_70 : memref<1x625x128xf32, #tpu.memory_space<hbm>> -> memref<625x128xf32, #tpu.memory_space<hbm>>
      tpu.wait_dma2 semaphore(%run_scoped3A : memref<!tpu.dma_semaphore, #tpu.memory_space<semaphore_mem>>) src(%dma_wait3A_71 : memref<625x128xf32, #tpu.memory_space<hbm>>) dst(%dma_wait3A_67 : memref<625x128xf32, #tpu.memory_space<vmem_shared>>)
      tpu.yield
    }) : () -> ()
    %dma_start3A = arith.constant 0 : i32
    %dma_start3A_3 = arith.constant 0 : i32
    %dma_start3A_4 = arith.constant 0 : i32
    %dma_start3A_5 = tpu.memref_slice %arg2[%add3A, %dma_start3A, %dma_start3A_3, %dma_start3A_4] : memref<32x125x1x80xi32, #tpu.memory_space<hbm>> -> memref<1x1x1x80xi32, #tpu.memory_space<hbm>>
    %dma_start3A_6 = tpu.memref_squeeze %dma_start3A_5 : memref<1x1x1x80xi32, #tpu.memory_space<hbm>> -> memref<80xi32, #tpu.memory_space<hbm>>
    %dma_start3A_7 = arith.constant 0 : i32
    %dma_start3A_8 = tpu.memref_slice %arg2[%add3A, %dma_start3A, %dma_start3A_3, %dma_start3A_7] : memref<32x125x1x80xi32, #tpu.memory_space<hbm>> -> memref<1x1x1x80xi32, #tpu.memory_space<hbm>>
    %dma_start3A_9 = tpu.memref_squeeze %dma_start3A_8 : memref<1x1x1x80xi32, #tpu.memory_space<hbm>> -> memref<80xi32, #tpu.memory_space<hbm>>
    tpu.enqueue_dma source(%dma_start3A_9 : memref<80xi32, #tpu.memory_space<hbm>>) target(%arg7 : memref<80xi32, #tpu.memory_space<vmem>>) target_semaphore(%arg10 : memref<!tpu.dma_semaphore, #tpu.memory_space<semaphore_mem>>)
    %dma_start3A_10 = arith.constant 1 : i32
    %dma_start3A_11 = arith.constant 0 : i32
    %dma_start3A_12 = arith.constant 0 : i32
    %dma_start3A_13 = tpu.memref_slice %arg2[%add3A, %dma_start3A_10, %dma_start3A_11, %dma_start3A_12] : memref<32x125x1x80xi32, #tpu.memory_space<hbm>> -> memref<1x1x1x80xi32, #tpu.memory_space<hbm>>
    %dma_start3A_14 = tpu.memref_squeeze %dma_start3A_13 : memref<1x1x1x80xi32, #tpu.memory_space<hbm>> -> memref<80xi32, #tpu.memory_space<hbm>>
    %dma_start3A_15 = arith.constant 0 : i32
    %dma_start3A_16 = tpu.memref_slice %arg2[%add3A, %dma_start3A_10, %dma_start3A_11, %dma_start3A_15] : memref<32x125x1x80xi32, #tpu.memory_space<hbm>> -> memref<1x1x1x80xi32, #tpu.memory_space<hbm>>
    %dma_start3A_17 = tpu.memref_squeeze %dma_start3A_16 : memref<1x1x1x80xi32, #tpu.memory_space<hbm>> -> memref<80xi32, #tpu.memory_space<hbm>>
    tpu.enqueue_dma source(%dma_start3A_17 : memref<80xi32, #tpu.memory_space<hbm>>) target(%arg8 : memref<80xi32, #tpu.memory_space<vmem>>) target_semaphore(%arg11 : memref<!tpu.dma_semaphore, #tpu.memory_space<semaphore_mem>>)
    %barrier3A = arith.constant 0 : index
    tpu.barrier barrier_id(%barrier3A)
    %scan3A = arith.constant 0 : i32
    %scan3A_18 = arith.constant 0 : i32
    %scan3A_19 = arith.constant 61 : i32
    %scan3A_20 = arith.addi %scan3A_18, %scan3A_19 : i32
    %scan3A_21 = arith.constant 1 : i32
    scf.for %scan3A_60 = %scan3A_18 to %scan3A_20 step %scan3A_21  : i32 {
      %mul3A_61 = arith.constant 2 : i32
      %mul3A_62 = arith.muli %scan3A_60, %mul3A_61 : i32
      %add3A_63 = arith.constant 0 : i32
      %add3A_64 = arith.addi %mul3A_62, %add3A_63 : i32
      %dma_wait3A_65 = arith.constant 0 : i32
      %dma_wait3A_66 = arith.constant 0 : i32
      %dma_wait3A_67 = arith.constant 0 : i32
      %dma_wait3A_68 = tpu.memref_slice %arg2[%add3A, %dma_wait3A_65, %dma_wait3A_66, %dma_wait3A_67] : memref<32x125x1x80xi32, #tpu.memory_space<hbm>> -> memref<1x1x1x80xi32, #tpu.memory_space<hbm>>
      %dma_wait3A_69 = tpu.memref_squeeze %dma_wait3A_68 : memref<1x1x1x80xi32, #tpu.memory_space<hbm>> -> memref<80xi32, #tpu.memory_space<hbm>>
      %dma_wait3A_70 = arith.constant 0 : i32
      %dma_wait3A_71 = tpu.memref_slice %arg2[%add3A, %dma_wait3A_65, %dma_wait3A_66, %dma_wait3A_70] : memref<32x125x1x80xi32, #tpu.memory_space<hbm>> -> memref<1x1x1x80xi32, #tpu.memory_space<hbm>>
      %dma_wait3A_72 = tpu.memref_squeeze %dma_wait3A_71 : memref<1x1x1x80xi32, #tpu.memory_space<hbm>> -> memref<80xi32, #tpu.memory_space<hbm>>
      tpu.wait_dma2 semaphore(%arg10 : memref<!tpu.dma_semaphore, #tpu.memory_space<semaphore_mem>>) src(%dma_wait3A_72 : memref<80xi32, #tpu.memory_space<hbm>>) dst(%arg7 : memref<80xi32, #tpu.memory_space<vmem>>)
      "tpu.region"() ({
        %run_scoped3A = tpu.sem_alloc : memref<!tpu.dma_semaphore, #tpu.memory_space<semaphore_mem>>
        %dma_start3A_103 = arith.constant 0 : i32
        %dma_start3A_104 = arith.constant 0 : i32
        %dma_start3A_105 = tpu.memref_slice %arg6[%dma_start3A_103, %dma_start3A_104] : memref<10000x128xf32, #tpu.memory_space<vmem_shared>> -> memref<10000x128xf32, #tpu.memory_space<vmem_shared>>
        tpu.enqueue_indirect_dma source(%arg9 : memref<80x128xf32, #tpu.memory_space<vmem>>) target(%dma_start3A_105 : memref<10000x128xf32, #tpu.memory_space<vmem_shared>>) offsets(%arg7 : memref<80xi32, #tpu.memory_space<vmem>>) semaphore(%run_scoped3A : memref<!tpu.dma_semaphore, #tpu.memory_space<semaphore_mem>>) {add = true}
        %dma_wait3A_106 = arith.constant 0 : i32
        %dma_wait3A_107 = arith.constant 0 : i32
        %dma_wait3A_108 = tpu.memref_slice %arg6[%dma_wait3A_106, %dma_wait3A_107] : memref<10000x128xf32, #tpu.memory_space<vmem_shared>> -> memref<10000x128xf32, #tpu.memory_space<vmem_shared>>
        tpu.wait_indirect_dma semaphore(%run_scoped3A : memref<!tpu.dma_semaphore, #tpu.memory_space<semaphore_mem>>) src(%arg9 : memref<80x128xf32, #tpu.memory_space<vmem>>) dst(%dma_wait3A_108 : memref<10000x128xf32, #tpu.memory_space<vmem_shared>>)
        tpu.yield
      }) : () -> ()
      %add3A_73 = arith.constant 2 : i32
      %add3A_74 = arith.addi %add3A_64, %add3A_73 : i32
      %dma_start3A_75 = arith.constant 0 : i32
      %dma_start3A_76 = arith.constant 0 : i32
      %dma_start3A_77 = tpu.memref_slice %arg2[%add3A, %add3A_74, %dma_start3A_75, %dma_start3A_76] : memref<32x125x1x80xi32, #tpu.memory_space<hbm>> -> memref<1x1x1x80xi32, #tpu.memory_space<hbm>>
      %dma_start3A_78 = tpu.memref_squeeze %dma_start3A_77 : memref<1x1x1x80xi32, #tpu.memory_space<hbm>> -> memref<80xi32, #tpu.memory_space<hbm>>
      %dma_start3A_79 = arith.constant 0 : i32
      %dma_start3A_80 = tpu.memref_slice %arg2[%add3A, %add3A_74, %dma_start3A_75, %dma_start3A_79] : memref<32x125x1x80xi32, #tpu.memory_space<hbm>> -> memref<1x1x1x80xi32, #tpu.memory_space<hbm>>
      %dma_start3A_81 = tpu.memref_squeeze %dma_start3A_80 : memref<1x1x1x80xi32, #tpu.memory_space<hbm>> -> memref<80xi32, #tpu.memory_space<hbm>>
      tpu.enqueue_dma source(%dma_start3A_81 : memref<80xi32, #tpu.memory_space<hbm>>) target(%arg7 : memref<80xi32, #tpu.memory_space<vmem>>) target_semaphore(%arg10 : memref<!tpu.dma_semaphore, #tpu.memory_space<semaphore_mem>>)
      %mul3A_82 = arith.constant 2 : i32
      %mul3A_83 = arith.muli %scan3A_60, %mul3A_82 : i32
      %add3A_84 = arith.constant 1 : i32
      %add3A_85 = arith.addi %mul3A_83, %add3A_84 : i32
      %dma_wait3A_86 = arith.constant 0 : i32
      %dma_wait3A_87 = arith.constant 0 : i32
      %dma_wait3A_88 = arith.constant 0 : i32
      %dma_wait3A_89 = tpu.memref_slice %arg2[%add3A, %dma_wait3A_86, %dma_wait3A_87, %dma_wait3A_88] : memref<32x125x1x80xi32, #tpu.memory_space<hbm>> -> memref<1x1x1x80xi32, #tpu.memory_space<hbm>>
      %dma_wait3A_90 = tpu.memref_squeeze %dma_wait3A_89 : memref<1x1x1x80xi32, #tpu.memory_space<hbm>> -> memref<80xi32, #tpu.memory_space<hbm>>
      %dma_wait3A_91 = arith.constant 0 : i32
      %dma_wait3A_92 = tpu.memref_slice %arg2[%add3A, %dma_wait3A_86, %dma_wait3A_87, %dma_wait3A_91] : memref<32x125x1x80xi32, #tpu.memory_space<hbm>> -> memref<1x1x1x80xi32, #tpu.memory_space<hbm>>
      %dma_wait3A_93 = tpu.memref_squeeze %dma_wait3A_92 : memref<1x1x1x80xi32, #tpu.memory_space<hbm>> -> memref<80xi32, #tpu.memory_space<hbm>>
      tpu.wait_dma2 semaphore(%arg11 : memref<!tpu.dma_semaphore, #tpu.memory_space<semaphore_mem>>) src(%dma_wait3A_93 : memref<80xi32, #tpu.memory_space<hbm>>) dst(%arg8 : memref<80xi32, #tpu.memory_space<vmem>>)
      "tpu.region"() ({
        %run_scoped3A = tpu.sem_alloc : memref<!tpu.dma_semaphore, #tpu.memory_space<semaphore_mem>>
        %dma_start3A_103 = arith.constant 0 : i32
        %dma_start3A_104 = arith.constant 0 : i32
        %dma_start3A_105 = tpu.memref_slice %arg6[%dma_start3A_103, %dma_start3A_104] : memref<10000x128xf32, #tpu.memory_space<vmem_shared>> -> memref<10000x128xf32, #tpu.memory_space<vmem_shared>>
        tpu.enqueue_indirect_dma source(%arg9 : memref<80x128xf32, #tpu.memory_space<vmem>>) target(%dma_start3A_105 : memref<10000x128xf32, #tpu.memory_space<vmem_shared>>) offsets(%arg8 : memref<80xi32, #tpu.memory_space<vmem>>) semaphore(%run_scoped3A : memref<!tpu.dma_semaphore, #tpu.memory_space<semaphore_mem>>) {add = true}
        %dma_wait3A_106 = arith.constant 0 : i32
        %dma_wait3A_107 = arith.constant 0 : i32
        %dma_wait3A_108 = tpu.memref_slice %arg6[%dma_wait3A_106, %dma_wait3A_107] : memref<10000x128xf32, #tpu.memory_space<vmem_shared>> -> memref<10000x128xf32, #tpu.memory_space<vmem_shared>>
        tpu.wait_indirect_dma semaphore(%run_scoped3A : memref<!tpu.dma_semaphore, #tpu.memory_space<semaphore_mem>>) src(%arg9 : memref<80x128xf32, #tpu.memory_space<vmem>>) dst(%dma_wait3A_108 : memref<10000x128xf32, #tpu.memory_space<vmem_shared>>)
        tpu.yield
      }) : () -> ()
      %add3A_94 = arith.constant 2 : i32
      %add3A_95 = arith.addi %add3A_85, %add3A_94 : i32
      %dma_start3A_96 = arith.constant 0 : i32
      %dma_start3A_97 = arith.constant 0 : i32
      %dma_start3A_98 = tpu.memref_slice %arg2[%add3A, %add3A_95, %dma_start3A_96, %dma_start3A_97] : memref<32x125x1x80xi32, #tpu.memory_space<hbm>> -> memref<1x1x1x80xi32, #tpu.memory_space<hbm>>
      %dma_start3A_99 = tpu.memref_squeeze %dma_start3A_98 : memref<1x1x1x80xi32, #tpu.memory_space<hbm>> -> memref<80xi32, #tpu.memory_space<hbm>>
      %dma_start3A_100 = arith.constant 0 : i32
      %dma_start3A_101 = tpu.memref_slice %arg2[%add3A, %add3A_95, %dma_start3A_96, %dma_start3A_100] : memref<32x125x1x80xi32, #tpu.memory_space<hbm>> -> memref<1x1x1x80xi32, #tpu.memory_space<hbm>>
      %dma_start3A_102 = tpu.memref_squeeze %dma_start3A_101 : memref<1x1x1x80xi32, #tpu.memory_space<hbm>> -> memref<80xi32, #tpu.memory_space<hbm>>
      tpu.enqueue_dma source(%dma_start3A_102 : memref<80xi32, #tpu.memory_space<hbm>>) target(%arg8 : memref<80xi32, #tpu.memory_space<vmem>>) target_semaphore(%arg11 : memref<!tpu.dma_semaphore, #tpu.memory_space<semaphore_mem>>)
    }
    %scan3A_22 = arith.constant 61 : i32
    %dma_wait3A = arith.constant 0 : i32
    %dma_wait3A_23 = arith.constant 0 : i32
    %dma_wait3A_24 = arith.constant 0 : i32
    %dma_wait3A_25 = tpu.memref_slice %arg2[%add3A, %dma_wait3A, %dma_wait3A_23, %dma_wait3A_24] : memref<32x125x1x80xi32, #tpu.memory_space<hbm>> -> memref<1x1x1x80xi32, #tpu.memory_space<hbm>>
    %dma_wait3A_26 = tpu.memref_squeeze %dma_wait3A_25 : memref<1x1x1x80xi32, #tpu.memory_space<hbm>> -> memref<80xi32, #tpu.memory_space<hbm>>
    %dma_wait3A_27 = arith.constant 0 : i32
    %dma_wait3A_28 = tpu.memref_slice %arg2[%add3A, %dma_wait3A, %dma_wait3A_23, %dma_wait3A_27] : memref<32x125x1x80xi32, #tpu.memory_space<hbm>> -> memref<1x1x1x80xi32, #tpu.memory_space<hbm>>
    %dma_wait3A_29 = tpu.memref_squeeze %dma_wait3A_28 : memref<1x1x1x80xi32, #tpu.memory_space<hbm>> -> memref<80xi32, #tpu.memory_space<hbm>>
    tpu.wait_dma2 semaphore(%arg10 : memref<!tpu.dma_semaphore, #tpu.memory_space<semaphore_mem>>) src(%dma_wait3A_29 : memref<80xi32, #tpu.memory_space<hbm>>) dst(%arg7 : memref<80xi32, #tpu.memory_space<vmem>>)
    "tpu.region"() ({
      %run_scoped3A = tpu.sem_alloc : memref<!tpu.dma_semaphore, #tpu.memory_space<semaphore_mem>>
      %dma_start3A_60 = arith.constant 0 : i32
      %dma_start3A_61 = arith.constant 0 : i32
      %dma_start3A_62 = tpu.memref_slice %arg6[%dma_start3A_60, %dma_start3A_61] : memref<10000x128xf32, #tpu.memory_space<vmem_shared>> -> memref<10000x128xf32, #tpu.memory_space<vmem_shared>>
      tpu.enqueue_indirect_dma source(%arg9 : memref<80x128xf32, #tpu.memory_space<vmem>>) target(%dma_start3A_62 : memref<10000x128xf32, #tpu.memory_space<vmem_shared>>) offsets(%arg7 : memref<80xi32, #tpu.memory_space<vmem>>) semaphore(%run_scoped3A : memref<!tpu.dma_semaphore, #tpu.memory_space<semaphore_mem>>) {add = true}
      %dma_wait3A_63 = arith.constant 0 : i32
      %dma_wait3A_64 = arith.constant 0 : i32
      %dma_wait3A_65 = tpu.memref_slice %arg6[%dma_wait3A_63, %dma_wait3A_64] : memref<10000x128xf32, #tpu.memory_space<vmem_shared>> -> memref<10000x128xf32, #tpu.memory_space<vmem_shared>>
      tpu.wait_indirect_dma semaphore(%run_scoped3A : memref<!tpu.dma_semaphore, #tpu.memory_space<semaphore_mem>>) src(%arg9 : memref<80x128xf32, #tpu.memory_space<vmem>>) dst(%dma_wait3A_65 : memref<10000x128xf32, #tpu.memory_space<vmem_shared>>)
      tpu.yield
    }) : () -> ()
    %dma_start3A_30 = arith.constant 124 : i32
    %dma_start3A_31 = arith.constant 0 : i32
    %dma_start3A_32 = arith.constant 0 : i32
    %dma_start3A_33 = tpu.memref_slice %arg2[%add3A, %dma_start3A_30, %dma_start3A_31, %dma_start3A_32] : memref<32x125x1x80xi32, #tpu.memory_space<hbm>> -> memref<1x1x1x80xi32, #tpu.memory_space<hbm>>
    %dma_start3A_34 = tpu.memref_squeeze %dma_start3A_33 : memref<1x1x1x80xi32, #tpu.memory_space<hbm>> -> memref<80xi32, #tpu.memory_space<hbm>>
    %dma_start3A_35 = arith.constant 0 : i32
    %dma_start3A_36 = tpu.memref_slice %arg2[%add3A, %dma_start3A_30, %dma_start3A_31, %dma_start3A_35] : memref<32x125x1x80xi32, #tpu.memory_space<hbm>> -> memref<1x1x1x80xi32, #tpu.memory_space<hbm>>
    %dma_start3A_37 = tpu.memref_squeeze %dma_start3A_36 : memref<1x1x1x80xi32, #tpu.memory_space<hbm>> -> memref<80xi32, #tpu.memory_space<hbm>>
    tpu.enqueue_dma source(%dma_start3A_37 : memref<80xi32, #tpu.memory_space<hbm>>) target(%arg7 : memref<80xi32, #tpu.memory_space<vmem>>) target_semaphore(%arg10 : memref<!tpu.dma_semaphore, #tpu.memory_space<semaphore_mem>>)
    %dma_wait3A_38 = arith.constant 0 : i32
    %dma_wait3A_39 = arith.constant 0 : i32
    %dma_wait3A_40 = arith.constant 0 : i32
    %dma_wait3A_41 = tpu.memref_slice %arg2[%add3A, %dma_wait3A_38, %dma_wait3A_39, %dma_wait3A_40] : memref<32x125x1x80xi32, #tpu.memory_space<hbm>> -> memref<1x1x1x80xi32, #tpu.memory_space<hbm>>
    %dma_wait3A_42 = tpu.memref_squeeze %dma_wait3A_41 : memref<1x1x1x80xi32, #tpu.memory_space<hbm>> -> memref<80xi32, #tpu.memory_space<hbm>>
    %dma_wait3A_43 = arith.constant 0 : i32
    %dma_wait3A_44 = tpu.memref_slice %arg2[%add3A, %dma_wait3A_38, %dma_wait3A_39, %dma_wait3A_43] : memref<32x125x1x80xi32, #tpu.memory_space<hbm>> -> memref<1x1x1x80xi32, #tpu.memory_space<hbm>>
    %dma_wait3A_45 = tpu.memref_squeeze %dma_wait3A_44 : memref<1x1x1x80xi32, #tpu.memory_space<hbm>> -> memref<80xi32, #tpu.memory_space<hbm>>
    tpu.wait_dma2 semaphore(%arg11 : memref<!tpu.dma_semaphore, #tpu.memory_space<semaphore_mem>>) src(%dma_wait3A_45 : memref<80xi32, #tpu.memory_space<hbm>>) dst(%arg8 : memref<80xi32, #tpu.memory_space<vmem>>)
    "tpu.region"() ({
      %run_scoped3A = tpu.sem_alloc : memref<!tpu.dma_semaphore, #tpu.memory_space<semaphore_mem>>
      %dma_start3A_60 = arith.constant 0 : i32
      %dma_start3A_61 = arith.constant 0 : i32
      %dma_start3A_62 = tpu.memref_slice %arg6[%dma_start3A_60, %dma_start3A_61] : memref<10000x128xf32, #tpu.memory_space<vmem_shared>> -> memref<10000x128xf32, #tpu.memory_space<vmem_shared>>
      tpu.enqueue_indirect_dma source(%arg9 : memref<80x128xf32, #tpu.memory_space<vmem>>) target(%dma_start3A_62 : memref<10000x128xf32, #tpu.memory_space<vmem_shared>>) offsets(%arg8 : memref<80xi32, #tpu.memory_space<vmem>>) semaphore(%run_scoped3A : memref<!tpu.dma_semaphore, #tpu.memory_space<semaphore_mem>>) {add = true}
      %dma_wait3A_63 = arith.constant 0 : i32
      %dma_wait3A_64 = arith.constant 0 : i32
      %dma_wait3A_65 = tpu.memref_slice %arg6[%dma_wait3A_63, %dma_wait3A_64] : memref<10000x128xf32, #tpu.memory_space<vmem_shared>> -> memref<10000x128xf32, #tpu.memory_space<vmem_shared>>
      tpu.wait_indirect_dma semaphore(%run_scoped3A : memref<!tpu.dma_semaphore, #tpu.memory_space<semaphore_mem>>) src(%arg9 : memref<80x128xf32, #tpu.memory_space<vmem>>) dst(%dma_wait3A_65 : memref<10000x128xf32, #tpu.memory_space<vmem_shared>>)
      tpu.yield
    }) : () -> ()
    %dma_wait3A_46 = arith.constant 0 : i32
    %dma_wait3A_47 = arith.constant 0 : i32
    %dma_wait3A_48 = arith.constant 0 : i32
    %dma_wait3A_49 = tpu.memref_slice %arg2[%add3A, %dma_wait3A_46, %dma_wait3A_47, %dma_wait3A_48] : memref<32x125x1x80xi32, #tpu.memory_space<hbm>> -> memref<1x1x1x80xi32, #tpu.memory_space<hbm>>
    %dma_wait3A_50 = tpu.memref_squeeze %dma_wait3A_49 : memref<1x1x1x80xi32, #tpu.memory_space<hbm>> -> memref<80xi32, #tpu.memory_space<hbm>>
    %dma_wait3A_51 = arith.constant 0 : i32
    %dma_wait3A_52 = tpu.memref_slice %arg2[%add3A, %dma_wait3A_46, %dma_wait3A_47, %dma_wait3A_51] : memref<32x125x1x80xi32, #tpu.memory_space<hbm>> -> memref<1x1x1x80xi32, #tpu.memory_space<hbm>>
    %dma_wait3A_53 = tpu.memref_squeeze %dma_wait3A_52 : memref<1x1x1x80xi32, #tpu.memory_space<hbm>> -> memref<80xi32, #tpu.memory_space<hbm>>
    tpu.wait_dma2 semaphore(%arg10 : memref<!tpu.dma_semaphore, #tpu.memory_space<semaphore_mem>>) src(%dma_wait3A_53 : memref<80xi32, #tpu.memory_space<hbm>>) dst(%arg7 : memref<80xi32, #tpu.memory_space<vmem>>)
    "tpu.region"() ({
      %run_scoped3A = tpu.sem_alloc : memref<!tpu.dma_semaphore, #tpu.memory_space<semaphore_mem>>
      %dma_start3A_60 = arith.constant 0 : i32
      %dma_start3A_61 = arith.constant 0 : i32
      %dma_start3A_62 = tpu.memref_slice %arg6[%dma_start3A_60, %dma_start3A_61] : memref<10000x128xf32, #tpu.memory_space<vmem_shared>> -> memref<10000x128xf32, #tpu.memory_space<vmem_shared>>
      tpu.enqueue_indirect_dma source(%arg9 : memref<80x128xf32, #tpu.memory_space<vmem>>) target(%dma_start3A_62 : memref<10000x128xf32, #tpu.memory_space<vmem_shared>>) offsets(%arg7 : memref<80xi32, #tpu.memory_space<vmem>>) semaphore(%run_scoped3A : memref<!tpu.dma_semaphore, #tpu.memory_space<semaphore_mem>>) {add = true}
      %dma_wait3A_63 = arith.constant 0 : i32
      %dma_wait3A_64 = arith.constant 0 : i32
      %dma_wait3A_65 = tpu.memref_slice %arg6[%dma_wait3A_63, %dma_wait3A_64] : memref<10000x128xf32, #tpu.memory_space<vmem_shared>> -> memref<10000x128xf32, #tpu.memory_space<vmem_shared>>
      tpu.wait_indirect_dma semaphore(%run_scoped3A : memref<!tpu.dma_semaphore, #tpu.memory_space<semaphore_mem>>) src(%arg9 : memref<80x128xf32, #tpu.memory_space<vmem>>) dst(%dma_wait3A_65 : memref<10000x128xf32, #tpu.memory_space<vmem_shared>>)
      tpu.yield
    }) : () -> ()
    %barrier3A_54 = arith.constant 0 : index
    tpu.barrier barrier_id(%barrier3A_54)
    %mul3A_55 = arith.constant 625 : i32
    %mul3A_56 = arith.muli %arg1, %mul3A_55 : i32
    %mul3A_57 = arith.constant 16 : i32
    %mul3A_58 = arith.muli %arg0, %mul3A_57 : i32
    %add3A_59 = arith.addi %mul3A_58, %arg1 : i32
    "tpu.region"() ({
      %run_scoped3A = tpu.sem_alloc : memref<!tpu.dma_semaphore, #tpu.memory_space<semaphore_mem>>
      %dma_start3A_60 = arith.constant 0 : i32
      %dma_start3A_61 = arith.constant 0 : i32
      %dma_start3A_62 = tpu.memref_slice %arg5[%add3A_59, %dma_start3A_60, %dma_start3A_61] : memref<32x625x128xf32, #tpu.memory_space<hbm>> -> memref<1x625x128xf32, #tpu.memory_space<hbm>>
      %dma_start3A_63 = tpu.memref_squeeze %dma_start3A_62 : memref<1x625x128xf32, #tpu.memory_space<hbm>> -> memref<625x128xf32, #tpu.memory_space<hbm>>
      %dma_start3A_64 = arith.constant 0 : i32
      %dma_start3A_65 = tpu.memref_slice %arg6[%mul3A_56, %dma_start3A_64] : memref<10000x128xf32, #tpu.memory_space<vmem_shared>> -> memref<625x128xf32, #tpu.memory_space<vmem_shared>>
      tpu.enqueue_dma source(%dma_start3A_65 : memref<625x128xf32, #tpu.memory_space<vmem_shared>>) target(%dma_start3A_63 : memref<625x128xf32, #tpu.memory_space<hbm>>) target_semaphore(%run_scoped3A : memref<!tpu.dma_semaphore, #tpu.memory_space<semaphore_mem>>)
      %dma_wait3A_66 = arith.constant 0 : i32
      %dma_wait3A_67 = arith.constant 0 : i32
      %dma_wait3A_68 = tpu.memref_slice %arg5[%add3A_59, %dma_wait3A_66, %dma_wait3A_67] : memref<32x625x128xf32, #tpu.memory_space<hbm>> -> memref<1x625x128xf32, #tpu.memory_space<hbm>>
      %dma_wait3A_69 = tpu.memref_squeeze %dma_wait3A_68 : memref<1x625x128xf32, #tpu.memory_space<hbm>> -> memref<625x128xf32, #tpu.memory_space<hbm>>
      %dma_wait3A_70 = arith.constant 0 : i32
      %dma_wait3A_71 = tpu.memref_slice %arg6[%mul3A_56, %dma_wait3A_70] : memref<10000x128xf32, #tpu.memory_space<vmem_shared>> -> memref<625x128xf32, #tpu.memory_space<vmem_shared>>
      tpu.wait_dma2 semaphore(%run_scoped3A : memref<!tpu.dma_semaphore, #tpu.memory_space<semaphore_mem>>) src(%dma_wait3A_71 : memref<625x128xf32, #tpu.memory_space<vmem_shared>>) dst(%dma_wait3A_69 : memref<625x128xf32, #tpu.memory_space<hbm>>)
      tpu.yield
    }) : () -> ()
    return
  }
}

#map = affine_map<(d0, d1) -> (0, 0)>
#map1 = affine_map<(d0, d1) -> (0, 0, 0)>
#map2 = affine_map<(d0, d1) -> (0, 0, 0, 0)>
module attributes {stable_mosaic.version = 14 : i64} {
  func.func @_sc_scatter_body(%arg0: i32, %arg1: i32, %arg2: memref<10000x128xf32, #tpu.memory_space<hbm>>, %arg3: memref<32x125x80xi32, #tpu.memory_space<hbm>>, %arg4: memref<32x125x1x80xi32, #tpu.memory_space<hbm>>, %arg5: memref<16x625x128xf32, #tpu.memory_space<hbm>>, %arg6: memref<32x625x128xf32, #tpu.memory_space<hbm>>, %arg7: memref<10000x128xf32, #tpu.memory_space<vmem_shared>>, %arg8: memref<125x80xi32, #tpu.memory_space<vmem>>, %arg9: memref<80xi32, #tpu.memory_space<vmem>>, %arg10: memref<80xi32, #tpu.memory_space<vmem>>, %arg11: memref<2x80x128xf32, #tpu.memory_space<vmem>>, %arg12: memref<!tpu.dma_semaphore, #tpu.memory_space<semaphore_mem>>, %arg13: memref<!tpu.dma_semaphore, #tpu.memory_space<semaphore_mem>>, %arg14: memref<!tpu.dma_semaphore, #tpu.memory_space<semaphore_mem>>, %arg15: memref<!tpu.dma_semaphore, #tpu.memory_space<semaphore_mem>>) attributes {dimension_semantics = [#tpu.dimension_semantics<core_parallel>, #tpu.dimension_semantics<subcore_parallel>], iteration_bounds = array<i64: 2, 16>, scalar_prefetch = 0 : i64, scratch_operands = 9 : i64, tpu.core_type = #tpu.core_type<sc_vector_subcore>, window_params = [{transform_indices = #map}, {transform_indices = #map1}, {transform_indices = #map2}, {transform_indices = #map1}, {transform_indices = #map1}]} {
    %mul3A = arith.constant 2 : i32
    %mul3A_0 = arith.muli %arg1, %mul3A : i32
    %add3A = arith.addi %mul3A_0, %arg0 : i32
    "tpu.region"() ({
      %run_scoped3A_134 = tpu.sem_alloc : memref<!tpu.dma_semaphore, #tpu.memory_space<semaphore_mem>>
      %dma_start3A_135 = arith.constant 0 : i32
      %dma_start3A_136 = arith.constant 0 : i32
      %dma_start3A_137 = tpu.memref_slice %arg3[%add3A, %dma_start3A_135, %dma_start3A_136] : memref<32x125x80xi32, #tpu.memory_space<hbm>> -> memref<1x125x80xi32, #tpu.memory_space<hbm>>
      %dma_start3A_138 = tpu.memref_squeeze %dma_start3A_137 : memref<1x125x80xi32, #tpu.memory_space<hbm>> -> memref<125x80xi32, #tpu.memory_space<hbm>>
      %dma_start3A_139 = arith.constant 0 : i32
      %dma_start3A_140 = arith.constant 0 : i32
      %dma_start3A_141 = tpu.memref_slice %arg3[%add3A, %dma_start3A_139, %dma_start3A_140] : memref<32x125x80xi32, #tpu.memory_space<hbm>> -> memref<1x125x80xi32, #tpu.memory_space<hbm>>
      %dma_start3A_142 = tpu.memref_squeeze %dma_start3A_141 : memref<1x125x80xi32, #tpu.memory_space<hbm>> -> memref<125x80xi32, #tpu.memory_space<hbm>>
      tpu.enqueue_dma source(%dma_start3A_142 : memref<125x80xi32, #tpu.memory_space<hbm>>) target(%arg8 : memref<125x80xi32, #tpu.memory_space<vmem>>) target_semaphore(%run_scoped3A_134 : memref<!tpu.dma_semaphore, #tpu.memory_space<semaphore_mem>>)
      %dma_wait3A_143 = arith.constant 0 : i32
      %dma_wait3A_144 = arith.constant 0 : i32
      %dma_wait3A_145 = tpu.memref_slice %arg3[%add3A, %dma_wait3A_143, %dma_wait3A_144] : memref<32x125x80xi32, #tpu.memory_space<hbm>> -> memref<1x125x80xi32, #tpu.memory_space<hbm>>
      %dma_wait3A_146 = tpu.memref_squeeze %dma_wait3A_145 : memref<1x125x80xi32, #tpu.memory_space<hbm>> -> memref<125x80xi32, #tpu.memory_space<hbm>>
      %dma_wait3A_147 = arith.constant 0 : i32
      %dma_wait3A_148 = arith.constant 0 : i32
      %dma_wait3A_149 = tpu.memref_slice %arg3[%add3A, %dma_wait3A_147, %dma_wait3A_148] : memref<32x125x80xi32, #tpu.memory_space<hbm>> -> memref<1x125x80xi32, #tpu.memory_space<hbm>>
      %dma_wait3A_150 = tpu.memref_squeeze %dma_wait3A_149 : memref<1x125x80xi32, #tpu.memory_space<hbm>> -> memref<125x80xi32, #tpu.memory_space<hbm>>
      tpu.wait_dma2 semaphore(%run_scoped3A_134 : memref<!tpu.dma_semaphore, #tpu.memory_space<semaphore_mem>>) src(%dma_wait3A_150 : memref<125x80xi32, #tpu.memory_space<hbm>>) dst(%arg8 : memref<125x80xi32, #tpu.memory_space<vmem>>)
      tpu.yield
    }) : () -> ()
    %mul3A_1 = arith.constant 625 : i32
    %mul3A_2 = arith.muli %arg1, %mul3A_1 : i32
    "tpu.region"() ({
      %run_scoped3A_134 = tpu.sem_alloc : memref<!tpu.dma_semaphore, #tpu.memory_space<semaphore_mem>>
      %dma_start3A_135 = arith.constant 0 : i32
      %dma_start3A_136 = tpu.memref_slice %arg7[%mul3A_2, %dma_start3A_135] : memref<10000x128xf32, #tpu.memory_space<vmem_shared>> -> memref<625x128xf32, #tpu.memory_space<vmem_shared>>
      %dma_start3A_137 = arith.constant 0 : i32
      %dma_start3A_138 = arith.constant 0 : i32
      %dma_start3A_139 = tpu.memref_slice %arg5[%arg1, %dma_start3A_137, %dma_start3A_138] : memref<16x625x128xf32, #tpu.memory_space<hbm>> -> memref<1x625x128xf32, #tpu.memory_space<hbm>>
      %dma_start3A_140 = tpu.memref_squeeze %dma_start3A_139 : memref<1x625x128xf32, #tpu.memory_space<hbm>> -> memref<625x128xf32, #tpu.memory_space<hbm>>
      tpu.enqueue_dma source(%dma_start3A_140 : memref<625x128xf32, #tpu.memory_space<hbm>>) target(%dma_start3A_136 : memref<625x128xf32, #tpu.memory_space<vmem_shared>>) target_semaphore(%run_scoped3A_134 : memref<!tpu.dma_semaphore, #tpu.memory_space<semaphore_mem>>)
      %dma_wait3A_141 = arith.constant 0 : i32
      %dma_wait3A_142 = tpu.memref_slice %arg7[%mul3A_2, %dma_wait3A_141] : memref<10000x128xf32, #tpu.memory_space<vmem_shared>> -> memref<625x128xf32, #tpu.memory_space<vmem_shared>>
      %dma_wait3A_143 = arith.constant 0 : i32
      %dma_wait3A_144 = arith.constant 0 : i32
      %dma_wait3A_145 = tpu.memref_slice %arg5[%arg1, %dma_wait3A_143, %dma_wait3A_144] : memref<16x625x128xf32, #tpu.memory_space<hbm>> -> memref<1x625x128xf32, #tpu.memory_space<hbm>>
      %dma_wait3A_146 = tpu.memref_squeeze %dma_wait3A_145 : memref<1x625x128xf32, #tpu.memory_space<hbm>> -> memref<625x128xf32, #tpu.memory_space<hbm>>
      tpu.wait_dma2 semaphore(%run_scoped3A_134 : memref<!tpu.dma_semaphore, #tpu.memory_space<semaphore_mem>>) src(%dma_wait3A_146 : memref<625x128xf32, #tpu.memory_space<hbm>>) dst(%dma_wait3A_142 : memref<625x128xf32, #tpu.memory_space<vmem_shared>>)
      tpu.yield
    }) : () -> ()
    %dma_start3A = arith.constant 0 : i32
    %dma_start3A_3 = arith.constant 0 : i32
    %dma_start3A_4 = arith.constant 0 : i32
    %dma_start3A_5 = tpu.memref_slice %arg4[%add3A, %dma_start3A, %dma_start3A_3, %dma_start3A_4] : memref<32x125x1x80xi32, #tpu.memory_space<hbm>> -> memref<1x1x1x80xi32, #tpu.memory_space<hbm>>
    %dma_start3A_6 = tpu.memref_squeeze %dma_start3A_5 : memref<1x1x1x80xi32, #tpu.memory_space<hbm>> -> memref<80xi32, #tpu.memory_space<hbm>>
    %dma_start3A_7 = arith.constant 0 : i32
    %dma_start3A_8 = tpu.memref_slice %arg4[%add3A, %dma_start3A, %dma_start3A_3, %dma_start3A_7] : memref<32x125x1x80xi32, #tpu.memory_space<hbm>> -> memref<1x1x1x80xi32, #tpu.memory_space<hbm>>
    %dma_start3A_9 = tpu.memref_squeeze %dma_start3A_8 : memref<1x1x1x80xi32, #tpu.memory_space<hbm>> -> memref<80xi32, #tpu.memory_space<hbm>>
    tpu.enqueue_dma source(%dma_start3A_9 : memref<80xi32, #tpu.memory_space<hbm>>) target(%arg9 : memref<80xi32, #tpu.memory_space<vmem>>) target_semaphore(%arg14 : memref<!tpu.dma_semaphore, #tpu.memory_space<semaphore_mem>>)
    %dma_start3A_10 = arith.constant 0 : i32
    %dma_start3A_11 = arith.constant 0 : i32
    %dma_start3A_12 = arith.constant 0 : i32
    %dma_start3A_13 = arith.constant 0 : i32
    %dma_start3A_14 = tpu.memref_slice %arg11[%dma_start3A_11, %dma_start3A_12, %dma_start3A_13] : memref<2x80x128xf32, #tpu.memory_space<vmem>> -> memref<1x80x128xf32, #tpu.memory_space<vmem>>
    %dma_start3A_15 = tpu.memref_squeeze %dma_start3A_14 : memref<1x80x128xf32, #tpu.memory_space<vmem>> -> memref<80x128xf32, #tpu.memory_space<vmem>>
    %dma_start3A_16 = arith.constant 0 : i32
    %dma_start3A_17 = tpu.memref_slice %arg8[%dma_start3A_10, %dma_start3A_16] : memref<125x80xi32, #tpu.memory_space<vmem>> -> memref<1x80xi32, #tpu.memory_space<vmem>>
    %dma_start3A_18 = tpu.memref_squeeze %dma_start3A_17 : memref<1x80xi32, #tpu.memory_space<vmem>> -> memref<80xi32, #tpu.memory_space<vmem>>
    %dma_start3A_19 = arith.constant 0 : i32
    %dma_start3A_20 = arith.constant 0 : i32
    %dma_start3A_21 = tpu.memref_slice %arg2[%dma_start3A_19, %dma_start3A_20] : memref<10000x128xf32, #tpu.memory_space<hbm>> -> memref<10000x128xf32, #tpu.memory_space<hbm>>
    tpu.enqueue_indirect_dma source(%dma_start3A_21 : memref<10000x128xf32, #tpu.memory_space<hbm>>) target(%dma_start3A_15 : memref<80x128xf32, #tpu.memory_space<vmem>>) offsets(%dma_start3A_18 : memref<80xi32, #tpu.memory_space<vmem>>) semaphore(%arg12 : memref<!tpu.dma_semaphore, #tpu.memory_space<semaphore_mem>>)
    %dma_start3A_22 = arith.constant 1 : i32
    %dma_start3A_23 = arith.constant 0 : i32
    %dma_start3A_24 = arith.constant 0 : i32
    %dma_start3A_25 = tpu.memref_slice %arg4[%add3A, %dma_start3A_22, %dma_start3A_23, %dma_start3A_24] : memref<32x125x1x80xi32, #tpu.memory_space<hbm>> -> memref<1x1x1x80xi32, #tpu.memory_space<hbm>>
    %dma_start3A_26 = tpu.memref_squeeze %dma_start3A_25 : memref<1x1x1x80xi32, #tpu.memory_space<hbm>> -> memref<80xi32, #tpu.memory_space<hbm>>
    %dma_start3A_27 = arith.constant 0 : i32
    %dma_start3A_28 = tpu.memref_slice %arg4[%add3A, %dma_start3A_22, %dma_start3A_23, %dma_start3A_27] : memref<32x125x1x80xi32, #tpu.memory_space<hbm>> -> memref<1x1x1x80xi32, #tpu.memory_space<hbm>>
    %dma_start3A_29 = tpu.memref_squeeze %dma_start3A_28 : memref<1x1x1x80xi32, #tpu.memory_space<hbm>> -> memref<80xi32, #tpu.memory_space<hbm>>
    tpu.enqueue_dma source(%dma_start3A_29 : memref<80xi32, #tpu.memory_space<hbm>>) target(%arg10 : memref<80xi32, #tpu.memory_space<vmem>>) target_semaphore(%arg15 : memref<!tpu.dma_semaphore, #tpu.memory_space<semaphore_mem>>)
    %dma_start3A_30 = arith.constant 1 : i32
    %dma_start3A_31 = arith.constant 1 : i32
    %dma_start3A_32 = arith.constant 0 : i32
    %dma_start3A_33 = arith.constant 0 : i32
    %dma_start3A_34 = tpu.memref_slice %arg11[%dma_start3A_31, %dma_start3A_32, %dma_start3A_33] : memref<2x80x128xf32, #tpu.memory_space<vmem>> -> memref<1x80x128xf32, #tpu.memory_space<vmem>>
    %dma_start3A_35 = tpu.memref_squeeze %dma_start3A_34 : memref<1x80x128xf32, #tpu.memory_space<vmem>> -> memref<80x128xf32, #tpu.memory_space<vmem>>
    %dma_start3A_36 = arith.constant 0 : i32
    %dma_start3A_37 = tpu.memref_slice %arg8[%dma_start3A_30, %dma_start3A_36] : memref<125x80xi32, #tpu.memory_space<vmem>> -> memref<1x80xi32, #tpu.memory_space<vmem>>
    %dma_start3A_38 = tpu.memref_squeeze %dma_start3A_37 : memref<1x80xi32, #tpu.memory_space<vmem>> -> memref<80xi32, #tpu.memory_space<vmem>>
    %dma_start3A_39 = arith.constant 0 : i32
    %dma_start3A_40 = arith.constant 0 : i32
    %dma_start3A_41 = tpu.memref_slice %arg2[%dma_start3A_39, %dma_start3A_40] : memref<10000x128xf32, #tpu.memory_space<hbm>> -> memref<10000x128xf32, #tpu.memory_space<hbm>>
    tpu.enqueue_indirect_dma source(%dma_start3A_41 : memref<10000x128xf32, #tpu.memory_space<hbm>>) target(%dma_start3A_35 : memref<80x128xf32, #tpu.memory_space<vmem>>) offsets(%dma_start3A_38 : memref<80xi32, #tpu.memory_space<vmem>>) semaphore(%arg13 : memref<!tpu.dma_semaphore, #tpu.memory_space<semaphore_mem>>)
    %barrier3A = arith.constant 0 : index
    tpu.barrier barrier_id(%barrier3A)
    %scan3A = arith.constant 0 : i32
    %scan3A_42 = arith.constant 0 : i32
    %scan3A_43 = arith.constant 61 : i32
    %scan3A_44 = arith.addi %scan3A_42, %scan3A_43 : i32
    %scan3A_45 = arith.constant 1 : i32
    scf.for %scan3A_134 = %scan3A_42 to %scan3A_44 step %scan3A_45  : i32 {
      %mul3A_135 = arith.constant 2 : i32
      %mul3A_136 = arith.muli %scan3A_134, %mul3A_135 : i32
      %add3A_137 = arith.constant 0 : i32
      %add3A_138 = arith.addi %mul3A_136, %add3A_137 : i32
      %dma_wait3A_139 = arith.constant 0 : i32
      %dma_wait3A_140 = arith.constant 0 : i32
      %dma_wait3A_141 = arith.constant 0 : i32
      %dma_wait3A_142 = arith.constant 0 : i32
      %dma_wait3A_143 = tpu.memref_slice %arg11[%dma_wait3A_140, %dma_wait3A_141, %dma_wait3A_142] : memref<2x80x128xf32, #tpu.memory_space<vmem>> -> memref<1x80x128xf32, #tpu.memory_space<vmem>>
      %dma_wait3A_144 = tpu.memref_squeeze %dma_wait3A_143 : memref<1x80x128xf32, #tpu.memory_space<vmem>> -> memref<80x128xf32, #tpu.memory_space<vmem>>
      %dma_wait3A_145 = arith.constant 0 : i32
      %dma_wait3A_146 = tpu.memref_slice %arg8[%dma_wait3A_139, %dma_wait3A_145] : memref<125x80xi32, #tpu.memory_space<vmem>> -> memref<1x80xi32, #tpu.memory_space<vmem>>
      %dma_wait3A_147 = tpu.memref_squeeze %dma_wait3A_146 : memref<1x80xi32, #tpu.memory_space<vmem>> -> memref<80xi32, #tpu.memory_space<vmem>>
      %dma_wait3A_148 = arith.constant 0 : i32
      %dma_wait3A_149 = arith.constant 0 : i32
      %dma_wait3A_150 = tpu.memref_slice %arg2[%dma_wait3A_148, %dma_wait3A_149] : memref<10000x128xf32, #tpu.memory_space<hbm>> -> memref<10000x128xf32, #tpu.memory_space<hbm>>
      tpu.wait_indirect_dma semaphore(%arg12 : memref<!tpu.dma_semaphore, #tpu.memory_space<semaphore_mem>>) src(%dma_wait3A_150 : memref<10000x128xf32, #tpu.memory_space<hbm>>) dst(%dma_wait3A_144 : memref<80x128xf32, #tpu.memory_space<vmem>>)
      %dma_wait3A_151 = arith.constant 0 : i32
      %dma_wait3A_152 = arith.constant 0 : i32
      %dma_wait3A_153 = arith.constant 0 : i32
      %dma_wait3A_154 = tpu.memref_slice %arg4[%add3A, %dma_wait3A_151, %dma_wait3A_152, %dma_wait3A_153] : memref<32x125x1x80xi32, #tpu.memory_space<hbm>> -> memref<1x1x1x80xi32, #tpu.memory_space<hbm>>
      %dma_wait3A_155 = tpu.memref_squeeze %dma_wait3A_154 : memref<1x1x1x80xi32, #tpu.memory_space<hbm>> -> memref<80xi32, #tpu.memory_space<hbm>>
      %dma_wait3A_156 = arith.constant 0 : i32
      %dma_wait3A_157 = tpu.memref_slice %arg4[%add3A, %dma_wait3A_151, %dma_wait3A_152, %dma_wait3A_156] : memref<32x125x1x80xi32, #tpu.memory_space<hbm>> -> memref<1x1x1x80xi32, #tpu.memory_space<hbm>>
      %dma_wait3A_158 = tpu.memref_squeeze %dma_wait3A_157 : memref<1x1x1x80xi32, #tpu.memory_space<hbm>> -> memref<80xi32, #tpu.memory_space<hbm>>
      tpu.wait_dma2 semaphore(%arg14 : memref<!tpu.dma_semaphore, #tpu.memory_space<semaphore_mem>>) src(%dma_wait3A_158 : memref<80xi32, #tpu.memory_space<hbm>>) dst(%arg9 : memref<80xi32, #tpu.memory_space<vmem>>)
      %run_scoped3A_159 = arith.constant 0 : i32
      "tpu.region"() ({
        %run_scoped3A_229 = tpu.sem_alloc : memref<!tpu.dma_semaphore, #tpu.memory_space<semaphore_mem>>
        %dma_start3A_230 = arith.constant 0 : i32
        %dma_start3A_231 = arith.constant 0 : i32
        %dma_start3A_232 = tpu.memref_slice %arg11[%run_scoped3A_159, %dma_start3A_230, %dma_start3A_231] : memref<2x80x128xf32, #tpu.memory_space<vmem>> -> memref<1x80x128xf32, #tpu.memory_space<vmem>>
        %dma_start3A_233 = tpu.memref_squeeze %dma_start3A_232 : memref<1x80x128xf32, #tpu.memory_space<vmem>> -> memref<80x128xf32, #tpu.memory_space<vmem>>
        %dma_start3A_234 = arith.constant 0 : i32
        %dma_start3A_235 = arith.constant 0 : i32
        %dma_start3A_236 = tpu.memref_slice %arg7[%dma_start3A_234, %dma_start3A_235] : memref<10000x128xf32, #tpu.memory_space<vmem_shared>> -> memref<10000x128xf32, #tpu.memory_space<vmem_shared>>
        tpu.enqueue_indirect_dma source(%dma_start3A_233 : memref<80x128xf32, #tpu.memory_space<vmem>>) target(%dma_start3A_236 : memref<10000x128xf32, #tpu.memory_space<vmem_shared>>) offsets(%arg9 : memref<80xi32, #tpu.memory_space<vmem>>) semaphore(%run_scoped3A_229 : memref<!tpu.dma_semaphore, #tpu.memory_space<semaphore_mem>>) {add = true}
        %dma_wait3A_237 = arith.constant 0 : i32
        %dma_wait3A_238 = arith.constant 0 : i32
        %dma_wait3A_239 = tpu.memref_slice %arg11[%run_scoped3A_159, %dma_wait3A_237, %dma_wait3A_238] : memref<2x80x128xf32, #tpu.memory_space<vmem>> -> memref<1x80x128xf32, #tpu.memory_space<vmem>>
        %dma_wait3A_240 = tpu.memref_squeeze %dma_wait3A_239 : memref<1x80x128xf32, #tpu.memory_space<vmem>> -> memref<80x128xf32, #tpu.memory_space<vmem>>
        %dma_wait3A_241 = arith.constant 0 : i32
        %dma_wait3A_242 = arith.constant 0 : i32
        %dma_wait3A_243 = tpu.memref_slice %arg7[%dma_wait3A_241, %dma_wait3A_242] : memref<10000x128xf32, #tpu.memory_space<vmem_shared>> -> memref<10000x128xf32, #tpu.memory_space<vmem_shared>>
        tpu.wait_indirect_dma semaphore(%run_scoped3A_229 : memref<!tpu.dma_semaphore, #tpu.memory_space<semaphore_mem>>) src(%dma_wait3A_240 : memref<80x128xf32, #tpu.memory_space<vmem>>) dst(%dma_wait3A_243 : memref<10000x128xf32, #tpu.memory_space<vmem_shared>>)
        tpu.yield
      }) : () -> ()
      %add3A_160 = arith.constant 2 : i32
      %add3A_161 = arith.addi %add3A_138, %add3A_160 : i32
      %dma_start3A_162 = arith.constant 0 : i32
      %dma_start3A_163 = arith.constant 0 : i32
      %dma_start3A_164 = tpu.memref_slice %arg4[%add3A, %add3A_161, %dma_start3A_162, %dma_start3A_163] : memref<32x125x1x80xi32, #tpu.memory_space<hbm>> -> memref<1x1x1x80xi32, #tpu.memory_space<hbm>>
      %dma_start3A_165 = tpu.memref_squeeze %dma_start3A_164 : memref<1x1x1x80xi32, #tpu.memory_space<hbm>> -> memref<80xi32, #tpu.memory_space<hbm>>
      %dma_start3A_166 = arith.constant 0 : i32
      %dma_start3A_167 = tpu.memref_slice %arg4[%add3A, %add3A_161, %dma_start3A_162, %dma_start3A_166] : memref<32x125x1x80xi32, #tpu.memory_space<hbm>> -> memref<1x1x1x80xi32, #tpu.memory_space<hbm>>
      %dma_start3A_168 = tpu.memref_squeeze %dma_start3A_167 : memref<1x1x1x80xi32, #tpu.memory_space<hbm>> -> memref<80xi32, #tpu.memory_space<hbm>>
      tpu.enqueue_dma source(%dma_start3A_168 : memref<80xi32, #tpu.memory_space<hbm>>) target(%arg9 : memref<80xi32, #tpu.memory_space<vmem>>) target_semaphore(%arg14 : memref<!tpu.dma_semaphore, #tpu.memory_space<semaphore_mem>>)
      %add3A_169 = arith.constant 2 : i32
      %add3A_170 = arith.addi %add3A_138, %add3A_169 : i32
      %dma_start3A_171 = arith.constant 0 : i32
      %dma_start3A_172 = arith.constant 0 : i32
      %dma_start3A_173 = arith.constant 0 : i32
      %dma_start3A_174 = tpu.memref_slice %arg11[%dma_start3A_171, %dma_start3A_172, %dma_start3A_173] : memref<2x80x128xf32, #tpu.memory_space<vmem>> -> memref<1x80x128xf32, #tpu.memory_space<vmem>>
      %dma_start3A_175 = tpu.memref_squeeze %dma_start3A_174 : memref<1x80x128xf32, #tpu.memory_space<vmem>> -> memref<80x128xf32, #tpu.memory_space<vmem>>
      %dma_start3A_176 = arith.constant 0 : i32
      %dma_start3A_177 = tpu.memref_slice %arg8[%add3A_170, %dma_start3A_176] : memref<125x80xi32, #tpu.memory_space<vmem>> -> memref<1x80xi32, #tpu.memory_space<vmem>>
      %dma_start3A_178 = tpu.memref_squeeze %dma_start3A_177 : memref<1x80xi32, #tpu.memory_space<vmem>> -> memref<80xi32, #tpu.memory_space<vmem>>
      %dma_start3A_179 = arith.constant 0 : i32
      %dma_start3A_180 = arith.constant 0 : i32
      %dma_start3A_181 = tpu.memref_slice %arg2[%dma_start3A_179, %dma_start3A_180] : memref<10000x128xf32, #tpu.memory_space<hbm>> -> memref<10000x128xf32, #tpu.memory_space<hbm>>
      tpu.enqueue_indirect_dma source(%dma_start3A_181 : memref<10000x128xf32, #tpu.memory_space<hbm>>) target(%dma_start3A_175 : memref<80x128xf32, #tpu.memory_space<vmem>>) offsets(%dma_start3A_178 : memref<80xi32, #tpu.memory_space<vmem>>) semaphore(%arg12 : memref<!tpu.dma_semaphore, #tpu.memory_space<semaphore_mem>>)
      %mul3A_182 = arith.constant 2 : i32
      %mul3A_183 = arith.muli %scan3A_134, %mul3A_182 : i32
      %add3A_184 = arith.constant 1 : i32
      %add3A_185 = arith.addi %mul3A_183, %add3A_184 : i32
      %dma_wait3A_186 = arith.constant 0 : i32
      %dma_wait3A_187 = arith.constant 1 : i32
      %dma_wait3A_188 = arith.constant 0 : i32
      %dma_wait3A_189 = arith.constant 0 : i32
      %dma_wait3A_190 = tpu.memref_slice %arg11[%dma_wait3A_187, %dma_wait3A_188, %dma_wait3A_189] : memref<2x80x128xf32, #tpu.memory_space<vmem>> -> memref<1x80x128xf32, #tpu.memory_space<vmem>>
      %dma_wait3A_191 = tpu.memref_squeeze %dma_wait3A_190 : memref<1x80x128xf32, #tpu.memory_space<vmem>> -> memref<80x128xf32, #tpu.memory_space<vmem>>
      %dma_wait3A_192 = arith.constant 0 : i32
      %dma_wait3A_193 = tpu.memref_slice %arg8[%dma_wait3A_186, %dma_wait3A_192] : memref<125x80xi32, #tpu.memory_space<vmem>> -> memref<1x80xi32, #tpu.memory_space<vmem>>
      %dma_wait3A_194 = tpu.memref_squeeze %dma_wait3A_193 : memref<1x80xi32, #tpu.memory_space<vmem>> -> memref<80xi32, #tpu.memory_space<vmem>>
      %dma_wait3A_195 = arith.constant 0 : i32
      %dma_wait3A_196 = arith.constant 0 : i32
      %dma_wait3A_197 = tpu.memref_slice %arg2[%dma_wait3A_195, %dma_wait3A_196] : memref<10000x128xf32, #tpu.memory_space<hbm>> -> memref<10000x128xf32, #tpu.memory_space<hbm>>
      tpu.wait_indirect_dma semaphore(%arg13 : memref<!tpu.dma_semaphore, #tpu.memory_space<semaphore_mem>>) src(%dma_wait3A_197 : memref<10000x128xf32, #tpu.memory_space<hbm>>) dst(%dma_wait3A_191 : memref<80x128xf32, #tpu.memory_space<vmem>>)
      %dma_wait3A_198 = arith.constant 0 : i32
      %dma_wait3A_199 = arith.constant 0 : i32
      %dma_wait3A_200 = arith.constant 0 : i32
      %dma_wait3A_201 = tpu.memref_slice %arg4[%add3A, %dma_wait3A_198, %dma_wait3A_199, %dma_wait3A_200] : memref<32x125x1x80xi32, #tpu.memory_space<hbm>> -> memref<1x1x1x80xi32, #tpu.memory_space<hbm>>
      %dma_wait3A_202 = tpu.memref_squeeze %dma_wait3A_201 : memref<1x1x1x80xi32, #tpu.memory_space<hbm>> -> memref<80xi32, #tpu.memory_space<hbm>>
      %dma_wait3A_203 = arith.constant 0 : i32
      %dma_wait3A_204 = tpu.memref_slice %arg4[%add3A, %dma_wait3A_198, %dma_wait3A_199, %dma_wait3A_203] : memref<32x125x1x80xi32, #tpu.memory_space<hbm>> -> memref<1x1x1x80xi32, #tpu.memory_space<hbm>>
      %dma_wait3A_205 = tpu.memref_squeeze %dma_wait3A_204 : memref<1x1x1x80xi32, #tpu.memory_space<hbm>> -> memref<80xi32, #tpu.memory_space<hbm>>
      tpu.wait_dma2 semaphore(%arg15 : memref<!tpu.dma_semaphore, #tpu.memory_space<semaphore_mem>>) src(%dma_wait3A_205 : memref<80xi32, #tpu.memory_space<hbm>>) dst(%arg10 : memref<80xi32, #tpu.memory_space<vmem>>)
      %run_scoped3A_206 = arith.constant 1 : i32
      "tpu.region"() ({
        %run_scoped3A_229 = tpu.sem_alloc : memref<!tpu.dma_semaphore, #tpu.memory_space<semaphore_mem>>
        %dma_start3A_230 = arith.constant 0 : i32
        %dma_start3A_231 = arith.constant 0 : i32
        %dma_start3A_232 = tpu.memref_slice %arg11[%run_scoped3A_206, %dma_start3A_230, %dma_start3A_231] : memref<2x80x128xf32, #tpu.memory_space<vmem>> -> memref<1x80x128xf32, #tpu.memory_space<vmem>>
        %dma_start3A_233 = tpu.memref_squeeze %dma_start3A_232 : memref<1x80x128xf32, #tpu.memory_space<vmem>> -> memref<80x128xf32, #tpu.memory_space<vmem>>
        %dma_start3A_234 = arith.constant 0 : i32
        %dma_start3A_235 = arith.constant 0 : i32
        %dma_start3A_236 = tpu.memref_slice %arg7[%dma_start3A_234, %dma_start3A_235] : memref<10000x128xf32, #tpu.memory_space<vmem_shared>> -> memref<10000x128xf32, #tpu.memory_space<vmem_shared>>
        tpu.enqueue_indirect_dma source(%dma_start3A_233 : memref<80x128xf32, #tpu.memory_space<vmem>>) target(%dma_start3A_236 : memref<10000x128xf32, #tpu.memory_space<vmem_shared>>) offsets(%arg10 : memref<80xi32, #tpu.memory_space<vmem>>) semaphore(%run_scoped3A_229 : memref<!tpu.dma_semaphore, #tpu.memory_space<semaphore_mem>>) {add = true}
        %dma_wait3A_237 = arith.constant 0 : i32
        %dma_wait3A_238 = arith.constant 0 : i32
        %dma_wait3A_239 = tpu.memref_slice %arg11[%run_scoped3A_206, %dma_wait3A_237, %dma_wait3A_238] : memref<2x80x128xf32, #tpu.memory_space<vmem>> -> memref<1x80x128xf32, #tpu.memory_space<vmem>>
        %dma_wait3A_240 = tpu.memref_squeeze %dma_wait3A_239 : memref<1x80x128xf32, #tpu.memory_space<vmem>> -> memref<80x128xf32, #tpu.memory_space<vmem>>
        %dma_wait3A_241 = arith.constant 0 : i32
        %dma_wait3A_242 = arith.constant 0 : i32
        %dma_wait3A_243 = tpu.memref_slice %arg7[%dma_wait3A_241, %dma_wait3A_242] : memref<10000x128xf32, #tpu.memory_space<vmem_shared>> -> memref<10000x128xf32, #tpu.memory_space<vmem_shared>>
        tpu.wait_indirect_dma semaphore(%run_scoped3A_229 : memref<!tpu.dma_semaphore, #tpu.memory_space<semaphore_mem>>) src(%dma_wait3A_240 : memref<80x128xf32, #tpu.memory_space<vmem>>) dst(%dma_wait3A_243 : memref<10000x128xf32, #tpu.memory_space<vmem_shared>>)
        tpu.yield
      }) : () -> ()
      %add3A_207 = arith.constant 2 : i32
      %add3A_208 = arith.addi %add3A_185, %add3A_207 : i32
      %dma_start3A_209 = arith.constant 0 : i32
      %dma_start3A_210 = arith.constant 0 : i32
      %dma_start3A_211 = tpu.memref_slice %arg4[%add3A, %add3A_208, %dma_start3A_209, %dma_start3A_210] : memref<32x125x1x80xi32, #tpu.memory_space<hbm>> -> memref<1x1x1x80xi32, #tpu.memory_space<hbm>>
      %dma_start3A_212 = tpu.memref_squeeze %dma_start3A_211 : memref<1x1x1x80xi32, #tpu.memory_space<hbm>> -> memref<80xi32, #tpu.memory_space<hbm>>
      %dma_start3A_213 = arith.constant 0 : i32
      %dma_start3A_214 = tpu.memref_slice %arg4[%add3A, %add3A_208, %dma_start3A_209, %dma_start3A_213] : memref<32x125x1x80xi32, #tpu.memory_space<hbm>> -> memref<1x1x1x80xi32, #tpu.memory_space<hbm>>
      %dma_start3A_215 = tpu.memref_squeeze %dma_start3A_214 : memref<1x1x1x80xi32, #tpu.memory_space<hbm>> -> memref<80xi32, #tpu.memory_space<hbm>>
      tpu.enqueue_dma source(%dma_start3A_215 : memref<80xi32, #tpu.memory_space<hbm>>) target(%arg10 : memref<80xi32, #tpu.memory_space<vmem>>) target_semaphore(%arg15 : memref<!tpu.dma_semaphore, #tpu.memory_space<semaphore_mem>>)
      %add3A_216 = arith.constant 2 : i32
      %add3A_217 = arith.addi %add3A_185, %add3A_216 : i32
      %dma_start3A_218 = arith.constant 1 : i32
      %dma_start3A_219 = arith.constant 0 : i32
      %dma_start3A_220 = arith.constant 0 : i32
      %dma_start3A_221 = tpu.memref_slice %arg11[%dma_start3A_218, %dma_start3A_219, %dma_start3A_220] : memref<2x80x128xf32, #tpu.memory_space<vmem>> -> memref<1x80x128xf32, #tpu.memory_space<vmem>>
      %dma_start3A_222 = tpu.memref_squeeze %dma_start3A_221 : memref<1x80x128xf32, #tpu.memory_space<vmem>> -> memref<80x128xf32, #tpu.memory_space<vmem>>
      %dma_start3A_223 = arith.constant 0 : i32
      %dma_start3A_224 = tpu.memref_slice %arg8[%add3A_217, %dma_start3A_223] : memref<125x80xi32, #tpu.memory_space<vmem>> -> memref<1x80xi32, #tpu.memory_space<vmem>>
      %dma_start3A_225 = tpu.memref_squeeze %dma_start3A_224 : memref<1x80xi32, #tpu.memory_space<vmem>> -> memref<80xi32, #tpu.memory_space<vmem>>
      %dma_start3A_226 = arith.constant 0 : i32
      %dma_start3A_227 = arith.constant 0 : i32
      %dma_start3A_228 = tpu.memref_slice %arg2[%dma_start3A_226, %dma_start3A_227] : memref<10000x128xf32, #tpu.memory_space<hbm>> -> memref<10000x128xf32, #tpu.memory_space<hbm>>
      tpu.enqueue_indirect_dma source(%dma_start3A_228 : memref<10000x128xf32, #tpu.memory_space<hbm>>) target(%dma_start3A_222 : memref<80x128xf32, #tpu.memory_space<vmem>>) offsets(%dma_start3A_225 : memref<80xi32, #tpu.memory_space<vmem>>) semaphore(%arg13 : memref<!tpu.dma_semaphore, #tpu.memory_space<semaphore_mem>>)
    }
    %scan3A_46 = arith.constant 61 : i32
    %dma_wait3A = arith.constant 0 : i32
    %dma_wait3A_47 = arith.constant 0 : i32
    %dma_wait3A_48 = arith.constant 0 : i32
    %dma_wait3A_49 = arith.constant 0 : i32
    %dma_wait3A_50 = tpu.memref_slice %arg11[%dma_wait3A_47, %dma_wait3A_48, %dma_wait3A_49] : memref<2x80x128xf32, #tpu.memory_space<vmem>> -> memref<1x80x128xf32, #tpu.memory_space<vmem>>
    %dma_wait3A_51 = tpu.memref_squeeze %dma_wait3A_50 : memref<1x80x128xf32, #tpu.memory_space<vmem>> -> memref<80x128xf32, #tpu.memory_space<vmem>>
    %dma_wait3A_52 = arith.constant 0 : i32
    %dma_wait3A_53 = tpu.memref_slice %arg8[%dma_wait3A, %dma_wait3A_52] : memref<125x80xi32, #tpu.memory_space<vmem>> -> memref<1x80xi32, #tpu.memory_space<vmem>>
    %dma_wait3A_54 = tpu.memref_squeeze %dma_wait3A_53 : memref<1x80xi32, #tpu.memory_space<vmem>> -> memref<80xi32, #tpu.memory_space<vmem>>
    %dma_wait3A_55 = arith.constant 0 : i32
    %dma_wait3A_56 = arith.constant 0 : i32
    %dma_wait3A_57 = tpu.memref_slice %arg2[%dma_wait3A_55, %dma_wait3A_56] : memref<10000x128xf32, #tpu.memory_space<hbm>> -> memref<10000x128xf32, #tpu.memory_space<hbm>>
    tpu.wait_indirect_dma semaphore(%arg12 : memref<!tpu.dma_semaphore, #tpu.memory_space<semaphore_mem>>) src(%dma_wait3A_57 : memref<10000x128xf32, #tpu.memory_space<hbm>>) dst(%dma_wait3A_51 : memref<80x128xf32, #tpu.memory_space<vmem>>)
    %dma_wait3A_58 = arith.constant 0 : i32
    %dma_wait3A_59 = arith.constant 0 : i32
    %dma_wait3A_60 = arith.constant 0 : i32
    %dma_wait3A_61 = tpu.memref_slice %arg4[%add3A, %dma_wait3A_58, %dma_wait3A_59, %dma_wait3A_60] : memref<32x125x1x80xi32, #tpu.memory_space<hbm>> -> memref<1x1x1x80xi32, #tpu.memory_space<hbm>>
    %dma_wait3A_62 = tpu.memref_squeeze %dma_wait3A_61 : memref<1x1x1x80xi32, #tpu.memory_space<hbm>> -> memref<80xi32, #tpu.memory_space<hbm>>
    %dma_wait3A_63 = arith.constant 0 : i32
    %dma_wait3A_64 = tpu.memref_slice %arg4[%add3A, %dma_wait3A_58, %dma_wait3A_59, %dma_wait3A_63] : memref<32x125x1x80xi32, #tpu.memory_space<hbm>> -> memref<1x1x1x80xi32, #tpu.memory_space<hbm>>
    %dma_wait3A_65 = tpu.memref_squeeze %dma_wait3A_64 : memref<1x1x1x80xi32, #tpu.memory_space<hbm>> -> memref<80xi32, #tpu.memory_space<hbm>>
    tpu.wait_dma2 semaphore(%arg14 : memref<!tpu.dma_semaphore, #tpu.memory_space<semaphore_mem>>) src(%dma_wait3A_65 : memref<80xi32, #tpu.memory_space<hbm>>) dst(%arg9 : memref<80xi32, #tpu.memory_space<vmem>>)
    %run_scoped3A = arith.constant 0 : i32
    "tpu.region"() ({
      %run_scoped3A_134 = tpu.sem_alloc : memref<!tpu.dma_semaphore, #tpu.memory_space<semaphore_mem>>
      %dma_start3A_135 = arith.constant 0 : i32
      %dma_start3A_136 = arith.constant 0 : i32
      %dma_start3A_137 = tpu.memref_slice %arg11[%run_scoped3A, %dma_start3A_135, %dma_start3A_136] : memref<2x80x128xf32, #tpu.memory_space<vmem>> -> memref<1x80x128xf32, #tpu.memory_space<vmem>>
      %dma_start3A_138 = tpu.memref_squeeze %dma_start3A_137 : memref<1x80x128xf32, #tpu.memory_space<vmem>> -> memref<80x128xf32, #tpu.memory_space<vmem>>
      %dma_start3A_139 = arith.constant 0 : i32
      %dma_start3A_140 = arith.constant 0 : i32
      %dma_start3A_141 = tpu.memref_slice %arg7[%dma_start3A_139, %dma_start3A_140] : memref<10000x128xf32, #tpu.memory_space<vmem_shared>> -> memref<10000x128xf32, #tpu.memory_space<vmem_shared>>
      tpu.enqueue_indirect_dma source(%dma_start3A_138 : memref<80x128xf32, #tpu.memory_space<vmem>>) target(%dma_start3A_141 : memref<10000x128xf32, #tpu.memory_space<vmem_shared>>) offsets(%arg9 : memref<80xi32, #tpu.memory_space<vmem>>) semaphore(%run_scoped3A_134 : memref<!tpu.dma_semaphore, #tpu.memory_space<semaphore_mem>>) {add = true}
      %dma_wait3A_142 = arith.constant 0 : i32
      %dma_wait3A_143 = arith.constant 0 : i32
      %dma_wait3A_144 = tpu.memref_slice %arg11[%run_scoped3A, %dma_wait3A_142, %dma_wait3A_143] : memref<2x80x128xf32, #tpu.memory_space<vmem>> -> memref<1x80x128xf32, #tpu.memory_space<vmem>>
      %dma_wait3A_145 = tpu.memref_squeeze %dma_wait3A_144 : memref<1x80x128xf32, #tpu.memory_space<vmem>> -> memref<80x128xf32, #tpu.memory_space<vmem>>
      %dma_wait3A_146 = arith.constant 0 : i32
      %dma_wait3A_147 = arith.constant 0 : i32
      %dma_wait3A_148 = tpu.memref_slice %arg7[%dma_wait3A_146, %dma_wait3A_147] : memref<10000x128xf32, #tpu.memory_space<vmem_shared>> -> memref<10000x128xf32, #tpu.memory_space<vmem_shared>>
      tpu.wait_indirect_dma semaphore(%run_scoped3A_134 : memref<!tpu.dma_semaphore, #tpu.memory_space<semaphore_mem>>) src(%dma_wait3A_145 : memref<80x128xf32, #tpu.memory_space<vmem>>) dst(%dma_wait3A_148 : memref<10000x128xf32, #tpu.memory_space<vmem_shared>>)
      tpu.yield
    }) : () -> ()
    %dma_start3A_66 = arith.constant 124 : i32
    %dma_start3A_67 = arith.constant 0 : i32
    %dma_start3A_68 = arith.constant 0 : i32
    %dma_start3A_69 = tpu.memref_slice %arg4[%add3A, %dma_start3A_66, %dma_start3A_67, %dma_start3A_68] : memref<32x125x1x80xi32, #tpu.memory_space<hbm>> -> memref<1x1x1x80xi32, #tpu.memory_space<hbm>>
    %dma_start3A_70 = tpu.memref_squeeze %dma_start3A_69 : memref<1x1x1x80xi32, #tpu.memory_space<hbm>> -> memref<80xi32, #tpu.memory_space<hbm>>
    %dma_start3A_71 = arith.constant 0 : i32
    %dma_start3A_72 = tpu.memref_slice %arg4[%add3A, %dma_start3A_66, %dma_start3A_67, %dma_start3A_71] : memref<32x125x1x80xi32, #tpu.memory_space<hbm>> -> memref<1x1x1x80xi32, #tpu.memory_space<hbm>>
    %dma_start3A_73 = tpu.memref_squeeze %dma_start3A_72 : memref<1x1x1x80xi32, #tpu.memory_space<hbm>> -> memref<80xi32, #tpu.memory_space<hbm>>
    tpu.enqueue_dma source(%dma_start3A_73 : memref<80xi32, #tpu.memory_space<hbm>>) target(%arg9 : memref<80xi32, #tpu.memory_space<vmem>>) target_semaphore(%arg14 : memref<!tpu.dma_semaphore, #tpu.memory_space<semaphore_mem>>)
    %dma_start3A_74 = arith.constant 124 : i32
    %dma_start3A_75 = arith.constant 0 : i32
    %dma_start3A_76 = arith.constant 0 : i32
    %dma_start3A_77 = arith.constant 0 : i32
    %dma_start3A_78 = tpu.memref_slice %arg11[%dma_start3A_75, %dma_start3A_76, %dma_start3A_77] : memref<2x80x128xf32, #tpu.memory_space<vmem>> -> memref<1x80x128xf32, #tpu.memory_space<vmem>>
    %dma_start3A_79 = tpu.memref_squeeze %dma_start3A_78 : memref<1x80x128xf32, #tpu.memory_space<vmem>> -> memref<80x128xf32, #tpu.memory_space<vmem>>
    %dma_start3A_80 = arith.constant 0 : i32
    %dma_start3A_81 = tpu.memref_slice %arg8[%dma_start3A_74, %dma_start3A_80] : memref<125x80xi32, #tpu.memory_space<vmem>> -> memref<1x80xi32, #tpu.memory_space<vmem>>
    %dma_start3A_82 = tpu.memref_squeeze %dma_start3A_81 : memref<1x80xi32, #tpu.memory_space<vmem>> -> memref<80xi32, #tpu.memory_space<vmem>>
    %dma_start3A_83 = arith.constant 0 : i32
    %dma_start3A_84 = arith.constant 0 : i32
    %dma_start3A_85 = tpu.memref_slice %arg2[%dma_start3A_83, %dma_start3A_84] : memref<10000x128xf32, #tpu.memory_space<hbm>> -> memref<10000x128xf32, #tpu.memory_space<hbm>>
    tpu.enqueue_indirect_dma source(%dma_start3A_85 : memref<10000x128xf32, #tpu.memory_space<hbm>>) target(%dma_start3A_79 : memref<80x128xf32, #tpu.memory_space<vmem>>) offsets(%dma_start3A_82 : memref<80xi32, #tpu.memory_space<vmem>>) semaphore(%arg12 : memref<!tpu.dma_semaphore, #tpu.memory_space<semaphore_mem>>)
    %dma_wait3A_86 = arith.constant 0 : i32
    %dma_wait3A_87 = arith.constant 1 : i32
    %dma_wait3A_88 = arith.constant 0 : i32
    %dma_wait3A_89 = arith.constant 0 : i32
    %dma_wait3A_90 = tpu.memref_slice %arg11[%dma_wait3A_87, %dma_wait3A_88, %dma_wait3A_89] : memref<2x80x128xf32, #tpu.memory_space<vmem>> -> memref<1x80x128xf32, #tpu.memory_space<vmem>>
    %dma_wait3A_91 = tpu.memref_squeeze %dma_wait3A_90 : memref<1x80x128xf32, #tpu.memory_space<vmem>> -> memref<80x128xf32, #tpu.memory_space<vmem>>
    %dma_wait3A_92 = arith.constant 0 : i32
    %dma_wait3A_93 = tpu.memref_slice %arg8[%dma_wait3A_86, %dma_wait3A_92] : memref<125x80xi32, #tpu.memory_space<vmem>> -> memref<1x80xi32, #tpu.memory_space<vmem>>
    %dma_wait3A_94 = tpu.memref_squeeze %dma_wait3A_93 : memref<1x80xi32, #tpu.memory_space<vmem>> -> memref<80xi32, #tpu.memory_space<vmem>>
    %dma_wait3A_95 = arith.constant 0 : i32
    %dma_wait3A_96 = arith.constant 0 : i32
    %dma_wait3A_97 = tpu.memref_slice %arg2[%dma_wait3A_95, %dma_wait3A_96] : memref<10000x128xf32, #tpu.memory_space<hbm>> -> memref<10000x128xf32, #tpu.memory_space<hbm>>
    tpu.wait_indirect_dma semaphore(%arg13 : memref<!tpu.dma_semaphore, #tpu.memory_space<semaphore_mem>>) src(%dma_wait3A_97 : memref<10000x128xf32, #tpu.memory_space<hbm>>) dst(%dma_wait3A_91 : memref<80x128xf32, #tpu.memory_space<vmem>>)
    %dma_wait3A_98 = arith.constant 0 : i32
    %dma_wait3A_99 = arith.constant 0 : i32
    %dma_wait3A_100 = arith.constant 0 : i32
    %dma_wait3A_101 = tpu.memref_slice %arg4[%add3A, %dma_wait3A_98, %dma_wait3A_99, %dma_wait3A_100] : memref<32x125x1x80xi32, #tpu.memory_space<hbm>> -> memref<1x1x1x80xi32, #tpu.memory_space<hbm>>
    %dma_wait3A_102 = tpu.memref_squeeze %dma_wait3A_101 : memref<1x1x1x80xi32, #tpu.memory_space<hbm>> -> memref<80xi32, #tpu.memory_space<hbm>>
    %dma_wait3A_103 = arith.constant 0 : i32
    %dma_wait3A_104 = tpu.memref_slice %arg4[%add3A, %dma_wait3A_98, %dma_wait3A_99, %dma_wait3A_103] : memref<32x125x1x80xi32, #tpu.memory_space<hbm>> -> memref<1x1x1x80xi32, #tpu.memory_space<hbm>>
    %dma_wait3A_105 = tpu.memref_squeeze %dma_wait3A_104 : memref<1x1x1x80xi32, #tpu.memory_space<hbm>> -> memref<80xi32, #tpu.memory_space<hbm>>
    tpu.wait_dma2 semaphore(%arg15 : memref<!tpu.dma_semaphore, #tpu.memory_space<semaphore_mem>>) src(%dma_wait3A_105 : memref<80xi32, #tpu.memory_space<hbm>>) dst(%arg10 : memref<80xi32, #tpu.memory_space<vmem>>)
    %run_scoped3A_106 = arith.constant 1 : i32
    "tpu.region"() ({
      %run_scoped3A_134 = tpu.sem_alloc : memref<!tpu.dma_semaphore, #tpu.memory_space<semaphore_mem>>
      %dma_start3A_135 = arith.constant 0 : i32
      %dma_start3A_136 = arith.constant 0 : i32
      %dma_start3A_137 = tpu.memref_slice %arg11[%run_scoped3A_106, %dma_start3A_135, %dma_start3A_136] : memref<2x80x128xf32, #tpu.memory_space<vmem>> -> memref<1x80x128xf32, #tpu.memory_space<vmem>>
      %dma_start3A_138 = tpu.memref_squeeze %dma_start3A_137 : memref<1x80x128xf32, #tpu.memory_space<vmem>> -> memref<80x128xf32, #tpu.memory_space<vmem>>
      %dma_start3A_139 = arith.constant 0 : i32
      %dma_start3A_140 = arith.constant 0 : i32
      %dma_start3A_141 = tpu.memref_slice %arg7[%dma_start3A_139, %dma_start3A_140] : memref<10000x128xf32, #tpu.memory_space<vmem_shared>> -> memref<10000x128xf32, #tpu.memory_space<vmem_shared>>
      tpu.enqueue_indirect_dma source(%dma_start3A_138 : memref<80x128xf32, #tpu.memory_space<vmem>>) target(%dma_start3A_141 : memref<10000x128xf32, #tpu.memory_space<vmem_shared>>) offsets(%arg10 : memref<80xi32, #tpu.memory_space<vmem>>) semaphore(%run_scoped3A_134 : memref<!tpu.dma_semaphore, #tpu.memory_space<semaphore_mem>>) {add = true}
      %dma_wait3A_142 = arith.constant 0 : i32
      %dma_wait3A_143 = arith.constant 0 : i32
      %dma_wait3A_144 = tpu.memref_slice %arg11[%run_scoped3A_106, %dma_wait3A_142, %dma_wait3A_143] : memref<2x80x128xf32, #tpu.memory_space<vmem>> -> memref<1x80x128xf32, #tpu.memory_space<vmem>>
      %dma_wait3A_145 = tpu.memref_squeeze %dma_wait3A_144 : memref<1x80x128xf32, #tpu.memory_space<vmem>> -> memref<80x128xf32, #tpu.memory_space<vmem>>
      %dma_wait3A_146 = arith.constant 0 : i32
      %dma_wait3A_147 = arith.constant 0 : i32
      %dma_wait3A_148 = tpu.memref_slice %arg7[%dma_wait3A_146, %dma_wait3A_147] : memref<10000x128xf32, #tpu.memory_space<vmem_shared>> -> memref<10000x128xf32, #tpu.memory_space<vmem_shared>>
      tpu.wait_indirect_dma semaphore(%run_scoped3A_134 : memref<!tpu.dma_semaphore, #tpu.memory_space<semaphore_mem>>) src(%dma_wait3A_145 : memref<80x128xf32, #tpu.memory_space<vmem>>) dst(%dma_wait3A_148 : memref<10000x128xf32, #tpu.memory_space<vmem_shared>>)
      tpu.yield
    }) : () -> ()
    %dma_wait3A_107 = arith.constant 0 : i32
    %dma_wait3A_108 = arith.constant 0 : i32
    %dma_wait3A_109 = arith.constant 0 : i32
    %dma_wait3A_110 = arith.constant 0 : i32
    %dma_wait3A_111 = tpu.memref_slice %arg11[%dma_wait3A_108, %dma_wait3A_109, %dma_wait3A_110] : memref<2x80x128xf32, #tpu.memory_space<vmem>> -> memref<1x80x128xf32, #tpu.memory_space<vmem>>
    %dma_wait3A_112 = tpu.memref_squeeze %dma_wait3A_111 : memref<1x80x128xf32, #tpu.memory_space<vmem>> -> memref<80x128xf32, #tpu.memory_space<vmem>>
    %dma_wait3A_113 = arith.constant 0 : i32
    %dma_wait3A_114 = tpu.memref_slice %arg8[%dma_wait3A_107, %dma_wait3A_113] : memref<125x80xi32, #tpu.memory_space<vmem>> -> memref<1x80xi32, #tpu.memory_space<vmem>>
    %dma_wait3A_115 = tpu.memref_squeeze %dma_wait3A_114 : memref<1x80xi32, #tpu.memory_space<vmem>> -> memref<80xi32, #tpu.memory_space<vmem>>
    %dma_wait3A_116 = arith.constant 0 : i32
    %dma_wait3A_117 = arith.constant 0 : i32
    %dma_wait3A_118 = tpu.memref_slice %arg2[%dma_wait3A_116, %dma_wait3A_117] : memref<10000x128xf32, #tpu.memory_space<hbm>> -> memref<10000x128xf32, #tpu.memory_space<hbm>>
    tpu.wait_indirect_dma semaphore(%arg12 : memref<!tpu.dma_semaphore, #tpu.memory_space<semaphore_mem>>) src(%dma_wait3A_118 : memref<10000x128xf32, #tpu.memory_space<hbm>>) dst(%dma_wait3A_112 : memref<80x128xf32, #tpu.memory_space<vmem>>)
    %dma_wait3A_119 = arith.constant 0 : i32
    %dma_wait3A_120 = arith.constant 0 : i32
    %dma_wait3A_121 = arith.constant 0 : i32
    %dma_wait3A_122 = tpu.memref_slice %arg4[%add3A, %dma_wait3A_119, %dma_wait3A_120, %dma_wait3A_121] : memref<32x125x1x80xi32, #tpu.memory_space<hbm>> -> memref<1x1x1x80xi32, #tpu.memory_space<hbm>>
    %dma_wait3A_123 = tpu.memref_squeeze %dma_wait3A_122 : memref<1x1x1x80xi32, #tpu.memory_space<hbm>> -> memref<80xi32, #tpu.memory_space<hbm>>
    %dma_wait3A_124 = arith.constant 0 : i32
    %dma_wait3A_125 = tpu.memref_slice %arg4[%add3A, %dma_wait3A_119, %dma_wait3A_120, %dma_wait3A_124] : memref<32x125x1x80xi32, #tpu.memory_space<hbm>> -> memref<1x1x1x80xi32, #tpu.memory_space<hbm>>
    %dma_wait3A_126 = tpu.memref_squeeze %dma_wait3A_125 : memref<1x1x1x80xi32, #tpu.memory_space<hbm>> -> memref<80xi32, #tpu.memory_space<hbm>>
    tpu.wait_dma2 semaphore(%arg14 : memref<!tpu.dma_semaphore, #tpu.memory_space<semaphore_mem>>) src(%dma_wait3A_126 : memref<80xi32, #tpu.memory_space<hbm>>) dst(%arg9 : memref<80xi32, #tpu.memory_space<vmem>>)
    %run_scoped3A_127 = arith.constant 0 : i32
    "tpu.region"() ({
      %run_scoped3A_134 = tpu.sem_alloc : memref<!tpu.dma_semaphore, #tpu.memory_space<semaphore_mem>>
      %dma_start3A_135 = arith.constant 0 : i32
      %dma_start3A_136 = arith.constant 0 : i32
      %dma_start3A_137 = tpu.memref_slice %arg11[%run_scoped3A_127, %dma_start3A_135, %dma_start3A_136] : memref<2x80x128xf32, #tpu.memory_space<vmem>> -> memref<1x80x128xf32, #tpu.memory_space<vmem>>
      %dma_start3A_138 = tpu.memref_squeeze %dma_start3A_137 : memref<1x80x128xf32, #tpu.memory_space<vmem>> -> memref<80x128xf32, #tpu.memory_space<vmem>>
      %dma_start3A_139 = arith.constant 0 : i32
      %dma_start3A_140 = arith.constant 0 : i32
      %dma_start3A_141 = tpu.memref_slice %arg7[%dma_start3A_139, %dma_start3A_140] : memref<10000x128xf32, #tpu.memory_space<vmem_shared>> -> memref<10000x128xf32, #tpu.memory_space<vmem_shared>>
      tpu.enqueue_indirect_dma source(%dma_start3A_138 : memref<80x128xf32, #tpu.memory_space<vmem>>) target(%dma_start3A_141 : memref<10000x128xf32, #tpu.memory_space<vmem_shared>>) offsets(%arg9 : memref<80xi32, #tpu.memory_space<vmem>>) semaphore(%run_scoped3A_134 : memref<!tpu.dma_semaphore, #tpu.memory_space<semaphore_mem>>) {add = true}
      %dma_wait3A_142 = arith.constant 0 : i32
      %dma_wait3A_143 = arith.constant 0 : i32
      %dma_wait3A_144 = tpu.memref_slice %arg11[%run_scoped3A_127, %dma_wait3A_142, %dma_wait3A_143] : memref<2x80x128xf32, #tpu.memory_space<vmem>> -> memref<1x80x128xf32, #tpu.memory_space<vmem>>
      %dma_wait3A_145 = tpu.memref_squeeze %dma_wait3A_144 : memref<1x80x128xf32, #tpu.memory_space<vmem>> -> memref<80x128xf32, #tpu.memory_space<vmem>>
      %dma_wait3A_146 = arith.constant 0 : i32
      %dma_wait3A_147 = arith.constant 0 : i32
      %dma_wait3A_148 = tpu.memref_slice %arg7[%dma_wait3A_146, %dma_wait3A_147] : memref<10000x128xf32, #tpu.memory_space<vmem_shared>> -> memref<10000x128xf32, #tpu.memory_space<vmem_shared>>
      tpu.wait_indirect_dma semaphore(%run_scoped3A_134 : memref<!tpu.dma_semaphore, #tpu.memory_space<semaphore_mem>>) src(%dma_wait3A_145 : memref<80x128xf32, #tpu.memory_space<vmem>>) dst(%dma_wait3A_148 : memref<10000x128xf32, #tpu.memory_space<vmem_shared>>)
      tpu.yield
    }) : () -> ()
    %barrier3A_128 = arith.constant 0 : index
    tpu.barrier barrier_id(%barrier3A_128)
    %mul3A_129 = arith.constant 625 : i32
    %mul3A_130 = arith.muli %arg1, %mul3A_129 : i32
    %mul3A_131 = arith.constant 16 : i32
    %mul3A_132 = arith.muli %arg0, %mul3A_131 : i32
    %add3A_133 = arith.addi %mul3A_132, %arg1 : i32
    "tpu.region"() ({
      %run_scoped3A_134 = tpu.sem_alloc : memref<!tpu.dma_semaphore, #tpu.memory_space<semaphore_mem>>
      %dma_start3A_135 = arith.constant 0 : i32
      %dma_start3A_136 = arith.constant 0 : i32
      %dma_start3A_137 = tpu.memref_slice %arg6[%add3A_133, %dma_start3A_135, %dma_start3A_136] : memref<32x625x128xf32, #tpu.memory_space<hbm>> -> memref<1x625x128xf32, #tpu.memory_space<hbm>>
      %dma_start3A_138 = tpu.memref_squeeze %dma_start3A_137 : memref<1x625x128xf32, #tpu.memory_space<hbm>> -> memref<625x128xf32, #tpu.memory_space<hbm>>
      %dma_start3A_139 = arith.constant 0 : i32
      %dma_start3A_140 = tpu.memref_slice %arg7[%mul3A_130, %dma_start3A_139] : memref<10000x128xf32, #tpu.memory_space<vmem_shared>> -> memref<625x128xf32, #tpu.memory_space<vmem_shared>>
      tpu.enqueue_dma source(%dma_start3A_140 : memref<625x128xf32, #tpu.memory_space<vmem_shared>>) target(%dma_start3A_138 : memref<625x128xf32, #tpu.memory_space<hbm>>) target_semaphore(%run_scoped3A_134 : memref<!tpu.dma_semaphore, #tpu.memory_space<semaphore_mem>>)
      %dma_wait3A_141 = arith.constant 0 : i32
      %dma_wait3A_142 = arith.constant 0 : i32
      %dma_wait3A_143 = tpu.memref_slice %arg6[%add3A_133, %dma_wait3A_141, %dma_wait3A_142] : memref<32x625x128xf32, #tpu.memory_space<hbm>> -> memref<1x625x128xf32, #tpu.memory_space<hbm>>
      %dma_wait3A_144 = tpu.memref_squeeze %dma_wait3A_143 : memref<1x625x128xf32, #tpu.memory_space<hbm>> -> memref<625x128xf32, #tpu.memory_space<hbm>>
      %dma_wait3A_145 = arith.constant 0 : i32
      %dma_wait3A_146 = tpu.memref_slice %arg7[%mul3A_130, %dma_wait3A_145] : memref<10000x128xf32, #tpu.memory_space<vmem_shared>> -> memref<625x128xf32, #tpu.memory_space<vmem_shared>>
      tpu.wait_dma2 semaphore(%run_scoped3A_134 : memref<!tpu.dma_semaphore, #tpu.memory_space<semaphore_mem>>) src(%dma_wait3A_146 : memref<625x128xf32, #tpu.memory_space<vmem_shared>>) dst(%dma_wait3A_144 : memref<625x128xf32, #tpu.memory_space<hbm>>)
      tpu.yield
    }) : () -> ()
    return
  }
}

#map = affine_map<(d0, d1) -> (0, 0)>
#map1 = affine_map<(d0, d1) -> (0, 0, 0)>
#map2 = affine_map<(d0, d1) -> (0, 0, 0, 0)>
module attributes {stable_mosaic.version = 14 : i64} {
  func.func @_sc_scatter_body(%arg0: i32, %arg1: i32, %arg2: memref<10000x128xf32, #tpu.memory_space<hbm>>, %arg3: memref<32x125x80xi32, #tpu.memory_space<hbm>>, %arg4: memref<32x125x1x80xi32, #tpu.memory_space<hbm>>, %arg5: memref<16x625x128xf32, #tpu.memory_space<hbm>>, %arg6: memref<32x625x128xf32, #tpu.memory_space<hbm>>, %arg7: memref<10000x128xf32, #tpu.memory_space<vmem_shared>>, %arg8: memref<125x80xi32, #tpu.memory_space<vmem>>, %arg9: memref<80xi32, #tpu.memory_space<vmem>>, %arg10: memref<80xi32, #tpu.memory_space<vmem>>, %arg11: memref<2x80x128xf32, #tpu.memory_space<vmem>>, %arg12: memref<!tpu.dma_semaphore, #tpu.memory_space<semaphore_mem>>, %arg13: memref<!tpu.dma_semaphore, #tpu.memory_space<semaphore_mem>>, %arg14: memref<!tpu.dma_semaphore, #tpu.memory_space<semaphore_mem>>, %arg15: memref<!tpu.dma_semaphore, #tpu.memory_space<semaphore_mem>>) attributes {dimension_semantics = [#tpu.dimension_semantics<core_parallel>, #tpu.dimension_semantics<subcore_parallel>], iteration_bounds = array<i64: 2, 16>, scalar_prefetch = 0 : i64, scratch_operands = 9 : i64, tpu.core_type = #tpu.core_type<sc_vector_subcore>, window_params = [{transform_indices = #map}, {transform_indices = #map1}, {transform_indices = #map2}, {transform_indices = #map1}, {transform_indices = #map1}]} {
    %mul3A = arith.constant 2 : i32
    %mul3A_0 = arith.muli %arg1, %mul3A : i32
    %add3A = arith.addi %mul3A_0, %arg0 : i32
    "tpu.region"() ({
      %run_scoped3A_134 = tpu.sem_alloc : memref<!tpu.dma_semaphore, #tpu.memory_space<semaphore_mem>>
      %dma_start3A_135 = arith.constant 0 : i32
      %dma_start3A_136 = arith.constant 0 : i32
      %dma_start3A_137 = tpu.memref_slice %arg3[%add3A, %dma_start3A_135, %dma_start3A_136] : memref<32x125x80xi32, #tpu.memory_space<hbm>> -> memref<1x125x80xi32, #tpu.memory_space<hbm>>
      %dma_start3A_138 = tpu.memref_squeeze %dma_start3A_137 : memref<1x125x80xi32, #tpu.memory_space<hbm>> -> memref<125x80xi32, #tpu.memory_space<hbm>>
      %dma_start3A_139 = arith.constant 0 : i32
      %dma_start3A_140 = arith.constant 0 : i32
      %dma_start3A_141 = tpu.memref_slice %arg3[%add3A, %dma_start3A_139, %dma_start3A_140] : memref<32x125x80xi32, #tpu.memory_space<hbm>> -> memref<1x125x80xi32, #tpu.memory_space<hbm>>
      %dma_start3A_142 = tpu.memref_squeeze %dma_start3A_141 : memref<1x125x80xi32, #tpu.memory_space<hbm>> -> memref<125x80xi32, #tpu.memory_space<hbm>>
      tpu.enqueue_dma source(%dma_start3A_142 : memref<125x80xi32, #tpu.memory_space<hbm>>) target(%arg8 : memref<125x80xi32, #tpu.memory_space<vmem>>) target_semaphore(%run_scoped3A_134 : memref<!tpu.dma_semaphore, #tpu.memory_space<semaphore_mem>>)
      %dma_wait3A_143 = arith.constant 0 : i32
      %dma_wait3A_144 = arith.constant 0 : i32
      %dma_wait3A_145 = tpu.memref_slice %arg3[%add3A, %dma_wait3A_143, %dma_wait3A_144] : memref<32x125x80xi32, #tpu.memory_space<hbm>> -> memref<1x125x80xi32, #tpu.memory_space<hbm>>
      %dma_wait3A_146 = tpu.memref_squeeze %dma_wait3A_145 : memref<1x125x80xi32, #tpu.memory_space<hbm>> -> memref<125x80xi32, #tpu.memory_space<hbm>>
      %dma_wait3A_147 = arith.constant 0 : i32
      %dma_wait3A_148 = arith.constant 0 : i32
      %dma_wait3A_149 = tpu.memref_slice %arg3[%add3A, %dma_wait3A_147, %dma_wait3A_148] : memref<32x125x80xi32, #tpu.memory_space<hbm>> -> memref<1x125x80xi32, #tpu.memory_space<hbm>>
      %dma_wait3A_150 = tpu.memref_squeeze %dma_wait3A_149 : memref<1x125x80xi32, #tpu.memory_space<hbm>> -> memref<125x80xi32, #tpu.memory_space<hbm>>
      tpu.wait_dma2 semaphore(%run_scoped3A_134 : memref<!tpu.dma_semaphore, #tpu.memory_space<semaphore_mem>>) src(%dma_wait3A_150 : memref<125x80xi32, #tpu.memory_space<hbm>>) dst(%arg8 : memref<125x80xi32, #tpu.memory_space<vmem>>)
      tpu.yield
    }) : () -> ()
    %mul3A_1 = arith.constant 625 : i32
    %mul3A_2 = arith.muli %arg1, %mul3A_1 : i32
    "tpu.region"() ({
      %run_scoped3A_134 = tpu.sem_alloc : memref<!tpu.dma_semaphore, #tpu.memory_space<semaphore_mem>>
      %dma_start3A_135 = arith.constant 0 : i32
      %dma_start3A_136 = tpu.memref_slice %arg7[%mul3A_2, %dma_start3A_135] : memref<10000x128xf32, #tpu.memory_space<vmem_shared>> -> memref<625x128xf32, #tpu.memory_space<vmem_shared>>
      %dma_start3A_137 = arith.constant 0 : i32
      %dma_start3A_138 = arith.constant 0 : i32
      %dma_start3A_139 = tpu.memref_slice %arg5[%arg1, %dma_start3A_137, %dma_start3A_138] : memref<16x625x128xf32, #tpu.memory_space<hbm>> -> memref<1x625x128xf32, #tpu.memory_space<hbm>>
      %dma_start3A_140 = tpu.memref_squeeze %dma_start3A_139 : memref<1x625x128xf32, #tpu.memory_space<hbm>> -> memref<625x128xf32, #tpu.memory_space<hbm>>
      tpu.enqueue_dma source(%dma_start3A_140 : memref<625x128xf32, #tpu.memory_space<hbm>>) target(%dma_start3A_136 : memref<625x128xf32, #tpu.memory_space<vmem_shared>>) target_semaphore(%run_scoped3A_134 : memref<!tpu.dma_semaphore, #tpu.memory_space<semaphore_mem>>)
      %dma_wait3A_141 = arith.constant 0 : i32
      %dma_wait3A_142 = tpu.memref_slice %arg7[%mul3A_2, %dma_wait3A_141] : memref<10000x128xf32, #tpu.memory_space<vmem_shared>> -> memref<625x128xf32, #tpu.memory_space<vmem_shared>>
      %dma_wait3A_143 = arith.constant 0 : i32
      %dma_wait3A_144 = arith.constant 0 : i32
      %dma_wait3A_145 = tpu.memref_slice %arg5[%arg1, %dma_wait3A_143, %dma_wait3A_144] : memref<16x625x128xf32, #tpu.memory_space<hbm>> -> memref<1x625x128xf32, #tpu.memory_space<hbm>>
      %dma_wait3A_146 = tpu.memref_squeeze %dma_wait3A_145 : memref<1x625x128xf32, #tpu.memory_space<hbm>> -> memref<625x128xf32, #tpu.memory_space<hbm>>
      tpu.wait_dma2 semaphore(%run_scoped3A_134 : memref<!tpu.dma_semaphore, #tpu.memory_space<semaphore_mem>>) src(%dma_wait3A_146 : memref<625x128xf32, #tpu.memory_space<hbm>>) dst(%dma_wait3A_142 : memref<625x128xf32, #tpu.memory_space<vmem_shared>>)
      tpu.yield
    }) : () -> ()
    %dma_start3A = arith.constant 0 : i32
    %dma_start3A_3 = arith.constant 0 : i32
    %dma_start3A_4 = arith.constant 0 : i32
    %dma_start3A_5 = tpu.memref_slice %arg4[%add3A, %dma_start3A, %dma_start3A_3, %dma_start3A_4] : memref<32x125x1x80xi32, #tpu.memory_space<hbm>> -> memref<1x1x1x80xi32, #tpu.memory_space<hbm>>
    %dma_start3A_6 = tpu.memref_squeeze %dma_start3A_5 : memref<1x1x1x80xi32, #tpu.memory_space<hbm>> -> memref<80xi32, #tpu.memory_space<hbm>>
    %dma_start3A_7 = arith.constant 0 : i32
    %dma_start3A_8 = tpu.memref_slice %arg4[%add3A, %dma_start3A, %dma_start3A_3, %dma_start3A_7] : memref<32x125x1x80xi32, #tpu.memory_space<hbm>> -> memref<1x1x1x80xi32, #tpu.memory_space<hbm>>
    %dma_start3A_9 = tpu.memref_squeeze %dma_start3A_8 : memref<1x1x1x80xi32, #tpu.memory_space<hbm>> -> memref<80xi32, #tpu.memory_space<hbm>>
    tpu.enqueue_dma source(%dma_start3A_9 : memref<80xi32, #tpu.memory_space<hbm>>) target(%arg9 : memref<80xi32, #tpu.memory_space<vmem>>) target_semaphore(%arg14 : memref<!tpu.dma_semaphore, #tpu.memory_space<semaphore_mem>>)
    %dma_start3A_10 = arith.constant 0 : i32
    %dma_start3A_11 = arith.constant 0 : i32
    %dma_start3A_12 = arith.constant 0 : i32
    %dma_start3A_13 = arith.constant 0 : i32
    %dma_start3A_14 = tpu.memref_slice %arg11[%dma_start3A_11, %dma_start3A_12, %dma_start3A_13] : memref<2x80x128xf32, #tpu.memory_space<vmem>> -> memref<1x80x128xf32, #tpu.memory_space<vmem>>
    %dma_start3A_15 = tpu.memref_squeeze %dma_start3A_14 : memref<1x80x128xf32, #tpu.memory_space<vmem>> -> memref<80x128xf32, #tpu.memory_space<vmem>>
    %dma_start3A_16 = arith.constant 0 : i32
    %dma_start3A_17 = tpu.memref_slice %arg8[%dma_start3A_10, %dma_start3A_16] : memref<125x80xi32, #tpu.memory_space<vmem>> -> memref<1x80xi32, #tpu.memory_space<vmem>>
    %dma_start3A_18 = tpu.memref_squeeze %dma_start3A_17 : memref<1x80xi32, #tpu.memory_space<vmem>> -> memref<80xi32, #tpu.memory_space<vmem>>
    %dma_start3A_19 = arith.constant 0 : i32
    %dma_start3A_20 = arith.constant 0 : i32
    %dma_start3A_21 = tpu.memref_slice %arg2[%dma_start3A_19, %dma_start3A_20] : memref<10000x128xf32, #tpu.memory_space<hbm>> -> memref<10000x128xf32, #tpu.memory_space<hbm>>
    tpu.enqueue_indirect_dma source(%dma_start3A_21 : memref<10000x128xf32, #tpu.memory_space<hbm>>) target(%dma_start3A_15 : memref<80x128xf32, #tpu.memory_space<vmem>>) offsets(%dma_start3A_18 : memref<80xi32, #tpu.memory_space<vmem>>) semaphore(%arg12 : memref<!tpu.dma_semaphore, #tpu.memory_space<semaphore_mem>>)
    %dma_start3A_22 = arith.constant 1 : i32
    %dma_start3A_23 = arith.constant 0 : i32
    %dma_start3A_24 = arith.constant 0 : i32
    %dma_start3A_25 = tpu.memref_slice %arg4[%add3A, %dma_start3A_22, %dma_start3A_23, %dma_start3A_24] : memref<32x125x1x80xi32, #tpu.memory_space<hbm>> -> memref<1x1x1x80xi32, #tpu.memory_space<hbm>>
    %dma_start3A_26 = tpu.memref_squeeze %dma_start3A_25 : memref<1x1x1x80xi32, #tpu.memory_space<hbm>> -> memref<80xi32, #tpu.memory_space<hbm>>
    %dma_start3A_27 = arith.constant 0 : i32
    %dma_start3A_28 = tpu.memref_slice %arg4[%add3A, %dma_start3A_22, %dma_start3A_23, %dma_start3A_27] : memref<32x125x1x80xi32, #tpu.memory_space<hbm>> -> memref<1x1x1x80xi32, #tpu.memory_space<hbm>>
    %dma_start3A_29 = tpu.memref_squeeze %dma_start3A_28 : memref<1x1x1x80xi32, #tpu.memory_space<hbm>> -> memref<80xi32, #tpu.memory_space<hbm>>
    tpu.enqueue_dma source(%dma_start3A_29 : memref<80xi32, #tpu.memory_space<hbm>>) target(%arg10 : memref<80xi32, #tpu.memory_space<vmem>>) target_semaphore(%arg15 : memref<!tpu.dma_semaphore, #tpu.memory_space<semaphore_mem>>)
    %dma_start3A_30 = arith.constant 1 : i32
    %dma_start3A_31 = arith.constant 1 : i32
    %dma_start3A_32 = arith.constant 0 : i32
    %dma_start3A_33 = arith.constant 0 : i32
    %dma_start3A_34 = tpu.memref_slice %arg11[%dma_start3A_31, %dma_start3A_32, %dma_start3A_33] : memref<2x80x128xf32, #tpu.memory_space<vmem>> -> memref<1x80x128xf32, #tpu.memory_space<vmem>>
    %dma_start3A_35 = tpu.memref_squeeze %dma_start3A_34 : memref<1x80x128xf32, #tpu.memory_space<vmem>> -> memref<80x128xf32, #tpu.memory_space<vmem>>
    %dma_start3A_36 = arith.constant 0 : i32
    %dma_start3A_37 = tpu.memref_slice %arg8[%dma_start3A_30, %dma_start3A_36] : memref<125x80xi32, #tpu.memory_space<vmem>> -> memref<1x80xi32, #tpu.memory_space<vmem>>
    %dma_start3A_38 = tpu.memref_squeeze %dma_start3A_37 : memref<1x80xi32, #tpu.memory_space<vmem>> -> memref<80xi32, #tpu.memory_space<vmem>>
    %dma_start3A_39 = arith.constant 0 : i32
    %dma_start3A_40 = arith.constant 0 : i32
    %dma_start3A_41 = tpu.memref_slice %arg2[%dma_start3A_39, %dma_start3A_40] : memref<10000x128xf32, #tpu.memory_space<hbm>> -> memref<10000x128xf32, #tpu.memory_space<hbm>>
    tpu.enqueue_indirect_dma source(%dma_start3A_41 : memref<10000x128xf32, #tpu.memory_space<hbm>>) target(%dma_start3A_35 : memref<80x128xf32, #tpu.memory_space<vmem>>) offsets(%dma_start3A_38 : memref<80xi32, #tpu.memory_space<vmem>>) semaphore(%arg13 : memref<!tpu.dma_semaphore, #tpu.memory_space<semaphore_mem>>)
    %barrier3A = arith.constant 0 : index
    tpu.barrier barrier_id(%barrier3A)
    %scan3A = arith.constant 0 : i32
    %scan3A_42 = arith.constant 0 : i32
    %scan3A_43 = arith.constant 61 : i32
    %scan3A_44 = arith.addi %scan3A_42, %scan3A_43 : i32
    %scan3A_45 = arith.constant 1 : i32
    scf.for %scan3A_134 = %scan3A_42 to %scan3A_44 step %scan3A_45  : i32 {
      %mul3A_135 = arith.constant 2 : i32
      %mul3A_136 = arith.muli %scan3A_134, %mul3A_135 : i32
      %add3A_137 = arith.constant 0 : i32
      %add3A_138 = arith.addi %mul3A_136, %add3A_137 : i32
      %dma_wait3A_139 = arith.constant 0 : i32
      %dma_wait3A_140 = arith.constant 0 : i32
      %dma_wait3A_141 = arith.constant 0 : i32
      %dma_wait3A_142 = arith.constant 0 : i32
      %dma_wait3A_143 = tpu.memref_slice %arg11[%dma_wait3A_140, %dma_wait3A_141, %dma_wait3A_142] : memref<2x80x128xf32, #tpu.memory_space<vmem>> -> memref<1x80x128xf32, #tpu.memory_space<vmem>>
      %dma_wait3A_144 = tpu.memref_squeeze %dma_wait3A_143 : memref<1x80x128xf32, #tpu.memory_space<vmem>> -> memref<80x128xf32, #tpu.memory_space<vmem>>
      %dma_wait3A_145 = arith.constant 0 : i32
      %dma_wait3A_146 = tpu.memref_slice %arg8[%dma_wait3A_139, %dma_wait3A_145] : memref<125x80xi32, #tpu.memory_space<vmem>> -> memref<1x80xi32, #tpu.memory_space<vmem>>
      %dma_wait3A_147 = tpu.memref_squeeze %dma_wait3A_146 : memref<1x80xi32, #tpu.memory_space<vmem>> -> memref<80xi32, #tpu.memory_space<vmem>>
      %dma_wait3A_148 = arith.constant 0 : i32
      %dma_wait3A_149 = arith.constant 0 : i32
      %dma_wait3A_150 = tpu.memref_slice %arg2[%dma_wait3A_148, %dma_wait3A_149] : memref<10000x128xf32, #tpu.memory_space<hbm>> -> memref<10000x128xf32, #tpu.memory_space<hbm>>
      tpu.wait_indirect_dma semaphore(%arg12 : memref<!tpu.dma_semaphore, #tpu.memory_space<semaphore_mem>>) src(%dma_wait3A_150 : memref<10000x128xf32, #tpu.memory_space<hbm>>) dst(%dma_wait3A_144 : memref<80x128xf32, #tpu.memory_space<vmem>>)
      %dma_wait3A_151 = arith.constant 0 : i32
      %dma_wait3A_152 = arith.constant 0 : i32
      %dma_wait3A_153 = arith.constant 0 : i32
      %dma_wait3A_154 = tpu.memref_slice %arg4[%add3A, %dma_wait3A_151, %dma_wait3A_152, %dma_wait3A_153] : memref<32x125x1x80xi32, #tpu.memory_space<hbm>> -> memref<1x1x1x80xi32, #tpu.memory_space<hbm>>
      %dma_wait3A_155 = tpu.memref_squeeze %dma_wait3A_154 : memref<1x1x1x80xi32, #tpu.memory_space<hbm>> -> memref<80xi32, #tpu.memory_space<hbm>>
      %dma_wait3A_156 = arith.constant 0 : i32
      %dma_wait3A_157 = tpu.memref_slice %arg4[%add3A, %dma_wait3A_151, %dma_wait3A_152, %dma_wait3A_156] : memref<32x125x1x80xi32, #tpu.memory_space<hbm>> -> memref<1x1x1x80xi32, #tpu.memory_space<hbm>>
      %dma_wait3A_158 = tpu.memref_squeeze %dma_wait3A_157 : memref<1x1x1x80xi32, #tpu.memory_space<hbm>> -> memref<80xi32, #tpu.memory_space<hbm>>
      tpu.wait_dma2 semaphore(%arg14 : memref<!tpu.dma_semaphore, #tpu.memory_space<semaphore_mem>>) src(%dma_wait3A_158 : memref<80xi32, #tpu.memory_space<hbm>>) dst(%arg9 : memref<80xi32, #tpu.memory_space<vmem>>)
      %run_scoped3A_159 = arith.constant 0 : i32
      "tpu.region"() ({
        %run_scoped3A_229 = tpu.sem_alloc : memref<!tpu.dma_semaphore, #tpu.memory_space<semaphore_mem>>
        %dma_start3A_230 = arith.constant 0 : i32
        %dma_start3A_231 = arith.constant 0 : i32
        %dma_start3A_232 = tpu.memref_slice %arg11[%run_scoped3A_159, %dma_start3A_230, %dma_start3A_231] : memref<2x80x128xf32, #tpu.memory_space<vmem>> -> memref<1x80x128xf32, #tpu.memory_space<vmem>>
        %dma_start3A_233 = tpu.memref_squeeze %dma_start3A_232 : memref<1x80x128xf32, #tpu.memory_space<vmem>> -> memref<80x128xf32, #tpu.memory_space<vmem>>
        %dma_start3A_234 = arith.constant 0 : i32
        %dma_start3A_235 = arith.constant 0 : i32
        %dma_start3A_236 = tpu.memref_slice %arg7[%dma_start3A_234, %dma_start3A_235] : memref<10000x128xf32, #tpu.memory_space<vmem_shared>> -> memref<10000x128xf32, #tpu.memory_space<vmem_shared>>
        tpu.enqueue_indirect_dma source(%dma_start3A_233 : memref<80x128xf32, #tpu.memory_space<vmem>>) target(%dma_start3A_236 : memref<10000x128xf32, #tpu.memory_space<vmem_shared>>) offsets(%arg9 : memref<80xi32, #tpu.memory_space<vmem>>) semaphore(%run_scoped3A_229 : memref<!tpu.dma_semaphore, #tpu.memory_space<semaphore_mem>>) {add = true}
        %dma_wait3A_237 = arith.constant 0 : i32
        %dma_wait3A_238 = arith.constant 0 : i32
        %dma_wait3A_239 = tpu.memref_slice %arg11[%run_scoped3A_159, %dma_wait3A_237, %dma_wait3A_238] : memref<2x80x128xf32, #tpu.memory_space<vmem>> -> memref<1x80x128xf32, #tpu.memory_space<vmem>>
        %dma_wait3A_240 = tpu.memref_squeeze %dma_wait3A_239 : memref<1x80x128xf32, #tpu.memory_space<vmem>> -> memref<80x128xf32, #tpu.memory_space<vmem>>
        %dma_wait3A_241 = arith.constant 0 : i32
        %dma_wait3A_242 = arith.constant 0 : i32
        %dma_wait3A_243 = tpu.memref_slice %arg7[%dma_wait3A_241, %dma_wait3A_242] : memref<10000x128xf32, #tpu.memory_space<vmem_shared>> -> memref<10000x128xf32, #tpu.memory_space<vmem_shared>>
        tpu.wait_indirect_dma semaphore(%run_scoped3A_229 : memref<!tpu.dma_semaphore, #tpu.memory_space<semaphore_mem>>) src(%dma_wait3A_240 : memref<80x128xf32, #tpu.memory_space<vmem>>) dst(%dma_wait3A_243 : memref<10000x128xf32, #tpu.memory_space<vmem_shared>>)
        tpu.yield
      }) : () -> ()
      %add3A_160 = arith.constant 2 : i32
      %add3A_161 = arith.addi %add3A_138, %add3A_160 : i32
      %dma_start3A_162 = arith.constant 0 : i32
      %dma_start3A_163 = arith.constant 0 : i32
      %dma_start3A_164 = tpu.memref_slice %arg4[%add3A, %add3A_161, %dma_start3A_162, %dma_start3A_163] : memref<32x125x1x80xi32, #tpu.memory_space<hbm>> -> memref<1x1x1x80xi32, #tpu.memory_space<hbm>>
      %dma_start3A_165 = tpu.memref_squeeze %dma_start3A_164 : memref<1x1x1x80xi32, #tpu.memory_space<hbm>> -> memref<80xi32, #tpu.memory_space<hbm>>
      %dma_start3A_166 = arith.constant 0 : i32
      %dma_start3A_167 = tpu.memref_slice %arg4[%add3A, %add3A_161, %dma_start3A_162, %dma_start3A_166] : memref<32x125x1x80xi32, #tpu.memory_space<hbm>> -> memref<1x1x1x80xi32, #tpu.memory_space<hbm>>
      %dma_start3A_168 = tpu.memref_squeeze %dma_start3A_167 : memref<1x1x1x80xi32, #tpu.memory_space<hbm>> -> memref<80xi32, #tpu.memory_space<hbm>>
      tpu.enqueue_dma source(%dma_start3A_168 : memref<80xi32, #tpu.memory_space<hbm>>) target(%arg9 : memref<80xi32, #tpu.memory_space<vmem>>) target_semaphore(%arg14 : memref<!tpu.dma_semaphore, #tpu.memory_space<semaphore_mem>>)
      %add3A_169 = arith.constant 2 : i32
      %add3A_170 = arith.addi %add3A_138, %add3A_169 : i32
      %dma_start3A_171 = arith.constant 0 : i32
      %dma_start3A_172 = arith.constant 0 : i32
      %dma_start3A_173 = arith.constant 0 : i32
      %dma_start3A_174 = tpu.memref_slice %arg11[%dma_start3A_171, %dma_start3A_172, %dma_start3A_173] : memref<2x80x128xf32, #tpu.memory_space<vmem>> -> memref<1x80x128xf32, #tpu.memory_space<vmem>>
      %dma_start3A_175 = tpu.memref_squeeze %dma_start3A_174 : memref<1x80x128xf32, #tpu.memory_space<vmem>> -> memref<80x128xf32, #tpu.memory_space<vmem>>
      %dma_start3A_176 = arith.constant 0 : i32
      %dma_start3A_177 = tpu.memref_slice %arg8[%add3A_170, %dma_start3A_176] : memref<125x80xi32, #tpu.memory_space<vmem>> -> memref<1x80xi32, #tpu.memory_space<vmem>>
      %dma_start3A_178 = tpu.memref_squeeze %dma_start3A_177 : memref<1x80xi32, #tpu.memory_space<vmem>> -> memref<80xi32, #tpu.memory_space<vmem>>
      %dma_start3A_179 = arith.constant 0 : i32
      %dma_start3A_180 = arith.constant 0 : i32
      %dma_start3A_181 = tpu.memref_slice %arg2[%dma_start3A_179, %dma_start3A_180] : memref<10000x128xf32, #tpu.memory_space<hbm>> -> memref<10000x128xf32, #tpu.memory_space<hbm>>
      tpu.enqueue_indirect_dma source(%dma_start3A_181 : memref<10000x128xf32, #tpu.memory_space<hbm>>) target(%dma_start3A_175 : memref<80x128xf32, #tpu.memory_space<vmem>>) offsets(%dma_start3A_178 : memref<80xi32, #tpu.memory_space<vmem>>) semaphore(%arg12 : memref<!tpu.dma_semaphore, #tpu.memory_space<semaphore_mem>>)
      %mul3A_182 = arith.constant 2 : i32
      %mul3A_183 = arith.muli %scan3A_134, %mul3A_182 : i32
      %add3A_184 = arith.constant 1 : i32
      %add3A_185 = arith.addi %mul3A_183, %add3A_184 : i32
      %dma_wait3A_186 = arith.constant 0 : i32
      %dma_wait3A_187 = arith.constant 1 : i32
      %dma_wait3A_188 = arith.constant 0 : i32
      %dma_wait3A_189 = arith.constant 0 : i32
      %dma_wait3A_190 = tpu.memref_slice %arg11[%dma_wait3A_187, %dma_wait3A_188, %dma_wait3A_189] : memref<2x80x128xf32, #tpu.memory_space<vmem>> -> memref<1x80x128xf32, #tpu.memory_space<vmem>>
      %dma_wait3A_191 = tpu.memref_squeeze %dma_wait3A_190 : memref<1x80x128xf32, #tpu.memory_space<vmem>> -> memref<80x128xf32, #tpu.memory_space<vmem>>
      %dma_wait3A_192 = arith.constant 0 : i32
      %dma_wait3A_193 = tpu.memref_slice %arg8[%dma_wait3A_186, %dma_wait3A_192] : memref<125x80xi32, #tpu.memory_space<vmem>> -> memref<1x80xi32, #tpu.memory_space<vmem>>
      %dma_wait3A_194 = tpu.memref_squeeze %dma_wait3A_193 : memref<1x80xi32, #tpu.memory_space<vmem>> -> memref<80xi32, #tpu.memory_space<vmem>>
      %dma_wait3A_195 = arith.constant 0 : i32
      %dma_wait3A_196 = arith.constant 0 : i32
      %dma_wait3A_197 = tpu.memref_slice %arg2[%dma_wait3A_195, %dma_wait3A_196] : memref<10000x128xf32, #tpu.memory_space<hbm>> -> memref<10000x128xf32, #tpu.memory_space<hbm>>
      tpu.wait_indirect_dma semaphore(%arg13 : memref<!tpu.dma_semaphore, #tpu.memory_space<semaphore_mem>>) src(%dma_wait3A_197 : memref<10000x128xf32, #tpu.memory_space<hbm>>) dst(%dma_wait3A_191 : memref<80x128xf32, #tpu.memory_space<vmem>>)
      %dma_wait3A_198 = arith.constant 0 : i32
      %dma_wait3A_199 = arith.constant 0 : i32
      %dma_wait3A_200 = arith.constant 0 : i32
      %dma_wait3A_201 = tpu.memref_slice %arg4[%add3A, %dma_wait3A_198, %dma_wait3A_199, %dma_wait3A_200] : memref<32x125x1x80xi32, #tpu.memory_space<hbm>> -> memref<1x1x1x80xi32, #tpu.memory_space<hbm>>
      %dma_wait3A_202 = tpu.memref_squeeze %dma_wait3A_201 : memref<1x1x1x80xi32, #tpu.memory_space<hbm>> -> memref<80xi32, #tpu.memory_space<hbm>>
      %dma_wait3A_203 = arith.constant 0 : i32
      %dma_wait3A_204 = tpu.memref_slice %arg4[%add3A, %dma_wait3A_198, %dma_wait3A_199, %dma_wait3A_203] : memref<32x125x1x80xi32, #tpu.memory_space<hbm>> -> memref<1x1x1x80xi32, #tpu.memory_space<hbm>>
      %dma_wait3A_205 = tpu.memref_squeeze %dma_wait3A_204 : memref<1x1x1x80xi32, #tpu.memory_space<hbm>> -> memref<80xi32, #tpu.memory_space<hbm>>
      tpu.wait_dma2 semaphore(%arg15 : memref<!tpu.dma_semaphore, #tpu.memory_space<semaphore_mem>>) src(%dma_wait3A_205 : memref<80xi32, #tpu.memory_space<hbm>>) dst(%arg10 : memref<80xi32, #tpu.memory_space<vmem>>)
      %run_scoped3A_206 = arith.constant 1 : i32
      "tpu.region"() ({
        %run_scoped3A_229 = tpu.sem_alloc : memref<!tpu.dma_semaphore, #tpu.memory_space<semaphore_mem>>
        %dma_start3A_230 = arith.constant 0 : i32
        %dma_start3A_231 = arith.constant 0 : i32
        %dma_start3A_232 = tpu.memref_slice %arg11[%run_scoped3A_206, %dma_start3A_230, %dma_start3A_231] : memref<2x80x128xf32, #tpu.memory_space<vmem>> -> memref<1x80x128xf32, #tpu.memory_space<vmem>>
        %dma_start3A_233 = tpu.memref_squeeze %dma_start3A_232 : memref<1x80x128xf32, #tpu.memory_space<vmem>> -> memref<80x128xf32, #tpu.memory_space<vmem>>
        %dma_start3A_234 = arith.constant 0 : i32
        %dma_start3A_235 = arith.constant 0 : i32
        %dma_start3A_236 = tpu.memref_slice %arg7[%dma_start3A_234, %dma_start3A_235] : memref<10000x128xf32, #tpu.memory_space<vmem_shared>> -> memref<10000x128xf32, #tpu.memory_space<vmem_shared>>
        tpu.enqueue_indirect_dma source(%dma_start3A_233 : memref<80x128xf32, #tpu.memory_space<vmem>>) target(%dma_start3A_236 : memref<10000x128xf32, #tpu.memory_space<vmem_shared>>) offsets(%arg10 : memref<80xi32, #tpu.memory_space<vmem>>) semaphore(%run_scoped3A_229 : memref<!tpu.dma_semaphore, #tpu.memory_space<semaphore_mem>>) {add = true}
        %dma_wait3A_237 = arith.constant 0 : i32
        %dma_wait3A_238 = arith.constant 0 : i32
        %dma_wait3A_239 = tpu.memref_slice %arg11[%run_scoped3A_206, %dma_wait3A_237, %dma_wait3A_238] : memref<2x80x128xf32, #tpu.memory_space<vmem>> -> memref<1x80x128xf32, #tpu.memory_space<vmem>>
        %dma_wait3A_240 = tpu.memref_squeeze %dma_wait3A_239 : memref<1x80x128xf32, #tpu.memory_space<vmem>> -> memref<80x128xf32, #tpu.memory_space<vmem>>
        %dma_wait3A_241 = arith.constant 0 : i32
        %dma_wait3A_242 = arith.constant 0 : i32
        %dma_wait3A_243 = tpu.memref_slice %arg7[%dma_wait3A_241, %dma_wait3A_242] : memref<10000x128xf32, #tpu.memory_space<vmem_shared>> -> memref<10000x128xf32, #tpu.memory_space<vmem_shared>>
        tpu.wait_indirect_dma semaphore(%run_scoped3A_229 : memref<!tpu.dma_semaphore, #tpu.memory_space<semaphore_mem>>) src(%dma_wait3A_240 : memref<80x128xf32, #tpu.memory_space<vmem>>) dst(%dma_wait3A_243 : memref<10000x128xf32, #tpu.memory_space<vmem_shared>>)
        tpu.yield
      }) : () -> ()
      %add3A_207 = arith.constant 2 : i32
      %add3A_208 = arith.addi %add3A_185, %add3A_207 : i32
      %dma_start3A_209 = arith.constant 0 : i32
      %dma_start3A_210 = arith.constant 0 : i32
      %dma_start3A_211 = tpu.memref_slice %arg4[%add3A, %add3A_208, %dma_start3A_209, %dma_start3A_210] : memref<32x125x1x80xi32, #tpu.memory_space<hbm>> -> memref<1x1x1x80xi32, #tpu.memory_space<hbm>>
      %dma_start3A_212 = tpu.memref_squeeze %dma_start3A_211 : memref<1x1x1x80xi32, #tpu.memory_space<hbm>> -> memref<80xi32, #tpu.memory_space<hbm>>
      %dma_start3A_213 = arith.constant 0 : i32
      %dma_start3A_214 = tpu.memref_slice %arg4[%add3A, %add3A_208, %dma_start3A_209, %dma_start3A_213] : memref<32x125x1x80xi32, #tpu.memory_space<hbm>> -> memref<1x1x1x80xi32, #tpu.memory_space<hbm>>
      %dma_start3A_215 = tpu.memref_squeeze %dma_start3A_214 : memref<1x1x1x80xi32, #tpu.memory_space<hbm>> -> memref<80xi32, #tpu.memory_space<hbm>>
      tpu.enqueue_dma source(%dma_start3A_215 : memref<80xi32, #tpu.memory_space<hbm>>) target(%arg10 : memref<80xi32, #tpu.memory_space<vmem>>) target_semaphore(%arg15 : memref<!tpu.dma_semaphore, #tpu.memory_space<semaphore_mem>>)
      %add3A_216 = arith.constant 2 : i32
      %add3A_217 = arith.addi %add3A_185, %add3A_216 : i32
      %dma_start3A_218 = arith.constant 1 : i32
      %dma_start3A_219 = arith.constant 0 : i32
      %dma_start3A_220 = arith.constant 0 : i32
      %dma_start3A_221 = tpu.memref_slice %arg11[%dma_start3A_218, %dma_start3A_219, %dma_start3A_220] : memref<2x80x128xf32, #tpu.memory_space<vmem>> -> memref<1x80x128xf32, #tpu.memory_space<vmem>>
      %dma_start3A_222 = tpu.memref_squeeze %dma_start3A_221 : memref<1x80x128xf32, #tpu.memory_space<vmem>> -> memref<80x128xf32, #tpu.memory_space<vmem>>
      %dma_start3A_223 = arith.constant 0 : i32
      %dma_start3A_224 = tpu.memref_slice %arg8[%add3A_217, %dma_start3A_223] : memref<125x80xi32, #tpu.memory_space<vmem>> -> memref<1x80xi32, #tpu.memory_space<vmem>>
      %dma_start3A_225 = tpu.memref_squeeze %dma_start3A_224 : memref<1x80xi32, #tpu.memory_space<vmem>> -> memref<80xi32, #tpu.memory_space<vmem>>
      %dma_start3A_226 = arith.constant 0 : i32
      %dma_start3A_227 = arith.constant 0 : i32
      %dma_start3A_228 = tpu.memref_slice %arg2[%dma_start3A_226, %dma_start3A_227] : memref<10000x128xf32, #tpu.memory_space<hbm>> -> memref<10000x128xf32, #tpu.memory_space<hbm>>
      tpu.enqueue_indirect_dma source(%dma_start3A_228 : memref<10000x128xf32, #tpu.memory_space<hbm>>) target(%dma_start3A_222 : memref<80x128xf32, #tpu.memory_space<vmem>>) offsets(%dma_start3A_225 : memref<80xi32, #tpu.memory_space<vmem>>) semaphore(%arg13 : memref<!tpu.dma_semaphore, #tpu.memory_space<semaphore_mem>>)
    }
    %scan3A_46 = arith.constant 61 : i32
    %dma_wait3A = arith.constant 0 : i32
    %dma_wait3A_47 = arith.constant 0 : i32
    %dma_wait3A_48 = arith.constant 0 : i32
    %dma_wait3A_49 = arith.constant 0 : i32
    %dma_wait3A_50 = tpu.memref_slice %arg11[%dma_wait3A_47, %dma_wait3A_48, %dma_wait3A_49] : memref<2x80x128xf32, #tpu.memory_space<vmem>> -> memref<1x80x128xf32, #tpu.memory_space<vmem>>
    %dma_wait3A_51 = tpu.memref_squeeze %dma_wait3A_50 : memref<1x80x128xf32, #tpu.memory_space<vmem>> -> memref<80x128xf32, #tpu.memory_space<vmem>>
    %dma_wait3A_52 = arith.constant 0 : i32
    %dma_wait3A_53 = tpu.memref_slice %arg8[%dma_wait3A, %dma_wait3A_52] : memref<125x80xi32, #tpu.memory_space<vmem>> -> memref<1x80xi32, #tpu.memory_space<vmem>>
    %dma_wait3A_54 = tpu.memref_squeeze %dma_wait3A_53 : memref<1x80xi32, #tpu.memory_space<vmem>> -> memref<80xi32, #tpu.memory_space<vmem>>
    %dma_wait3A_55 = arith.constant 0 : i32
    %dma_wait3A_56 = arith.constant 0 : i32
    %dma_wait3A_57 = tpu.memref_slice %arg2[%dma_wait3A_55, %dma_wait3A_56] : memref<10000x128xf32, #tpu.memory_space<hbm>> -> memref<10000x128xf32, #tpu.memory_space<hbm>>
    tpu.wait_indirect_dma semaphore(%arg12 : memref<!tpu.dma_semaphore, #tpu.memory_space<semaphore_mem>>) src(%dma_wait3A_57 : memref<10000x128xf32, #tpu.memory_space<hbm>>) dst(%dma_wait3A_51 : memref<80x128xf32, #tpu.memory_space<vmem>>)
    %dma_wait3A_58 = arith.constant 0 : i32
    %dma_wait3A_59 = arith.constant 0 : i32
    %dma_wait3A_60 = arith.constant 0 : i32
    %dma_wait3A_61 = tpu.memref_slice %arg4[%add3A, %dma_wait3A_58, %dma_wait3A_59, %dma_wait3A_60] : memref<32x125x1x80xi32, #tpu.memory_space<hbm>> -> memref<1x1x1x80xi32, #tpu.memory_space<hbm>>
    %dma_wait3A_62 = tpu.memref_squeeze %dma_wait3A_61 : memref<1x1x1x80xi32, #tpu.memory_space<hbm>> -> memref<80xi32, #tpu.memory_space<hbm>>
    %dma_wait3A_63 = arith.constant 0 : i32
    %dma_wait3A_64 = tpu.memref_slice %arg4[%add3A, %dma_wait3A_58, %dma_wait3A_59, %dma_wait3A_63] : memref<32x125x1x80xi32, #tpu.memory_space<hbm>> -> memref<1x1x1x80xi32, #tpu.memory_space<hbm>>
    %dma_wait3A_65 = tpu.memref_squeeze %dma_wait3A_64 : memref<1x1x1x80xi32, #tpu.memory_space<hbm>> -> memref<80xi32, #tpu.memory_space<hbm>>
    tpu.wait_dma2 semaphore(%arg14 : memref<!tpu.dma_semaphore, #tpu.memory_space<semaphore_mem>>) src(%dma_wait3A_65 : memref<80xi32, #tpu.memory_space<hbm>>) dst(%arg9 : memref<80xi32, #tpu.memory_space<vmem>>)
    %run_scoped3A = arith.constant 0 : i32
    "tpu.region"() ({
      %run_scoped3A_134 = tpu.sem_alloc : memref<!tpu.dma_semaphore, #tpu.memory_space<semaphore_mem>>
      %dma_start3A_135 = arith.constant 0 : i32
      %dma_start3A_136 = arith.constant 0 : i32
      %dma_start3A_137 = tpu.memref_slice %arg11[%run_scoped3A, %dma_start3A_135, %dma_start3A_136] : memref<2x80x128xf32, #tpu.memory_space<vmem>> -> memref<1x80x128xf32, #tpu.memory_space<vmem>>
      %dma_start3A_138 = tpu.memref_squeeze %dma_start3A_137 : memref<1x80x128xf32, #tpu.memory_space<vmem>> -> memref<80x128xf32, #tpu.memory_space<vmem>>
      %dma_start3A_139 = arith.constant 0 : i32
      %dma_start3A_140 = arith.constant 0 : i32
      %dma_start3A_141 = tpu.memref_slice %arg7[%dma_start3A_139, %dma_start3A_140] : memref<10000x128xf32, #tpu.memory_space<vmem_shared>> -> memref<10000x128xf32, #tpu.memory_space<vmem_shared>>
      tpu.enqueue_indirect_dma source(%dma_start3A_138 : memref<80x128xf32, #tpu.memory_space<vmem>>) target(%dma_start3A_141 : memref<10000x128xf32, #tpu.memory_space<vmem_shared>>) offsets(%arg9 : memref<80xi32, #tpu.memory_space<vmem>>) semaphore(%run_scoped3A_134 : memref<!tpu.dma_semaphore, #tpu.memory_space<semaphore_mem>>) {add = true}
      %dma_wait3A_142 = arith.constant 0 : i32
      %dma_wait3A_143 = arith.constant 0 : i32
      %dma_wait3A_144 = tpu.memref_slice %arg11[%run_scoped3A, %dma_wait3A_142, %dma_wait3A_143] : memref<2x80x128xf32, #tpu.memory_space<vmem>> -> memref<1x80x128xf32, #tpu.memory_space<vmem>>
      %dma_wait3A_145 = tpu.memref_squeeze %dma_wait3A_144 : memref<1x80x128xf32, #tpu.memory_space<vmem>> -> memref<80x128xf32, #tpu.memory_space<vmem>>
      %dma_wait3A_146 = arith.constant 0 : i32
      %dma_wait3A_147 = arith.constant 0 : i32
      %dma_wait3A_148 = tpu.memref_slice %arg7[%dma_wait3A_146, %dma_wait3A_147] : memref<10000x128xf32, #tpu.memory_space<vmem_shared>> -> memref<10000x128xf32, #tpu.memory_space<vmem_shared>>
      tpu.wait_indirect_dma semaphore(%run_scoped3A_134 : memref<!tpu.dma_semaphore, #tpu.memory_space<semaphore_mem>>) src(%dma_wait3A_145 : memref<80x128xf32, #tpu.memory_space<vmem>>) dst(%dma_wait3A_148 : memref<10000x128xf32, #tpu.memory_space<vmem_shared>>)
      tpu.yield
    }) : () -> ()
    %dma_start3A_66 = arith.constant 124 : i32
    %dma_start3A_67 = arith.constant 0 : i32
    %dma_start3A_68 = arith.constant 0 : i32
    %dma_start3A_69 = tpu.memref_slice %arg4[%add3A, %dma_start3A_66, %dma_start3A_67, %dma_start3A_68] : memref<32x125x1x80xi32, #tpu.memory_space<hbm>> -> memref<1x1x1x80xi32, #tpu.memory_space<hbm>>
    %dma_start3A_70 = tpu.memref_squeeze %dma_start3A_69 : memref<1x1x1x80xi32, #tpu.memory_space<hbm>> -> memref<80xi32, #tpu.memory_space<hbm>>
    %dma_start3A_71 = arith.constant 0 : i32
    %dma_start3A_72 = tpu.memref_slice %arg4[%add3A, %dma_start3A_66, %dma_start3A_67, %dma_start3A_71] : memref<32x125x1x80xi32, #tpu.memory_space<hbm>> -> memref<1x1x1x80xi32, #tpu.memory_space<hbm>>
    %dma_start3A_73 = tpu.memref_squeeze %dma_start3A_72 : memref<1x1x1x80xi32, #tpu.memory_space<hbm>> -> memref<80xi32, #tpu.memory_space<hbm>>
    tpu.enqueue_dma source(%dma_start3A_73 : memref<80xi32, #tpu.memory_space<hbm>>) target(%arg9 : memref<80xi32, #tpu.memory_space<vmem>>) target_semaphore(%arg14 : memref<!tpu.dma_semaphore, #tpu.memory_space<semaphore_mem>>)
    %dma_start3A_74 = arith.constant 124 : i32
    %dma_start3A_75 = arith.constant 0 : i32
    %dma_start3A_76 = arith.constant 0 : i32
    %dma_start3A_77 = arith.constant 0 : i32
    %dma_start3A_78 = tpu.memref_slice %arg11[%dma_start3A_75, %dma_start3A_76, %dma_start3A_77] : memref<2x80x128xf32, #tpu.memory_space<vmem>> -> memref<1x80x128xf32, #tpu.memory_space<vmem>>
    %dma_start3A_79 = tpu.memref_squeeze %dma_start3A_78 : memref<1x80x128xf32, #tpu.memory_space<vmem>> -> memref<80x128xf32, #tpu.memory_space<vmem>>
    %dma_start3A_80 = arith.constant 0 : i32
    %dma_start3A_81 = tpu.memref_slice %arg8[%dma_start3A_74, %dma_start3A_80] : memref<125x80xi32, #tpu.memory_space<vmem>> -> memref<1x80xi32, #tpu.memory_space<vmem>>
    %dma_start3A_82 = tpu.memref_squeeze %dma_start3A_81 : memref<1x80xi32, #tpu.memory_space<vmem>> -> memref<80xi32, #tpu.memory_space<vmem>>
    %dma_start3A_83 = arith.constant 0 : i32
    %dma_start3A_84 = arith.constant 0 : i32
    %dma_start3A_85 = tpu.memref_slice %arg2[%dma_start3A_83, %dma_start3A_84] : memref<10000x128xf32, #tpu.memory_space<hbm>> -> memref<10000x128xf32, #tpu.memory_space<hbm>>
    tpu.enqueue_indirect_dma source(%dma_start3A_85 : memref<10000x128xf32, #tpu.memory_space<hbm>>) target(%dma_start3A_79 : memref<80x128xf32, #tpu.memory_space<vmem>>) offsets(%dma_start3A_82 : memref<80xi32, #tpu.memory_space<vmem>>) semaphore(%arg12 : memref<!tpu.dma_semaphore, #tpu.memory_space<semaphore_mem>>)
    %dma_wait3A_86 = arith.constant 0 : i32
    %dma_wait3A_87 = arith.constant 1 : i32
    %dma_wait3A_88 = arith.constant 0 : i32
    %dma_wait3A_89 = arith.constant 0 : i32
    %dma_wait3A_90 = tpu.memref_slice %arg11[%dma_wait3A_87, %dma_wait3A_88, %dma_wait3A_89] : memref<2x80x128xf32, #tpu.memory_space<vmem>> -> memref<1x80x128xf32, #tpu.memory_space<vmem>>
    %dma_wait3A_91 = tpu.memref_squeeze %dma_wait3A_90 : memref<1x80x128xf32, #tpu.memory_space<vmem>> -> memref<80x128xf32, #tpu.memory_space<vmem>>
    %dma_wait3A_92 = arith.constant 0 : i32
    %dma_wait3A_93 = tpu.memref_slice %arg8[%dma_wait3A_86, %dma_wait3A_92] : memref<125x80xi32, #tpu.memory_space<vmem>> -> memref<1x80xi32, #tpu.memory_space<vmem>>
    %dma_wait3A_94 = tpu.memref_squeeze %dma_wait3A_93 : memref<1x80xi32, #tpu.memory_space<vmem>> -> memref<80xi32, #tpu.memory_space<vmem>>
    %dma_wait3A_95 = arith.constant 0 : i32
    %dma_wait3A_96 = arith.constant 0 : i32
    %dma_wait3A_97 = tpu.memref_slice %arg2[%dma_wait3A_95, %dma_wait3A_96] : memref<10000x128xf32, #tpu.memory_space<hbm>> -> memref<10000x128xf32, #tpu.memory_space<hbm>>
    tpu.wait_indirect_dma semaphore(%arg13 : memref<!tpu.dma_semaphore, #tpu.memory_space<semaphore_mem>>) src(%dma_wait3A_97 : memref<10000x128xf32, #tpu.memory_space<hbm>>) dst(%dma_wait3A_91 : memref<80x128xf32, #tpu.memory_space<vmem>>)
    %dma_wait3A_98 = arith.constant 0 : i32
    %dma_wait3A_99 = arith.constant 0 : i32
    %dma_wait3A_100 = arith.constant 0 : i32
    %dma_wait3A_101 = tpu.memref_slice %arg4[%add3A, %dma_wait3A_98, %dma_wait3A_99, %dma_wait3A_100] : memref<32x125x1x80xi32, #tpu.memory_space<hbm>> -> memref<1x1x1x80xi32, #tpu.memory_space<hbm>>
    %dma_wait3A_102 = tpu.memref_squeeze %dma_wait3A_101 : memref<1x1x1x80xi32, #tpu.memory_space<hbm>> -> memref<80xi32, #tpu.memory_space<hbm>>
    %dma_wait3A_103 = arith.constant 0 : i32
    %dma_wait3A_104 = tpu.memref_slice %arg4[%add3A, %dma_wait3A_98, %dma_wait3A_99, %dma_wait3A_103] : memref<32x125x1x80xi32, #tpu.memory_space<hbm>> -> memref<1x1x1x80xi32, #tpu.memory_space<hbm>>
    %dma_wait3A_105 = tpu.memref_squeeze %dma_wait3A_104 : memref<1x1x1x80xi32, #tpu.memory_space<hbm>> -> memref<80xi32, #tpu.memory_space<hbm>>
    tpu.wait_dma2 semaphore(%arg15 : memref<!tpu.dma_semaphore, #tpu.memory_space<semaphore_mem>>) src(%dma_wait3A_105 : memref<80xi32, #tpu.memory_space<hbm>>) dst(%arg10 : memref<80xi32, #tpu.memory_space<vmem>>)
    %run_scoped3A_106 = arith.constant 1 : i32
    "tpu.region"() ({
      %run_scoped3A_134 = tpu.sem_alloc : memref<!tpu.dma_semaphore, #tpu.memory_space<semaphore_mem>>
      %dma_start3A_135 = arith.constant 0 : i32
      %dma_start3A_136 = arith.constant 0 : i32
      %dma_start3A_137 = tpu.memref_slice %arg11[%run_scoped3A_106, %dma_start3A_135, %dma_start3A_136] : memref<2x80x128xf32, #tpu.memory_space<vmem>> -> memref<1x80x128xf32, #tpu.memory_space<vmem>>
      %dma_start3A_138 = tpu.memref_squeeze %dma_start3A_137 : memref<1x80x128xf32, #tpu.memory_space<vmem>> -> memref<80x128xf32, #tpu.memory_space<vmem>>
      %dma_start3A_139 = arith.constant 0 : i32
      %dma_start3A_140 = arith.constant 0 : i32
      %dma_start3A_141 = tpu.memref_slice %arg7[%dma_start3A_139, %dma_start3A_140] : memref<10000x128xf32, #tpu.memory_space<vmem_shared>> -> memref<10000x128xf32, #tpu.memory_space<vmem_shared>>
      tpu.enqueue_indirect_dma source(%dma_start3A_138 : memref<80x128xf32, #tpu.memory_space<vmem>>) target(%dma_start3A_141 : memref<10000x128xf32, #tpu.memory_space<vmem_shared>>) offsets(%arg10 : memref<80xi32, #tpu.memory_space<vmem>>) semaphore(%run_scoped3A_134 : memref<!tpu.dma_semaphore, #tpu.memory_space<semaphore_mem>>) {add = true}
      %dma_wait3A_142 = arith.constant 0 : i32
      %dma_wait3A_143 = arith.constant 0 : i32
      %dma_wait3A_144 = tpu.memref_slice %arg11[%run_scoped3A_106, %dma_wait3A_142, %dma_wait3A_143] : memref<2x80x128xf32, #tpu.memory_space<vmem>> -> memref<1x80x128xf32, #tpu.memory_space<vmem>>
      %dma_wait3A_145 = tpu.memref_squeeze %dma_wait3A_144 : memref<1x80x128xf32, #tpu.memory_space<vmem>> -> memref<80x128xf32, #tpu.memory_space<vmem>>
      %dma_wait3A_146 = arith.constant 0 : i32
      %dma_wait3A_147 = arith.constant 0 : i32
      %dma_wait3A_148 = tpu.memref_slice %arg7[%dma_wait3A_146, %dma_wait3A_147] : memref<10000x128xf32, #tpu.memory_space<vmem_shared>> -> memref<10000x128xf32, #tpu.memory_space<vmem_shared>>
      tpu.wait_indirect_dma semaphore(%run_scoped3A_134 : memref<!tpu.dma_semaphore, #tpu.memory_space<semaphore_mem>>) src(%dma_wait3A_145 : memref<80x128xf32, #tpu.memory_space<vmem>>) dst(%dma_wait3A_148 : memref<10000x128xf32, #tpu.memory_space<vmem_shared>>)
      tpu.yield
    }) : () -> ()
    %dma_wait3A_107 = arith.constant 0 : i32
    %dma_wait3A_108 = arith.constant 0 : i32
    %dma_wait3A_109 = arith.constant 0 : i32
    %dma_wait3A_110 = arith.constant 0 : i32
    %dma_wait3A_111 = tpu.memref_slice %arg11[%dma_wait3A_108, %dma_wait3A_109, %dma_wait3A_110] : memref<2x80x128xf32, #tpu.memory_space<vmem>> -> memref<1x80x128xf32, #tpu.memory_space<vmem>>
    %dma_wait3A_112 = tpu.memref_squeeze %dma_wait3A_111 : memref<1x80x128xf32, #tpu.memory_space<vmem>> -> memref<80x128xf32, #tpu.memory_space<vmem>>
    %dma_wait3A_113 = arith.constant 0 : i32
    %dma_wait3A_114 = tpu.memref_slice %arg8[%dma_wait3A_107, %dma_wait3A_113] : memref<125x80xi32, #tpu.memory_space<vmem>> -> memref<1x80xi32, #tpu.memory_space<vmem>>
    %dma_wait3A_115 = tpu.memref_squeeze %dma_wait3A_114 : memref<1x80xi32, #tpu.memory_space<vmem>> -> memref<80xi32, #tpu.memory_space<vmem>>
    %dma_wait3A_116 = arith.constant 0 : i32
    %dma_wait3A_117 = arith.constant 0 : i32
    %dma_wait3A_118 = tpu.memref_slice %arg2[%dma_wait3A_116, %dma_wait3A_117] : memref<10000x128xf32, #tpu.memory_space<hbm>> -> memref<10000x128xf32, #tpu.memory_space<hbm>>
    tpu.wait_indirect_dma semaphore(%arg12 : memref<!tpu.dma_semaphore, #tpu.memory_space<semaphore_mem>>) src(%dma_wait3A_118 : memref<10000x128xf32, #tpu.memory_space<hbm>>) dst(%dma_wait3A_112 : memref<80x128xf32, #tpu.memory_space<vmem>>)
    %dma_wait3A_119 = arith.constant 0 : i32
    %dma_wait3A_120 = arith.constant 0 : i32
    %dma_wait3A_121 = arith.constant 0 : i32
    %dma_wait3A_122 = tpu.memref_slice %arg4[%add3A, %dma_wait3A_119, %dma_wait3A_120, %dma_wait3A_121] : memref<32x125x1x80xi32, #tpu.memory_space<hbm>> -> memref<1x1x1x80xi32, #tpu.memory_space<hbm>>
    %dma_wait3A_123 = tpu.memref_squeeze %dma_wait3A_122 : memref<1x1x1x80xi32, #tpu.memory_space<hbm>> -> memref<80xi32, #tpu.memory_space<hbm>>
    %dma_wait3A_124 = arith.constant 0 : i32
    %dma_wait3A_125 = tpu.memref_slice %arg4[%add3A, %dma_wait3A_119, %dma_wait3A_120, %dma_wait3A_124] : memref<32x125x1x80xi32, #tpu.memory_space<hbm>> -> memref<1x1x1x80xi32, #tpu.memory_space<hbm>>
    %dma_wait3A_126 = tpu.memref_squeeze %dma_wait3A_125 : memref<1x1x1x80xi32, #tpu.memory_space<hbm>> -> memref<80xi32, #tpu.memory_space<hbm>>
    tpu.wait_dma2 semaphore(%arg14 : memref<!tpu.dma_semaphore, #tpu.memory_space<semaphore_mem>>) src(%dma_wait3A_126 : memref<80xi32, #tpu.memory_space<hbm>>) dst(%arg9 : memref<80xi32, #tpu.memory_space<vmem>>)
    %run_scoped3A_127 = arith.constant 0 : i32
    "tpu.region"() ({
      %run_scoped3A_134 = tpu.sem_alloc : memref<!tpu.dma_semaphore, #tpu.memory_space<semaphore_mem>>
      %dma_start3A_135 = arith.constant 0 : i32
      %dma_start3A_136 = arith.constant 0 : i32
      %dma_start3A_137 = tpu.memref_slice %arg11[%run_scoped3A_127, %dma_start3A_135, %dma_start3A_136] : memref<2x80x128xf32, #tpu.memory_space<vmem>> -> memref<1x80x128xf32, #tpu.memory_space<vmem>>
      %dma_start3A_138 = tpu.memref_squeeze %dma_start3A_137 : memref<1x80x128xf32, #tpu.memory_space<vmem>> -> memref<80x128xf32, #tpu.memory_space<vmem>>
      %dma_start3A_139 = arith.constant 0 : i32
      %dma_start3A_140 = arith.constant 0 : i32
      %dma_start3A_141 = tpu.memref_slice %arg7[%dma_start3A_139, %dma_start3A_140] : memref<10000x128xf32, #tpu.memory_space<vmem_shared>> -> memref<10000x128xf32, #tpu.memory_space<vmem_shared>>
      tpu.enqueue_indirect_dma source(%dma_start3A_138 : memref<80x128xf32, #tpu.memory_space<vmem>>) target(%dma_start3A_141 : memref<10000x128xf32, #tpu.memory_space<vmem_shared>>) offsets(%arg9 : memref<80xi32, #tpu.memory_space<vmem>>) semaphore(%run_scoped3A_134 : memref<!tpu.dma_semaphore, #tpu.memory_space<semaphore_mem>>) {add = true}
      %dma_wait3A_142 = arith.constant 0 : i32
      %dma_wait3A_143 = arith.constant 0 : i32
      %dma_wait3A_144 = tpu.memref_slice %arg11[%run_scoped3A_127, %dma_wait3A_142, %dma_wait3A_143] : memref<2x80x128xf32, #tpu.memory_space<vmem>> -> memref<1x80x128xf32, #tpu.memory_space<vmem>>
      %dma_wait3A_145 = tpu.memref_squeeze %dma_wait3A_144 : memref<1x80x128xf32, #tpu.memory_space<vmem>> -> memref<80x128xf32, #tpu.memory_space<vmem>>
      %dma_wait3A_146 = arith.constant 0 : i32
      %dma_wait3A_147 = arith.constant 0 : i32
      %dma_wait3A_148 = tpu.memref_slice %arg7[%dma_wait3A_146, %dma_wait3A_147] : memref<10000x128xf32, #tpu.memory_space<vmem_shared>> -> memref<10000x128xf32, #tpu.memory_space<vmem_shared>>
      tpu.wait_indirect_dma semaphore(%run_scoped3A_134 : memref<!tpu.dma_semaphore, #tpu.memory_space<semaphore_mem>>) src(%dma_wait3A_145 : memref<80x128xf32, #tpu.memory_space<vmem>>) dst(%dma_wait3A_148 : memref<10000x128xf32, #tpu.memory_space<vmem_shared>>)
      tpu.yield
    }) : () -> ()
    %barrier3A_128 = arith.constant 0 : index
    tpu.barrier barrier_id(%barrier3A_128)
    %mul3A_129 = arith.constant 625 : i32
    %mul3A_130 = arith.muli %arg1, %mul3A_129 : i32
    %mul3A_131 = arith.constant 16 : i32
    %mul3A_132 = arith.muli %arg0, %mul3A_131 : i32
    %add3A_133 = arith.addi %mul3A_132, %arg1 : i32
    "tpu.region"() ({
      %run_scoped3A_134 = tpu.sem_alloc : memref<!tpu.dma_semaphore, #tpu.memory_space<semaphore_mem>>
      %dma_start3A_135 = arith.constant 0 : i32
      %dma_start3A_136 = arith.constant 0 : i32
      %dma_start3A_137 = tpu.memref_slice %arg6[%add3A_133, %dma_start3A_135, %dma_start3A_136] : memref<32x625x128xf32, #tpu.memory_space<hbm>> -> memref<1x625x128xf32, #tpu.memory_space<hbm>>
      %dma_start3A_138 = tpu.memref_squeeze %dma_start3A_137 : memref<1x625x128xf32, #tpu.memory_space<hbm>> -> memref<625x128xf32, #tpu.memory_space<hbm>>
      %dma_start3A_139 = arith.constant 0 : i32
      %dma_start3A_140 = tpu.memref_slice %arg7[%mul3A_130, %dma_start3A_139] : memref<10000x128xf32, #tpu.memory_space<vmem_shared>> -> memref<625x128xf32, #tpu.memory_space<vmem_shared>>
      tpu.enqueue_dma source(%dma_start3A_140 : memref<625x128xf32, #tpu.memory_space<vmem_shared>>) target(%dma_start3A_138 : memref<625x128xf32, #tpu.memory_space<hbm>>) target_semaphore(%run_scoped3A_134 : memref<!tpu.dma_semaphore, #tpu.memory_space<semaphore_mem>>)
      %dma_wait3A_141 = arith.constant 0 : i32
      %dma_wait3A_142 = arith.constant 0 : i32
      %dma_wait3A_143 = tpu.memref_slice %arg6[%add3A_133, %dma_wait3A_141, %dma_wait3A_142] : memref<32x625x128xf32, #tpu.memory_space<hbm>> -> memref<1x625x128xf32, #tpu.memory_space<hbm>>
      %dma_wait3A_144 = tpu.memref_squeeze %dma_wait3A_143 : memref<1x625x128xf32, #tpu.memory_space<hbm>> -> memref<625x128xf32, #tpu.memory_space<hbm>>
      %dma_wait3A_145 = arith.constant 0 : i32
      %dma_wait3A_146 = tpu.memref_slice %arg7[%mul3A_130, %dma_wait3A_145] : memref<10000x128xf32, #tpu.memory_space<vmem_shared>> -> memref<625x128xf32, #tpu.memory_space<vmem_shared>>
      tpu.wait_dma2 semaphore(%run_scoped3A_134 : memref<!tpu.dma_semaphore, #tpu.memory_space<semaphore_mem>>) src(%dma_wait3A_146 : memref<625x128xf32, #tpu.memory_space<vmem_shared>>) dst(%dma_wait3A_144 : memref<625x128xf32, #tpu.memory_space<hbm>>)
      tpu.yield
    }) : () -> ()
    return
  }
}

#map = affine_map<(d0, d1) -> (0, 0)>
#map1 = affine_map<(d0, d1) -> (0, 0, 0)>
#map2 = affine_map<(d0, d1) -> (0, 0, 0, 0)>
module attributes {stable_mosaic.version = 14 : i64} {
  func.func @_sc_scatter_body(%arg0: i32, %arg1: i32, %arg2: memref<10000x128xf32, #tpu.memory_space<hbm>>, %arg3: memref<32x125x80xi32, #tpu.memory_space<hbm>>, %arg4: memref<32x125x1x80xi32, #tpu.memory_space<hbm>>, %arg5: memref<16x625x128xf32, #tpu.memory_space<hbm>>, %arg6: memref<32x625x128xf32, #tpu.memory_space<hbm>>, %arg7: memref<10000x128xf32, #tpu.memory_space<vmem_shared>>, %arg8: memref<125x80xi32, #tpu.memory_space<vmem>>, %arg9: memref<80xi32, #tpu.memory_space<vmem>>, %arg10: memref<80xi32, #tpu.memory_space<vmem>>, %arg11: memref<2x80x128xf32, #tpu.memory_space<vmem>>, %arg12: memref<!tpu.dma_semaphore, #tpu.memory_space<semaphore_mem>>, %arg13: memref<!tpu.dma_semaphore, #tpu.memory_space<semaphore_mem>>, %arg14: memref<!tpu.dma_semaphore, #tpu.memory_space<semaphore_mem>>, %arg15: memref<!tpu.dma_semaphore, #tpu.memory_space<semaphore_mem>>) attributes {dimension_semantics = [#tpu.dimension_semantics<core_parallel>, #tpu.dimension_semantics<subcore_parallel>], iteration_bounds = array<i64: 2, 16>, scalar_prefetch = 0 : i64, scratch_operands = 9 : i64, tpu.core_type = #tpu.core_type<sc_vector_subcore>, window_params = [{transform_indices = #map}, {transform_indices = #map1}, {transform_indices = #map2}, {transform_indices = #map1}, {transform_indices = #map1}]} {
    %mul3A = arith.constant 2 : i32
    %mul3A_0 = arith.muli %arg1, %mul3A : i32
    %add3A = arith.addi %mul3A_0, %arg0 : i32
    "tpu.region"() ({
      %run_scoped3A_134 = tpu.sem_alloc : memref<!tpu.dma_semaphore, #tpu.memory_space<semaphore_mem>>
      %dma_start3A_135 = arith.constant 0 : i32
      %dma_start3A_136 = arith.constant 0 : i32
      %dma_start3A_137 = tpu.memref_slice %arg3[%add3A, %dma_start3A_135, %dma_start3A_136] : memref<32x125x80xi32, #tpu.memory_space<hbm>> -> memref<1x125x80xi32, #tpu.memory_space<hbm>>
      %dma_start3A_138 = tpu.memref_squeeze %dma_start3A_137 : memref<1x125x80xi32, #tpu.memory_space<hbm>> -> memref<125x80xi32, #tpu.memory_space<hbm>>
      %dma_start3A_139 = arith.constant 0 : i32
      %dma_start3A_140 = arith.constant 0 : i32
      %dma_start3A_141 = tpu.memref_slice %arg3[%add3A, %dma_start3A_139, %dma_start3A_140] : memref<32x125x80xi32, #tpu.memory_space<hbm>> -> memref<1x125x80xi32, #tpu.memory_space<hbm>>
      %dma_start3A_142 = tpu.memref_squeeze %dma_start3A_141 : memref<1x125x80xi32, #tpu.memory_space<hbm>> -> memref<125x80xi32, #tpu.memory_space<hbm>>
      tpu.enqueue_dma source(%dma_start3A_142 : memref<125x80xi32, #tpu.memory_space<hbm>>) target(%arg8 : memref<125x80xi32, #tpu.memory_space<vmem>>) target_semaphore(%run_scoped3A_134 : memref<!tpu.dma_semaphore, #tpu.memory_space<semaphore_mem>>)
      %dma_wait3A_143 = arith.constant 0 : i32
      %dma_wait3A_144 = arith.constant 0 : i32
      %dma_wait3A_145 = tpu.memref_slice %arg3[%add3A, %dma_wait3A_143, %dma_wait3A_144] : memref<32x125x80xi32, #tpu.memory_space<hbm>> -> memref<1x125x80xi32, #tpu.memory_space<hbm>>
      %dma_wait3A_146 = tpu.memref_squeeze %dma_wait3A_145 : memref<1x125x80xi32, #tpu.memory_space<hbm>> -> memref<125x80xi32, #tpu.memory_space<hbm>>
      %dma_wait3A_147 = arith.constant 0 : i32
      %dma_wait3A_148 = arith.constant 0 : i32
      %dma_wait3A_149 = tpu.memref_slice %arg3[%add3A, %dma_wait3A_147, %dma_wait3A_148] : memref<32x125x80xi32, #tpu.memory_space<hbm>> -> memref<1x125x80xi32, #tpu.memory_space<hbm>>
      %dma_wait3A_150 = tpu.memref_squeeze %dma_wait3A_149 : memref<1x125x80xi32, #tpu.memory_space<hbm>> -> memref<125x80xi32, #tpu.memory_space<hbm>>
      tpu.wait_dma2 semaphore(%run_scoped3A_134 : memref<!tpu.dma_semaphore, #tpu.memory_space<semaphore_mem>>) src(%dma_wait3A_150 : memref<125x80xi32, #tpu.memory_space<hbm>>) dst(%arg8 : memref<125x80xi32, #tpu.memory_space<vmem>>)
      tpu.yield
    }) : () -> ()
    %mul3A_1 = arith.constant 625 : i32
    %mul3A_2 = arith.muli %arg1, %mul3A_1 : i32
    "tpu.region"() ({
      %run_scoped3A_134 = tpu.sem_alloc : memref<!tpu.dma_semaphore, #tpu.memory_space<semaphore_mem>>
      %dma_start3A_135 = arith.constant 0 : i32
      %dma_start3A_136 = tpu.memref_slice %arg7[%mul3A_2, %dma_start3A_135] : memref<10000x128xf32, #tpu.memory_space<vmem_shared>> -> memref<625x128xf32, #tpu.memory_space<vmem_shared>>
      %dma_start3A_137 = arith.constant 0 : i32
      %dma_start3A_138 = arith.constant 0 : i32
      %dma_start3A_139 = tpu.memref_slice %arg5[%arg1, %dma_start3A_137, %dma_start3A_138] : memref<16x625x128xf32, #tpu.memory_space<hbm>> -> memref<1x625x128xf32, #tpu.memory_space<hbm>>
      %dma_start3A_140 = tpu.memref_squeeze %dma_start3A_139 : memref<1x625x128xf32, #tpu.memory_space<hbm>> -> memref<625x128xf32, #tpu.memory_space<hbm>>
      tpu.enqueue_dma source(%dma_start3A_140 : memref<625x128xf32, #tpu.memory_space<hbm>>) target(%dma_start3A_136 : memref<625x128xf32, #tpu.memory_space<vmem_shared>>) target_semaphore(%run_scoped3A_134 : memref<!tpu.dma_semaphore, #tpu.memory_space<semaphore_mem>>)
      %dma_wait3A_141 = arith.constant 0 : i32
      %dma_wait3A_142 = tpu.memref_slice %arg7[%mul3A_2, %dma_wait3A_141] : memref<10000x128xf32, #tpu.memory_space<vmem_shared>> -> memref<625x128xf32, #tpu.memory_space<vmem_shared>>
      %dma_wait3A_143 = arith.constant 0 : i32
      %dma_wait3A_144 = arith.constant 0 : i32
      %dma_wait3A_145 = tpu.memref_slice %arg5[%arg1, %dma_wait3A_143, %dma_wait3A_144] : memref<16x625x128xf32, #tpu.memory_space<hbm>> -> memref<1x625x128xf32, #tpu.memory_space<hbm>>
      %dma_wait3A_146 = tpu.memref_squeeze %dma_wait3A_145 : memref<1x625x128xf32, #tpu.memory_space<hbm>> -> memref<625x128xf32, #tpu.memory_space<hbm>>
      tpu.wait_dma2 semaphore(%run_scoped3A_134 : memref<!tpu.dma_semaphore, #tpu.memory_space<semaphore_mem>>) src(%dma_wait3A_146 : memref<625x128xf32, #tpu.memory_space<hbm>>) dst(%dma_wait3A_142 : memref<625x128xf32, #tpu.memory_space<vmem_shared>>)
      tpu.yield
    }) : () -> ()
    %dma_start3A = arith.constant 0 : i32
    %dma_start3A_3 = arith.constant 0 : i32
    %dma_start3A_4 = arith.constant 0 : i32
    %dma_start3A_5 = tpu.memref_slice %arg4[%add3A, %dma_start3A, %dma_start3A_3, %dma_start3A_4] : memref<32x125x1x80xi32, #tpu.memory_space<hbm>> -> memref<1x1x1x80xi32, #tpu.memory_space<hbm>>
    %dma_start3A_6 = tpu.memref_squeeze %dma_start3A_5 : memref<1x1x1x80xi32, #tpu.memory_space<hbm>> -> memref<80xi32, #tpu.memory_space<hbm>>
    %dma_start3A_7 = arith.constant 0 : i32
    %dma_start3A_8 = tpu.memref_slice %arg4[%add3A, %dma_start3A, %dma_start3A_3, %dma_start3A_7] : memref<32x125x1x80xi32, #tpu.memory_space<hbm>> -> memref<1x1x1x80xi32, #tpu.memory_space<hbm>>
    %dma_start3A_9 = tpu.memref_squeeze %dma_start3A_8 : memref<1x1x1x80xi32, #tpu.memory_space<hbm>> -> memref<80xi32, #tpu.memory_space<hbm>>
    tpu.enqueue_dma source(%dma_start3A_9 : memref<80xi32, #tpu.memory_space<hbm>>) target(%arg9 : memref<80xi32, #tpu.memory_space<vmem>>) target_semaphore(%arg14 : memref<!tpu.dma_semaphore, #tpu.memory_space<semaphore_mem>>)
    %dma_start3A_10 = arith.constant 0 : i32
    %dma_start3A_11 = arith.constant 0 : i32
    %dma_start3A_12 = arith.constant 0 : i32
    %dma_start3A_13 = arith.constant 0 : i32
    %dma_start3A_14 = tpu.memref_slice %arg11[%dma_start3A_11, %dma_start3A_12, %dma_start3A_13] : memref<2x80x128xf32, #tpu.memory_space<vmem>> -> memref<1x80x128xf32, #tpu.memory_space<vmem>>
    %dma_start3A_15 = tpu.memref_squeeze %dma_start3A_14 : memref<1x80x128xf32, #tpu.memory_space<vmem>> -> memref<80x128xf32, #tpu.memory_space<vmem>>
    %dma_start3A_16 = arith.constant 0 : i32
    %dma_start3A_17 = tpu.memref_slice %arg8[%dma_start3A_10, %dma_start3A_16] : memref<125x80xi32, #tpu.memory_space<vmem>> -> memref<1x80xi32, #tpu.memory_space<vmem>>
    %dma_start3A_18 = tpu.memref_squeeze %dma_start3A_17 : memref<1x80xi32, #tpu.memory_space<vmem>> -> memref<80xi32, #tpu.memory_space<vmem>>
    %dma_start3A_19 = arith.constant 0 : i32
    %dma_start3A_20 = arith.constant 0 : i32
    %dma_start3A_21 = tpu.memref_slice %arg2[%dma_start3A_19, %dma_start3A_20] : memref<10000x128xf32, #tpu.memory_space<hbm>> -> memref<10000x128xf32, #tpu.memory_space<hbm>>
    tpu.enqueue_indirect_dma source(%dma_start3A_21 : memref<10000x128xf32, #tpu.memory_space<hbm>>) target(%dma_start3A_15 : memref<80x128xf32, #tpu.memory_space<vmem>>) offsets(%dma_start3A_18 : memref<80xi32, #tpu.memory_space<vmem>>) semaphore(%arg12 : memref<!tpu.dma_semaphore, #tpu.memory_space<semaphore_mem>>)
    %dma_start3A_22 = arith.constant 1 : i32
    %dma_start3A_23 = arith.constant 0 : i32
    %dma_start3A_24 = arith.constant 0 : i32
    %dma_start3A_25 = tpu.memref_slice %arg4[%add3A, %dma_start3A_22, %dma_start3A_23, %dma_start3A_24] : memref<32x125x1x80xi32, #tpu.memory_space<hbm>> -> memref<1x1x1x80xi32, #tpu.memory_space<hbm>>
    %dma_start3A_26 = tpu.memref_squeeze %dma_start3A_25 : memref<1x1x1x80xi32, #tpu.memory_space<hbm>> -> memref<80xi32, #tpu.memory_space<hbm>>
    %dma_start3A_27 = arith.constant 0 : i32
    %dma_start3A_28 = tpu.memref_slice %arg4[%add3A, %dma_start3A_22, %dma_start3A_23, %dma_start3A_27] : memref<32x125x1x80xi32, #tpu.memory_space<hbm>> -> memref<1x1x1x80xi32, #tpu.memory_space<hbm>>
    %dma_start3A_29 = tpu.memref_squeeze %dma_start3A_28 : memref<1x1x1x80xi32, #tpu.memory_space<hbm>> -> memref<80xi32, #tpu.memory_space<hbm>>
    tpu.enqueue_dma source(%dma_start3A_29 : memref<80xi32, #tpu.memory_space<hbm>>) target(%arg10 : memref<80xi32, #tpu.memory_space<vmem>>) target_semaphore(%arg15 : memref<!tpu.dma_semaphore, #tpu.memory_space<semaphore_mem>>)
    %dma_start3A_30 = arith.constant 1 : i32
    %dma_start3A_31 = arith.constant 1 : i32
    %dma_start3A_32 = arith.constant 0 : i32
    %dma_start3A_33 = arith.constant 0 : i32
    %dma_start3A_34 = tpu.memref_slice %arg11[%dma_start3A_31, %dma_start3A_32, %dma_start3A_33] : memref<2x80x128xf32, #tpu.memory_space<vmem>> -> memref<1x80x128xf32, #tpu.memory_space<vmem>>
    %dma_start3A_35 = tpu.memref_squeeze %dma_start3A_34 : memref<1x80x128xf32, #tpu.memory_space<vmem>> -> memref<80x128xf32, #tpu.memory_space<vmem>>
    %dma_start3A_36 = arith.constant 0 : i32
    %dma_start3A_37 = tpu.memref_slice %arg8[%dma_start3A_30, %dma_start3A_36] : memref<125x80xi32, #tpu.memory_space<vmem>> -> memref<1x80xi32, #tpu.memory_space<vmem>>
    %dma_start3A_38 = tpu.memref_squeeze %dma_start3A_37 : memref<1x80xi32, #tpu.memory_space<vmem>> -> memref<80xi32, #tpu.memory_space<vmem>>
    %dma_start3A_39 = arith.constant 0 : i32
    %dma_start3A_40 = arith.constant 0 : i32
    %dma_start3A_41 = tpu.memref_slice %arg2[%dma_start3A_39, %dma_start3A_40] : memref<10000x128xf32, #tpu.memory_space<hbm>> -> memref<10000x128xf32, #tpu.memory_space<hbm>>
    tpu.enqueue_indirect_dma source(%dma_start3A_41 : memref<10000x128xf32, #tpu.memory_space<hbm>>) target(%dma_start3A_35 : memref<80x128xf32, #tpu.memory_space<vmem>>) offsets(%dma_start3A_38 : memref<80xi32, #tpu.memory_space<vmem>>) semaphore(%arg13 : memref<!tpu.dma_semaphore, #tpu.memory_space<semaphore_mem>>)
    %barrier3A = arith.constant 0 : index
    tpu.barrier barrier_id(%barrier3A)
    %scan3A = arith.constant 0 : i32
    %scan3A_42 = arith.constant 0 : i32
    %scan3A_43 = arith.constant 61 : i32
    %scan3A_44 = arith.addi %scan3A_42, %scan3A_43 : i32
    %scan3A_45 = arith.constant 1 : i32
    scf.for %scan3A_134 = %scan3A_42 to %scan3A_44 step %scan3A_45  : i32 {
      %mul3A_135 = arith.constant 2 : i32
      %mul3A_136 = arith.muli %scan3A_134, %mul3A_135 : i32
      %add3A_137 = arith.constant 0 : i32
      %add3A_138 = arith.addi %mul3A_136, %add3A_137 : i32
      %dma_wait3A_139 = arith.constant 0 : i32
      %dma_wait3A_140 = arith.constant 0 : i32
      %dma_wait3A_141 = arith.constant 0 : i32
      %dma_wait3A_142 = arith.constant 0 : i32
      %dma_wait3A_143 = tpu.memref_slice %arg11[%dma_wait3A_140, %dma_wait3A_141, %dma_wait3A_142] : memref<2x80x128xf32, #tpu.memory_space<vmem>> -> memref<1x80x128xf32, #tpu.memory_space<vmem>>
      %dma_wait3A_144 = tpu.memref_squeeze %dma_wait3A_143 : memref<1x80x128xf32, #tpu.memory_space<vmem>> -> memref<80x128xf32, #tpu.memory_space<vmem>>
      %dma_wait3A_145 = arith.constant 0 : i32
      %dma_wait3A_146 = tpu.memref_slice %arg8[%dma_wait3A_139, %dma_wait3A_145] : memref<125x80xi32, #tpu.memory_space<vmem>> -> memref<1x80xi32, #tpu.memory_space<vmem>>
      %dma_wait3A_147 = tpu.memref_squeeze %dma_wait3A_146 : memref<1x80xi32, #tpu.memory_space<vmem>> -> memref<80xi32, #tpu.memory_space<vmem>>
      %dma_wait3A_148 = arith.constant 0 : i32
      %dma_wait3A_149 = arith.constant 0 : i32
      %dma_wait3A_150 = tpu.memref_slice %arg2[%dma_wait3A_148, %dma_wait3A_149] : memref<10000x128xf32, #tpu.memory_space<hbm>> -> memref<10000x128xf32, #tpu.memory_space<hbm>>
      tpu.wait_indirect_dma semaphore(%arg12 : memref<!tpu.dma_semaphore, #tpu.memory_space<semaphore_mem>>) src(%dma_wait3A_150 : memref<10000x128xf32, #tpu.memory_space<hbm>>) dst(%dma_wait3A_144 : memref<80x128xf32, #tpu.memory_space<vmem>>)
      %dma_wait3A_151 = arith.constant 0 : i32
      %dma_wait3A_152 = arith.constant 0 : i32
      %dma_wait3A_153 = arith.constant 0 : i32
      %dma_wait3A_154 = tpu.memref_slice %arg4[%add3A, %dma_wait3A_151, %dma_wait3A_152, %dma_wait3A_153] : memref<32x125x1x80xi32, #tpu.memory_space<hbm>> -> memref<1x1x1x80xi32, #tpu.memory_space<hbm>>
      %dma_wait3A_155 = tpu.memref_squeeze %dma_wait3A_154 : memref<1x1x1x80xi32, #tpu.memory_space<hbm>> -> memref<80xi32, #tpu.memory_space<hbm>>
      %dma_wait3A_156 = arith.constant 0 : i32
      %dma_wait3A_157 = tpu.memref_slice %arg4[%add3A, %dma_wait3A_151, %dma_wait3A_152, %dma_wait3A_156] : memref<32x125x1x80xi32, #tpu.memory_space<hbm>> -> memref<1x1x1x80xi32, #tpu.memory_space<hbm>>
      %dma_wait3A_158 = tpu.memref_squeeze %dma_wait3A_157 : memref<1x1x1x80xi32, #tpu.memory_space<hbm>> -> memref<80xi32, #tpu.memory_space<hbm>>
      tpu.wait_dma2 semaphore(%arg14 : memref<!tpu.dma_semaphore, #tpu.memory_space<semaphore_mem>>) src(%dma_wait3A_158 : memref<80xi32, #tpu.memory_space<hbm>>) dst(%arg9 : memref<80xi32, #tpu.memory_space<vmem>>)
      %run_scoped3A_159 = arith.constant 0 : i32
      "tpu.region"() ({
        %run_scoped3A_229 = tpu.sem_alloc : memref<!tpu.dma_semaphore, #tpu.memory_space<semaphore_mem>>
        %dma_start3A_230 = arith.constant 0 : i32
        %dma_start3A_231 = arith.constant 0 : i32
        %dma_start3A_232 = tpu.memref_slice %arg11[%run_scoped3A_159, %dma_start3A_230, %dma_start3A_231] : memref<2x80x128xf32, #tpu.memory_space<vmem>> -> memref<1x80x128xf32, #tpu.memory_space<vmem>>
        %dma_start3A_233 = tpu.memref_squeeze %dma_start3A_232 : memref<1x80x128xf32, #tpu.memory_space<vmem>> -> memref<80x128xf32, #tpu.memory_space<vmem>>
        %dma_start3A_234 = arith.constant 0 : i32
        %dma_start3A_235 = arith.constant 0 : i32
        %dma_start3A_236 = tpu.memref_slice %arg7[%dma_start3A_234, %dma_start3A_235] : memref<10000x128xf32, #tpu.memory_space<vmem_shared>> -> memref<10000x128xf32, #tpu.memory_space<vmem_shared>>
        tpu.enqueue_indirect_dma source(%dma_start3A_233 : memref<80x128xf32, #tpu.memory_space<vmem>>) target(%dma_start3A_236 : memref<10000x128xf32, #tpu.memory_space<vmem_shared>>) offsets(%arg9 : memref<80xi32, #tpu.memory_space<vmem>>) semaphore(%run_scoped3A_229 : memref<!tpu.dma_semaphore, #tpu.memory_space<semaphore_mem>>) {add = true}
        %dma_wait3A_237 = arith.constant 0 : i32
        %dma_wait3A_238 = arith.constant 0 : i32
        %dma_wait3A_239 = tpu.memref_slice %arg11[%run_scoped3A_159, %dma_wait3A_237, %dma_wait3A_238] : memref<2x80x128xf32, #tpu.memory_space<vmem>> -> memref<1x80x128xf32, #tpu.memory_space<vmem>>
        %dma_wait3A_240 = tpu.memref_squeeze %dma_wait3A_239 : memref<1x80x128xf32, #tpu.memory_space<vmem>> -> memref<80x128xf32, #tpu.memory_space<vmem>>
        %dma_wait3A_241 = arith.constant 0 : i32
        %dma_wait3A_242 = arith.constant 0 : i32
        %dma_wait3A_243 = tpu.memref_slice %arg7[%dma_wait3A_241, %dma_wait3A_242] : memref<10000x128xf32, #tpu.memory_space<vmem_shared>> -> memref<10000x128xf32, #tpu.memory_space<vmem_shared>>
        tpu.wait_indirect_dma semaphore(%run_scoped3A_229 : memref<!tpu.dma_semaphore, #tpu.memory_space<semaphore_mem>>) src(%dma_wait3A_240 : memref<80x128xf32, #tpu.memory_space<vmem>>) dst(%dma_wait3A_243 : memref<10000x128xf32, #tpu.memory_space<vmem_shared>>)
        tpu.yield
      }) : () -> ()
      %add3A_160 = arith.constant 2 : i32
      %add3A_161 = arith.addi %add3A_138, %add3A_160 : i32
      %dma_start3A_162 = arith.constant 0 : i32
      %dma_start3A_163 = arith.constant 0 : i32
      %dma_start3A_164 = tpu.memref_slice %arg4[%add3A, %add3A_161, %dma_start3A_162, %dma_start3A_163] : memref<32x125x1x80xi32, #tpu.memory_space<hbm>> -> memref<1x1x1x80xi32, #tpu.memory_space<hbm>>
      %dma_start3A_165 = tpu.memref_squeeze %dma_start3A_164 : memref<1x1x1x80xi32, #tpu.memory_space<hbm>> -> memref<80xi32, #tpu.memory_space<hbm>>
      %dma_start3A_166 = arith.constant 0 : i32
      %dma_start3A_167 = tpu.memref_slice %arg4[%add3A, %add3A_161, %dma_start3A_162, %dma_start3A_166] : memref<32x125x1x80xi32, #tpu.memory_space<hbm>> -> memref<1x1x1x80xi32, #tpu.memory_space<hbm>>
      %dma_start3A_168 = tpu.memref_squeeze %dma_start3A_167 : memref<1x1x1x80xi32, #tpu.memory_space<hbm>> -> memref<80xi32, #tpu.memory_space<hbm>>
      tpu.enqueue_dma source(%dma_start3A_168 : memref<80xi32, #tpu.memory_space<hbm>>) target(%arg9 : memref<80xi32, #tpu.memory_space<vmem>>) target_semaphore(%arg14 : memref<!tpu.dma_semaphore, #tpu.memory_space<semaphore_mem>>)
      %add3A_169 = arith.constant 2 : i32
      %add3A_170 = arith.addi %add3A_138, %add3A_169 : i32
      %dma_start3A_171 = arith.constant 0 : i32
      %dma_start3A_172 = arith.constant 0 : i32
      %dma_start3A_173 = arith.constant 0 : i32
      %dma_start3A_174 = tpu.memref_slice %arg11[%dma_start3A_171, %dma_start3A_172, %dma_start3A_173] : memref<2x80x128xf32, #tpu.memory_space<vmem>> -> memref<1x80x128xf32, #tpu.memory_space<vmem>>
      %dma_start3A_175 = tpu.memref_squeeze %dma_start3A_174 : memref<1x80x128xf32, #tpu.memory_space<vmem>> -> memref<80x128xf32, #tpu.memory_space<vmem>>
      %dma_start3A_176 = arith.constant 0 : i32
      %dma_start3A_177 = tpu.memref_slice %arg8[%add3A_170, %dma_start3A_176] : memref<125x80xi32, #tpu.memory_space<vmem>> -> memref<1x80xi32, #tpu.memory_space<vmem>>
      %dma_start3A_178 = tpu.memref_squeeze %dma_start3A_177 : memref<1x80xi32, #tpu.memory_space<vmem>> -> memref<80xi32, #tpu.memory_space<vmem>>
      %dma_start3A_179 = arith.constant 0 : i32
      %dma_start3A_180 = arith.constant 0 : i32
      %dma_start3A_181 = tpu.memref_slice %arg2[%dma_start3A_179, %dma_start3A_180] : memref<10000x128xf32, #tpu.memory_space<hbm>> -> memref<10000x128xf32, #tpu.memory_space<hbm>>
      tpu.enqueue_indirect_dma source(%dma_start3A_181 : memref<10000x128xf32, #tpu.memory_space<hbm>>) target(%dma_start3A_175 : memref<80x128xf32, #tpu.memory_space<vmem>>) offsets(%dma_start3A_178 : memref<80xi32, #tpu.memory_space<vmem>>) semaphore(%arg12 : memref<!tpu.dma_semaphore, #tpu.memory_space<semaphore_mem>>)
      %mul3A_182 = arith.constant 2 : i32
      %mul3A_183 = arith.muli %scan3A_134, %mul3A_182 : i32
      %add3A_184 = arith.constant 1 : i32
      %add3A_185 = arith.addi %mul3A_183, %add3A_184 : i32
      %dma_wait3A_186 = arith.constant 0 : i32
      %dma_wait3A_187 = arith.constant 1 : i32
      %dma_wait3A_188 = arith.constant 0 : i32
      %dma_wait3A_189 = arith.constant 0 : i32
      %dma_wait3A_190 = tpu.memref_slice %arg11[%dma_wait3A_187, %dma_wait3A_188, %dma_wait3A_189] : memref<2x80x128xf32, #tpu.memory_space<vmem>> -> memref<1x80x128xf32, #tpu.memory_space<vmem>>
      %dma_wait3A_191 = tpu.memref_squeeze %dma_wait3A_190 : memref<1x80x128xf32, #tpu.memory_space<vmem>> -> memref<80x128xf32, #tpu.memory_space<vmem>>
      %dma_wait3A_192 = arith.constant 0 : i32
      %dma_wait3A_193 = tpu.memref_slice %arg8[%dma_wait3A_186, %dma_wait3A_192] : memref<125x80xi32, #tpu.memory_space<vmem>> -> memref<1x80xi32, #tpu.memory_space<vmem>>
      %dma_wait3A_194 = tpu.memref_squeeze %dma_wait3A_193 : memref<1x80xi32, #tpu.memory_space<vmem>> -> memref<80xi32, #tpu.memory_space<vmem>>
      %dma_wait3A_195 = arith.constant 0 : i32
      %dma_wait3A_196 = arith.constant 0 : i32
      %dma_wait3A_197 = tpu.memref_slice %arg2[%dma_wait3A_195, %dma_wait3A_196] : memref<10000x128xf32, #tpu.memory_space<hbm>> -> memref<10000x128xf32, #tpu.memory_space<hbm>>
      tpu.wait_indirect_dma semaphore(%arg13 : memref<!tpu.dma_semaphore, #tpu.memory_space<semaphore_mem>>) src(%dma_wait3A_197 : memref<10000x128xf32, #tpu.memory_space<hbm>>) dst(%dma_wait3A_191 : memref<80x128xf32, #tpu.memory_space<vmem>>)
      %dma_wait3A_198 = arith.constant 0 : i32
      %dma_wait3A_199 = arith.constant 0 : i32
      %dma_wait3A_200 = arith.constant 0 : i32
      %dma_wait3A_201 = tpu.memref_slice %arg4[%add3A, %dma_wait3A_198, %dma_wait3A_199, %dma_wait3A_200] : memref<32x125x1x80xi32, #tpu.memory_space<hbm>> -> memref<1x1x1x80xi32, #tpu.memory_space<hbm>>
      %dma_wait3A_202 = tpu.memref_squeeze %dma_wait3A_201 : memref<1x1x1x80xi32, #tpu.memory_space<hbm>> -> memref<80xi32, #tpu.memory_space<hbm>>
      %dma_wait3A_203 = arith.constant 0 : i32
      %dma_wait3A_204 = tpu.memref_slice %arg4[%add3A, %dma_wait3A_198, %dma_wait3A_199, %dma_wait3A_203] : memref<32x125x1x80xi32, #tpu.memory_space<hbm>> -> memref<1x1x1x80xi32, #tpu.memory_space<hbm>>
      %dma_wait3A_205 = tpu.memref_squeeze %dma_wait3A_204 : memref<1x1x1x80xi32, #tpu.memory_space<hbm>> -> memref<80xi32, #tpu.memory_space<hbm>>
      tpu.wait_dma2 semaphore(%arg15 : memref<!tpu.dma_semaphore, #tpu.memory_space<semaphore_mem>>) src(%dma_wait3A_205 : memref<80xi32, #tpu.memory_space<hbm>>) dst(%arg10 : memref<80xi32, #tpu.memory_space<vmem>>)
      %run_scoped3A_206 = arith.constant 1 : i32
      "tpu.region"() ({
        %run_scoped3A_229 = tpu.sem_alloc : memref<!tpu.dma_semaphore, #tpu.memory_space<semaphore_mem>>
        %dma_start3A_230 = arith.constant 0 : i32
        %dma_start3A_231 = arith.constant 0 : i32
        %dma_start3A_232 = tpu.memref_slice %arg11[%run_scoped3A_206, %dma_start3A_230, %dma_start3A_231] : memref<2x80x128xf32, #tpu.memory_space<vmem>> -> memref<1x80x128xf32, #tpu.memory_space<vmem>>
        %dma_start3A_233 = tpu.memref_squeeze %dma_start3A_232 : memref<1x80x128xf32, #tpu.memory_space<vmem>> -> memref<80x128xf32, #tpu.memory_space<vmem>>
        %dma_start3A_234 = arith.constant 0 : i32
        %dma_start3A_235 = arith.constant 0 : i32
        %dma_start3A_236 = tpu.memref_slice %arg7[%dma_start3A_234, %dma_start3A_235] : memref<10000x128xf32, #tpu.memory_space<vmem_shared>> -> memref<10000x128xf32, #tpu.memory_space<vmem_shared>>
        tpu.enqueue_indirect_dma source(%dma_start3A_233 : memref<80x128xf32, #tpu.memory_space<vmem>>) target(%dma_start3A_236 : memref<10000x128xf32, #tpu.memory_space<vmem_shared>>) offsets(%arg10 : memref<80xi32, #tpu.memory_space<vmem>>) semaphore(%run_scoped3A_229 : memref<!tpu.dma_semaphore, #tpu.memory_space<semaphore_mem>>) {add = true}
        %dma_wait3A_237 = arith.constant 0 : i32
        %dma_wait3A_238 = arith.constant 0 : i32
        %dma_wait3A_239 = tpu.memref_slice %arg11[%run_scoped3A_206, %dma_wait3A_237, %dma_wait3A_238] : memref<2x80x128xf32, #tpu.memory_space<vmem>> -> memref<1x80x128xf32, #tpu.memory_space<vmem>>
        %dma_wait3A_240 = tpu.memref_squeeze %dma_wait3A_239 : memref<1x80x128xf32, #tpu.memory_space<vmem>> -> memref<80x128xf32, #tpu.memory_space<vmem>>
        %dma_wait3A_241 = arith.constant 0 : i32
        %dma_wait3A_242 = arith.constant 0 : i32
        %dma_wait3A_243 = tpu.memref_slice %arg7[%dma_wait3A_241, %dma_wait3A_242] : memref<10000x128xf32, #tpu.memory_space<vmem_shared>> -> memref<10000x128xf32, #tpu.memory_space<vmem_shared>>
        tpu.wait_indirect_dma semaphore(%run_scoped3A_229 : memref<!tpu.dma_semaphore, #tpu.memory_space<semaphore_mem>>) src(%dma_wait3A_240 : memref<80x128xf32, #tpu.memory_space<vmem>>) dst(%dma_wait3A_243 : memref<10000x128xf32, #tpu.memory_space<vmem_shared>>)
        tpu.yield
      }) : () -> ()
      %add3A_207 = arith.constant 2 : i32
      %add3A_208 = arith.addi %add3A_185, %add3A_207 : i32
      %dma_start3A_209 = arith.constant 0 : i32
      %dma_start3A_210 = arith.constant 0 : i32
      %dma_start3A_211 = tpu.memref_slice %arg4[%add3A, %add3A_208, %dma_start3A_209, %dma_start3A_210] : memref<32x125x1x80xi32, #tpu.memory_space<hbm>> -> memref<1x1x1x80xi32, #tpu.memory_space<hbm>>
      %dma_start3A_212 = tpu.memref_squeeze %dma_start3A_211 : memref<1x1x1x80xi32, #tpu.memory_space<hbm>> -> memref<80xi32, #tpu.memory_space<hbm>>
      %dma_start3A_213 = arith.constant 0 : i32
      %dma_start3A_214 = tpu.memref_slice %arg4[%add3A, %add3A_208, %dma_start3A_209, %dma_start3A_213] : memref<32x125x1x80xi32, #tpu.memory_space<hbm>> -> memref<1x1x1x80xi32, #tpu.memory_space<hbm>>
      %dma_start3A_215 = tpu.memref_squeeze %dma_start3A_214 : memref<1x1x1x80xi32, #tpu.memory_space<hbm>> -> memref<80xi32, #tpu.memory_space<hbm>>
      tpu.enqueue_dma source(%dma_start3A_215 : memref<80xi32, #tpu.memory_space<hbm>>) target(%arg10 : memref<80xi32, #tpu.memory_space<vmem>>) target_semaphore(%arg15 : memref<!tpu.dma_semaphore, #tpu.memory_space<semaphore_mem>>)
      %add3A_216 = arith.constant 2 : i32
      %add3A_217 = arith.addi %add3A_185, %add3A_216 : i32
      %dma_start3A_218 = arith.constant 1 : i32
      %dma_start3A_219 = arith.constant 0 : i32
      %dma_start3A_220 = arith.constant 0 : i32
      %dma_start3A_221 = tpu.memref_slice %arg11[%dma_start3A_218, %dma_start3A_219, %dma_start3A_220] : memref<2x80x128xf32, #tpu.memory_space<vmem>> -> memref<1x80x128xf32, #tpu.memory_space<vmem>>
      %dma_start3A_222 = tpu.memref_squeeze %dma_start3A_221 : memref<1x80x128xf32, #tpu.memory_space<vmem>> -> memref<80x128xf32, #tpu.memory_space<vmem>>
      %dma_start3A_223 = arith.constant 0 : i32
      %dma_start3A_224 = tpu.memref_slice %arg8[%add3A_217, %dma_start3A_223] : memref<125x80xi32, #tpu.memory_space<vmem>> -> memref<1x80xi32, #tpu.memory_space<vmem>>
      %dma_start3A_225 = tpu.memref_squeeze %dma_start3A_224 : memref<1x80xi32, #tpu.memory_space<vmem>> -> memref<80xi32, #tpu.memory_space<vmem>>
      %dma_start3A_226 = arith.constant 0 : i32
      %dma_start3A_227 = arith.constant 0 : i32
      %dma_start3A_228 = tpu.memref_slice %arg2[%dma_start3A_226, %dma_start3A_227] : memref<10000x128xf32, #tpu.memory_space<hbm>> -> memref<10000x128xf32, #tpu.memory_space<hbm>>
      tpu.enqueue_indirect_dma source(%dma_start3A_228 : memref<10000x128xf32, #tpu.memory_space<hbm>>) target(%dma_start3A_222 : memref<80x128xf32, #tpu.memory_space<vmem>>) offsets(%dma_start3A_225 : memref<80xi32, #tpu.memory_space<vmem>>) semaphore(%arg13 : memref<!tpu.dma_semaphore, #tpu.memory_space<semaphore_mem>>)
    }
    %scan3A_46 = arith.constant 61 : i32
    %dma_wait3A = arith.constant 0 : i32
    %dma_wait3A_47 = arith.constant 0 : i32
    %dma_wait3A_48 = arith.constant 0 : i32
    %dma_wait3A_49 = arith.constant 0 : i32
    %dma_wait3A_50 = tpu.memref_slice %arg11[%dma_wait3A_47, %dma_wait3A_48, %dma_wait3A_49] : memref<2x80x128xf32, #tpu.memory_space<vmem>> -> memref<1x80x128xf32, #tpu.memory_space<vmem>>
    %dma_wait3A_51 = tpu.memref_squeeze %dma_wait3A_50 : memref<1x80x128xf32, #tpu.memory_space<vmem>> -> memref<80x128xf32, #tpu.memory_space<vmem>>
    %dma_wait3A_52 = arith.constant 0 : i32
    %dma_wait3A_53 = tpu.memref_slice %arg8[%dma_wait3A, %dma_wait3A_52] : memref<125x80xi32, #tpu.memory_space<vmem>> -> memref<1x80xi32, #tpu.memory_space<vmem>>
    %dma_wait3A_54 = tpu.memref_squeeze %dma_wait3A_53 : memref<1x80xi32, #tpu.memory_space<vmem>> -> memref<80xi32, #tpu.memory_space<vmem>>
    %dma_wait3A_55 = arith.constant 0 : i32
    %dma_wait3A_56 = arith.constant 0 : i32
    %dma_wait3A_57 = tpu.memref_slice %arg2[%dma_wait3A_55, %dma_wait3A_56] : memref<10000x128xf32, #tpu.memory_space<hbm>> -> memref<10000x128xf32, #tpu.memory_space<hbm>>
    tpu.wait_indirect_dma semaphore(%arg12 : memref<!tpu.dma_semaphore, #tpu.memory_space<semaphore_mem>>) src(%dma_wait3A_57 : memref<10000x128xf32, #tpu.memory_space<hbm>>) dst(%dma_wait3A_51 : memref<80x128xf32, #tpu.memory_space<vmem>>)
    %dma_wait3A_58 = arith.constant 0 : i32
    %dma_wait3A_59 = arith.constant 0 : i32
    %dma_wait3A_60 = arith.constant 0 : i32
    %dma_wait3A_61 = tpu.memref_slice %arg4[%add3A, %dma_wait3A_58, %dma_wait3A_59, %dma_wait3A_60] : memref<32x125x1x80xi32, #tpu.memory_space<hbm>> -> memref<1x1x1x80xi32, #tpu.memory_space<hbm>>
    %dma_wait3A_62 = tpu.memref_squeeze %dma_wait3A_61 : memref<1x1x1x80xi32, #tpu.memory_space<hbm>> -> memref<80xi32, #tpu.memory_space<hbm>>
    %dma_wait3A_63 = arith.constant 0 : i32
    %dma_wait3A_64 = tpu.memref_slice %arg4[%add3A, %dma_wait3A_58, %dma_wait3A_59, %dma_wait3A_63] : memref<32x125x1x80xi32, #tpu.memory_space<hbm>> -> memref<1x1x1x80xi32, #tpu.memory_space<hbm>>
    %dma_wait3A_65 = tpu.memref_squeeze %dma_wait3A_64 : memref<1x1x1x80xi32, #tpu.memory_space<hbm>> -> memref<80xi32, #tpu.memory_space<hbm>>
    tpu.wait_dma2 semaphore(%arg14 : memref<!tpu.dma_semaphore, #tpu.memory_space<semaphore_mem>>) src(%dma_wait3A_65 : memref<80xi32, #tpu.memory_space<hbm>>) dst(%arg9 : memref<80xi32, #tpu.memory_space<vmem>>)
    %run_scoped3A = arith.constant 0 : i32
    "tpu.region"() ({
      %run_scoped3A_134 = tpu.sem_alloc : memref<!tpu.dma_semaphore, #tpu.memory_space<semaphore_mem>>
      %dma_start3A_135 = arith.constant 0 : i32
      %dma_start3A_136 = arith.constant 0 : i32
      %dma_start3A_137 = tpu.memref_slice %arg11[%run_scoped3A, %dma_start3A_135, %dma_start3A_136] : memref<2x80x128xf32, #tpu.memory_space<vmem>> -> memref<1x80x128xf32, #tpu.memory_space<vmem>>
      %dma_start3A_138 = tpu.memref_squeeze %dma_start3A_137 : memref<1x80x128xf32, #tpu.memory_space<vmem>> -> memref<80x128xf32, #tpu.memory_space<vmem>>
      %dma_start3A_139 = arith.constant 0 : i32
      %dma_start3A_140 = arith.constant 0 : i32
      %dma_start3A_141 = tpu.memref_slice %arg7[%dma_start3A_139, %dma_start3A_140] : memref<10000x128xf32, #tpu.memory_space<vmem_shared>> -> memref<10000x128xf32, #tpu.memory_space<vmem_shared>>
      tpu.enqueue_indirect_dma source(%dma_start3A_138 : memref<80x128xf32, #tpu.memory_space<vmem>>) target(%dma_start3A_141 : memref<10000x128xf32, #tpu.memory_space<vmem_shared>>) offsets(%arg9 : memref<80xi32, #tpu.memory_space<vmem>>) semaphore(%run_scoped3A_134 : memref<!tpu.dma_semaphore, #tpu.memory_space<semaphore_mem>>) {add = true}
      %dma_wait3A_142 = arith.constant 0 : i32
      %dma_wait3A_143 = arith.constant 0 : i32
      %dma_wait3A_144 = tpu.memref_slice %arg11[%run_scoped3A, %dma_wait3A_142, %dma_wait3A_143] : memref<2x80x128xf32, #tpu.memory_space<vmem>> -> memref<1x80x128xf32, #tpu.memory_space<vmem>>
      %dma_wait3A_145 = tpu.memref_squeeze %dma_wait3A_144 : memref<1x80x128xf32, #tpu.memory_space<vmem>> -> memref<80x128xf32, #tpu.memory_space<vmem>>
      %dma_wait3A_146 = arith.constant 0 : i32
      %dma_wait3A_147 = arith.constant 0 : i32
      %dma_wait3A_148 = tpu.memref_slice %arg7[%dma_wait3A_146, %dma_wait3A_147] : memref<10000x128xf32, #tpu.memory_space<vmem_shared>> -> memref<10000x128xf32, #tpu.memory_space<vmem_shared>>
      tpu.wait_indirect_dma semaphore(%run_scoped3A_134 : memref<!tpu.dma_semaphore, #tpu.memory_space<semaphore_mem>>) src(%dma_wait3A_145 : memref<80x128xf32, #tpu.memory_space<vmem>>) dst(%dma_wait3A_148 : memref<10000x128xf32, #tpu.memory_space<vmem_shared>>)
      tpu.yield
    }) : () -> ()
    %dma_start3A_66 = arith.constant 124 : i32
    %dma_start3A_67 = arith.constant 0 : i32
    %dma_start3A_68 = arith.constant 0 : i32
    %dma_start3A_69 = tpu.memref_slice %arg4[%add3A, %dma_start3A_66, %dma_start3A_67, %dma_start3A_68] : memref<32x125x1x80xi32, #tpu.memory_space<hbm>> -> memref<1x1x1x80xi32, #tpu.memory_space<hbm>>
    %dma_start3A_70 = tpu.memref_squeeze %dma_start3A_69 : memref<1x1x1x80xi32, #tpu.memory_space<hbm>> -> memref<80xi32, #tpu.memory_space<hbm>>
    %dma_start3A_71 = arith.constant 0 : i32
    %dma_start3A_72 = tpu.memref_slice %arg4[%add3A, %dma_start3A_66, %dma_start3A_67, %dma_start3A_71] : memref<32x125x1x80xi32, #tpu.memory_space<hbm>> -> memref<1x1x1x80xi32, #tpu.memory_space<hbm>>
    %dma_start3A_73 = tpu.memref_squeeze %dma_start3A_72 : memref<1x1x1x80xi32, #tpu.memory_space<hbm>> -> memref<80xi32, #tpu.memory_space<hbm>>
    tpu.enqueue_dma source(%dma_start3A_73 : memref<80xi32, #tpu.memory_space<hbm>>) target(%arg9 : memref<80xi32, #tpu.memory_space<vmem>>) target_semaphore(%arg14 : memref<!tpu.dma_semaphore, #tpu.memory_space<semaphore_mem>>)
    %dma_start3A_74 = arith.constant 124 : i32
    %dma_start3A_75 = arith.constant 0 : i32
    %dma_start3A_76 = arith.constant 0 : i32
    %dma_start3A_77 = arith.constant 0 : i32
    %dma_start3A_78 = tpu.memref_slice %arg11[%dma_start3A_75, %dma_start3A_76, %dma_start3A_77] : memref<2x80x128xf32, #tpu.memory_space<vmem>> -> memref<1x80x128xf32, #tpu.memory_space<vmem>>
    %dma_start3A_79 = tpu.memref_squeeze %dma_start3A_78 : memref<1x80x128xf32, #tpu.memory_space<vmem>> -> memref<80x128xf32, #tpu.memory_space<vmem>>
    %dma_start3A_80 = arith.constant 0 : i32
    %dma_start3A_81 = tpu.memref_slice %arg8[%dma_start3A_74, %dma_start3A_80] : memref<125x80xi32, #tpu.memory_space<vmem>> -> memref<1x80xi32, #tpu.memory_space<vmem>>
    %dma_start3A_82 = tpu.memref_squeeze %dma_start3A_81 : memref<1x80xi32, #tpu.memory_space<vmem>> -> memref<80xi32, #tpu.memory_space<vmem>>
    %dma_start3A_83 = arith.constant 0 : i32
    %dma_start3A_84 = arith.constant 0 : i32
    %dma_start3A_85 = tpu.memref_slice %arg2[%dma_start3A_83, %dma_start3A_84] : memref<10000x128xf32, #tpu.memory_space<hbm>> -> memref<10000x128xf32, #tpu.memory_space<hbm>>
    tpu.enqueue_indirect_dma source(%dma_start3A_85 : memref<10000x128xf32, #tpu.memory_space<hbm>>) target(%dma_start3A_79 : memref<80x128xf32, #tpu.memory_space<vmem>>) offsets(%dma_start3A_82 : memref<80xi32, #tpu.memory_space<vmem>>) semaphore(%arg12 : memref<!tpu.dma_semaphore, #tpu.memory_space<semaphore_mem>>)
    %dma_wait3A_86 = arith.constant 0 : i32
    %dma_wait3A_87 = arith.constant 1 : i32
    %dma_wait3A_88 = arith.constant 0 : i32
    %dma_wait3A_89 = arith.constant 0 : i32
    %dma_wait3A_90 = tpu.memref_slice %arg11[%dma_wait3A_87, %dma_wait3A_88, %dma_wait3A_89] : memref<2x80x128xf32, #tpu.memory_space<vmem>> -> memref<1x80x128xf32, #tpu.memory_space<vmem>>
    %dma_wait3A_91 = tpu.memref_squeeze %dma_wait3A_90 : memref<1x80x128xf32, #tpu.memory_space<vmem>> -> memref<80x128xf32, #tpu.memory_space<vmem>>
    %dma_wait3A_92 = arith.constant 0 : i32
    %dma_wait3A_93 = tpu.memref_slice %arg8[%dma_wait3A_86, %dma_wait3A_92] : memref<125x80xi32, #tpu.memory_space<vmem>> -> memref<1x80xi32, #tpu.memory_space<vmem>>
    %dma_wait3A_94 = tpu.memref_squeeze %dma_wait3A_93 : memref<1x80xi32, #tpu.memory_space<vmem>> -> memref<80xi32, #tpu.memory_space<vmem>>
    %dma_wait3A_95 = arith.constant 0 : i32
    %dma_wait3A_96 = arith.constant 0 : i32
    %dma_wait3A_97 = tpu.memref_slice %arg2[%dma_wait3A_95, %dma_wait3A_96] : memref<10000x128xf32, #tpu.memory_space<hbm>> -> memref<10000x128xf32, #tpu.memory_space<hbm>>
    tpu.wait_indirect_dma semaphore(%arg13 : memref<!tpu.dma_semaphore, #tpu.memory_space<semaphore_mem>>) src(%dma_wait3A_97 : memref<10000x128xf32, #tpu.memory_space<hbm>>) dst(%dma_wait3A_91 : memref<80x128xf32, #tpu.memory_space<vmem>>)
    %dma_wait3A_98 = arith.constant 0 : i32
    %dma_wait3A_99 = arith.constant 0 : i32
    %dma_wait3A_100 = arith.constant 0 : i32
    %dma_wait3A_101 = tpu.memref_slice %arg4[%add3A, %dma_wait3A_98, %dma_wait3A_99, %dma_wait3A_100] : memref<32x125x1x80xi32, #tpu.memory_space<hbm>> -> memref<1x1x1x80xi32, #tpu.memory_space<hbm>>
    %dma_wait3A_102 = tpu.memref_squeeze %dma_wait3A_101 : memref<1x1x1x80xi32, #tpu.memory_space<hbm>> -> memref<80xi32, #tpu.memory_space<hbm>>
    %dma_wait3A_103 = arith.constant 0 : i32
    %dma_wait3A_104 = tpu.memref_slice %arg4[%add3A, %dma_wait3A_98, %dma_wait3A_99, %dma_wait3A_103] : memref<32x125x1x80xi32, #tpu.memory_space<hbm>> -> memref<1x1x1x80xi32, #tpu.memory_space<hbm>>
    %dma_wait3A_105 = tpu.memref_squeeze %dma_wait3A_104 : memref<1x1x1x80xi32, #tpu.memory_space<hbm>> -> memref<80xi32, #tpu.memory_space<hbm>>
    tpu.wait_dma2 semaphore(%arg15 : memref<!tpu.dma_semaphore, #tpu.memory_space<semaphore_mem>>) src(%dma_wait3A_105 : memref<80xi32, #tpu.memory_space<hbm>>) dst(%arg10 : memref<80xi32, #tpu.memory_space<vmem>>)
    %run_scoped3A_106 = arith.constant 1 : i32
    "tpu.region"() ({
      %run_scoped3A_134 = tpu.sem_alloc : memref<!tpu.dma_semaphore, #tpu.memory_space<semaphore_mem>>
      %dma_start3A_135 = arith.constant 0 : i32
      %dma_start3A_136 = arith.constant 0 : i32
      %dma_start3A_137 = tpu.memref_slice %arg11[%run_scoped3A_106, %dma_start3A_135, %dma_start3A_136] : memref<2x80x128xf32, #tpu.memory_space<vmem>> -> memref<1x80x128xf32, #tpu.memory_space<vmem>>
      %dma_start3A_138 = tpu.memref_squeeze %dma_start3A_137 : memref<1x80x128xf32, #tpu.memory_space<vmem>> -> memref<80x128xf32, #tpu.memory_space<vmem>>
      %dma_start3A_139 = arith.constant 0 : i32
      %dma_start3A_140 = arith.constant 0 : i32
      %dma_start3A_141 = tpu.memref_slice %arg7[%dma_start3A_139, %dma_start3A_140] : memref<10000x128xf32, #tpu.memory_space<vmem_shared>> -> memref<10000x128xf32, #tpu.memory_space<vmem_shared>>
      tpu.enqueue_indirect_dma source(%dma_start3A_138 : memref<80x128xf32, #tpu.memory_space<vmem>>) target(%dma_start3A_141 : memref<10000x128xf32, #tpu.memory_space<vmem_shared>>) offsets(%arg10 : memref<80xi32, #tpu.memory_space<vmem>>) semaphore(%run_scoped3A_134 : memref<!tpu.dma_semaphore, #tpu.memory_space<semaphore_mem>>) {add = true}
      %dma_wait3A_142 = arith.constant 0 : i32
      %dma_wait3A_143 = arith.constant 0 : i32
      %dma_wait3A_144 = tpu.memref_slice %arg11[%run_scoped3A_106, %dma_wait3A_142, %dma_wait3A_143] : memref<2x80x128xf32, #tpu.memory_space<vmem>> -> memref<1x80x128xf32, #tpu.memory_space<vmem>>
      %dma_wait3A_145 = tpu.memref_squeeze %dma_wait3A_144 : memref<1x80x128xf32, #tpu.memory_space<vmem>> -> memref<80x128xf32, #tpu.memory_space<vmem>>
      %dma_wait3A_146 = arith.constant 0 : i32
      %dma_wait3A_147 = arith.constant 0 : i32
      %dma_wait3A_148 = tpu.memref_slice %arg7[%dma_wait3A_146, %dma_wait3A_147] : memref<10000x128xf32, #tpu.memory_space<vmem_shared>> -> memref<10000x128xf32, #tpu.memory_space<vmem_shared>>
      tpu.wait_indirect_dma semaphore(%run_scoped3A_134 : memref<!tpu.dma_semaphore, #tpu.memory_space<semaphore_mem>>) src(%dma_wait3A_145 : memref<80x128xf32, #tpu.memory_space<vmem>>) dst(%dma_wait3A_148 : memref<10000x128xf32, #tpu.memory_space<vmem_shared>>)
      tpu.yield
    }) : () -> ()
    %dma_wait3A_107 = arith.constant 0 : i32
    %dma_wait3A_108 = arith.constant 0 : i32
    %dma_wait3A_109 = arith.constant 0 : i32
    %dma_wait3A_110 = arith.constant 0 : i32
    %dma_wait3A_111 = tpu.memref_slice %arg11[%dma_wait3A_108, %dma_wait3A_109, %dma_wait3A_110] : memref<2x80x128xf32, #tpu.memory_space<vmem>> -> memref<1x80x128xf32, #tpu.memory_space<vmem>>
    %dma_wait3A_112 = tpu.memref_squeeze %dma_wait3A_111 : memref<1x80x128xf32, #tpu.memory_space<vmem>> -> memref<80x128xf32, #tpu.memory_space<vmem>>
    %dma_wait3A_113 = arith.constant 0 : i32
    %dma_wait3A_114 = tpu.memref_slice %arg8[%dma_wait3A_107, %dma_wait3A_113] : memref<125x80xi32, #tpu.memory_space<vmem>> -> memref<1x80xi32, #tpu.memory_space<vmem>>
    %dma_wait3A_115 = tpu.memref_squeeze %dma_wait3A_114 : memref<1x80xi32, #tpu.memory_space<vmem>> -> memref<80xi32, #tpu.memory_space<vmem>>
    %dma_wait3A_116 = arith.constant 0 : i32
    %dma_wait3A_117 = arith.constant 0 : i32
    %dma_wait3A_118 = tpu.memref_slice %arg2[%dma_wait3A_116, %dma_wait3A_117] : memref<10000x128xf32, #tpu.memory_space<hbm>> -> memref<10000x128xf32, #tpu.memory_space<hbm>>
    tpu.wait_indirect_dma semaphore(%arg12 : memref<!tpu.dma_semaphore, #tpu.memory_space<semaphore_mem>>) src(%dma_wait3A_118 : memref<10000x128xf32, #tpu.memory_space<hbm>>) dst(%dma_wait3A_112 : memref<80x128xf32, #tpu.memory_space<vmem>>)
    %dma_wait3A_119 = arith.constant 0 : i32
    %dma_wait3A_120 = arith.constant 0 : i32
    %dma_wait3A_121 = arith.constant 0 : i32
    %dma_wait3A_122 = tpu.memref_slice %arg4[%add3A, %dma_wait3A_119, %dma_wait3A_120, %dma_wait3A_121] : memref<32x125x1x80xi32, #tpu.memory_space<hbm>> -> memref<1x1x1x80xi32, #tpu.memory_space<hbm>>
    %dma_wait3A_123 = tpu.memref_squeeze %dma_wait3A_122 : memref<1x1x1x80xi32, #tpu.memory_space<hbm>> -> memref<80xi32, #tpu.memory_space<hbm>>
    %dma_wait3A_124 = arith.constant 0 : i32
    %dma_wait3A_125 = tpu.memref_slice %arg4[%add3A, %dma_wait3A_119, %dma_wait3A_120, %dma_wait3A_124] : memref<32x125x1x80xi32, #tpu.memory_space<hbm>> -> memref<1x1x1x80xi32, #tpu.memory_space<hbm>>
    %dma_wait3A_126 = tpu.memref_squeeze %dma_wait3A_125 : memref<1x1x1x80xi32, #tpu.memory_space<hbm>> -> memref<80xi32, #tpu.memory_space<hbm>>
    tpu.wait_dma2 semaphore(%arg14 : memref<!tpu.dma_semaphore, #tpu.memory_space<semaphore_mem>>) src(%dma_wait3A_126 : memref<80xi32, #tpu.memory_space<hbm>>) dst(%arg9 : memref<80xi32, #tpu.memory_space<vmem>>)
    %run_scoped3A_127 = arith.constant 0 : i32
    "tpu.region"() ({
      %run_scoped3A_134 = tpu.sem_alloc : memref<!tpu.dma_semaphore, #tpu.memory_space<semaphore_mem>>
      %dma_start3A_135 = arith.constant 0 : i32
      %dma_start3A_136 = arith.constant 0 : i32
      %dma_start3A_137 = tpu.memref_slice %arg11[%run_scoped3A_127, %dma_start3A_135, %dma_start3A_136] : memref<2x80x128xf32, #tpu.memory_space<vmem>> -> memref<1x80x128xf32, #tpu.memory_space<vmem>>
      %dma_start3A_138 = tpu.memref_squeeze %dma_start3A_137 : memref<1x80x128xf32, #tpu.memory_space<vmem>> -> memref<80x128xf32, #tpu.memory_space<vmem>>
      %dma_start3A_139 = arith.constant 0 : i32
      %dma_start3A_140 = arith.constant 0 : i32
      %dma_start3A_141 = tpu.memref_slice %arg7[%dma_start3A_139, %dma_start3A_140] : memref<10000x128xf32, #tpu.memory_space<vmem_shared>> -> memref<10000x128xf32, #tpu.memory_space<vmem_shared>>
      tpu.enqueue_indirect_dma source(%dma_start3A_138 : memref<80x128xf32, #tpu.memory_space<vmem>>) target(%dma_start3A_141 : memref<10000x128xf32, #tpu.memory_space<vmem_shared>>) offsets(%arg9 : memref<80xi32, #tpu.memory_space<vmem>>) semaphore(%run_scoped3A_134 : memref<!tpu.dma_semaphore, #tpu.memory_space<semaphore_mem>>) {add = true}
      %dma_wait3A_142 = arith.constant 0 : i32
      %dma_wait3A_143 = arith.constant 0 : i32
      %dma_wait3A_144 = tpu.memref_slice %arg11[%run_scoped3A_127, %dma_wait3A_142, %dma_wait3A_143] : memref<2x80x128xf32, #tpu.memory_space<vmem>> -> memref<1x80x128xf32, #tpu.memory_space<vmem>>
      %dma_wait3A_145 = tpu.memref_squeeze %dma_wait3A_144 : memref<1x80x128xf32, #tpu.memory_space<vmem>> -> memref<80x128xf32, #tpu.memory_space<vmem>>
      %dma_wait3A_146 = arith.constant 0 : i32
      %dma_wait3A_147 = arith.constant 0 : i32
      %dma_wait3A_148 = tpu.memref_slice %arg7[%dma_wait3A_146, %dma_wait3A_147] : memref<10000x128xf32, #tpu.memory_space<vmem_shared>> -> memref<10000x128xf32, #tpu.memory_space<vmem_shared>>
      tpu.wait_indirect_dma semaphore(%run_scoped3A_134 : memref<!tpu.dma_semaphore, #tpu.memory_space<semaphore_mem>>) src(%dma_wait3A_145 : memref<80x128xf32, #tpu.memory_space<vmem>>) dst(%dma_wait3A_148 : memref<10000x128xf32, #tpu.memory_space<vmem_shared>>)
      tpu.yield
    }) : () -> ()
    %barrier3A_128 = arith.constant 0 : index
    tpu.barrier barrier_id(%barrier3A_128)
    %mul3A_129 = arith.constant 625 : i32
    %mul3A_130 = arith.muli %arg1, %mul3A_129 : i32
    %mul3A_131 = arith.constant 16 : i32
    %mul3A_132 = arith.muli %arg0, %mul3A_131 : i32
    %add3A_133 = arith.addi %mul3A_132, %arg1 : i32
    "tpu.region"() ({
      %run_scoped3A_134 = tpu.sem_alloc : memref<!tpu.dma_semaphore, #tpu.memory_space<semaphore_mem>>
      %dma_start3A_135 = arith.constant 0 : i32
      %dma_start3A_136 = arith.constant 0 : i32
      %dma_start3A_137 = tpu.memref_slice %arg6[%add3A_133, %dma_start3A_135, %dma_start3A_136] : memref<32x625x128xf32, #tpu.memory_space<hbm>> -> memref<1x625x128xf32, #tpu.memory_space<hbm>>
      %dma_start3A_138 = tpu.memref_squeeze %dma_start3A_137 : memref<1x625x128xf32, #tpu.memory_space<hbm>> -> memref<625x128xf32, #tpu.memory_space<hbm>>
      %dma_start3A_139 = arith.constant 0 : i32
      %dma_start3A_140 = tpu.memref_slice %arg7[%mul3A_130, %dma_start3A_139] : memref<10000x128xf32, #tpu.memory_space<vmem_shared>> -> memref<625x128xf32, #tpu.memory_space<vmem_shared>>
      tpu.enqueue_dma source(%dma_start3A_140 : memref<625x128xf32, #tpu.memory_space<vmem_shared>>) target(%dma_start3A_138 : memref<625x128xf32, #tpu.memory_space<hbm>>) target_semaphore(%run_scoped3A_134 : memref<!tpu.dma_semaphore, #tpu.memory_space<semaphore_mem>>)
      %dma_wait3A_141 = arith.constant 0 : i32
      %dma_wait3A_142 = arith.constant 0 : i32
      %dma_wait3A_143 = tpu.memref_slice %arg6[%add3A_133, %dma_wait3A_141, %dma_wait3A_142] : memref<32x625x128xf32, #tpu.memory_space<hbm>> -> memref<1x625x128xf32, #tpu.memory_space<hbm>>
      %dma_wait3A_144 = tpu.memref_squeeze %dma_wait3A_143 : memref<1x625x128xf32, #tpu.memory_space<hbm>> -> memref<625x128xf32, #tpu.memory_space<hbm>>
      %dma_wait3A_145 = arith.constant 0 : i32
      %dma_wait3A_146 = tpu.memref_slice %arg7[%mul3A_130, %dma_wait3A_145] : memref<10000x128xf32, #tpu.memory_space<vmem_shared>> -> memref<625x128xf32, #tpu.memory_space<vmem_shared>>
      tpu.wait_dma2 semaphore(%run_scoped3A_134 : memref<!tpu.dma_semaphore, #tpu.memory_space<semaphore_mem>>) src(%dma_wait3A_146 : memref<625x128xf32, #tpu.memory_space<vmem_shared>>) dst(%dma_wait3A_144 : memref<625x128xf32, #tpu.memory_space<hbm>>)
      tpu.yield
    }) : () -> ()
    return
  }
}

module attributes {stable_mosaic.version = 14 : i64} {
  func.func @_tc_mm_body(%arg0: i32, %arg1: memref<2000x128xf32, #tpu.memory_space<vmem>>, %arg2: memref<128x128xf32, #tpu.memory_space<vmem>>, %arg3: memref<2000x128xf32, #tpu.memory_space<vmem>>) attributes {dimension_semantics = [#tpu.dimension_semantics<arbitrary>], iteration_bounds = array<i64: 5>, scalar_prefetch = 0 : i64, scratch_operands = 0 : i64, tpu.core_type = #tpu.core_type<tc>, window_params = [{transform_indices = @transform_0, window_bounds = array<i64: 2000, 128>}, {pipeline_mode = #tpu.pipeline_mode<synchronous>, transform_indices = @transform_1, window_bounds = array<i64: 128, 128>}, {transform_indices = @transform_2, window_bounds = array<i64: 2000, 128>}]} {
    %get3A = arith.constant 0 : index
    %get3A_0 = arith.constant 0 : index
    %get3A_1 = vector.load %arg1[%get3A, %get3A_0] : memref<2000x128xf32, #tpu.memory_space<vmem>>, vector<2000x128xf32>
    %get3A_2 = arith.constant 0 : index
    %get3A_3 = arith.constant 0 : index
    %get3A_4 = vector.load %arg2[%get3A_2, %get3A_3] : memref<128x128xf32, #tpu.memory_space<vmem>>, vector<128x128xf32>
    %dot_general3A = arith.constant dense<0.000000e+00> : vector<2000x128xf32>
    %dot_general3A_5 = tpu.matmul %get3A_1, %get3A_4, %dot_general3A {dimension_numbers = #tpu.dot_dimension_numbers<[1], [0], [0], [1], [0, 0, 1, 1], [], []>, transpose_lhs_hint = false} : vector<2000x128xf32>, vector<128x128xf32>, vector<2000x128xf32> -> vector<2000x128xf32>
    %swap3A = arith.constant 0 : index
    %swap3A_6 = arith.constant 0 : index
    %swap3A_7 = vector.load %arg3[%swap3A, %swap3A_6] : memref<2000x128xf32, #tpu.memory_space<vmem>>, vector<2000x128xf32>
    tpu.vector_store %arg3[%swap3A, %swap3A_6], %dot_general3A_5 {strides = array<i32>} : memref<2000x128xf32, #tpu.memory_space<vmem>>, vector<2000x128xf32>,
    return
  }
  func.func @transform_0(%arg0: i32) -> (i32, i32) {
    %c0_i32 = arith.constant 0 : i32
    %c0_i32_0 = arith.constant 0 : i32
    return %arg0, %c0_i32 : i32, i32
  }
  func.func @transform_1(%arg0: i32) -> (i32, i32) {
    %c0_i32 = arith.constant 0 : i32
    %c0_i32_0 = arith.constant 0 : i32
    %c0_i32_1 = arith.constant 0 : i32
    return %c0_i32, %c0_i32_0 : i32, i32
  }
  func.func @transform_2(%arg0: i32) -> (i32, i32) {
    %c0_i32 = arith.constant 0 : i32
    %c0_i32_0 = arith.constant 0 : i32
    return %arg0, %c0_i32 : i32, i32
  }
}

module attributes {stable_mosaic.version = 14 : i64} {
  func.func @_tc_pre_body(%arg0: i32, %arg1: memref<2x2000x128xf32, #tpu.memory_space<vmem>>, %arg2: memref<2000x128xf32, #tpu.memory_space<vmem>>, %arg3: memref<2000x128xf32, #tpu.memory_space<vmem>>, %arg4: memref<2000x1xf32, #tpu.memory_space<vmem>>) attributes {dimension_semantics = [#tpu.dimension_semantics<arbitrary>], iteration_bounds = array<i64: 5>, scalar_prefetch = 0 : i64, scratch_operands = 0 : i64, tpu.core_type = #tpu.core_type<tc>, window_params = [{transform_indices = @transform_0, window_bounds = array<i64: 2, 2000, 128>}, {transform_indices = @transform_1, window_bounds = array<i64: 2000, 128>}, {transform_indices = @transform_2, window_bounds = array<i64: 2000, 128>}, {transform_indices = @transform_3, window_bounds = array<i64: 2000, 1>}]} {
    %get3A = arith.constant 0 : index
    %get3A_0 = arith.constant 0 : index
    %get3A_1 = arith.constant 0 : index
    %get3A_2 = vector.load %arg1[%get3A, %get3A_0, %get3A_1] : memref<2x2000x128xf32, #tpu.memory_space<vmem>>, vector<1x2000x1xf32>
    %get3A_3 = vector.shape_cast %get3A_2 : vector<1x2000x1xf32> to vector<2000x1xf32>
    %get3A_4 = arith.constant 1 : index
    %get3A_5 = arith.constant 0 : index
    %get3A_6 = arith.constant 0 : index
    %get3A_7 = vector.load %arg1[%get3A_4, %get3A_5, %get3A_6] : memref<2x2000x128xf32, #tpu.memory_space<vmem>>, vector<1x2000x1xf32>
    %get3A_8 = vector.shape_cast %get3A_7 : vector<1x2000x1xf32> to vector<2000x1xf32>
    %add3A = arith.addf %get3A_3, %get3A_8 : vector<2000x1xf32>
    %add3A_9 = arith.constant 1.000000e+00 : f32
    %add3A_10 = vector.broadcast %add3A_9 : f32 to vector<2000x1xf32>
    %add3A_11 = arith.addf %add3A, %add3A_10 : vector<2000x1xf32>
    %rsqrt3A = math.rsqrt %add3A_11 : vector<2000x1xf32>
    %swap3A = arith.constant 0 : index
    %swap3A_12 = arith.constant 0 : index
    %swap3A_13 = vector.load %arg4[%swap3A, %swap3A_12] : memref<2000x1xf32, #tpu.memory_space<vmem>>, vector<2000x1xf32>
    tpu.vector_store %arg4[%swap3A, %swap3A_12], %rsqrt3A {strides = array<i32>} : memref<2000x1xf32, #tpu.memory_space<vmem>>, vector<2000x1xf32>,
    %get3A_14 = arith.constant 0 : index
    %get3A_15 = arith.constant 0 : index
    %get3A_16 = vector.load %arg2[%get3A_14, %get3A_15] : memref<2000x128xf32, #tpu.memory_space<vmem>>, vector<2000x128xf32>
    %mul3A = vector.broadcast %rsqrt3A : vector<2000x1xf32> to vector<2000x128xf32>
    %mul3A_17 = arith.mulf %mul3A, %get3A_16 : vector<2000x128xf32>
    %swap3A_18 = arith.constant 0 : index
    %swap3A_19 = arith.constant 0 : index
    %swap3A_20 = vector.load %arg3[%swap3A_18, %swap3A_19] : memref<2000x128xf32, #tpu.memory_space<vmem>>, vector<2000x128xf32>
    tpu.vector_store %arg3[%swap3A_18, %swap3A_19], %mul3A_17 {strides = array<i32>} : memref<2000x128xf32, #tpu.memory_space<vmem>>, vector<2000x128xf32>,
    return
  }
  func.func @transform_0(%arg0: i32) -> (i32, i32, i32) {
    %c0_i32 = arith.constant 0 : i32
    %c0_i32_0 = arith.constant 0 : i32
    %c0_i32_1 = arith.constant 0 : i32
    return %c0_i32, %arg0, %c0_i32_0 : i32, i32, i32
  }
  func.func @transform_1(%arg0: i32) -> (i32, i32) {
    %c0_i32 = arith.constant 0 : i32
    %c0_i32_0 = arith.constant 0 : i32
    return %arg0, %c0_i32 : i32, i32
  }
  func.func @transform_2(%arg0: i32) -> (i32, i32) {
    %c0_i32 = arith.constant 0 : i32
    %c0_i32_0 = arith.constant 0 : i32
    return %arg0, %c0_i32 : i32, i32
  }
  func.func @transform_3(%arg0: i32) -> (i32, i32) {
    %c0_i32 = arith.constant 0 : i32
    %c0_i32_0 = arith.constant 0 : i32
    return %arg0, %c0_i32 : i32, i32
  }
}

module attributes {stable_mosaic.version = 14 : i64} {
  func.func @_tc_mid_body(%arg0: i32, %arg1: memref<2x2000x128xf32, #tpu.memory_space<vmem>>, %arg2: memref<2000x128xf32, #tpu.memory_space<vmem>>, %arg3: memref<2000x1xf32, #tpu.memory_space<vmem>>, %arg4: memref<1x128xf32, #tpu.memory_space<vmem>>, %arg5: memref<128x128xf32, #tpu.memory_space<vmem>>, %arg6: memref<2000x128xf32, #tpu.memory_space<vmem>>) attributes {dimension_semantics = [#tpu.dimension_semantics<arbitrary>], iteration_bounds = array<i64: 5>, scalar_prefetch = 0 : i64, scratch_operands = 0 : i64, tpu.core_type = #tpu.core_type<tc>, window_params = [{transform_indices = @transform_0, window_bounds = array<i64: 2, 2000, 128>}, {transform_indices = @transform_1, window_bounds = array<i64: 2000, 128>}, {transform_indices = @transform_2, window_bounds = array<i64: 2000, 1>}, {pipeline_mode = #tpu.pipeline_mode<synchronous>, transform_indices = @transform_3, window_bounds = array<i64: 1, 128>}, {pipeline_mode = #tpu.pipeline_mode<synchronous>, transform_indices = @transform_4, window_bounds = array<i64: 128, 128>}, {transform_indices = @transform_5, window_bounds = array<i64: 2000, 128>}]} {
    %get3A = arith.constant 0 : index
    %get3A_0 = arith.constant 0 : index
    %get3A_1 = arith.constant 0 : index
    %get3A_2 = vector.load %arg1[%get3A, %get3A_0, %get3A_1] : memref<2x2000x128xf32, #tpu.memory_space<vmem>>, vector<1x2000x128xf32>
    %get3A_3 = vector.shape_cast %get3A_2 : vector<1x2000x128xf32> to vector<2000x128xf32>
    %get3A_4 = arith.constant 1 : index
    %get3A_5 = arith.constant 0 : index
    %get3A_6 = arith.constant 0 : index
    %get3A_7 = vector.load %arg1[%get3A_4, %get3A_5, %get3A_6] : memref<2x2000x128xf32, #tpu.memory_space<vmem>>, vector<1x2000x128xf32>
    %get3A_8 = vector.shape_cast %get3A_7 : vector<1x2000x128xf32> to vector<2000x128xf32>
    %add3A = arith.addf %get3A_3, %get3A_8 : vector<2000x128xf32>
    %get3A_9 = arith.constant 0 : index
    %get3A_10 = arith.constant 0 : index
    %get3A_11 = vector.load %arg2[%get3A_9, %get3A_10] : memref<2000x128xf32, #tpu.memory_space<vmem>>, vector<2000x128xf32>
    %add3A_12 = arith.addf %add3A, %get3A_11 : vector<2000x128xf32>
    %get3A_13 = arith.constant 0 : index
    %get3A_14 = arith.constant 0 : index
    %get3A_15 = vector.load %arg3[%get3A_13, %get3A_14] : memref<2000x1xf32, #tpu.memory_space<vmem>>, vector<2000x1xf32>
    %mul3A = vector.broadcast %get3A_15 : vector<2000x1xf32> to vector<2000x128xf32>
    %mul3A_16 = arith.mulf %mul3A, %add3A_12 : vector<2000x128xf32>
    %get3A_17 = arith.constant 0 : index
    %get3A_18 = arith.constant 0 : index
    %get3A_19 = vector.load %arg4[%get3A_17, %get3A_18] : memref<1x128xf32, #tpu.memory_space<vmem>>, vector<1x128xf32>
    %add3A_20 = vector.broadcast %get3A_19 : vector<1x128xf32> to vector<2000x128xf32>
    %add3A_21 = arith.addf %mul3A_16, %add3A_20 : vector<2000x128xf32>
    %max3A = arith.constant 0.000000e+00 : f32
    %max3A_22 = vector.broadcast %max3A : f32 to vector<2000x128xf32>
    %max3A_23 = arith.maximumf %add3A_21, %max3A_22 : vector<2000x128xf32>
    %get3A_24 = arith.constant 0 : index
    %get3A_25 = arith.constant 0 : index
    %get3A_26 = vector.load %arg3[%get3A_24, %get3A_25] : memref<2000x1xf32, #tpu.memory_space<vmem>>, vector<2000x1xf32>
    %get3A_27 = arith.constant 0 : index
    %get3A_28 = arith.constant 0 : index
    %get3A_29 = vector.load %arg5[%get3A_27, %get3A_28] : memref<128x128xf32, #tpu.memory_space<vmem>>, vector<128x128xf32>
    %dot_general3A = arith.constant dense<0.000000e+00> : vector<2000x128xf32>
    %dot_general3A_30 = tpu.matmul %max3A_23, %get3A_29, %dot_general3A {dimension_numbers = #tpu.dot_dimension_numbers<[1], [0], [0], [1], [0, 0, 1, 1], [], []>, transpose_lhs_hint = false} : vector<2000x128xf32>, vector<128x128xf32>, vector<2000x128xf32> -> vector<2000x128xf32>
    %mul3A_31 = vector.broadcast %get3A_26 : vector<2000x1xf32> to vector<2000x128xf32>
    %mul3A_32 = arith.mulf %mul3A_31, %dot_general3A_30 : vector<2000x128xf32>
    %swap3A = arith.constant 0 : index
    %swap3A_33 = arith.constant 0 : index
    %swap3A_34 = vector.load %arg6[%swap3A, %swap3A_33] : memref<2000x128xf32, #tpu.memory_space<vmem>>, vector<2000x128xf32>
    tpu.vector_store %arg6[%swap3A, %swap3A_33], %mul3A_32 {strides = array<i32>} : memref<2000x128xf32, #tpu.memory_space<vmem>>, vector<2000x128xf32>,
    return
  }
  func.func @transform_0(%arg0: i32) -> (i32, i32, i32) {
    %c0_i32 = arith.constant 0 : i32
    %c0_i32_0 = arith.constant 0 : i32
    %c0_i32_1 = arith.constant 0 : i32
    return %c0_i32, %arg0, %c0_i32_0 : i32, i32, i32
  }
  func.func @transform_1(%arg0: i32) -> (i32, i32) {
    %c0_i32 = arith.constant 0 : i32
    %c0_i32_0 = arith.constant 0 : i32
    return %arg0, %c0_i32 : i32, i32
  }
  func.func @transform_2(%arg0: i32) -> (i32, i32) {
    %c0_i32 = arith.constant 0 : i32
    %c0_i32_0 = arith.constant 0 : i32
    return %arg0, %c0_i32 : i32, i32
  }
  func.func @transform_3(%arg0: i32) -> (i32, i32) {
    %c0_i32 = arith.constant 0 : i32
    %c0_i32_0 = arith.constant 0 : i32
    %c0_i32_1 = arith.constant 0 : i32
    return %c0_i32, %c0_i32_0 : i32, i32
  }
  func.func @transform_4(%arg0: i32) -> (i32, i32) {
    %c0_i32 = arith.constant 0 : i32
    %c0_i32_0 = arith.constant 0 : i32
    %c0_i32_1 = arith.constant 0 : i32
    return %c0_i32, %c0_i32_0 : i32, i32
  }
  func.func @transform_5(%arg0: i32) -> (i32, i32) {
    %c0_i32 = arith.constant 0 : i32
    %c0_i32_0 = arith.constant 0 : i32
    return %arg0, %c0_i32 : i32, i32
  }
}

module attributes {stable_mosaic.version = 14 : i64} {
  func.func @_tc_fin_body(%arg0: i32, %arg1: memref<2x2000x128xf32, #tpu.memory_space<vmem>>, %arg2: memref<2000x128xf32, #tpu.memory_space<vmem>>, %arg3: memref<2000x1xf32, #tpu.memory_space<vmem>>, %arg4: memref<1x128xf32, #tpu.memory_space<vmem>>, %arg5: memref<2000x1xi32, #tpu.memory_space<vmem>>, %arg6: memref<128x1xf32, #tpu.memory_space<vmem>>, %arg7: memref<1x1xf32, #tpu.memory_space<vmem>>, %arg8: memref<64x1xf32, #tpu.memory_space<vmem>>, %arg9: memref<64x128xf32, #tpu.memory_space<vmem>>, %arg10: memref<64x128xf32, #tpu.memory_space<vmem>>) attributes {dimension_semantics = [#tpu.dimension_semantics<arbitrary>], iteration_bounds = array<i64: 5>, scalar_prefetch = 0 : i64, scratch_operands = 2 : i64, tpu.core_type = #tpu.core_type<tc>, window_params = [{transform_indices = @transform_0, window_bounds = array<i64: 2, 2000, 128>}, {transform_indices = @transform_1, window_bounds = array<i64: 2000, 128>}, {transform_indices = @transform_2, window_bounds = array<i64: 2000, 1>}, {pipeline_mode = #tpu.pipeline_mode<synchronous>, transform_indices = @transform_3, window_bounds = array<i64: 1, 128>}, {transform_indices = @transform_4, window_bounds = array<i64: 2000, 1>}, {pipeline_mode = #tpu.pipeline_mode<synchronous>, transform_indices = @transform_5, window_bounds = array<i64: 128, 1>}, {pipeline_mode = #tpu.pipeline_mode<synchronous>, transform_indices = @transform_6, window_bounds = array<i64: 1, 1>}, {pipeline_mode = #tpu.pipeline_mode<synchronous>, transform_indices = @transform_7, window_bounds = array<i64: 64, 1>}]} {
    %eq3A = arith.constant 0 : i32
    %eq3A_0 = arith.cmpi eq, %arg0, %eq3A : i32
    %convert_element_type3A = arith.extui %eq3A_0 : i1 to i32
    %cond3A = arith.constant 0 : i32
    %cond3A_1 = arith.cmpi ne, %convert_element_type3A, %cond3A : i32
    scf.if %cond3A_1 {
      %broadcast_in_dim3A_54 = arith.constant 0.000000e+00 : f32
      %broadcast_in_dim3A_55 = vector.broadcast %broadcast_in_dim3A_54 : f32 to vector<64x128xf32>
      %swap3A_56 = arith.constant 0 : index
      %swap3A_57 = arith.constant 0 : index
      %swap3A_58 = vector.load %arg9[%swap3A_56, %swap3A_57] : memref<64x128xf32, #tpu.memory_space<vmem>>, vector<64x128xf32>
      tpu.vector_store %arg9[%swap3A_56, %swap3A_57], %broadcast_in_dim3A_55 {strides = array<i32>} : memref<64x128xf32, #tpu.memory_space<vmem>>, vector<64x128xf32>,
      %broadcast_in_dim3A_59 = arith.constant 0.000000e+00 : f32
      %broadcast_in_dim3A_60 = vector.broadcast %broadcast_in_dim3A_59 : f32 to vector<64x128xf32>
      %swap3A_61 = arith.constant 0 : index
      %swap3A_62 = arith.constant 0 : index
      %swap3A_63 = vector.load %arg10[%swap3A_61, %swap3A_62] : memref<64x128xf32, #tpu.memory_space<vmem>>, vector<64x128xf32>
      tpu.vector_store %arg10[%swap3A_61, %swap3A_62], %broadcast_in_dim3A_60 {strides = array<i32>} : memref<64x128xf32, #tpu.memory_space<vmem>>, vector<64x128xf32>,
    } else {
    }
    %get3A = arith.constant 0 : index
    %get3A_2 = arith.constant 0 : index
    %get3A_3 = arith.constant 0 : index
    %get3A_4 = vector.load %arg1[%get3A, %get3A_2, %get3A_3] : memref<2x2000x128xf32, #tpu.memory_space<vmem>>, vector<1x2000x128xf32>
    %get3A_5 = vector.shape_cast %get3A_4 : vector<1x2000x128xf32> to vector<2000x128xf32>
    %get3A_6 = arith.constant 1 : index
    %get3A_7 = arith.constant 0 : index
    %get3A_8 = arith.constant 0 : index
    %get3A_9 = vector.load %arg1[%get3A_6, %get3A_7, %get3A_8] : memref<2x2000x128xf32, #tpu.memory_space<vmem>>, vector<1x2000x128xf32>
    %get3A_10 = vector.shape_cast %get3A_9 : vector<1x2000x128xf32> to vector<2000x128xf32>
    %add3A = arith.addf %get3A_5, %get3A_10 : vector<2000x128xf32>
    %get3A_11 = arith.constant 0 : index
    %get3A_12 = arith.constant 0 : index
    %get3A_13 = vector.load %arg2[%get3A_11, %get3A_12] : memref<2000x128xf32, #tpu.memory_space<vmem>>, vector<2000x128xf32>
    %add3A_14 = arith.addf %add3A, %get3A_13 : vector<2000x128xf32>
    %get3A_15 = arith.constant 0 : index
    %get3A_16 = arith.constant 0 : index
    %get3A_17 = vector.load %arg3[%get3A_15, %get3A_16] : memref<2000x1xf32, #tpu.memory_space<vmem>>, vector<2000x1xf32>
    %mul3A = vector.broadcast %get3A_17 : vector<2000x1xf32> to vector<2000x128xf32>
    %mul3A_18 = arith.mulf %mul3A, %add3A_14 : vector<2000x128xf32>
    %get3A_19 = arith.constant 0 : index
    %get3A_20 = arith.constant 0 : index
    %get3A_21 = vector.load %arg4[%get3A_19, %get3A_20] : memref<1x128xf32, #tpu.memory_space<vmem>>, vector<1x128xf32>
    %add3A_22 = vector.broadcast %get3A_21 : vector<1x128xf32> to vector<2000x128xf32>
    %add3A_23 = arith.addf %mul3A_18, %add3A_22 : vector<2000x128xf32>
    %get3A_24 = arith.constant 0 : index
    %get3A_25 = arith.constant 0 : index
    %get3A_26 = vector.load %arg5[%get3A_24, %get3A_25] : memref<2000x1xi32, #tpu.memory_space<vmem>>, vector<2000x1xi32>
    %iota3A = tpu.iota {dimensions = array<i32: 1>} : vector<1x64xi32>
    %eq3A_27 = vector.broadcast %get3A_26 : vector<2000x1xi32> to vector<2000x64xi32>
    %eq3A_28 = vector.broadcast %iota3A : vector<1x64xi32> to vector<2000x64xi32>
    %eq3A_29 = arith.cmpi eq, %eq3A_27, %eq3A_28 : vector<2000x64xi32>
    %convert_element_type3A_30 = arith.extui %eq3A_29 : vector<2000x64xi1> to vector<2000x64xi32>
    %convert_element_type3A_31 = arith.sitofp %convert_element_type3A_30 : vector<2000x64xi32> to vector<2000x64xf32>
    %get3A_32 = arith.constant 0 : index
    %get3A_33 = arith.constant 0 : index
    %get3A_34 = vector.load %arg9[%get3A_32, %get3A_33] : memref<64x128xf32, #tpu.memory_space<vmem>>, vector<64x128xf32>
    %dot_general3A = arith.constant dense<0.000000e+00> : vector<64x128xf32>
    %dot_general3A_35 = tpu.matmul %convert_element_type3A_31, %add3A_23, %dot_general3A {dimension_numbers = #tpu.dot_dimension_numbers<[0], [0], [1], [1], [0, 1, 1, 1], [], []>, transpose_lhs_hint = false} : vector<2000x64xf32>, vector<2000x128xf32>, vector<64x128xf32> -> vector<64x128xf32>
    %add3A_36 = arith.addf %get3A_34, %dot_general3A_35 : vector<64x128xf32>
    %swap3A = arith.constant 0 : index
    %swap3A_37 = arith.constant 0 : index
    %swap3A_38 = vector.load %arg9[%swap3A, %swap3A_37] : memref<64x128xf32, #tpu.memory_space<vmem>>, vector<64x128xf32>
    tpu.vector_store %arg9[%swap3A, %swap3A_37], %add3A_36 {strides = array<i32>} : memref<64x128xf32, #tpu.memory_space<vmem>>, vector<64x128xf32>,
    %get3A_39 = arith.constant 0 : index
    %get3A_40 = arith.constant 0 : index
    %get3A_41 = vector.load %arg10[%get3A_39, %get3A_40] : memref<64x128xf32, #tpu.memory_space<vmem>>, vector<64x128xf32>
    %broadcast_in_dim3A = arith.constant 1.000000e+00 : f32
    %broadcast_in_dim3A_42 = vector.broadcast %broadcast_in_dim3A : f32 to vector<2000x128xf32>
    %dot_general3A_43 = arith.constant dense<0.000000e+00> : vector<64x128xf32>
    %dot_general3A_44 = tpu.matmul %convert_element_type3A_31, %broadcast_in_dim3A_42, %dot_general3A_43 {dimension_numbers = #tpu.dot_dimension_numbers<[0], [0], [1], [1], [0, 1, 1, 1], [], []>, transpose_lhs_hint = false} : vector<2000x64xf32>, vector<2000x128xf32>, vector<64x128xf32> -> vector<64x128xf32>
    %add3A_45 = arith.addf %get3A_41, %dot_general3A_44 : vector<64x128xf32>
    %swap3A_46 = arith.constant 0 : index
    %swap3A_47 = arith.constant 0 : index
    %swap3A_48 = vector.load %arg10[%swap3A_46, %swap3A_47] : memref<64x128xf32, #tpu.memory_space<vmem>>, vector<64x128xf32>
    tpu.vector_store %arg10[%swap3A_46, %swap3A_47], %add3A_45 {strides = array<i32>} : memref<64x128xf32, #tpu.memory_space<vmem>>, vector<64x128xf32>,
    %eq3A_49 = arith.constant 4 : i32
    %eq3A_50 = arith.cmpi eq, %arg0, %eq3A_49 : i32
    %convert_element_type3A_51 = arith.extui %eq3A_50 : i1 to i32
    %cond3A_52 = arith.constant 0 : i32
    %cond3A_53 = arith.cmpi ne, %convert_element_type3A_51, %cond3A_52 : i32
    scf.if %cond3A_53 {
      %get3A_54 = arith.constant 0 : index
      %get3A_55 = arith.constant 0 : index
      %get3A_56 = vector.load %arg9[%get3A_54, %get3A_55] : memref<64x128xf32, #tpu.memory_space<vmem>>, vector<64x128xf32>
      %get3A_57 = arith.constant 0 : index
      %get3A_58 = arith.constant 0 : index
      %get3A_59 = vector.load %arg10[%get3A_57, %get3A_58] : memref<64x128xf32, #tpu.memory_space<vmem>>, vector<64x128xf32>
      %max3A = arith.constant 1.000000e+00 : f32
      %max3A_60 = vector.broadcast %max3A : f32 to vector<64x128xf32>
      %max3A_61 = arith.maximumf %get3A_59, %max3A_60 : vector<64x128xf32>
      %div3A = arith.divf %get3A_56, %max3A_61 : vector<64x128xf32>
      %get3A_62 = arith.constant 0 : index
      %get3A_63 = arith.constant 0 : index
      %get3A_64 = vector.load %arg6[%get3A_62, %get3A_63] : memref<128x1xf32, #tpu.memory_space<vmem>>, vector<128x1xf32>
      %dot_general3A_65 = arith.constant dense<0.000000e+00> : vector<64x1xf32>
      %dot_general3A_66 = tpu.matmul %div3A, %get3A_64, %dot_general3A_65 {dimension_numbers = #tpu.dot_dimension_numbers<[1], [0], [0], [1], [0, 0, 1, 1], [], []>, transpose_lhs_hint = false} : vector<64x128xf32>, vector<128x1xf32>, vector<64x1xf32> -> vector<64x1xf32>
      %get3A_67 = arith.constant 0 : index
      %get3A_68 = arith.constant 0 : index
      %get3A_69 = vector.load %arg7[%get3A_67, %get3A_68] : memref<1x1xf32, #tpu.memory_space<vmem>>, vector<1x1xf32>
      %add3A_70 = vector.broadcast %get3A_69 : vector<1x1xf32> to vector<64x1xf32>
      %add3A_71 = arith.addf %dot_general3A_66, %add3A_70 : vector<64x1xf32>
      %swap3A_72 = arith.constant 0 : index
      %swap3A_73 = arith.constant 0 : index
      %swap3A_74 = vector.load %arg8[%swap3A_72, %swap3A_73] : memref<64x1xf32, #tpu.memory_space<vmem>>, vector<64x1xf32>
      tpu.vector_store %arg8[%swap3A_72, %swap3A_73], %add3A_71 {strides = array<i32>} : memref<64x1xf32, #tpu.memory_space<vmem>>, vector<64x1xf32>,
    } else {
    }
    return
  }
  func.func @transform_0(%arg0: i32) -> (i32, i32, i32) {
    %c0_i32 = arith.constant 0 : i32
    %c0_i32_0 = arith.constant 0 : i32
    %c0_i32_1 = arith.constant 0 : i32
    return %c0_i32, %arg0, %c0_i32_0 : i32, i32, i32
  }
  func.func @transform_1(%arg0: i32) -> (i32, i32) {
    %c0_i32 = arith.constant 0 : i32
    %c0_i32_0 = arith.constant 0 : i32
    return %arg0, %c0_i32 : i32, i32
  }
  func.func @transform_2(%arg0: i32) -> (i32, i32) {
    %c0_i32 = arith.constant 0 : i32
    %c0_i32_0 = arith.constant 0 : i32
    return %arg0, %c0_i32 : i32, i32
  }
  func.func @transform_3(%arg0: i32) -> (i32, i32) {
    %c0_i32 = arith.constant 0 : i32
    %c0_i32_0 = arith.constant 0 : i32
    %c0_i32_1 = arith.constant 0 : i32
    return %c0_i32, %c0_i32_0 : i32, i32
  }
  func.func @transform_4(%arg0: i32) -> (i32, i32) {
    %c0_i32 = arith.constant 0 : i32
    %c0_i32_0 = arith.constant 0 : i32
    return %arg0, %c0_i32 : i32, i32
  }
  func.func @transform_5(%arg0: i32) -> (i32, i32) {
    %c0_i32 = arith.constant 0 : i32
    %c0_i32_0 = arith.constant 0 : i32
    %c0_i32_1 = arith.constant 0 : i32
    return %c0_i32, %c0_i32_0 : i32, i32
  }
  func.func @transform_6(%arg0: i32) -> (i32, i32) {
    %c0_i32 = arith.constant 0 : i32
    %c0_i32_0 = arith.constant 0 : i32
    %c0_i32_1 = arith.constant 0 : i32
    return %c0_i32, %c0_i32_0 : i32, i32
  }
  func.func @transform_7(%arg0: i32) -> (i32, i32) {
    %c0_i32 = arith.constant 0 : i32
    %c0_i32_0 = arith.constant 0 : i32
    %c0_i32_1 = arith.constant 0 : i32
    return %c0_i32, %c0_i32_0 : i32, i32
  }
}

</mosaic_0001>

<sc_bundles>
// kernel: kernel.13.cloned.1.call-start
scs
__scs_entry_jumppad:
0x0: {  	(pc) =	sbr.rel $0x88, $3  }
0x1: {  	(tag) =	ssettag $0x0;
	lr =	simm.s32 $0x1  }
0x2: {  	[smem:$0x3F94] =	sst lr;
	_ =	strace $0xD0000000  }
0x3: {  	_ = 	snop  }
0x4: {  	_ = 	snop  }
0x5: {  	_ = 	snop  }
0x6: {  	_ = 	snop  }
0x7: {  	_ = 	snop  }
__scs_overlays_trampoline_lowered:
0x8: {  	[smem:$0x3FA3] =	sst s0  }
0x9: {  	[smem:$0x3FA4] =	sst s1  }
0xa: {  	[smem:$0x3FA5] =	sst s2  }
0xb: {  	[smem:$0x3FA6] =	sst s3  }
0xc: {  	[smem:$0x3FA7] =	sst s4  }
0xd: {  	[smem:$0x3FA8] =	sst s5  }
0xe: {  	[smem:$0x3FA9] =	sst s6  }
0xf: {  	[smem:$0x3FAA] =	sst s7  }
0x10: {  	[smem:$0x3FAB] =	sst s8  }
0x11: {  	[smem:$0x3FAC] =	sst s9;
	s0 =	simm.s32 @!p0 $0x0  }
0x12: {  	s1 =	sld [smem:$0x3F92];
	s0 =	simm.s32 @p0 $0x1  }
0x13: {  	[smem:$0x3FAD] =	sst s0;
	s0 =	simm.s32 @!p1 $0x0  }
0x14: {  	s2 =	sld [smem:$0x3F91];
	s0 =	simm.s32 @p1 $0x1  }
0x15: {  	[smem:$0x3FAE] =	sst s0;
	s0 =	simm.s32 @!p2 $0x0  }
0x16: {  	s3 =	sld [smem:$0x3FDB];
	s0 =	simm.s32 @p2 $0x1  }
0x17: {  	s4 =	simm.s32 $0x1BF5;
	[smem:$0x3FB0] =	sst s0  }
0x18: {  	s0 =	sld [smem:$0x3F93];
	_ =	swait.ge [sflag:s4], $0x0  }
0x19: {  	s7 =	sld [smem:$0x3F94]  }
0x1a: {  	s8 =	sadd.s32 $0xFFFFE003, lr  }
0x1b: {  	s9 =	sadd.s32 $0xFFFFFEF7, lr;
	s5 =	simm.s32 $0xFFFFFFFF;
	p2 =	slt.u32 s8, $0xFFFFF086  }
0x1c: {  	p1 =	slt.u32 s9, $0xF7A;
	s5 =	simm.s32 @!p2 $0x0  }
0x1d: {  	s5 =	simm.s32 @p1 $0x1;
	p0 =	seq.s32 s7, s2  }
0x1e: {  	s7 =	smul.u32 @!p0 $0xF7A, s2;
	p2 =	seq.s32 @!p0 s5, $0x0  }
0x1f: {  	s9 =	smul.u32 $0xF7A, s1;
	s8 =	simm.s32 @!p0 $0x1BF5;
	p2 =	por !p2, p0  }
0x20: {  	[sflag:s8] =	ssyncset.s32 @!p0 $0xFFFFF086;
	s6 =	sadd.s32 @!p0 s3, s7;
	s7 =	simm.s32 @!p0 $0x108  }
0x21: {  	s3 =	sadd.s32 s3, s9;
	s6 =	sadd.s32 @!p0 $0x88, s6;
	s7 =	simm.s32 @p2 $0x1082  }
0x22: {  	[simem:s7], [sflag:s8] =	dma.local @!p0 [hbm:s6], $0xF7A  }
0x23: {  	s9 =	sor.u32 $0xD0000000, s2;
	s6 =	simm.s32 $0x108;
	_ =	swait.ge @!p0 [sflag:s8], $0x0  }
0x24: {  	s3 =	sadd.s32 $0x88, s3;
	s6 =	simm.s32 @!p1 $0x1082;
	[sflag:s4] =	ssyncset.s32 $0xFFFFF086  }
0x25: {  	[simem:s6], [sflag:s4] =	dma.local [hbm:s3], $0xF7A  }
0x26: {  	[smem:$0x3F94] =	sst s1;
	(tag) =	ssettag s2;
	_ =	strace s9  }
0x27: {  	s1 =	sld [smem:$0x3FA4]  }
0x28: {  	s2 =	sld [smem:$0x3FA5]  }
0x29: {  	s4 =	sld [smem:$0x3FA7]  }
0x2a: {  	p0 =	seq.s32 s5, $0x0;
	s5 =	sld [smem:$0x3FA8]  }
0x2b: {  	s6 =	sld [smem:$0x3FA9]  }
0x2c: {  	s7 =	sld [smem:$0x3FAA]  }
0x2d: {  	s3 =	simm.s32 $0x108;
	s8 =	sld [smem:$0x3FAB]  }
0x2e: {  	s3 =	simm.s32 @!p0 $0x1082;
	s9 =	sld [smem:$0x3FAC]  }
0x2f: {  	lr =	sadd.s32 s0, s3;
	s0 =	sld [smem:$0x3FA3]  }
0x30: {  	s3 =	sld [smem:$0x3FA6]  }
0x31: {  	[smem:$0x3FAF] =	sst s10  }
0x32: {  	s10 =	sld [smem:$0x3FAD];
	_ =	sdelay $0x3  }
0x33: {  	p0 =	seq.s32 s10, $0x1;
	s10 =	sld [smem:$0x3FAF];
	_ =	sdelay $0x3  }
0x34: {  	[smem:$0x3FAF] =	sst s10  }
0x35: {  	s10 =	sld [smem:$0x3FAE];
	_ =	sdelay $0x3  }
0x36: {  	p1 =	seq.s32 s10, $0x1;
	s10 =	sld [smem:$0x3FAF];
	_ =	sdelay $0x3  }
0x37: {  	[smem:$0x3FAF] =	sst s10  }
0x38: {  	s10 =	sld [smem:$0x3FB0]  }
0x39: {  	_ = 	snop;
	(pc) =	sbr.ind lr, $3  }
0x3a: {  	_ = 	snop  }
0x3b: {  	_ = 	snop  }
0x3c: {  	p2 =	seq.s32 s10, $0x1;
	s10 =	sld [smem:$0x3FAF]  }
0x3d: {  	_ =	shalt  }
0x3e: {  	_ =	shalt  }
0x3f: {  	_ =	shalt  }
0x40: {  	_ =	shalt  }
0x41: {  	_ =	shalt  }
0x42: {  	_ =	shalt  }
0x43: {  	_ =	shalt  }
0x44: {  	_ =	shalt  }
0x45: {  	_ =	shalt  }
0x46: {  	_ =	shalt  }
0x47: {  	_ =	shalt  }
0x48: {  	_ =	shalt  }
0x49: {  	_ =	shalt  }
0x4a: {  	_ =	shalt  }
0x4b: {  	_ =	shalt  }
0x4c: {  	_ =	shalt  }
0x4d: {  	_ =	shalt  }
0x4e: {  	_ =	shalt  }
0x4f: {  	_ =	shalt  }
0x50: {  	_ =	shalt  }
0x51: {  	_ =	shalt  }
0x52: {  	_ =	shalt  }
0x53: {  	_ =	shalt  }
0x54: {  	_ =	shalt  }
0x55: {  	_ =	shalt  }
0x56: {  	_ =	shalt  }
0x57: {  	_ =	shalt  }
0x58: {  	_ =	shalt  }
0x59: {  	_ =	shalt  }
0x5a: {  	_ =	shalt  }
0x5b: {  	_ =	shalt  }
0x5c: {  	_ =	shalt  }
0x5d: {  	_ =	shalt  }
0x5e: {  	_ =	shalt  }
0x5f: {  	_ =	shalt  }
0x60: {  	_ =	shalt  }
0x61: {  	_ =	shalt  }
0x62: {  	_ =	shalt  }
0x63: {  	_ =	shalt  }
0x64: {  	_ =	shalt  }
0x65: {  	_ =	shalt  }
0x66: {  	_ =	shalt  }
0x67: {  	_ =	shalt  }
0x68: {  	_ =	shalt  }
0x69: {  	_ =	shalt  }
0x6a: {  	_ =	shalt  }
0x6b: {  	_ =	shalt  }
0x6c: {  	_ =	shalt  }
0x6d: {  	_ =	shalt  }
0x6e: {  	_ =	shalt  }
0x6f: {  	_ =	shalt  }
0x70: {  	_ =	shalt  }
0x71: {  	_ =	shalt  }
0x72: {  	_ =	shalt  }
0x73: {  	_ =	shalt  }
0x74: {  	_ =	shalt  }
0x75: {  	_ =	shalt  }
0x76: {  	_ =	shalt  }
0x77: {  	_ =	shalt  }
0x78: {  	_ =	shalt  }
0x79: {  	_ =	shalt  }
0x7a: {  	_ =	shalt  }
0x7b: {  	_ =	shalt  }
0x7c: {  	_ =	shalt  }
0x7d: {  	_ =	shalt  }
0x7e: {  	_ =	shalt  }
0x7f: {  	_ =	shalt  }
0x80: {  	_ =	shalt  }
0x81: {  	_ =	shalt  }
0x82: {  	_ =	shalt  }
0x83: {  	_ =	shalt  }
0x84: {  	_ =	shalt  }
0x85: {  	_ =	shalt  }
0x86: {  	_ =	shalt  }
0x87: {  	_ =	shalt  }
.Lfunc_end0:
.L_simem_size_0:
called_computation_lowered:
.L_overlay_start_0:
0x88: {  	s2 =	sld [smem:$0x3FD9]  }
0x89: {  	s3 =	sld [smem:$0x3FFE];
	_ =	sdelay $0x1  }
0x8a: {  	s1 =	srdreg.scid  }
0x8b: {  	s0 =	sand.u32 $0x1, s1  }
0x8c: {  	s16 =	sshll.u32 s0, $0xA;
	s2 =	sadd.s32 s3, s2  }
0x8d: {  	s2 =	sadd.s32 s2, s16  }
0x8e: {  	[smem:$0x3FBB] =	sst s2  }
0x8f: {  	_ = 	snop  }
0x90: {  	(tm) =	ssettm $0x1  }
0x91: {  	s17 =	sld [smem:$0x3FFB];
	_ =	sdelay $0x3  }
0x92: {  	_ =	strace s17  }
0x93: {  	s2 =	sld [smem:$0x3FFC];
	_ =	sdelay $0x3  }
0x94: {  	_ =	strace s2  }
0x95: {  	s2 =	sld [smem:$0x3FFD];
	_ =	sdelay $0x3  }
0x96: {  	_ =	strace s2  }
0x97: {  	_ =	strace $0x8FFFFFFF  }
0x98: {  	s18 =	sld [smem:$0x3FDB];
	_ =	sdelay $0x1  }
0x99: {  	s19 =	simm.s32 $_scs_section_size  }
0x9a: {  	s4 =	simm.s32 $_size__tile_overlayer_lowered;
	s5 =	simm.s32 $_tile_overlayer_lowered  }
0x9b: {  	s22 =	simm.s32 $0x1BFF;
	s21 =	sshll.u32 s5, $0x1;
	s2 =	sadd.s32 s19, s18  }
0x9c: {  	s6 =	simm.s32 $0x0;
	s20 =	sshll.u32 s4, $0x1;
	s4 =	sadd.s32 s21, s2  }
0x9d: {  	[timem:s6], [sflag:s22] =	dma.local [hbm:s4], s20  }
0x9e: {  	_ =	swait.ge [sflag:s22], s20  }
0x9f: {  	s3 =	ssub.s32 $0x0, s20;
	[sflag:s22] =	ssyncset.done $0x0  }
0xa0: {  	[sflag:s22] =	ssyncadd.s32 s3;
	_ =	sdelay $0x1  }
0xa1: {  	s23 =	simm.s32 $0x1B8B  }
0xa2: {  	_ =	swait.ge [sflag:s23], $0x1  }
0xa3: {  	[sflag:s23] =	ssyncset.done $0x0  }
0xa4: {  	s25 =	simm.s32 $0x1B8E;
	s24 =	sld [smem:$0x3FFE];
	[sflag:s23] =	ssyncadd.s32 $0xFFFFFFFF  }
0xa5: {  	s26 =	simm.s32 $execute0_lowered;
	[smem:$0x3FD2] =	sst s25  }
0xa6: {  	s4 =	sshll.u32 s26, $0x1;
	_ =	strace $0x80000046;
	[dreg:$0x1] =	wrdreg $0xFFFFFFFF  }
0xa7: {  	s28 =	simm.s32 $_size_execute0_lowered;
	s2 =	sadd.s32 s2, s4;
	[dreg:$0x0] =	wrdreg $0x0  }
0xa8: {  	s4 =	sshll.u32 s28, $0x1;
	[dreg:$0x2] =	wrdreg s2  }
0xa9: {  	[dreg:$0x3] =	wrdreg s4  }
0xaa: {  	[dreg:$0x4] =	wrdreg $0xC0  }
0xab: {  	_ =	task [dreg:s6], $0x5FFFF  }
0xac: {  	[dreg:$0x1] =	wrdreg $0xFFFFFFFF  }
0xad: {  	[dreg:$0x0] =	wrdreg $0x60  }
0xae: {  	[dreg:$0x2] =	wrdreg s24  }
0xaf: {  	[dreg:$0x3] =	wrdreg $0x0  }
0xb0: {  	[dreg:$0x4] =	wrdreg $0x9  }
0xb1: {  	_ =	task.clear_ibuf [dreg:s6], $0x5FFFF;
	_ =	strace $0x90000046  }
0xb2: {  	s29 =	simm.s32 $0x9;
	_ =	strace $0x80000048  }
0xb3: {  	_ =	swait.ge [sflag:s29], $0x1  }
0xb4: {  	[sflag:s29] =	ssyncadd.s32 $0xFFFFFFFF  }
0xb5: {  	_ =	strace $0x90000048  }
0xb6: {  	_ =	sfence  }
0xb7: {  	s30 =	sld [smem:$0x0];
	_ =	sdelay $0x2  }
0xb8: {  	s31 =	sshll.u32 s1, $0xD;
	s1 =	sshrl.u32 s1, $0x2  }
0xb9: {  	s3 =	sand.u32 $0x4000, s31;
	s1 =	sadd.s32 s1, s30  }
0xba: {  	s0 =	sor.u32 s3, s0;
	s1 =	sshll.u32 s1, $0x11  }
0xbb: {  	s0 =	sor.u32 s1, s0  }
0xbc: {  	s0 =	sadd.s32 $0x8F2B, s0  }
0xbd: {  	[sflag:s0] =	ssyncadd.remote.s32 $0x1  }
0xbe: {  	_ =	sfence.sel $0xFFFF  }
0xbf: {  	[dreg:$0x0] =	wrdreg $0xFFFFFFFF;
	(pc) =	sbr.abs _section_cstart, $3  }
0xc0: {  	[dreg:$0x1] =	wrdreg $0xFFFFFFFF  }
0xc1: {  	_ =	task.clear_ibuf [dreg:s6], $0x2FFFF;
	_ =	strace $0x9FFFFFFF  }
0xc2: {  	(tm) =	ssettm $0x7FFFFFFF  }
0xc3: {  	_ =	shalt  }
tec
execute0_lowered:
.L_overlay_start_1:
0x0: {  	(tag) =	ssettag $0x1  }
0x1: {  	s6 =	rddreg [dreg:$0x0]  }
0x2: {  	s0 =	srdreg.scid;
	s2 =	rddreg [dreg:$0x1]  }
0x3: {  	s1 =	stileid.u32;
	s18 =	simm.s32 $0x13880;
	s19 =	simm.s32 $0x13900  }
0x4: {  	s20 =	simm.s32 $0x1;
	s21 =	simm.s32 $0x50;
	s22 =	simm.s32 $0x2  }
0x5: {  	s23 =	simm.s32 $0x0;
	s7 =	sand.u32 $0x1, s0;
	s8 =	smul.u32 $0x2780, s1  }
0x6: {  	s0 =	rddreg [dreg:$0x2];
	s26 =	sshll.u32 s1, $0x1;
	s10 =	smul.u32 $0x4E200, s1  }
0x7: {  	s13 =	smul.u32 $0x7D00, s1;
	s16 =	sshll.u32 s1, $0x6;
	s3 =	sshll.u32 s7, $0x4  }
0x8: {  	s5 =	sor.u32 s7, s26;
	s12 =	ssub.s32 $0x2, s7;
	s7 =	smul.u32 $0x3E80, s7  }
0x9: {  	s16 =	sor.u32 $0x1C03, s16;
	s4 =	sor.u32 s1, s3;
	s3 =	simm.s32 $0x0  }
0xa: {  	s11 =	smul.u32 $0x3E80, s5;
	s5 =	sadd.s32 $0x3C400, s6;
	s8 =	sadd.s32 s8, s6  }
0xb: {  	s14 =	sshrl.u32 s12, $0x1;
	s28 =	sshrl.u32 s10, $0x2;
	s9 =	smul.u32 $0x2780, s4  }
0xc: {  	[smem:$0x7FF] =	sst s3;
	s4 =	sadd.s32 $0x5200, s6;
	s12 =	ssub.s32 s12, s14  }
0xd: {  	s17 =	sadd.s32 s28, s2;
	s13 =	sadd.s32 s7, s13;
	s14 =	simm.s32 $0x13980  }
0xe: {  	_ =	strace $0x80000047;
	s29 =	sshrl.u32 s11, $0x3;
	s30 =	sadd.s32 $0x180, s13  }
0xf: {  	s11 =	smax.u32 s12, $0x1;
	s13 =	sadd.s32 $0x100, s13;
	s17 =	sshrl.u32 s17, $0x3  }
0x10: {  	s15 =	sadd.s32 s9, s6;
	s6 =	sadd.s32 $0x14C00, s8;
	s7 =	sadd.s32 s4, s29  }
0x11: {  	s31 =	sshrl.u32 s30, $0x3;
	s8 =	sadd.s32 $0x10, s7;
	s9 =	sadd.s32 $0x7C0, s7  }
0x12: {  	s10 =	sadd.s32 $0x3CA00, s15;
	s12 =	sadd.s32 s31, s4;
	s15 =	simm.s32 $0x3  }
.LBB2_1:
0x13: {  	[tilespmem:s14], [sflag:$0x3] =	stream.linear.gather [hbm4b:s5+s3], $0x2800, $0x38;
	[tilespmem:$0x16180] =	vst v63  }
0x14: {  	_ =	swait.ge [sflag:s15], $0x2800  }
0x15: {  	[sflag:s15] =	ssyncset.done $0x0  }
0x16: {  	[sflag:s15] =	ssyncadd.s32 $0xFFFFD800  }
0x17: {  	[spmem:s17], [sflag:s16] =	dma.local [hbm:s6], $0x2710  }
0x18: {  	_ =	swait.ge [sflag:s15], $0x2710  }
0x19: {  	[sflag:s15] =	ssyncset.done $0x0  }
0x1a: {  	[sflag:s15] =	ssyncadd.s32 $0xFFFFD8F0  }
0x1b: {  	[tilespmem:s18], [sflag:$0x1] =	stream.linear.gather [hbm4b:s7+s3], $0x80, $0x38;
	[tilespmem:$0x16180] =	vst v63  }
0x1c: {  	_ = 	snop  }
0x1d: {  	[tilespmem:s19], [sflag:$0x2] =	stream.linear.gather [hbm4b:s8+s3], $0x80, $0x38;
	[tilespmem:$0x16180] =	vst v63  }
0x1e: {  	[bflag:$0x0] =	sbarrier.arrive $0xFFFF  }
0x1f: {  	_ =	swait.ge [sflag:s20], $0x80  }
0x20: {  	[sflag:s20] =	ssyncset.done $0x0  }
0x21: {  	[sflag:s20] =	ssyncadd.s32 $0xFFFFFF80  }
0x22: {  	[spmem:s2] =	stream.indirect.scatter.add.f32 [tilespmem:s14], [sflag:$0x3], $0x80, s18, s21, $0xb8;
	[tilespmem:$0x16180] =	vst v63  }
0x23: {  	_ =	swait.ge [sflag:s15], $0x2800  }
0x24: {  	s24 =	sshrl.u32 s13, $0x3;
	[sflag:s15] =	ssyncset.done $0x0  }
0x25: {  	s24 =	sadd.s32 s4, s24;
	[sflag:s15] =	ssyncadd.s32 $0xFFFFD800  }
0x26: {  	[tilespmem:s18], [sflag:$0x1] =	stream.linear.gather [hbm4b:s24+s3], $0x80, $0x38;
	[tilespmem:$0x16180] =	vst v63  }
0x27: {  	_ =	swait.ge [sflag:s22], $0x80  }
0x28: {  	[sflag:s22] =	ssyncset.done $0x0  }
0x29: {  	[sflag:s22] =	ssyncadd.s32 $0xFFFFFF80  }
0x2a: {  	[spmem:s2] =	stream.indirect.scatter.add.f32 [tilespmem:s14], [sflag:$0x3], $0x80, s19, s21, $0xb8;
	[tilespmem:$0x16180] =	vst v63  }
0x2b: {  	_ =	swait.ge [sflag:s15], $0x2800  }
0x2c: {  	s26 =	sadd.s32 $0x0, s12;
	[sflag:s15] =	ssyncset.done $0x0  }
0x2d: {  	s25 =	sadd.s32 $0x100, s13;
	s24 =	simm.s32 $0x20;
	[sflag:s15] =	ssyncadd.s32 $0xFFFFD800  }
.LBB2_2:
0x2e: {  	[tilespmem:s19], [sflag:$0x2] =	stream.linear.gather [hbm4b:s26+s3], $0x80, $0x38;
	[tilespmem:$0x16180] =	vst v63  }
0x2f: {  	s26 =	smov.u32 s24  }
0x30: {  	p0 =	sne.s32 s24, $0x780;
	s24 =	sadd.s32 $0x20, s24;
	_ =	swait.ge [sflag:s20], $0x80  }
0x31: {  	[sflag:s20] =	ssyncset.done $0x0  }
0x32: {  	[sflag:s20] =	ssyncadd.s32 $0xFFFFFF80  }
0x33: {  	[spmem:s2] =	stream.indirect.scatter.add.f32 [tilespmem:s14], [sflag:$0x3], $0x80, s18, s21, $0xb8;
	[tilespmem:$0x16180] =	vst v63  }
0x34: {  	_ =	swait.ge [sflag:s15], $0x2800  }
0x35: {  	s28 =	sshrl.u32 s25, $0x3;
	[sflag:s15] =	ssyncset.done $0x0  }
0x36: {  	s28 =	sadd.s32 s4, s28;
	[sflag:s15] =	ssyncadd.s32 $0xFFFFD800  }
0x37: {  	[tilespmem:s18], [sflag:$0x1] =	stream.linear.gather [hbm4b:s28+s3], $0x80, $0x38;
	[tilespmem:$0x16180] =	vst v63  }
0x38: {  	_ =	swait.ge [sflag:s22], $0x80  }
0x39: {  	[sflag:s22] =	ssyncset.done $0x0  }
.Ltmp0:
0x3a: {  	[sflag:s22] =	ssyncadd.s32 $0xFFFFFF80;
	(pc) =	sbr.rel @p0 .LBB2_2-.Ltmp0, $4  }
0x3b: {  	[spmem:s2] =	stream.indirect.scatter.add.f32 [tilespmem:s14], [sflag:$0x3], $0x80, s19, s21, $0xb8;
	[tilespmem:$0x16180] =	vst v63  }
0x3c: {  	_ =	swait.ge [sflag:s15], $0x2800  }
0x3d: {  	[sflag:s15] =	ssyncset.done $0x0  }
0x3e: {  	s25 =	sadd.s32 $0x100, s25;
	s26 =	sadd.s32 s26, s12;
	[sflag:s15] =	ssyncadd.s32 $0xFFFFD800  }
0x3f: {  	[tilespmem:s19], [sflag:$0x2] =	stream.linear.gather [hbm4b:s26+s3], $0x80, $0x38;
	[tilespmem:$0x16180] =	vst v63  }
0x40: {  	_ =	swait.ge [sflag:s20], $0x80  }
0x41: {  	[sflag:s20] =	ssyncset.done $0x0  }
0x42: {  	[sflag:s20] =	ssyncadd.s32 $0xFFFFFF80  }
0x43: {  	[spmem:s2] =	stream.indirect.scatter.add.f32 [tilespmem:s14], [sflag:$0x3], $0x80, s18, s21, $0xb8;
	[tilespmem:$0x16180] =	vst v63  }
0x44: {  	_ =	swait.ge [sflag:s15], $0x2800  }
0x45: {  	[sflag:s15] =	ssyncset.done $0x0  }
0x46: {  	[sflag:s15] =	ssyncadd.s32 $0xFFFFD800  }
0x47: {  	[tilespmem:s18], [sflag:$0x1] =	stream.linear.gather [hbm4b:s9+s3], $0x80, $0x38;
	[tilespmem:$0x16180] =	vst v63  }
0x48: {  	_ =	swait.ge [sflag:s22], $0x80  }
0x49: {  	[sflag:s22] =	ssyncset.done $0x0  }
0x4a: {  	[sflag:s22] =	ssyncadd.s32 $0xFFFFFF80  }
0x4b: {  	[spmem:s2] =	stream.indirect.scatter.add.f32 [tilespmem:s14], [sflag:$0x3], $0x80, s19, s21, $0xb8;
	[tilespmem:$0x16180] =	vst v63  }
0x4c: {  	_ =	swait.ge [sflag:s15], $0x2800  }
0x4d: {  	[sflag:s15] =	ssyncset.done $0x0  }
0x4e: {  	[sflag:s15] =	ssyncadd.s32 $0xFFFFD800  }
0x4f: {  	_ =	swait.ge [sflag:s20], $0x80  }
0x50: {  	[sflag:s20] =	ssyncset.done $0x0  }
0x51: {  	[sflag:s20] =	ssyncadd.s32 $0xFFFFFF80  }
0x52: {  	[spmem:s2] =	stream.indirect.scatter.add.f32 [tilespmem:s14], [sflag:$0x3], $0x80, s18, s21, $0xb8;
	[tilespmem:$0x16180] =	vst v63  }
0x53: {  	_ =	swait.ge [sflag:s15], $0x2800  }
0x54: {  	s23 =	sadd.s32 $0x1, s23;
	[sflag:s15] =	ssyncset.done $0x0  }
0x55: {  	p0 =	sne.s32 s23, s11;
	[sflag:s15] =	ssyncadd.s32 $0xFFFFD800  }
.Ltmp1:
0x56: {  	[bflag:$0x0] =	sbarrier.arrive $0xFFFF;
	(pc) =	sbr.rel @p0 .LBB2_1-.Ltmp1, $4  }
0x57: {  	[hbm:s10], [sflag:s16] =	dma.local [spmem:s17], $0x2710  }
0x58: {  	_ =	swait.ge [sflag:s15], $0x2710  }
0x59: {  	[sflag:s15] =	ssyncset.done $0x0  }
0x5a: {  	[sflag:s15] =	ssyncadd.s32 $0xFFFFD8F0  }
0x5b: {  	_ =	sfence.sel $0x180000  }
0x5c: {  	[bflag:$0x0] =	sbarrier.arrive $0xFFFF  }
0x5d: {  	p0 =	sne.s32 s1, $0x0;
	_ =	strace $0x90000047  }
0x5e: {  	s0 =	sadd.s32 @!p0 $0x100000, s0;
	[bflag:$0x2] =	sbarrier.arrive $0xFFFF  }
0x5f: {  	[sflag:s0] =	ssyncadd.tile.s32 @!p0 $0x1;
	_ =	shalt  }
.Lfunc_end2:
_tile_overlayer_lowered:
.L_overlay_start_2:
0x60: {  	(tag) =	ssettag $0x2  }
0x61: {  	s0 =	rddreg [dreg:$0x0];
	s2 =	stileid.u32  }
0x62: {  	s1 =	rddreg [dreg:$0x1];
	p0 =	sne.s32 s2, $0x0  }
0x63: {  	s3 =	rddreg [dreg:$0x2];
	[bflag:$0x3] =	sbarrier.arrive $0xFFFF;
	s2 =	simm.s32 @!p0 $0x1C03  }
0x64: {  	[timem:s3], [sflag:s2] =	dma.local @!p0 [hbm:s0], s1  }
0x65: {  	s0 =	simm.s32 @!p0 $0x3  }
0x66: {  	_ =	swait.ge @!p0 [sflag:s0], s1  }
0x67: {  	s1 =	ssub.s32 @!p0 $0x0, s1;
	[sflag:s0] =	ssyncset.done @!p0 $0x0  }
0x68: {  	[sflag:s0] =	ssyncadd.s32 @!p0 s1  }
0x69: {  	[bflag:$0x3] =	sbarrier.arrive $0xFFFF  }
0x6a: {  	_ =	shalt  }

// kernel: kernel.16.cloned.1.call-start
scs
__scs_entry_jumppad:
0x0: {  	(pc) =	sbr.rel $0x88, $3  }
0x1: {  	(tag) =	ssettag $0x0;
	lr =	simm.s32 $0x1  }
0x2: {  	[smem:$0x3F94] =	sst lr;
	_ =	strace $0xD0000000  }
0x3: {  	_ = 	snop  }
0x4: {  	_ = 	snop  }
0x5: {  	_ = 	snop  }
0x6: {  	_ = 	snop  }
0x7: {  	_ = 	snop  }
__scs_overlays_trampoline_lowered:
0x8: {  	[smem:$0x3FA3] =	sst s0  }
0x9: {  	[smem:$0x3FA4] =	sst s1  }
0xa: {  	[smem:$0x3FA5] =	sst s2  }
0xb: {  	[smem:$0x3FA6] =	sst s3  }
0xc: {  	[smem:$0x3FA7] =	sst s4  }
0xd: {  	[smem:$0x3FA8] =	sst s5  }
0xe: {  	[smem:$0x3FA9] =	sst s6  }
0xf: {  	[smem:$0x3FAA] =	sst s7  }
0x10: {  	[smem:$0x3FAB] =	sst s8  }
0x11: {  	[smem:$0x3FAC] =	sst s9;
	s0 =	simm.s32 @!p0 $0x0  }
0x12: {  	s1 =	sld [smem:$0x3F92];
	s0 =	simm.s32 @p0 $0x1  }
0x13: {  	[smem:$0x3FAD] =	sst s0;
	s0 =	simm.s32 @!p1 $0x0  }
0x14: {  	s2 =	sld [smem:$0x3F91];
	s0 =	simm.s32 @p1 $0x1  }
0x15: {  	[smem:$0x3FAE] =	sst s0;
	s0 =	simm.s32 @!p2 $0x0  }
0x16: {  	s3 =	sld [smem:$0x3FDB];
	s0 =	simm.s32 @p2 $0x1  }
0x17: {  	s4 =	simm.s32 $0x1BF5;
	[smem:$0x3FB0] =	sst s0  }
0x18: {  	s0 =	sld [smem:$0x3F93];
	_ =	swait.ge [sflag:s4], $0x0  }
0x19: {  	s7 =	sld [smem:$0x3F94]  }
0x1a: {  	s8 =	sadd.s32 $0xFFFFE003, lr  }
0x1b: {  	s9 =	sadd.s32 $0xFFFFFEF7, lr;
	s5 =	simm.s32 $0xFFFFFFFF;
	p2 =	slt.u32 s8, $0xFFFFF086  }
0x1c: {  	p1 =	slt.u32 s9, $0xF7A;
	s5 =	simm.s32 @!p2 $0x0  }
0x1d: {  	s5 =	simm.s32 @p1 $0x1;
	p0 =	seq.s32 s7, s2  }
0x1e: {  	s7 =	smul.u32 @!p0 $0xF7A, s2;
	p2 =	seq.s32 @!p0 s5, $0x0  }
0x1f: {  	s9 =	smul.u32 $0xF7A, s1;
	s8 =	simm.s32 @!p0 $0x1BF5;
	p2 =	por !p2, p0  }
0x20: {  	[sflag:s8] =	ssyncset.s32 @!p0 $0xFFFFF086;
	s6 =	sadd.s32 @!p0 s3, s7;
	s7 =	simm.s32 @!p0 $0x108  }
0x21: {  	s3 =	sadd.s32 s3, s9;
	s6 =	sadd.s32 @!p0 $0x88, s6;
	s7 =	simm.s32 @p2 $0x1082  }
0x22: {  	[simem:s7], [sflag:s8] =	dma.local @!p0 [hbm:s6], $0xF7A  }
0x23: {  	s9 =	sor.u32 $0xD0000000, s2;
	s6 =	simm.s32 $0x108;
	_ =	swait.ge @!p0 [sflag:s8], $0x0  }
0x24: {  	s3 =	sadd.s32 $0x88, s3;
	s6 =	simm.s32 @!p1 $0x1082;
	[sflag:s4] =	ssyncset.s32 $0xFFFFF086  }
0x25: {  	[simem:s6], [sflag:s4] =	dma.local [hbm:s3], $0xF7A  }
0x26: {  	[smem:$0x3F94] =	sst s1;
	(tag) =	ssettag s2;
	_ =	strace s9  }
0x27: {  	s1 =	sld [smem:$0x3FA4]  }
0x28: {  	s2 =	sld [smem:$0x3FA5]  }
0x29: {  	s4 =	sld [smem:$0x3FA7]  }
0x2a: {  	p0 =	seq.s32 s5, $0x0;
	s5 =	sld [smem:$0x3FA8]  }
0x2b: {  	s6 =	sld [smem:$0x3FA9]  }
0x2c: {  	s7 =	sld [smem:$0x3FAA]  }
0x2d: {  	s3 =	simm.s32 $0x108;
	s8 =	sld [smem:$0x3FAB]  }
0x2e: {  	s3 =	simm.s32 @!p0 $0x1082;
	s9 =	sld [smem:$0x3FAC]  }
0x2f: {  	lr =	sadd.s32 s0, s3;
	s0 =	sld [smem:$0x3FA3]  }
0x30: {  	s3 =	sld [smem:$0x3FA6]  }
0x31: {  	[smem:$0x3FAF] =	sst s10  }
0x32: {  	s10 =	sld [smem:$0x3FAD];
	_ =	sdelay $0x3  }
0x33: {  	p0 =	seq.s32 s10, $0x1;
	s10 =	sld [smem:$0x3FAF];
	_ =	sdelay $0x3  }
0x34: {  	[smem:$0x3FAF] =	sst s10  }
0x35: {  	s10 =	sld [smem:$0x3FAE];
	_ =	sdelay $0x3  }
0x36: {  	p1 =	seq.s32 s10, $0x1;
	s10 =	sld [smem:$0x3FAF];
	_ =	sdelay $0x3  }
0x37: {  	[smem:$0x3FAF] =	sst s10  }
0x38: {  	s10 =	sld [smem:$0x3FB0]  }
0x39: {  	_ = 	snop;
	(pc) =	sbr.ind lr, $3  }
0x3a: {  	_ = 	snop  }
0x3b: {  	_ = 	snop  }
0x3c: {  	p2 =	seq.s32 s10, $0x1;
	s10 =	sld [smem:$0x3FAF]  }
0x3d: {  	_ =	shalt  }
0x3e: {  	_ =	shalt  }
0x3f: {  	_ =	shalt  }
0x40: {  	_ =	shalt  }
0x41: {  	_ =	shalt  }
0x42: {  	_ =	shalt  }
0x43: {  	_ =	shalt  }
0x44: {  	_ =	shalt  }
0x45: {  	_ =	shalt  }
0x46: {  	_ =	shalt  }
0x47: {  	_ =	shalt  }
0x48: {  	_ =	shalt  }
0x49: {  	_ =	shalt  }
0x4a: {  	_ =	shalt  }
0x4b: {  	_ =	shalt  }
0x4c: {  	_ =	shalt  }
0x4d: {  	_ =	shalt  }
0x4e: {  	_ =	shalt  }
0x4f: {  	_ =	shalt  }
0x50: {  	_ =	shalt  }
0x51: {  	_ =	shalt  }
0x52: {  	_ =	shalt  }
0x53: {  	_ =	shalt  }
0x54: {  	_ =	shalt  }
0x55: {  	_ =	shalt  }
0x56: {  	_ =	shalt  }
0x57: {  	_ =	shalt  }
0x58: {  	_ =	shalt  }
0x59: {  	_ =	shalt  }
0x5a: {  	_ =	shalt  }
0x5b: {  	_ =	shalt  }
0x5c: {  	_ =	shalt  }
0x5d: {  	_ =	shalt  }
0x5e: {  	_ =	shalt  }
0x5f: {  	_ =	shalt  }
0x60: {  	_ =	shalt  }
0x61: {  	_ =	shalt  }
0x62: {  	_ =	shalt  }
0x63: {  	_ =	shalt  }
0x64: {  	_ =	shalt  }
0x65: {  	_ =	shalt  }
0x66: {  	_ =	shalt  }
0x67: {  	_ =	shalt  }
0x68: {  	_ =	shalt  }
0x69: {  	_ =	shalt  }
0x6a: {  	_ =	shalt  }
0x6b: {  	_ =	shalt  }
0x6c: {  	_ =	shalt  }
0x6d: {  	_ =	shalt  }
0x6e: {  	_ =	shalt  }
0x6f: {  	_ =	shalt  }
0x70: {  	_ =	shalt  }
0x71: {  	_ =	shalt  }
0x72: {  	_ =	shalt  }
0x73: {  	_ =	shalt  }
0x74: {  	_ =	shalt  }
0x75: {  	_ =	shalt  }
0x76: {  	_ =	shalt  }
0x77: {  	_ =	shalt  }
0x78: {  	_ =	shalt  }
0x79: {  	_ =	shalt  }
0x7a: {  	_ =	shalt  }
0x7b: {  	_ =	shalt  }
0x7c: {  	_ =	shalt  }
0x7d: {  	_ =	shalt  }
0x7e: {  	_ =	shalt  }
0x7f: {  	_ =	shalt  }
0x80: {  	_ =	shalt  }
0x81: {  	_ =	shalt  }
0x82: {  	_ =	shalt  }
0x83: {  	_ =	shalt  }
0x84: {  	_ =	shalt  }
0x85: {  	_ =	shalt  }
0x86: {  	_ =	shalt  }
0x87: {  	_ =	shalt  }
.Lfunc_end0:
.L_simem_size_0:
called_computation.1_lowered:
.L_overlay_start_0:
0x88: {  	s2 =	sld [smem:$0x3FD9]  }
0x89: {  	s3 =	sld [smem:$0x3FFE];
	_ =	sdelay $0x1  }
0x8a: {  	s1 =	srdreg.scid  }
0x8b: {  	s0 =	sand.u32 $0x1, s1  }
0x8c: {  	s16 =	sshll.u32 s0, $0xA;
	s2 =	sadd.s32 s3, s2  }
0x8d: {  	s2 =	sadd.s32 s2, s16  }
0x8e: {  	[smem:$0x3FBB] =	sst s2  }
0x8f: {  	_ = 	snop  }
0x90: {  	(tm) =	ssettm $0x1  }
0x91: {  	s17 =	sld [smem:$0x3FFB];
	_ =	sdelay $0x3  }
0x92: {  	_ =	strace s17  }
0x93: {  	s2 =	sld [smem:$0x3FFC];
	_ =	sdelay $0x3  }
0x94: {  	_ =	strace s2  }
0x95: {  	s2 =	sld [smem:$0x3FFD];
	_ =	sdelay $0x3  }
0x96: {  	_ =	strace s2  }
0x97: {  	_ =	strace $0x8FFFFFFF  }
0x98: {  	s18 =	sld [smem:$0x3FDB];
	_ =	sdelay $0x1  }
0x99: {  	s19 =	simm.s32 $_scs_section_size  }
0x9a: {  	s4 =	simm.s32 $_size__tile_overlayer_lowered;
	s5 =	simm.s32 $_tile_overlayer_lowered  }
0x9b: {  	s22 =	simm.s32 $0x1BFF;
	s21 =	sshll.u32 s5, $0x1;
	s2 =	sadd.s32 s19, s18  }
0x9c: {  	s6 =	simm.s32 $0x0;
	s20 =	sshll.u32 s4, $0x1;
	s4 =	sadd.s32 s21, s2  }
0x9d: {  	[timem:s6], [sflag:s22] =	dma.local [hbm:s4], s20  }
0x9e: {  	_ =	swait.ge [sflag:s22], s20  }
0x9f: {  	s3 =	ssub.s32 $0x0, s20;
	[sflag:s22] =	ssyncset.done $0x0  }
0xa0: {  	[sflag:s22] =	ssyncadd.s32 s3;
	_ =	sdelay $0x1  }
0xa1: {  	s23 =	simm.s32 $0x1B8B  }
0xa2: {  	_ =	swait.ge [sflag:s23], $0x1  }
0xa3: {  	[sflag:s23] =	ssyncset.done $0x0  }
0xa4: {  	s25 =	simm.s32 $0x1B8E;
	s24 =	sld [smem:$0x3FFE];
	[sflag:s23] =	ssyncadd.s32 $0xFFFFFFFF  }
0xa5: {  	s26 =	simm.s32 $execute0_lowered;
	[smem:$0x3FD2] =	sst s25  }
0xa6: {  	s4 =	sshll.u32 s26, $0x1;
	_ =	strace $0x80000049;
	[dreg:$0x1] =	wrdreg $0xFFFFFFFF  }
0xa7: {  	s28 =	simm.s32 $_size_execute0_lowered;
	s2 =	sadd.s32 s2, s4;
	[dreg:$0x0] =	wrdreg $0x0  }
0xa8: {  	s4 =	sshll.u32 s28, $0x1;
	[dreg:$0x2] =	wrdreg s2  }
0xa9: {  	[dreg:$0x3] =	wrdreg s4  }
0xaa: {  	[dreg:$0x4] =	wrdreg $0xC0  }
0xab: {  	_ =	task [dreg:s6], $0x5FFFF  }
0xac: {  	[dreg:$0x1] =	wrdreg $0xFFFFFFFF  }
0xad: {  	[dreg:$0x0] =	wrdreg $0x60  }
0xae: {  	[dreg:$0x2] =	wrdreg s24  }
0xaf: {  	[dreg:$0x3] =	wrdreg $0x0  }
0xb0: {  	[dreg:$0x4] =	wrdreg $0x9  }
0xb1: {  	_ =	task.clear_ibuf [dreg:s6], $0x5FFFF;
	_ =	strace $0x90000049  }
0xb2: {  	s29 =	simm.s32 $0x9;
	_ =	strace $0x8000004B  }
0xb3: {  	_ =	swait.ge [sflag:s29], $0x1  }
0xb4: {  	[sflag:s29] =	ssyncadd.s32 $0xFFFFFFFF  }
0xb5: {  	_ =	strace $0x9000004B  }
0xb6: {  	_ =	sfence  }
0xb7: {  	s30 =	sld [smem:$0x0];
	_ =	sdelay $0x2  }
0xb8: {  	s31 =	sshll.u32 s1, $0xD;
	s1 =	sshrl.u32 s1, $0x2  }
0xb9: {  	s3 =	sand.u32 $0x4000, s31;
	s1 =	sadd.s32 s1, s30  }
0xba: {  	s0 =	sor.u32 s3, s0;
	s1 =	sshll.u32 s1, $0x11  }
0xbb: {  	s0 =	sor.u32 s1, s0  }
0xbc: {  	s0 =	sadd.s32 $0x8F2B, s0  }
0xbd: {  	[sflag:s0] =	ssyncadd.remote.s32 $0x1  }
0xbe: {  	_ =	sfence.sel $0xFFFF  }
0xbf: {  	[dreg:$0x0] =	wrdreg $0xFFFFFFFF;
	(pc) =	sbr.abs _section_cstart, $3  }
0xc0: {  	[dreg:$0x1] =	wrdreg $0xFFFFFFFF  }
0xc1: {  	_ =	task.clear_ibuf [dreg:s6], $0x2FFFF;
	_ =	strace $0x9FFFFFFF  }
0xc2: {  	(tm) =	ssettm $0x7FFFFFFF  }
0xc3: {  	_ =	shalt  }
tec
execute0_lowered:
.L_overlay_start_1:
0x0: {  	(tag) =	ssettag $0x1  }
0x1: {  	s0 =	rddreg [dreg:$0x0]  }
0x2: {  	s1 =	rddreg [dreg:$0x1]  }
0x3: {  	s2 =	srdreg.scid;
	s3 =	simm.s32 $0x0;
	s16 =	stileid.u32  }
0x4: {  	s15 =	simm.s32 $0x13880;
	s19 =	simm.s32 $0x17880;
	s28 =	simm.s32 $0x2  }
0x5: {  	s29 =	simm.s32 $0x4;
	s31 =	simm.s32 $0x0;
	s6 =	smul.u32 $0x2780, s16  }
0x6: {  	s2 =	sand.u32 $0x1, s2;
	[smem:$0x7FF] =	sst s3;
	s9 =	smul.u32 $0x4E200, s16  }
0x7: {  	s5 =	sshll.u32 s16, $0x1;
	s12 =	smul.u32 $0x7D00, s16;
	s30 =	sshll.u32 s16, $0x6  }
0x8: {  	s4 =	sshll.u32 s2, $0x4;
	_ =	strace $0x8000004A;
	s7 =	sor.u32 s2, s5  }
0x9: {  	s20 =	ssub.s32 $0x2, s2;
	s2 =	smul.u32 $0x3E80, s2;
	s17 =	sor.u32 $0x1C05, s30  }
0xa: {  	s4 =	sor.u32 s16, s4;
	s5 =	sshll.u32 s7, $0xB;
	s7 =	smul.u32 $0x3E80, s7  }
0xb: {  	s11 =	sadd.s32 s6, s0;
	s21 =	sshrl.u32 s20, $0x1;
	s23 =	sshrl.u32 s9, $0x2  }
0xc: {  	s16 =	simm.s32 $0x5;
	s8 =	smul.u32 $0x2780, s4;
	s4 =	sadd.s32 $0x3C400, s0  }
0xd: {  	s10 =	sadd.s32 s5, s0;
	s5 =	sadd.s32 $0x5200, s0;
	s13 =	ssub.s32 s20, s21  }
0xe: {  	s18 =	sadd.s32 s23, s1;
	s2 =	sadd.s32 s2, s12;
	s25 =	sadd.s32 $0x14C00, s11  }
0xf: {  	s20 =	simm.s32 $0x50;
	s21 =	simm.s32 $0x17980;
	s22 =	sadd.s32 $0x8BA00, s10  }
0x10: {  	s24 =	sshrl.u32 s7, $0x3;
	[dreg:$0x4] =	wrdreg s25;
	s26 =	sadd.s32 $0x180, s2  }
0x11: {  	s12 =	smax.u32 s13, $0x1;
	s18 =	sshrl.u32 s18, $0x3;
	s25 =	simm.s32 $0x1  }
0x12: {  	s0 =	sadd.s32 s8, s0;
	[dreg:$0x3] =	wrdreg s22;
	s8 =	sadd.s32 s5, s24  }
0x13: {  	s14 =	sshrl.u32 s26, $0x3;
	s22 =	simm.s32 $0x17900;
	s24 =	simm.s32 $0x1A180  }
0x14: {  	s26 =	simm.s32 $0x3;
	s9 =	sadd.s32 $0x10, s8;
	s10 =	sadd.s32 $0x7C0, s8  }
0x15: {  	s11 =	sadd.s32 $0x9BA00, s0;
	s13 =	sadd.s32 s14, s5;
	s14 =	sadd.s32 $0x100, s2  }
.LBB2_1:
0x16: {  	s0 =	rddreg [dreg:$0x3]  }
0x17: {  	[tilespmem:s15], [sflag:$0x5] =	stream.linear.gather [hbm4b:s0+s3], $0x3E80, $0x38;
	[tilespmem:$0x1C980] =	vst v63  }
0x18: {  	_ =	swait.ge [sflag:s16], $0x3E80  }
0x19: {  	[sflag:s16] =	ssyncset.done $0x0  }
0x1a: {  	s23 =	rddreg [dreg:$0x4];
	[sflag:s16] =	ssyncadd.s32 $0xFFFFC180  }
0x1b: {  	[spmem:s18], [sflag:s17] =	dma.local [hbm:s23], $0x2710  }
0x1c: {  	_ =	swait.ge [sflag:s16], $0x2710  }
0x1d: {  	[sflag:s16] =	ssyncset.done $0x0  }
0x1e: {  	[sflag:s16] =	ssyncadd.s32 $0xFFFFD8F0  }
0x1f: {  	[tilespmem:s19], [sflag:$0x3] =	stream.linear.gather [hbm4b:s8+s3], $0x80, $0x38;
	[tilespmem:$0x1C980] =	vst v63  }
0x20: {  	_ = 	snop  }
0x21: {  	[tilespmem:s21], [sflag:$0x1] =	stream.indirect.gather [hbm4b:s4+s20], $0x80, s15, s20, $0xb8;
	[tilespmem:$0x1C980] =	vst v63  }
0x22: {  	_ = 	snop  }
0x23: {  	[tilespmem:s22], [sflag:$0x4] =	stream.linear.gather [hbm4b:s9+s3], $0x80, $0x38;
	[tilespmem:$0x1C980] =	vst v63  }
0x24: {  	s2 =	simm.s32 $0x13900  }
0x25: {  	[tilespmem:s24], [sflag:$0x2] =	stream.indirect.gather [hbm4b:s4+s20], $0x80, s2, s20, $0xb8;
	[tilespmem:$0x1C980] =	vst v63  }
0x26: {  	[bflag:$0x0] =	sbarrier.arrive $0xFFFF  }
0x27: {  	_ =	swait.ge [sflag:s25], $0x2800  }
0x28: {  	[sflag:s25] =	ssyncset.done $0x0  }
0x29: {  	[sflag:s25] =	ssyncadd.s32 $0xFFFFD800  }
0x2a: {  	_ =	swait.ge [sflag:s26], $0x80  }
0x2b: {  	[sflag:s26] =	ssyncset.done $0x0  }
0x2c: {  	[sflag:s26] =	ssyncadd.s32 $0xFFFFFF80  }
0x2d: {  	[spmem:s1] =	stream.indirect.scatter.add.f32 [tilespmem:s21], [sflag:$0x5], $0x80, s19, s20, $0xb8;
	[tilespmem:$0x1C980] =	vst v63  }
0x2e: {  	_ =	swait.ge [sflag:s16], $0x2800  }
0x2f: {  	s6 =	sshrl.u32 s14, $0x3;
	[sflag:s16] =	ssyncset.done $0x0  }
0x30: {  	s0 =	sadd.s32 s5, s6;
	[sflag:s16] =	ssyncadd.s32 $0xFFFFD800  }
0x31: {  	[tilespmem:s19], [sflag:$0x3] =	stream.linear.gather [hbm4b:s0+s3], $0x80, $0x38;
	[tilespmem:$0x1C980] =	vst v63  }
0x32: {  	s7 =	simm.s32 $0x13980  }
0x33: {  	[tilespmem:s21], [sflag:$0x1] =	stream.indirect.gather [hbm4b:s4+s20], $0x80, s7, s20, $0xb8;
	[tilespmem:$0x1C980] =	vst v63  }
0x34: {  	_ =	swait.ge [sflag:s28], $0x2800  }
0x35: {  	[sflag:s28] =	ssyncset.done $0x0  }
0x36: {  	[sflag:s28] =	ssyncadd.s32 $0xFFFFD800  }
0x37: {  	_ =	swait.ge [sflag:s29], $0x80  }
0x38: {  	[sflag:s29] =	ssyncset.done $0x0  }
0x39: {  	[sflag:s29] =	ssyncadd.s32 $0xFFFFFF80  }
0x3a: {  	[spmem:s1] =	stream.indirect.scatter.add.f32 [tilespmem:s24], [sflag:$0x5], $0x80, s22, s20, $0xb8;
	[tilespmem:$0x1C980] =	vst v63  }
0x3b: {  	_ =	swait.ge [sflag:s16], $0x2800  }
0x3c: {  	[sflag:s16] =	ssyncset.done $0x0  }
0x3d: {  	s30 =	sadd.s32 $0x100, s14;
	s23 =	sadd.s32 $0x0, s13;
	[sflag:s16] =	ssyncadd.s32 $0xFFFFD800  }
0x3e: {  	[tilespmem:s22], [sflag:$0x4] =	stream.linear.gather [hbm4b:s23+s3], $0x80, $0x38;
	[tilespmem:$0x1C980] =	vst v63  }
0x3f: {  	s2 =	simm.s32 $0x20;
	s0 =	simm.s32 $0x13A00;
	s23 =	simm.s32 $0x13B00  }
.LBB2_2:
0x40: {  	[tilespmem:s24], [sflag:$0x2] =	stream.indirect.gather [hbm4b:s4+s20], $0x80, s0, s20, $0xb8;
	[tilespmem:$0x1C980] =	vst v63  }
0x41: {  	s6 =	smov.u32 s2;
	s0 =	smov.u32 s23  }
0x42: {  	p0 =	sne.s32 s2, $0x780;
	s2 =	sadd.s32 $0x20, s2;
	_ =	swait.ge [sflag:s25], $0x2800  }
0x43: {  	[sflag:s25] =	ssyncset.done $0x0  }
0x44: {  	[sflag:s25] =	ssyncadd.s32 $0xFFFFD800  }
0x45: {  	_ =	swait.ge [sflag:s26], $0x80  }
0x46: {  	[sflag:s26] =	ssyncset.done $0x0  }
0x47: {  	[sflag:s26] =	ssyncadd.s32 $0xFFFFFF80  }
0x48: {  	[spmem:s1] =	stream.indirect.scatter.add.f32 [tilespmem:s21], [sflag:$0x5], $0x80, s19, s20, $0xb8;
	[tilespmem:$0x1C980] =	vst v63  }
0x49: {  	_ =	swait.ge [sflag:s16], $0x2800  }
0x4a: {  	s7 =	sshrl.u32 s30, $0x3;
	[sflag:s16] =	ssyncset.done $0x0  }
0x4b: {  	s7 =	sadd.s32 s5, s7;
	[sflag:s16] =	ssyncadd.s32 $0xFFFFD800  }
0x4c: {  	[tilespmem:s19], [sflag:$0x3] =	stream.linear.gather [hbm4b:s7+s3], $0x80, $0x38;
	[tilespmem:$0x1C980] =	vst v63  }
0x4d: {  	s7 =	sadd.s32 $0xFFFFFF80, s23  }
0x4e: {  	[tilespmem:s21], [sflag:$0x1] =	stream.indirect.gather [hbm4b:s4+s20], $0x80, s7, s20, $0xb8;
	[tilespmem:$0x1C980] =	vst v63  }
0x4f: {  	_ =	swait.ge [sflag:s28], $0x2800  }
0x50: {  	[sflag:s28] =	ssyncset.done $0x0  }
0x51: {  	[sflag:s28] =	ssyncadd.s32 $0xFFFFD800  }
0x52: {  	_ =	swait.ge [sflag:s29], $0x80  }
0x53: {  	[sflag:s29] =	ssyncset.done $0x0  }
0x54: {  	[sflag:s29] =	ssyncadd.s32 $0xFFFFFF80  }
0x55: {  	[spmem:s1] =	stream.indirect.scatter.add.f32 [tilespmem:s24], [sflag:$0x5], $0x80, s22, s20, $0xb8;
	[tilespmem:$0x1C980] =	vst v63  }
.Ltmp0:
0x56: {  	_ =	swait.ge [sflag:s16], $0x2800;
	(pc) =	sbr.rel @p0 .LBB2_2-.Ltmp0, $4  }
0x57: {  	[sflag:s16] =	ssyncset.done $0x0  }
0x58: {  	s6 =	sadd.s32 s6, s13;
	[sflag:s16] =	ssyncadd.s32 $0xFFFFD800  }
0x59: {  	[tilespmem:s22], [sflag:$0x4] =	stream.linear.gather [hbm4b:s6+s3], $0x80, $0x38;
	[tilespmem:$0x1C980] =	vst v63  }
0x5a: {  	s30 =	sadd.s32 $0x100, s30;
	s23 =	sadd.s32 $0x100, s23  }
0x5b: {  	[tilespmem:s24], [sflag:$0x2] =	stream.indirect.gather [hbm4b:s4+s20], $0x80, s0, s20, $0xb8;
	[tilespmem:$0x1C980] =	vst v63  }
0x5c: {  	_ =	swait.ge [sflag:s25], $0x2800  }
0x5d: {  	[sflag:s25] =	ssyncset.done $0x0  }
0x5e: {  	[sflag:s25] =	ssyncadd.s32 $0xFFFFD800  }
0x5f: {  	_ =	swait.ge [sflag:s26], $0x80  }
0x60: {  	[sflag:s26] =	ssyncset.done $0x0  }
0x61: {  	[sflag:s26] =	ssyncadd.s32 $0xFFFFFF80  }
0x62: {  	[spmem:s1] =	stream.indirect.scatter.add.f32 [tilespmem:s21], [sflag:$0x5], $0x80, s19, s20, $0xb8;
	[tilespmem:$0x1C980] =	vst v63  }
0x63: {  	_ =	swait.ge [sflag:s16], $0x2800  }
0x64: {  	[sflag:s16] =	ssyncset.done $0x0  }
0x65: {  	[sflag:s16] =	ssyncadd.s32 $0xFFFFD800  }
0x66: {  	[tilespmem:s19], [sflag:$0x3] =	stream.linear.gather [hbm4b:s10+s3], $0x80, $0x38;
	[tilespmem:$0x1C980] =	vst v63  }
0x67: {  	s30 =	simm.s32 $0x17680  }
0x68: {  	[tilespmem:s21], [sflag:$0x1] =	stream.indirect.gather [hbm4b:s4+s20], $0x80, s30, s20, $0xb8;
	[tilespmem:$0x1C980] =	vst v63  }
0x69: {  	_ =	swait.ge [sflag:s28], $0x2800  }
0x6a: {  	[sflag:s28] =	ssyncset.done $0x0  }
0x6b: {  	[sflag:s28] =	ssyncadd.s32 $0xFFFFD800  }
0x6c: {  	_ =	swait.ge [sflag:s29], $0x80  }
0x6d: {  	[sflag:s29] =	ssyncset.done $0x0  }
0x6e: {  	[sflag:s29] =	ssyncadd.s32 $0xFFFFFF80  }
0x6f: {  	[spmem:s1] =	stream.indirect.scatter.add.f32 [tilespmem:s24], [sflag:$0x5], $0x80, s22, s20, $0xb8;
	[tilespmem:$0x1C980] =	vst v63  }
0x70: {  	_ =	swait.ge [sflag:s16], $0x2800  }
0x71: {  	[sflag:s16] =	ssyncset.done $0x0  }
0x72: {  	[sflag:s16] =	ssyncadd.s32 $0xFFFFD800  }
0x73: {  	_ =	swait.ge [sflag:s25], $0x2800  }
0x74: {  	[sflag:s25] =	ssyncset.done $0x0  }
0x75: {  	[sflag:s25] =	ssyncadd.s32 $0xFFFFD800  }
0x76: {  	_ =	swait.ge [sflag:s26], $0x80  }
0x77: {  	[sflag:s26] =	ssyncset.done $0x0  }
0x78: {  	[sflag:s26] =	ssyncadd.s32 $0xFFFFFF80  }
0x79: {  	[spmem:s1] =	stream.indirect.scatter.add.f32 [tilespmem:s21], [sflag:$0x5], $0x80, s19, s20, $0xb8;
	[tilespmem:$0x1C980] =	vst v63  }
0x7a: {  	_ =	swait.ge [sflag:s16], $0x2800  }
0x7b: {  	s31 =	sadd.s32 $0x1, s31;
	[sflag:s16] =	ssyncset.done $0x0  }
0x7c: {  	p0 =	sne.s32 s31, s12;
	[sflag:s16] =	ssyncadd.s32 $0xFFFFD800  }
.Ltmp1:
0x7d: {  	[bflag:$0x0] =	sbarrier.arrive $0xFFFF;
	(pc) =	sbr.rel @p0 .LBB2_1-.Ltmp1, $4  }
0x7e: {  	[hbm:s11], [sflag:s17] =	dma.local [spmem:s18], $0x2710  }
0x7f: {  	_ =	swait.ge [sflag:s16], $0x2710  }
0x80: {  	[sflag:s16] =	ssyncset.done $0x0  }
0x81: {  	[sflag:s16] =	ssyncadd.s32 $0xFFFFD8F0  }
0x82: {  	_ =	sfence.sel $0x180000  }
0x83: {  	[bflag:$0x0] =	sbarrier.arrive $0xFFFF  }
0x84: {  	_ =	strace $0x9000004A  }
0x85: {  	s0 =	stileid.u32;
	[bflag:$0x2] =	sbarrier.arrive $0xFFFF  }
0x86: {  	p0 =	sne.s32 s0, $0x0;
	s0 =	rddreg [dreg:$0x2]  }
0x87: {  	s0 =	sadd.s32 @!p0 $0x100000, s0  }
0x88: {  	[sflag:s0] =	ssyncadd.tile.s32 @!p0 $0x1;
	_ =	shalt  }
.Lfunc_end2:
_tile_overlayer_lowered:
.L_overlay_start_2:
0x89: {  	(tag) =	ssettag $0x2  }
0x8a: {  	s0 =	rddreg [dreg:$0x0];
	s2 =	stileid.u32  }
0x8b: {  	s1 =	rddreg [dreg:$0x1];
	p0 =	sne.s32 s2, $0x0  }
0x8c: {  	s3 =	rddreg [dreg:$0x2];
	[bflag:$0x3] =	sbarrier.arrive $0xFFFF;
	s2 =	simm.s32 @!p0 $0x1C05  }
0x8d: {  	[timem:s3], [sflag:s2] =	dma.local @!p0 [hbm:s0], s1  }
0x8e: {  	s0 =	simm.s32 @!p0 $0x5  }
0x8f: {  	_ =	swait.ge @!p0 [sflag:s0], s1  }
0x90: {  	s1 =	ssub.s32 @!p0 $0x0, s1;
	[sflag:s0] =	ssyncset.done @!p0 $0x0  }
0x91: {  	[sflag:s0] =	ssyncadd.s32 @!p0 s1  }
0x92: {  	[bflag:$0x3] =	sbarrier.arrive $0xFFFF  }
0x93: {  	_ =	shalt  }

// kernel: kernel.19.cloned.1.call-start
scs
__scs_entry_jumppad:
0x0: {  	(pc) =	sbr.rel $0x88, $3  }
0x1: {  	(tag) =	ssettag $0x0;
	lr =	simm.s32 $0x1  }
0x2: {  	[smem:$0x3F94] =	sst lr;
	_ =	strace $0xD0000000  }
0x3: {  	_ = 	snop  }
0x4: {  	_ = 	snop  }
0x5: {  	_ = 	snop  }
0x6: {  	_ = 	snop  }
0x7: {  	_ = 	snop  }
__scs_overlays_trampoline_lowered:
0x8: {  	[smem:$0x3FA3] =	sst s0  }
0x9: {  	[smem:$0x3FA4] =	sst s1  }
0xa: {  	[smem:$0x3FA5] =	sst s2  }
0xb: {  	[smem:$0x3FA6] =	sst s3  }
0xc: {  	[smem:$0x3FA7] =	sst s4  }
0xd: {  	[smem:$0x3FA8] =	sst s5  }
0xe: {  	[smem:$0x3FA9] =	sst s6  }
0xf: {  	[smem:$0x3FAA] =	sst s7  }
0x10: {  	[smem:$0x3FAB] =	sst s8  }
0x11: {  	[smem:$0x3FAC] =	sst s9;
	s0 =	simm.s32 @!p0 $0x0  }
0x12: {  	s1 =	sld [smem:$0x3F92];
	s0 =	simm.s32 @p0 $0x1  }
0x13: {  	[smem:$0x3FAD] =	sst s0;
	s0 =	simm.s32 @!p1 $0x0  }
0x14: {  	s2 =	sld [smem:$0x3F91];
	s0 =	simm.s32 @p1 $0x1  }
0x15: {  	[smem:$0x3FAE] =	sst s0;
	s0 =	simm.s32 @!p2 $0x0  }
0x16: {  	s3 =	sld [smem:$0x3FDB];
	s0 =	simm.s32 @p2 $0x1  }
0x17: {  	s4 =	simm.s32 $0x1BF5;
	[smem:$0x3FB0] =	sst s0  }
0x18: {  	s0 =	sld [smem:$0x3F93];
	_ =	swait.ge [sflag:s4], $0x0  }
0x19: {  	s7 =	sld [smem:$0x3F94]  }
0x1a: {  	s8 =	sadd.s32 $0xFFFFE003, lr  }
0x1b: {  	s9 =	sadd.s32 $0xFFFFFEF7, lr;
	s5 =	simm.s32 $0xFFFFFFFF;
	p2 =	slt.u32 s8, $0xFFFFF086  }
0x1c: {  	p1 =	slt.u32 s9, $0xF7A;
	s5 =	simm.s32 @!p2 $0x0  }
0x1d: {  	s5 =	simm.s32 @p1 $0x1;
	p0 =	seq.s32 s7, s2  }
0x1e: {  	s7 =	smul.u32 @!p0 $0xF7A, s2;
	p2 =	seq.s32 @!p0 s5, $0x0  }
0x1f: {  	s9 =	smul.u32 $0xF7A, s1;
	s8 =	simm.s32 @!p0 $0x1BF5;
	p2 =	por !p2, p0  }
0x20: {  	[sflag:s8] =	ssyncset.s32 @!p0 $0xFFFFF086;
	s6 =	sadd.s32 @!p0 s3, s7;
	s7 =	simm.s32 @!p0 $0x108  }
0x21: {  	s3 =	sadd.s32 s3, s9;
	s6 =	sadd.s32 @!p0 $0x88, s6;
	s7 =	simm.s32 @p2 $0x1082  }
0x22: {  	[simem:s7], [sflag:s8] =	dma.local @!p0 [hbm:s6], $0xF7A  }
0x23: {  	s9 =	sor.u32 $0xD0000000, s2;
	s6 =	simm.s32 $0x108;
	_ =	swait.ge @!p0 [sflag:s8], $0x0  }
0x24: {  	s3 =	sadd.s32 $0x88, s3;
	s6 =	simm.s32 @!p1 $0x1082;
	[sflag:s4] =	ssyncset.s32 $0xFFFFF086  }
0x25: {  	[simem:s6], [sflag:s4] =	dma.local [hbm:s3], $0xF7A  }
0x26: {  	[smem:$0x3F94] =	sst s1;
	(tag) =	ssettag s2;
	_ =	strace s9  }
0x27: {  	s1 =	sld [smem:$0x3FA4]  }
0x28: {  	s2 =	sld [smem:$0x3FA5]  }
0x29: {  	s4 =	sld [smem:$0x3FA7]  }
0x2a: {  	p0 =	seq.s32 s5, $0x0;
	s5 =	sld [smem:$0x3FA8]  }
0x2b: {  	s6 =	sld [smem:$0x3FA9]  }
0x2c: {  	s7 =	sld [smem:$0x3FAA]  }
0x2d: {  	s3 =	simm.s32 $0x108;
	s8 =	sld [smem:$0x3FAB]  }
0x2e: {  	s3 =	simm.s32 @!p0 $0x1082;
	s9 =	sld [smem:$0x3FAC]  }
0x2f: {  	lr =	sadd.s32 s0, s3;
	s0 =	sld [smem:$0x3FA3]  }
0x30: {  	s3 =	sld [smem:$0x3FA6]  }
0x31: {  	[smem:$0x3FAF] =	sst s10  }
0x32: {  	s10 =	sld [smem:$0x3FAD];
	_ =	sdelay $0x3  }
0x33: {  	p0 =	seq.s32 s10, $0x1;
	s10 =	sld [smem:$0x3FAF];
	_ =	sdelay $0x3  }
0x34: {  	[smem:$0x3FAF] =	sst s10  }
0x35: {  	s10 =	sld [smem:$0x3FAE];
	_ =	sdelay $0x3  }
0x36: {  	p1 =	seq.s32 s10, $0x1;
	s10 =	sld [smem:$0x3FAF];
	_ =	sdelay $0x3  }
0x37: {  	[smem:$0x3FAF] =	sst s10  }
0x38: {  	s10 =	sld [smem:$0x3FB0]  }
0x39: {  	_ = 	snop;
	(pc) =	sbr.ind lr, $3  }
0x3a: {  	_ = 	snop  }
0x3b: {  	_ = 	snop  }
0x3c: {  	p2 =	seq.s32 s10, $0x1;
	s10 =	sld [smem:$0x3FAF]  }
0x3d: {  	_ =	shalt  }
0x3e: {  	_ =	shalt  }
0x3f: {  	_ =	shalt  }
0x40: {  	_ =	shalt  }
0x41: {  	_ =	shalt  }
0x42: {  	_ =	shalt  }
0x43: {  	_ =	shalt  }
0x44: {  	_ =	shalt  }
0x45: {  	_ =	shalt  }
0x46: {  	_ =	shalt  }
0x47: {  	_ =	shalt  }
0x48: {  	_ =	shalt  }
0x49: {  	_ =	shalt  }
0x4a: {  	_ =	shalt  }
0x4b: {  	_ =	shalt  }
0x4c: {  	_ =	shalt  }
0x4d: {  	_ =	shalt  }
0x4e: {  	_ =	shalt  }
0x4f: {  	_ =	shalt  }
0x50: {  	_ =	shalt  }
0x51: {  	_ =	shalt  }
0x52: {  	_ =	shalt  }
0x53: {  	_ =	shalt  }
0x54: {  	_ =	shalt  }
0x55: {  	_ =	shalt  }
0x56: {  	_ =	shalt  }
0x57: {  	_ =	shalt  }
0x58: {  	_ =	shalt  }
0x59: {  	_ =	shalt  }
0x5a: {  	_ =	shalt  }
0x5b: {  	_ =	shalt  }
0x5c: {  	_ =	shalt  }
0x5d: {  	_ =	shalt  }
0x5e: {  	_ =	shalt  }
0x5f: {  	_ =	shalt  }
0x60: {  	_ =	shalt  }
0x61: {  	_ =	shalt  }
0x62: {  	_ =	shalt  }
0x63: {  	_ =	shalt  }
0x64: {  	_ =	shalt  }
0x65: {  	_ =	shalt  }
0x66: {  	_ =	shalt  }
0x67: {  	_ =	shalt  }
0x68: {  	_ =	shalt  }
0x69: {  	_ =	shalt  }
0x6a: {  	_ =	shalt  }
0x6b: {  	_ =	shalt  }
0x6c: {  	_ =	shalt  }
0x6d: {  	_ =	shalt  }
0x6e: {  	_ =	shalt  }
0x6f: {  	_ =	shalt  }
0x70: {  	_ =	shalt  }
0x71: {  	_ =	shalt  }
0x72: {  	_ =	shalt  }
0x73: {  	_ =	shalt  }
0x74: {  	_ =	shalt  }
0x75: {  	_ =	shalt  }
0x76: {  	_ =	shalt  }
0x77: {  	_ =	shalt  }
0x78: {  	_ =	shalt  }
0x79: {  	_ =	shalt  }
0x7a: {  	_ =	shalt  }
0x7b: {  	_ =	shalt  }
0x7c: {  	_ =	shalt  }
0x7d: {  	_ =	shalt  }
0x7e: {  	_ =	shalt  }
0x7f: {  	_ =	shalt  }
0x80: {  	_ =	shalt  }
0x81: {  	_ =	shalt  }
0x82: {  	_ =	shalt  }
0x83: {  	_ =	shalt  }
0x84: {  	_ =	shalt  }
0x85: {  	_ =	shalt  }
0x86: {  	_ =	shalt  }
0x87: {  	_ =	shalt  }
.Lfunc_end0:
.L_simem_size_0:
called_computation.2_lowered:
.L_overlay_start_0:
0x88: {  	s2 =	sld [smem:$0x3FD9]  }
0x89: {  	s3 =	sld [smem:$0x3FFE];
	_ =	sdelay $0x1  }
0x8a: {  	s1 =	srdreg.scid  }
0x8b: {  	s0 =	sand.u32 $0x1, s1  }
0x8c: {  	s16 =	sshll.u32 s0, $0xA;
	s2 =	sadd.s32 s3, s2  }
0x8d: {  	s2 =	sadd.s32 s2, s16  }
0x8e: {  	[smem:$0x3FBB] =	sst s2  }
0x8f: {  	_ = 	snop  }
0x90: {  	(tm) =	ssettm $0x1  }
0x91: {  	s17 =	sld [smem:$0x3FFB];
	_ =	sdelay $0x3  }
0x92: {  	_ =	strace s17  }
0x93: {  	s2 =	sld [smem:$0x3FFC];
	_ =	sdelay $0x3  }
0x94: {  	_ =	strace s2  }
0x95: {  	s2 =	sld [smem:$0x3FFD];
	_ =	sdelay $0x3  }
0x96: {  	_ =	strace s2  }
0x97: {  	_ =	strace $0x8FFFFFFF  }
0x98: {  	s18 =	sld [smem:$0x3FDB];
	_ =	sdelay $0x1  }
0x99: {  	s19 =	simm.s32 $_scs_section_size  }
0x9a: {  	s4 =	simm.s32 $_size__tile_overlayer_lowered;
	s5 =	simm.s32 $_tile_overlayer_lowered  }
0x9b: {  	s22 =	simm.s32 $0x1BFF;
	s21 =	sshll.u32 s5, $0x1;
	s2 =	sadd.s32 s19, s18  }
0x9c: {  	s6 =	simm.s32 $0x0;
	s20 =	sshll.u32 s4, $0x1;
	s4 =	sadd.s32 s21, s2  }
0x9d: {  	[timem:s6], [sflag:s22] =	dma.local [hbm:s4], s20  }
0x9e: {  	_ =	swait.ge [sflag:s22], s20  }
0x9f: {  	s3 =	ssub.s32 $0x0, s20;
	[sflag:s22] =	ssyncset.done $0x0  }
0xa0: {  	[sflag:s22] =	ssyncadd.s32 s3;
	_ =	sdelay $0x1  }
0xa1: {  	s23 =	simm.s32 $0x1B8B  }
0xa2: {  	_ =	swait.ge [sflag:s23], $0x1  }
0xa3: {  	[sflag:s23] =	ssyncset.done $0x0  }
0xa4: {  	s25 =	simm.s32 $0x1B8E;
	s24 =	sld [smem:$0x3FFE];
	[sflag:s23] =	ssyncadd.s32 $0xFFFFFFFF  }
0xa5: {  	s26 =	simm.s32 $execute0_lowered;
	[smem:$0x3FD2] =	sst s25  }
0xa6: {  	s4 =	sshll.u32 s26, $0x1;
	_ =	strace $0x8000004C;
	[dreg:$0x1] =	wrdreg $0xFFFFFFFF  }
0xa7: {  	s28 =	simm.s32 $_size_execute0_lowered;
	s2 =	sadd.s32 s2, s4;
	[dreg:$0x0] =	wrdreg $0x0  }
0xa8: {  	s4 =	sshll.u32 s28, $0x1;
	[dreg:$0x2] =	wrdreg s2  }
0xa9: {  	[dreg:$0x3] =	wrdreg s4  }
0xaa: {  	[dreg:$0x4] =	wrdreg $0xC0  }
0xab: {  	_ =	task [dreg:s6], $0x5FFFF  }
0xac: {  	[dreg:$0x1] =	wrdreg $0xFFFFFFFF  }
0xad: {  	[dreg:$0x0] =	wrdreg $0x60  }
0xae: {  	[dreg:$0x2] =	wrdreg s24  }
0xaf: {  	[dreg:$0x3] =	wrdreg $0x0  }
0xb0: {  	[dreg:$0x4] =	wrdreg $0x9  }
0xb1: {  	_ =	task.clear_ibuf [dreg:s6], $0x5FFFF;
	_ =	strace $0x9000004C  }
0xb2: {  	s29 =	simm.s32 $0x9;
	_ =	strace $0x8000004E  }
0xb3: {  	_ =	swait.ge [sflag:s29], $0x1  }
0xb4: {  	[sflag:s29] =	ssyncadd.s32 $0xFFFFFFFF  }
0xb5: {  	_ =	strace $0x9000004E  }
0xb6: {  	_ =	sfence  }
0xb7: {  	s30 =	sld [smem:$0x0];
	_ =	sdelay $0x2  }
0xb8: {  	s31 =	sshll.u32 s1, $0xD;
	s1 =	sshrl.u32 s1, $0x2  }
0xb9: {  	s3 =	sand.u32 $0x4000, s31;
	s1 =	sadd.s32 s1, s30  }
0xba: {  	s0 =	sor.u32 s3, s0;
	s1 =	sshll.u32 s1, $0x11  }
0xbb: {  	s0 =	sor.u32 s1, s0  }
0xbc: {  	s0 =	sadd.s32 $0x8F2B, s0  }
0xbd: {  	[sflag:s0] =	ssyncadd.remote.s32 $0x1  }
0xbe: {  	_ =	sfence.sel $0xFFFF  }
0xbf: {  	[dreg:$0x0] =	wrdreg $0xFFFFFFFF;
	(pc) =	sbr.abs _section_cstart, $3  }
0xc0: {  	[dreg:$0x1] =	wrdreg $0xFFFFFFFF  }
0xc1: {  	_ =	task.clear_ibuf [dreg:s6], $0x2FFFF;
	_ =	strace $0x9FFFFFFF  }
0xc2: {  	(tm) =	ssettm $0x7FFFFFFF  }
0xc3: {  	_ =	shalt  }
tec
execute0_lowered:
.L_overlay_start_1:
0x0: {  	(tag) =	ssettag $0x1  }
0x1: {  	s0 =	rddreg [dreg:$0x0]  }
0x2: {  	s1 =	rddreg [dreg:$0x1]  }
0x3: {  	s2 =	srdreg.scid;
	s3 =	simm.s32 $0x0;
	s16 =	stileid.u32  }
0x4: {  	s15 =	simm.s32 $0x13880;
	s19 =	simm.s32 $0x17880;
	s28 =	simm.s32 $0x2  }
0x5: {  	s29 =	simm.s32 $0x4;
	s31 =	simm.s32 $0x0;
	s6 =	smul.u32 $0x2780, s16  }
0x6: {  	s2 =	sand.u32 $0x1, s2;
	[smem:$0x7FF] =	sst s3;
	s9 =	smul.u32 $0x4E200, s16  }
0x7: {  	s5 =	sshll.u32 s16, $0x1;
	s12 =	smul.u32 $0x7D00, s16;
	s30 =	sshll.u32 s16, $0x6  }
0x8: {  	s4 =	sshll.u32 s2, $0x4;
	_ =	strace $0x8000004D;
	s7 =	sor.u32 s2, s5  }
0x9: {  	s20 =	ssub.s32 $0x2, s2;
	s2 =	smul.u32 $0x3E80, s2;
	s17 =	sor.u32 $0x1C05, s30  }
0xa: {  	s4 =	sor.u32 s16, s4;
	s5 =	sshll.u32 s7, $0xB;
	s7 =	smul.u32 $0x3E80, s7  }
0xb: {  	s11 =	sadd.s32 s6, s0;
	s21 =	sshrl.u32 s20, $0x1;
	s23 =	sshrl.u32 s9, $0x2  }
0xc: {  	s16 =	simm.s32 $0x5;
	s8 =	smul.u32 $0x2780, s4;
	s4 =	sadd.s32 $0x3C400, s0  }
0xd: {  	s10 =	sadd.s32 s5, s0;
	s5 =	sadd.s32 $0x5200, s0;
	s13 =	ssub.s32 s20, s21  }
0xe: {  	s18 =	sadd.s32 s23, s1;
	s2 =	sadd.s32 s2, s12;
	s25 =	sadd.s32 $0x14C00, s11  }
0xf: {  	s20 =	simm.s32 $0x50;
	s21 =	simm.s32 $0x17980;
	s22 =	sadd.s32 $0x8BA00, s10  }
0x10: {  	s24 =	sshrl.u32 s7, $0x3;
	[dreg:$0x4] =	wrdreg s25;
	s26 =	sadd.s32 $0x180, s2  }
0x11: {  	s12 =	smax.u32 s13, $0x1;
	s18 =	sshrl.u32 s18, $0x3;
	s25 =	simm.s32 $0x1  }
0x12: {  	s0 =	sadd.s32 s8, s0;
	[dreg:$0x3] =	wrdreg s22;
	s8 =	sadd.s32 s5, s24  }
0x13: {  	s14 =	sshrl.u32 s26, $0x3;
	s22 =	simm.s32 $0x17900;
	s24 =	simm.s32 $0x1A180  }
0x14: {  	s26 =	simm.s32 $0x3;
	s9 =	sadd.s32 $0x10, s8;
	s10 =	sadd.s32 $0x7C0, s8  }
0x15: {  	s11 =	sadd.s32 $0x9BA00, s0;
	s13 =	sadd.s32 s14, s5;
	s14 =	sadd.s32 $0x100, s2  }
.LBB2_1:
0x16: {  	s0 =	rddreg [dreg:$0x3]  }
0x17: {  	[tilespmem:s15], [sflag:$0x5] =	stream.linear.gather [hbm4b:s0+s3], $0x3E80, $0x38;
	[tilespmem:$0x1C980] =	vst v63  }
0x18: {  	_ =	swait.ge [sflag:s16], $0x3E80  }
0x19: {  	[sflag:s16] =	ssyncset.done $0x0  }
0x1a: {  	s23 =	rddreg [dreg:$0x4];
	[sflag:s16] =	ssyncadd.s32 $0xFFFFC180  }
0x1b: {  	[spmem:s18], [sflag:s17] =	dma.local [hbm:s23], $0x2710  }
0x1c: {  	_ =	swait.ge [sflag:s16], $0x2710  }
0x1d: {  	[sflag:s16] =	ssyncset.done $0x0  }
0x1e: {  	[sflag:s16] =	ssyncadd.s32 $0xFFFFD8F0  }
0x1f: {  	[tilespmem:s19], [sflag:$0x3] =	stream.linear.gather [hbm4b:s8+s3], $0x80, $0x38;
	[tilespmem:$0x1C980] =	vst v63  }
0x20: {  	_ = 	snop  }
0x21: {  	[tilespmem:s21], [sflag:$0x1] =	stream.indirect.gather [hbm4b:s4+s20], $0x80, s15, s20, $0xb8;
	[tilespmem:$0x1C980] =	vst v63  }
0x22: {  	_ = 	snop  }
0x23: {  	[tilespmem:s22], [sflag:$0x4] =	stream.linear.gather [hbm4b:s9+s3], $0x80, $0x38;
	[tilespmem:$0x1C980] =	vst v63  }
0x24: {  	s2 =	simm.s32 $0x13900  }
0x25: {  	[tilespmem:s24], [sflag:$0x2] =	stream.indirect.gather [hbm4b:s4+s20], $0x80, s2, s20, $0xb8;
	[tilespmem:$0x1C980] =	vst v63  }
0x26: {  	[bflag:$0x0] =	sbarrier.arrive $0xFFFF  }
0x27: {  	_ =	swait.ge [sflag:s25], $0x2800  }
0x28: {  	[sflag:s25] =	ssyncset.done $0x0  }
0x29: {  	[sflag:s25] =	ssyncadd.s32 $0xFFFFD800  }
0x2a: {  	_ =	swait.ge [sflag:s26], $0x80  }
0x2b: {  	[sflag:s26] =	ssyncset.done $0x0  }
0x2c: {  	[sflag:s26] =	ssyncadd.s32 $0xFFFFFF80  }
0x2d: {  	[spmem:s1] =	stream.indirect.scatter.add.f32 [tilespmem:s21], [sflag:$0x5], $0x80, s19, s20, $0xb8;
	[tilespmem:$0x1C980] =	vst v63  }
0x2e: {  	_ =	swait.ge [sflag:s16], $0x2800  }
0x2f: {  	s6 =	sshrl.u32 s14, $0x3;
	[sflag:s16] =	ssyncset.done $0x0  }
0x30: {  	s0 =	sadd.s32 s5, s6;
	[sflag:s16] =	ssyncadd.s32 $0xFFFFD800  }
0x31: {  	[tilespmem:s19], [sflag:$0x3] =	stream.linear.gather [hbm4b:s0+s3], $0x80, $0x38;
	[tilespmem:$0x1C980] =	vst v63  }
0x32: {  	s7 =	simm.s32 $0x13980  }
0x33: {  	[tilespmem:s21], [sflag:$0x1] =	stream.indirect.gather [hbm4b:s4+s20], $0x80, s7, s20, $0xb8;
	[tilespmem:$0x1C980] =	vst v63  }
0x34: {  	_ =	swait.ge [sflag:s28], $0x2800  }
0x35: {  	[sflag:s28] =	ssyncset.done $0x0  }
0x36: {  	[sflag:s28] =	ssyncadd.s32 $0xFFFFD800  }
0x37: {  	_ =	swait.ge [sflag:s29], $0x80  }
0x38: {  	[sflag:s29] =	ssyncset.done $0x0  }
0x39: {  	[sflag:s29] =	ssyncadd.s32 $0xFFFFFF80  }
0x3a: {  	[spmem:s1] =	stream.indirect.scatter.add.f32 [tilespmem:s24], [sflag:$0x5], $0x80, s22, s20, $0xb8;
	[tilespmem:$0x1C980] =	vst v63  }
0x3b: {  	_ =	swait.ge [sflag:s16], $0x2800  }
0x3c: {  	[sflag:s16] =	ssyncset.done $0x0  }
0x3d: {  	s30 =	sadd.s32 $0x100, s14;
	s23 =	sadd.s32 $0x0, s13;
	[sflag:s16] =	ssyncadd.s32 $0xFFFFD800  }
0x3e: {  	[tilespmem:s22], [sflag:$0x4] =	stream.linear.gather [hbm4b:s23+s3], $0x80, $0x38;
	[tilespmem:$0x1C980] =	vst v63  }
0x3f: {  	s2 =	simm.s32 $0x20;
	s0 =	simm.s32 $0x13A00;
	s23 =	simm.s32 $0x13B00  }
.LBB2_2:
0x40: {  	[tilespmem:s24], [sflag:$0x2] =	stream.indirect.gather [hbm4b:s4+s20], $0x80, s0, s20, $0xb8;
	[tilespmem:$0x1C980] =	vst v63  }
0x41: {  	s6 =	smov.u32 s2;
	s0 =	smov.u32 s23  }
0x42: {  	p0 =	sne.s32 s2, $0x780;
	s2 =	sadd.s32 $0x20, s2;
	_ =	swait.ge [sflag:s25], $0x2800  }
0x43: {  	[sflag:s25] =	ssyncset.done $0x0  }
0x44: {  	[sflag:s25] =	ssyncadd.s32 $0xFFFFD800  }
0x45: {  	_ =	swait.ge [sflag:s26], $0x80  }
0x46: {  	[sflag:s26] =	ssyncset.done $0x0  }
0x47: {  	[sflag:s26] =	ssyncadd.s32 $0xFFFFFF80  }
0x48: {  	[spmem:s1] =	stream.indirect.scatter.add.f32 [tilespmem:s21], [sflag:$0x5], $0x80, s19, s20, $0xb8;
	[tilespmem:$0x1C980] =	vst v63  }
0x49: {  	_ =	swait.ge [sflag:s16], $0x2800  }
0x4a: {  	s7 =	sshrl.u32 s30, $0x3;
	[sflag:s16] =	ssyncset.done $0x0  }
0x4b: {  	s7 =	sadd.s32 s5, s7;
	[sflag:s16] =	ssyncadd.s32 $0xFFFFD800  }
0x4c: {  	[tilespmem:s19], [sflag:$0x3] =	stream.linear.gather [hbm4b:s7+s3], $0x80, $0x38;
	[tilespmem:$0x1C980] =	vst v63  }
0x4d: {  	s7 =	sadd.s32 $0xFFFFFF80, s23  }
0x4e: {  	[tilespmem:s21], [sflag:$0x1] =	stream.indirect.gather [hbm4b:s4+s20], $0x80, s7, s20, $0xb8;
	[tilespmem:$0x1C980] =	vst v63  }
0x4f: {  	_ =	swait.ge [sflag:s28], $0x2800  }
0x50: {  	[sflag:s28] =	ssyncset.done $0x0  }
0x51: {  	[sflag:s28] =	ssyncadd.s32 $0xFFFFD800  }
0x52: {  	_ =	swait.ge [sflag:s29], $0x80  }
0x53: {  	[sflag:s29] =	ssyncset.done $0x0  }
0x54: {  	[sflag:s29] =	ssyncadd.s32 $0xFFFFFF80  }
0x55: {  	[spmem:s1] =	stream.indirect.scatter.add.f32 [tilespmem:s24], [sflag:$0x5], $0x80, s22, s20, $0xb8;
	[tilespmem:$0x1C980] =	vst v63  }
.Ltmp0:
0x56: {  	_ =	swait.ge [sflag:s16], $0x2800;
	(pc) =	sbr.rel @p0 .LBB2_2-.Ltmp0, $4  }
0x57: {  	[sflag:s16] =	ssyncset.done $0x0  }
0x58: {  	s6 =	sadd.s32 s6, s13;
	[sflag:s16] =	ssyncadd.s32 $0xFFFFD800  }
0x59: {  	[tilespmem:s22], [sflag:$0x4] =	stream.linear.gather [hbm4b:s6+s3], $0x80, $0x38;
	[tilespmem:$0x1C980] =	vst v63  }
0x5a: {  	s30 =	sadd.s32 $0x100, s30;
	s23 =	sadd.s32 $0x100, s23  }
0x5b: {  	[tilespmem:s24], [sflag:$0x2] =	stream.indirect.gather [hbm4b:s4+s20], $0x80, s0, s20, $0xb8;
	[tilespmem:$0x1C980] =	vst v63  }
0x5c: {  	_ =	swait.ge [sflag:s25], $0x2800  }
0x5d: {  	[sflag:s25] =	ssyncset.done $0x0  }
0x5e: {  	[sflag:s25] =	ssyncadd.s32 $0xFFFFD800  }
0x5f: {  	_ =	swait.ge [sflag:s26], $0x80  }
0x60: {  	[sflag:s26] =	ssyncset.done $0x0  }
0x61: {  	[sflag:s26] =	ssyncadd.s32 $0xFFFFFF80  }
0x62: {  	[spmem:s1] =	stream.indirect.scatter.add.f32 [tilespmem:s21], [sflag:$0x5], $0x80, s19, s20, $0xb8;
	[tilespmem:$0x1C980] =	vst v63  }
0x63: {  	_ =	swait.ge [sflag:s16], $0x2800  }
0x64: {  	[sflag:s16] =	ssyncset.done $0x0  }
0x65: {  	[sflag:s16] =	ssyncadd.s32 $0xFFFFD800  }
0x66: {  	[tilespmem:s19], [sflag:$0x3] =	stream.linear.gather [hbm4b:s10+s3], $0x80, $0x38;
	[tilespmem:$0x1C980] =	vst v63  }
0x67: {  	s30 =	simm.s32 $0x17680  }
0x68: {  	[tilespmem:s21], [sflag:$0x1] =	stream.indirect.gather [hbm4b:s4+s20], $0x80, s30, s20, $0xb8;
	[tilespmem:$0x1C980] =	vst v63  }
0x69: {  	_ =	swait.ge [sflag:s28], $0x2800  }
0x6a: {  	[sflag:s28] =	ssyncset.done $0x0  }
0x6b: {  	[sflag:s28] =	ssyncadd.s32 $0xFFFFD800  }
0x6c: {  	_ =	swait.ge [sflag:s29], $0x80  }
0x6d: {  	[sflag:s29] =	ssyncset.done $0x0  }
0x6e: {  	[sflag:s29] =	ssyncadd.s32 $0xFFFFFF80  }
0x6f: {  	[spmem:s1] =	stream.indirect.scatter.add.f32 [tilespmem:s24], [sflag:$0x5], $0x80, s22, s20, $0xb8;
	[tilespmem:$0x1C980] =	vst v63  }
0x70: {  	_ =	swait.ge [sflag:s16], $0x2800  }
0x71: {  	[sflag:s16] =	ssyncset.done $0x0  }
0x72: {  	[sflag:s16] =	ssyncadd.s32 $0xFFFFD800  }
0x73: {  	_ =	swait.ge [sflag:s25], $0x2800  }
0x74: {  	[sflag:s25] =	ssyncset.done $0x0  }
0x75: {  	[sflag:s25] =	ssyncadd.s32 $0xFFFFD800  }
0x76: {  	_ =	swait.ge [sflag:s26], $0x80  }
0x77: {  	[sflag:s26] =	ssyncset.done $0x0  }
0x78: {  	[sflag:s26] =	ssyncadd.s32 $0xFFFFFF80  }
0x79: {  	[spmem:s1] =	stream.indirect.scatter.add.f32 [tilespmem:s21], [sflag:$0x5], $0x80, s19, s20, $0xb8;
	[tilespmem:$0x1C980] =	vst v63  }
0x7a: {  	_ =	swait.ge [sflag:s16], $0x2800  }
0x7b: {  	s31 =	sadd.s32 $0x1, s31;
	[sflag:s16] =	ssyncset.done $0x0  }
0x7c: {  	p0 =	sne.s32 s31, s12;
	[sflag:s16] =	ssyncadd.s32 $0xFFFFD800  }
.Ltmp1:
0x7d: {  	[bflag:$0x0] =	sbarrier.arrive $0xFFFF;
	(pc) =	sbr.rel @p0 .LBB2_1-.Ltmp1, $4  }
0x7e: {  	[hbm:s11], [sflag:s17] =	dma.local [spmem:s18], $0x2710  }
0x7f: {  	_ =	swait.ge [sflag:s16], $0x2710  }
0x80: {  	[sflag:s16] =	ssyncset.done $0x0  }
0x81: {  	[sflag:s16] =	ssyncadd.s32 $0xFFFFD8F0  }
0x82: {  	_ =	sfence.sel $0x180000  }
0x83: {  	[bflag:$0x0] =	sbarrier.arrive $0xFFFF  }
0x84: {  	_ =	strace $0x9000004D  }
0x85: {  	s0 =	stileid.u32;
	[bflag:$0x2] =	sbarrier.arrive $0xFFFF  }
0x86: {  	p0 =	sne.s32 s0, $0x0;
	s0 =	rddreg [dreg:$0x2]  }
0x87: {  	s0 =	sadd.s32 @!p0 $0x100000, s0  }
0x88: {  	[sflag:s0] =	ssyncadd.tile.s32 @!p0 $0x1;
	_ =	shalt  }
.Lfunc_end2:
_tile_overlayer_lowered:
.L_overlay_start_2:
0x89: {  	(tag) =	ssettag $0x2  }
0x8a: {  	s0 =	rddreg [dreg:$0x0];
	s2 =	stileid.u32  }
0x8b: {  	s1 =	rddreg [dreg:$0x1];
	p0 =	sne.s32 s2, $0x0  }
0x8c: {  	s3 =	rddreg [dreg:$0x2];
	[bflag:$0x3] =	sbarrier.arrive $0xFFFF;
	s2 =	simm.s32 @!p0 $0x1C05  }
0x8d: {  	[timem:s3], [sflag:s2] =	dma.local @!p0 [hbm:s0], s1  }
0x8e: {  	s0 =	simm.s32 @!p0 $0x5  }
0x8f: {  	_ =	swait.ge @!p0 [sflag:s0], s1  }
0x90: {  	s1 =	ssub.s32 @!p0 $0x0, s1;
	[sflag:s0] =	ssyncset.done @!p0 $0x0  }
0x91: {  	[sflag:s0] =	ssyncadd.s32 @!p0 s1  }
0x92: {  	[bflag:$0x3] =	sbarrier.arrive $0xFFFF  }
0x93: {  	_ =	shalt  }

// kernel: kernel.22.cloned.1.call-start
scs
__scs_entry_jumppad:
0x0: {  	(pc) =	sbr.rel $0x88, $3  }
0x1: {  	(tag) =	ssettag $0x0;
	lr =	simm.s32 $0x1  }
0x2: {  	[smem:$0x3F94] =	sst lr;
	_ =	strace $0xD0000000  }
0x3: {  	_ = 	snop  }
0x4: {  	_ = 	snop  }
0x5: {  	_ = 	snop  }
0x6: {  	_ = 	snop  }
0x7: {  	_ = 	snop  }
__scs_overlays_trampoline_lowered:
0x8: {  	[smem:$0x3FA3] =	sst s0  }
0x9: {  	[smem:$0x3FA4] =	sst s1  }
0xa: {  	[smem:$0x3FA5] =	sst s2  }
0xb: {  	[smem:$0x3FA6] =	sst s3  }
0xc: {  	[smem:$0x3FA7] =	sst s4  }
0xd: {  	[smem:$0x3FA8] =	sst s5  }
0xe: {  	[smem:$0x3FA9] =	sst s6  }
0xf: {  	[smem:$0x3FAA] =	sst s7  }
0x10: {  	[smem:$0x3FAB] =	sst s8  }
0x11: {  	[smem:$0x3FAC] =	sst s9;
	s0 =	simm.s32 @!p0 $0x0  }
0x12: {  	s1 =	sld [smem:$0x3F92];
	s0 =	simm.s32 @p0 $0x1  }
0x13: {  	[smem:$0x3FAD] =	sst s0;
	s0 =	simm.s32 @!p1 $0x0  }
0x14: {  	s2 =	sld [smem:$0x3F91];
	s0 =	simm.s32 @p1 $0x1  }
0x15: {  	[smem:$0x3FAE] =	sst s0;
	s0 =	simm.s32 @!p2 $0x0  }
0x16: {  	s3 =	sld [smem:$0x3FDB];
	s0 =	simm.s32 @p2 $0x1  }
0x17: {  	s4 =	simm.s32 $0x1BF5;
	[smem:$0x3FB0] =	sst s0  }
0x18: {  	s0 =	sld [smem:$0x3F93];
	_ =	swait.ge [sflag:s4], $0x0  }
0x19: {  	s7 =	sld [smem:$0x3F94]  }
0x1a: {  	s8 =	sadd.s32 $0xFFFFE003, lr  }
0x1b: {  	s9 =	sadd.s32 $0xFFFFFEF7, lr;
	s5 =	simm.s32 $0xFFFFFFFF;
	p2 =	slt.u32 s8, $0xFFFFF086  }
0x1c: {  	p1 =	slt.u32 s9, $0xF7A;
	s5 =	simm.s32 @!p2 $0x0  }
0x1d: {  	s5 =	simm.s32 @p1 $0x1;
	p0 =	seq.s32 s7, s2  }
0x1e: {  	s7 =	smul.u32 @!p0 $0xF7A, s2;
	p2 =	seq.s32 @!p0 s5, $0x0  }
0x1f: {  	s9 =	smul.u32 $0xF7A, s1;
	s8 =	simm.s32 @!p0 $0x1BF5;
	p2 =	por !p2, p0  }
0x20: {  	[sflag:s8] =	ssyncset.s32 @!p0 $0xFFFFF086;
	s6 =	sadd.s32 @!p0 s3, s7;
	s7 =	simm.s32 @!p0 $0x108  }
0x21: {  	s3 =	sadd.s32 s3, s9;
	s6 =	sadd.s32 @!p0 $0x88, s6;
	s7 =	simm.s32 @p2 $0x1082  }
0x22: {  	[simem:s7], [sflag:s8] =	dma.local @!p0 [hbm:s6], $0xF7A  }
0x23: {  	s9 =	sor.u32 $0xD0000000, s2;
	s6 =	simm.s32 $0x108;
	_ =	swait.ge @!p0 [sflag:s8], $0x0  }
0x24: {  	s3 =	sadd.s32 $0x88, s3;
	s6 =	simm.s32 @!p1 $0x1082;
	[sflag:s4] =	ssyncset.s32 $0xFFFFF086  }
0x25: {  	[simem:s6], [sflag:s4] =	dma.local [hbm:s3], $0xF7A  }
0x26: {  	[smem:$0x3F94] =	sst s1;
	(tag) =	ssettag s2;
	_ =	strace s9  }
0x27: {  	s1 =	sld [smem:$0x3FA4]  }
0x28: {  	s2 =	sld [smem:$0x3FA5]  }
0x29: {  	s4 =	sld [smem:$0x3FA7]  }
0x2a: {  	p0 =	seq.s32 s5, $0x0;
	s5 =	sld [smem:$0x3FA8]  }
0x2b: {  	s6 =	sld [smem:$0x3FA9]  }
0x2c: {  	s7 =	sld [smem:$0x3FAA]  }
0x2d: {  	s3 =	simm.s32 $0x108;
	s8 =	sld [smem:$0x3FAB]  }
0x2e: {  	s3 =	simm.s32 @!p0 $0x1082;
	s9 =	sld [smem:$0x3FAC]  }
0x2f: {  	lr =	sadd.s32 s0, s3;
	s0 =	sld [smem:$0x3FA3]  }
0x30: {  	s3 =	sld [smem:$0x3FA6]  }
0x31: {  	[smem:$0x3FAF] =	sst s10  }
0x32: {  	s10 =	sld [smem:$0x3FAD];
	_ =	sdelay $0x3  }
0x33: {  	p0 =	seq.s32 s10, $0x1;
	s10 =	sld [smem:$0x3FAF];
	_ =	sdelay $0x3  }
0x34: {  	[smem:$0x3FAF] =	sst s10  }
0x35: {  	s10 =	sld [smem:$0x3FAE];
	_ =	sdelay $0x3  }
0x36: {  	p1 =	seq.s32 s10, $0x1;
	s10 =	sld [smem:$0x3FAF];
	_ =	sdelay $0x3  }
0x37: {  	[smem:$0x3FAF] =	sst s10  }
0x38: {  	s10 =	sld [smem:$0x3FB0]  }
0x39: {  	_ = 	snop;
	(pc) =	sbr.ind lr, $3  }
0x3a: {  	_ = 	snop  }
0x3b: {  	_ = 	snop  }
0x3c: {  	p2 =	seq.s32 s10, $0x1;
	s10 =	sld [smem:$0x3FAF]  }
0x3d: {  	_ =	shalt  }
0x3e: {  	_ =	shalt  }
0x3f: {  	_ =	shalt  }
0x40: {  	_ =	shalt  }
0x41: {  	_ =	shalt  }
0x42: {  	_ =	shalt  }
0x43: {  	_ =	shalt  }
0x44: {  	_ =	shalt  }
0x45: {  	_ =	shalt  }
0x46: {  	_ =	shalt  }
0x47: {  	_ =	shalt  }
0x48: {  	_ =	shalt  }
0x49: {  	_ =	shalt  }
0x4a: {  	_ =	shalt  }
0x4b: {  	_ =	shalt  }
0x4c: {  	_ =	shalt  }
0x4d: {  	_ =	shalt  }
0x4e: {  	_ =	shalt  }
0x4f: {  	_ =	shalt  }
0x50: {  	_ =	shalt  }
0x51: {  	_ =	shalt  }
0x52: {  	_ =	shalt  }
0x53: {  	_ =	shalt  }
0x54: {  	_ =	shalt  }
0x55: {  	_ =	shalt  }
0x56: {  	_ =	shalt  }
0x57: {  	_ =	shalt  }
0x58: {  	_ =	shalt  }
0x59: {  	_ =	shalt  }
0x5a: {  	_ =	shalt  }
0x5b: {  	_ =	shalt  }
0x5c: {  	_ =	shalt  }
0x5d: {  	_ =	shalt  }
0x5e: {  	_ =	shalt  }
0x5f: {  	_ =	shalt  }
0x60: {  	_ =	shalt  }
0x61: {  	_ =	shalt  }
0x62: {  	_ =	shalt  }
0x63: {  	_ =	shalt  }
0x64: {  	_ =	shalt  }
0x65: {  	_ =	shalt  }
0x66: {  	_ =	shalt  }
0x67: {  	_ =	shalt  }
0x68: {  	_ =	shalt  }
0x69: {  	_ =	shalt  }
0x6a: {  	_ =	shalt  }
0x6b: {  	_ =	shalt  }
0x6c: {  	_ =	shalt  }
0x6d: {  	_ =	shalt  }
0x6e: {  	_ =	shalt  }
0x6f: {  	_ =	shalt  }
0x70: {  	_ =	shalt  }
0x71: {  	_ =	shalt  }
0x72: {  	_ =	shalt  }
0x73: {  	_ =	shalt  }
0x74: {  	_ =	shalt  }
0x75: {  	_ =	shalt  }
0x76: {  	_ =	shalt  }
0x77: {  	_ =	shalt  }
0x78: {  	_ =	shalt  }
0x79: {  	_ =	shalt  }
0x7a: {  	_ =	shalt  }
0x7b: {  	_ =	shalt  }
0x7c: {  	_ =	shalt  }
0x7d: {  	_ =	shalt  }
0x7e: {  	_ =	shalt  }
0x7f: {  	_ =	shalt  }
0x80: {  	_ =	shalt  }
0x81: {  	_ =	shalt  }
0x82: {  	_ =	shalt  }
0x83: {  	_ =	shalt  }
0x84: {  	_ =	shalt  }
0x85: {  	_ =	shalt  }
0x86: {  	_ =	shalt  }
0x87: {  	_ =	shalt  }
.Lfunc_end0:
.L_simem_size_0:
called_computation.3_lowered:
.L_overlay_start_0:
0x88: {  	s2 =	sld [smem:$0x3FD9]  }
0x89: {  	s3 =	sld [smem:$0x3FFE];
	_ =	sdelay $0x1  }
0x8a: {  	s1 =	srdreg.scid  }
0x8b: {  	s0 =	sand.u32 $0x1, s1  }
0x8c: {  	s16 =	sshll.u32 s0, $0xA;
	s2 =	sadd.s32 s3, s2  }
0x8d: {  	s2 =	sadd.s32 s2, s16  }
0x8e: {  	[smem:$0x3FBB] =	sst s2  }
0x8f: {  	_ = 	snop  }
0x90: {  	(tm) =	ssettm $0x1  }
0x91: {  	s17 =	sld [smem:$0x3FFB];
	_ =	sdelay $0x3  }
0x92: {  	_ =	strace s17  }
0x93: {  	s2 =	sld [smem:$0x3FFC];
	_ =	sdelay $0x3  }
0x94: {  	_ =	strace s2  }
0x95: {  	s2 =	sld [smem:$0x3FFD];
	_ =	sdelay $0x3  }
0x96: {  	_ =	strace s2  }
0x97: {  	_ =	strace $0x8FFFFFFF  }
0x98: {  	s18 =	sld [smem:$0x3FDB];
	_ =	sdelay $0x1  }
0x99: {  	s19 =	simm.s32 $_scs_section_size  }
0x9a: {  	s4 =	simm.s32 $_size__tile_overlayer_lowered;
	s5 =	simm.s32 $_tile_overlayer_lowered  }
0x9b: {  	s22 =	simm.s32 $0x1BFF;
	s21 =	sshll.u32 s5, $0x1;
	s2 =	sadd.s32 s19, s18  }
0x9c: {  	s6 =	simm.s32 $0x0;
	s20 =	sshll.u32 s4, $0x1;
	s4 =	sadd.s32 s21, s2  }
0x9d: {  	[timem:s6], [sflag:s22] =	dma.local [hbm:s4], s20  }
0x9e: {  	_ =	swait.ge [sflag:s22], s20  }
0x9f: {  	s3 =	ssub.s32 $0x0, s20;
	[sflag:s22] =	ssyncset.done $0x0  }
0xa0: {  	[sflag:s22] =	ssyncadd.s32 s3;
	_ =	sdelay $0x1  }
0xa1: {  	s23 =	simm.s32 $0x1B8B  }
0xa2: {  	_ =	swait.ge [sflag:s23], $0x1  }
0xa3: {  	[sflag:s23] =	ssyncset.done $0x0  }
0xa4: {  	s25 =	simm.s32 $0x1B8E;
	s24 =	sld [smem:$0x3FFE];
	[sflag:s23] =	ssyncadd.s32 $0xFFFFFFFF  }
0xa5: {  	s26 =	simm.s32 $execute0_lowered;
	[smem:$0x3FD2] =	sst s25  }
0xa6: {  	s4 =	sshll.u32 s26, $0x1;
	_ =	strace $0x8000004F;
	[dreg:$0x1] =	wrdreg $0xFFFFFFFF  }
0xa7: {  	s28 =	simm.s32 $_size_execute0_lowered;
	s2 =	sadd.s32 s2, s4;
	[dreg:$0x0] =	wrdreg $0x0  }
0xa8: {  	s4 =	sshll.u32 s28, $0x1;
	[dreg:$0x2] =	wrdreg s2  }
0xa9: {  	[dreg:$0x3] =	wrdreg s4  }
0xaa: {  	[dreg:$0x4] =	wrdreg $0xC0  }
0xab: {  	_ =	task [dreg:s6], $0x5FFFF  }
0xac: {  	[dreg:$0x1] =	wrdreg $0xFFFFFFFF  }
0xad: {  	[dreg:$0x0] =	wrdreg $0x60  }
0xae: {  	[dreg:$0x2] =	wrdreg s24  }
0xaf: {  	[dreg:$0x3] =	wrdreg $0x0  }
0xb0: {  	[dreg:$0x4] =	wrdreg $0x9  }
0xb1: {  	_ =	task.clear_ibuf [dreg:s6], $0x5FFFF;
	_ =	strace $0x9000004F  }
0xb2: {  	s29 =	simm.s32 $0x9;
	_ =	strace $0x80000051  }
0xb3: {  	_ =	swait.ge [sflag:s29], $0x1  }
0xb4: {  	[sflag:s29] =	ssyncadd.s32 $0xFFFFFFFF  }
0xb5: {  	_ =	strace $0x90000051  }
0xb6: {  	_ =	sfence  }
0xb7: {  	s30 =	sld [smem:$0x0];
	_ =	sdelay $0x2  }
0xb8: {  	s31 =	sshll.u32 s1, $0xD;
	s1 =	sshrl.u32 s1, $0x2  }
0xb9: {  	s3 =	sand.u32 $0x4000, s31;
	s1 =	sadd.s32 s1, s30  }
0xba: {  	s0 =	sor.u32 s3, s0;
	s1 =	sshll.u32 s1, $0x11  }
0xbb: {  	s0 =	sor.u32 s1, s0  }
0xbc: {  	s0 =	sadd.s32 $0x8F2B, s0  }
0xbd: {  	[sflag:s0] =	ssyncadd.remote.s32 $0x1  }
0xbe: {  	_ =	sfence.sel $0xFFFF  }
0xbf: {  	[dreg:$0x0] =	wrdreg $0xFFFFFFFF;
	(pc) =	sbr.abs _section_cstart, $3  }
0xc0: {  	[dreg:$0x1] =	wrdreg $0xFFFFFFFF  }
0xc1: {  	_ =	task.clear_ibuf [dreg:s6], $0x2FFFF;
	_ =	strace $0x9FFFFFFF  }
0xc2: {  	(tm) =	ssettm $0x7FFFFFFF  }
0xc3: {  	_ =	shalt  }
tec
execute0_lowered:
.L_overlay_start_1:
0x0: {  	(tag) =	ssettag $0x1  }
0x1: {  	s0 =	rddreg [dreg:$0x0]  }
0x2: {  	s1 =	rddreg [dreg:$0x1]  }
0x3: {  	s2 =	srdreg.scid;
	s3 =	simm.s32 $0x0;
	s16 =	stileid.u32  }
0x4: {  	s15 =	simm.s32 $0x13880;
	s19 =	simm.s32 $0x17880;
	s28 =	simm.s32 $0x2  }
0x5: {  	s29 =	simm.s32 $0x4;
	s31 =	simm.s32 $0x0;
	s6 =	smul.u32 $0x2780, s16  }
0x6: {  	s2 =	sand.u32 $0x1, s2;
	[smem:$0x7FF] =	sst s3;
	s9 =	smul.u32 $0x4E200, s16  }
0x7: {  	s5 =	sshll.u32 s16, $0x1;
	s12 =	smul.u32 $0x7D00, s16;
	s30 =	sshll.u32 s16, $0x6  }
0x8: {  	s4 =	sshll.u32 s2, $0x4;
	_ =	strace $0x80000050;
	s7 =	sor.u32 s2, s5  }
0x9: {  	s20 =	ssub.s32 $0x2, s2;
	s2 =	smul.u32 $0x3E80, s2;
	s17 =	sor.u32 $0x1C05, s30  }
0xa: {  	s4 =	sor.u32 s16, s4;
	s5 =	sshll.u32 s7, $0xB;
	s7 =	smul.u32 $0x3E80, s7  }
0xb: {  	s11 =	sadd.s32 s6, s0;
	s21 =	sshrl.u32 s20, $0x1;
	s23 =	sshrl.u32 s9, $0x2  }
0xc: {  	s16 =	simm.s32 $0x5;
	s8 =	smul.u32 $0x2780, s4;
	s4 =	sadd.s32 $0x3C400, s0  }
0xd: {  	s10 =	sadd.s32 s5, s0;
	s5 =	sadd.s32 $0x5200, s0;
	s13 =	ssub.s32 s20, s21  }
0xe: {  	s18 =	sadd.s32 s23, s1;
	s2 =	sadd.s32 s2, s12;
	s25 =	sadd.s32 $0x14C00, s11  }
0xf: {  	s20 =	simm.s32 $0x50;
	s21 =	simm.s32 $0x17980;
	s22 =	sadd.s32 $0x8BA00, s10  }
0x10: {  	s24 =	sshrl.u32 s7, $0x3;
	[dreg:$0x4] =	wrdreg s25;
	s26 =	sadd.s32 $0x180, s2  }
0x11: {  	s12 =	smax.u32 s13, $0x1;
	s18 =	sshrl.u32 s18, $0x3;
	s25 =	simm.s32 $0x1  }
0x12: {  	s0 =	sadd.s32 s8, s0;
	[dreg:$0x3] =	wrdreg s22;
	s8 =	sadd.s32 s5, s24  }
0x13: {  	s14 =	sshrl.u32 s26, $0x3;
	s22 =	simm.s32 $0x17900;
	s24 =	simm.s32 $0x1A180  }
0x14: {  	s26 =	simm.s32 $0x3;
	s9 =	sadd.s32 $0x10, s8;
	s10 =	sadd.s32 $0x7C0, s8  }
0x15: {  	s11 =	sadd.s32 $0x9BA00, s0;
	s13 =	sadd.s32 s14, s5;
	s14 =	sadd.s32 $0x100, s2  }
.LBB2_1:
0x16: {  	s0 =	rddreg [dreg:$0x3]  }
0x17: {  	[tilespmem:s15], [sflag:$0x5] =	stream.linear.gather [hbm4b:s0+s3], $0x3E80, $0x38;
	[tilespmem:$0x1C980] =	vst v63  }
0x18: {  	_ =	swait.ge [sflag:s16], $0x3E80  }
0x19: {  	[sflag:s16] =	ssyncset.done $0x0  }
0x1a: {  	s23 =	rddreg [dreg:$0x4];
	[sflag:s16] =	ssyncadd.s32 $0xFFFFC180  }
0x1b: {  	[spmem:s18], [sflag:s17] =	dma.local [hbm:s23], $0x2710  }
0x1c: {  	_ =	swait.ge [sflag:s16], $0x2710  }
0x1d: {  	[sflag:s16] =	ssyncset.done $0x0  }
0x1e: {  	[sflag:s16] =	ssyncadd.s32 $0xFFFFD8F0  }
0x1f: {  	[tilespmem:s19], [sflag:$0x3] =	stream.linear.gather [hbm4b:s8+s3], $0x80, $0x38;
	[tilespmem:$0x1C980] =	vst v63  }
0x20: {  	_ = 	snop  }
0x21: {  	[tilespmem:s21], [sflag:$0x1] =	stream.indirect.gather [hbm4b:s4+s20], $0x80, s15, s20, $0xb8;
	[tilespmem:$0x1C980] =	vst v63  }
0x22: {  	_ = 	snop  }
0x23: {  	[tilespmem:s22], [sflag:$0x4] =	stream.linear.gather [hbm4b:s9+s3], $0x80, $0x38;
	[tilespmem:$0x1C980] =	vst v63  }
0x24: {  	s2 =	simm.s32 $0x13900  }
0x25: {  	[tilespmem:s24], [sflag:$0x2] =	stream.indirect.gather [hbm4b:s4+s20], $0x80, s2, s20, $0xb8;
	[tilespmem:$0x1C980] =	vst v63  }
0x26: {  	[bflag:$0x0] =	sbarrier.arrive $0xFFFF  }
0x27: {  	_ =	swait.ge [sflag:s25], $0x2800  }
0x28: {  	[sflag:s25] =	ssyncset.done $0x0  }
0x29: {  	[sflag:s25] =	ssyncadd.s32 $0xFFFFD800  }
0x2a: {  	_ =	swait.ge [sflag:s26], $0x80  }
0x2b: {  	[sflag:s26] =	ssyncset.done $0x0  }
0x2c: {  	[sflag:s26] =	ssyncadd.s32 $0xFFFFFF80  }
0x2d: {  	[spmem:s1] =	stream.indirect.scatter.add.f32 [tilespmem:s21], [sflag:$0x5], $0x80, s19, s20, $0xb8;
	[tilespmem:$0x1C980] =	vst v63  }
0x2e: {  	_ =	swait.ge [sflag:s16], $0x2800  }
0x2f: {  	s6 =	sshrl.u32 s14, $0x3;
	[sflag:s16] =	ssyncset.done $0x0  }
0x30: {  	s0 =	sadd.s32 s5, s6;
	[sflag:s16] =	ssyncadd.s32 $0xFFFFD800  }
0x31: {  	[tilespmem:s19], [sflag:$0x3] =	stream.linear.gather [hbm4b:s0+s3], $0x80, $0x38;
	[tilespmem:$0x1C980] =	vst v63  }
0x32: {  	s7 =	simm.s32 $0x13980  }
0x33: {  	[tilespmem:s21], [sflag:$0x1] =	stream.indirect.gather [hbm4b:s4+s20], $0x80, s7, s20, $0xb8;
	[tilespmem:$0x1C980] =	vst v63  }
0x34: {  	_ =	swait.ge [sflag:s28], $0x2800  }
0x35: {  	[sflag:s28] =	ssyncset.done $0x0  }
0x36: {  	[sflag:s28] =	ssyncadd.s32 $0xFFFFD800  }
0x37: {  	_ =	swait.ge [sflag:s29], $0x80  }
0x38: {  	[sflag:s29] =	ssyncset.done $0x0  }
0x39: {  	[sflag:s29] =	ssyncadd.s32 $0xFFFFFF80  }
0x3a: {  	[spmem:s1] =	stream.indirect.scatter.add.f32 [tilespmem:s24], [sflag:$0x5], $0x80, s22, s20, $0xb8;
	[tilespmem:$0x1C980] =	vst v63  }
0x3b: {  	_ =	swait.ge [sflag:s16], $0x2800  }
0x3c: {  	[sflag:s16] =	ssyncset.done $0x0  }
0x3d: {  	s30 =	sadd.s32 $0x100, s14;
	s23 =	sadd.s32 $0x0, s13;
	[sflag:s16] =	ssyncadd.s32 $0xFFFFD800  }
0x3e: {  	[tilespmem:s22], [sflag:$0x4] =	stream.linear.gather [hbm4b:s23+s3], $0x80, $0x38;
	[tilespmem:$0x1C980] =	vst v63  }
0x3f: {  	s2 =	simm.s32 $0x20;
	s0 =	simm.s32 $0x13A00;
	s23 =	simm.s32 $0x13B00  }
.LBB2_2:
0x40: {  	[tilespmem:s24], [sflag:$0x2] =	stream.indirect.gather [hbm4b:s4+s20], $0x80, s0, s20, $0xb8;
	[tilespmem:$0x1C980] =	vst v63  }
0x41: {  	s6 =	smov.u32 s2;
	s0 =	smov.u32 s23  }
0x42: {  	p0 =	sne.s32 s2, $0x780;
	s2 =	sadd.s32 $0x20, s2;
	_ =	swait.ge [sflag:s25], $0x2800  }
0x43: {  	[sflag:s25] =	ssyncset.done $0x0  }
0x44: {  	[sflag:s25] =	ssyncadd.s32 $0xFFFFD800  }
0x45: {  	_ =	swait.ge [sflag:s26], $0x80  }
0x46: {  	[sflag:s26] =	ssyncset.done $0x0  }
0x47: {  	[sflag:s26] =	ssyncadd.s32 $0xFFFFFF80  }
0x48: {  	[spmem:s1] =	stream.indirect.scatter.add.f32 [tilespmem:s21], [sflag:$0x5], $0x80, s19, s20, $0xb8;
	[tilespmem:$0x1C980] =	vst v63  }
0x49: {  	_ =	swait.ge [sflag:s16], $0x2800  }
0x4a: {  	s7 =	sshrl.u32 s30, $0x3;
	[sflag:s16] =	ssyncset.done $0x0  }
0x4b: {  	s7 =	sadd.s32 s5, s7;
	[sflag:s16] =	ssyncadd.s32 $0xFFFFD800  }
0x4c: {  	[tilespmem:s19], [sflag:$0x3] =	stream.linear.gather [hbm4b:s7+s3], $0x80, $0x38;
	[tilespmem:$0x1C980] =	vst v63  }
0x4d: {  	s7 =	sadd.s32 $0xFFFFFF80, s23  }
0x4e: {  	[tilespmem:s21], [sflag:$0x1] =	stream.indirect.gather [hbm4b:s4+s20], $0x80, s7, s20, $0xb8;
	[tilespmem:$0x1C980] =	vst v63  }
0x4f: {  	_ =	swait.ge [sflag:s28], $0x2800  }
0x50: {  	[sflag:s28] =	ssyncset.done $0x0  }
0x51: {  	[sflag:s28] =	ssyncadd.s32 $0xFFFFD800  }
0x52: {  	_ =	swait.ge [sflag:s29], $0x80  }
0x53: {  	[sflag:s29] =	ssyncset.done $0x0  }
0x54: {  	[sflag:s29] =	ssyncadd.s32 $0xFFFFFF80  }
0x55: {  	[spmem:s1] =	stream.indirect.scatter.add.f32 [tilespmem:s24], [sflag:$0x5], $0x80, s22, s20, $0xb8;
	[tilespmem:$0x1C980] =	vst v63  }
.Ltmp0:
0x56: {  	_ =	swait.ge [sflag:s16], $0x2800;
	(pc) =	sbr.rel @p0 .LBB2_2-.Ltmp0, $4  }
0x57: {  	[sflag:s16] =	ssyncset.done $0x0  }
0x58: {  	s6 =	sadd.s32 s6, s13;
	[sflag:s16] =	ssyncadd.s32 $0xFFFFD800  }
0x59: {  	[tilespmem:s22], [sflag:$0x4] =	stream.linear.gather [hbm4b:s6+s3], $0x80, $0x38;
	[tilespmem:$0x1C980] =	vst v63  }
0x5a: {  	s30 =	sadd.s32 $0x100, s30;
	s23 =	sadd.s32 $0x100, s23  }
0x5b: {  	[tilespmem:s24], [sflag:$0x2] =	stream.indirect.gather [hbm4b:s4+s20], $0x80, s0, s20, $0xb8;
	[tilespmem:$0x1C980] =	vst v63  }
0x5c: {  	_ =	swait.ge [sflag:s25], $0x2800  }
0x5d: {  	[sflag:s25] =	ssyncset.done $0x0  }
0x5e: {  	[sflag:s25] =	ssyncadd.s32 $0xFFFFD800  }
0x5f: {  	_ =	swait.ge [sflag:s26], $0x80  }
0x60: {  	[sflag:s26] =	ssyncset.done $0x0  }
0x61: {  	[sflag:s26] =	ssyncadd.s32 $0xFFFFFF80  }
0x62: {  	[spmem:s1] =	stream.indirect.scatter.add.f32 [tilespmem:s21], [sflag:$0x5], $0x80, s19, s20, $0xb8;
	[tilespmem:$0x1C980] =	vst v63  }
0x63: {  	_ =	swait.ge [sflag:s16], $0x2800  }
0x64: {  	[sflag:s16] =	ssyncset.done $0x0  }
0x65: {  	[sflag:s16] =	ssyncadd.s32 $0xFFFFD800  }
0x66: {  	[tilespmem:s19], [sflag:$0x3] =	stream.linear.gather [hbm4b:s10+s3], $0x80, $0x38;
	[tilespmem:$0x1C980] =	vst v63  }
0x67: {  	s30 =	simm.s32 $0x17680  }
0x68: {  	[tilespmem:s21], [sflag:$0x1] =	stream.indirect.gather [hbm4b:s4+s20], $0x80, s30, s20, $0xb8;
	[tilespmem:$0x1C980] =	vst v63  }
0x69: {  	_ =	swait.ge [sflag:s28], $0x2800  }
0x6a: {  	[sflag:s28] =	ssyncset.done $0x0  }
0x6b: {  	[sflag:s28] =	ssyncadd.s32 $0xFFFFD800  }
0x6c: {  	_ =	swait.ge [sflag:s29], $0x80  }
0x6d: {  	[sflag:s29] =	ssyncset.done $0x0  }
0x6e: {  	[sflag:s29] =	ssyncadd.s32 $0xFFFFFF80  }
0x6f: {  	[spmem:s1] =	stream.indirect.scatter.add.f32 [tilespmem:s24], [sflag:$0x5], $0x80, s22, s20, $0xb8;
	[tilespmem:$0x1C980] =	vst v63  }
0x70: {  	_ =	swait.ge [sflag:s16], $0x2800  }
0x71: {  	[sflag:s16] =	ssyncset.done $0x0  }
0x72: {  	[sflag:s16] =	ssyncadd.s32 $0xFFFFD800  }
0x73: {  	_ =	swait.ge [sflag:s25], $0x2800  }
0x74: {  	[sflag:s25] =	ssyncset.done $0x0  }
0x75: {  	[sflag:s25] =	ssyncadd.s32 $0xFFFFD800  }
0x76: {  	_ =	swait.ge [sflag:s26], $0x80  }
0x77: {  	[sflag:s26] =	ssyncset.done $0x0  }
0x78: {  	[sflag:s26] =	ssyncadd.s32 $0xFFFFFF80  }
0x79: {  	[spmem:s1] =	stream.indirect.scatter.add.f32 [tilespmem:s21], [sflag:$0x5], $0x80, s19, s20, $0xb8;
	[tilespmem:$0x1C980] =	vst v63  }
0x7a: {  	_ =	swait.ge [sflag:s16], $0x2800  }
0x7b: {  	s31 =	sadd.s32 $0x1, s31;
	[sflag:s16] =	ssyncset.done $0x0  }
0x7c: {  	p0 =	sne.s32 s31, s12;
	[sflag:s16] =	ssyncadd.s32 $0xFFFFD800  }
.Ltmp1:
0x7d: {  	[bflag:$0x0] =	sbarrier.arrive $0xFFFF;
	(pc) =	sbr.rel @p0 .LBB2_1-.Ltmp1, $4  }
0x7e: {  	[hbm:s11], [sflag:s17] =	dma.local [spmem:s18], $0x2710  }
0x7f: {  	_ =	swait.ge [sflag:s16], $0x2710  }
0x80: {  	[sflag:s16] =	ssyncset.done $0x0  }
0x81: {  	[sflag:s16] =	ssyncadd.s32 $0xFFFFD8F0  }
0x82: {  	_ =	sfence.sel $0x180000  }
0x83: {  	[bflag:$0x0] =	sbarrier.arrive $0xFFFF  }
0x84: {  	_ =	strace $0x90000050  }
0x85: {  	s0 =	stileid.u32;
	[bflag:$0x2] =	sbarrier.arrive $0xFFFF  }
0x86: {  	p0 =	sne.s32 s0, $0x0;
	s0 =	rddreg [dreg:$0x2]  }
0x87: {  	s0 =	sadd.s32 @!p0 $0x100000, s0  }
0x88: {  	[sflag:s0] =	ssyncadd.tile.s32 @!p0 $0x1;
	_ =	shalt  }
.Lfunc_end2:
_tile_overlayer_lowered:
.L_overlay_start_2:
0x89: {  	(tag) =	ssettag $0x2  }
0x8a: {  	s0 =	rddreg [dreg:$0x0];
	s2 =	stileid.u32  }
0x8b: {  	s1 =	rddreg [dreg:$0x1];
	p0 =	sne.s32 s2, $0x0  }
0x8c: {  	s3 =	rddreg [dreg:$0x2];
	[bflag:$0x3] =	sbarrier.arrive $0xFFFF;
	s2 =	simm.s32 @!p0 $0x1C05  }
0x8d: {  	[timem:s3], [sflag:s2] =	dma.local @!p0 [hbm:s0], s1  }
0x8e: {  	s0 =	simm.s32 @!p0 $0x5  }
0x8f: {  	_ =	swait.ge @!p0 [sflag:s0], s1  }
0x90: {  	s1 =	ssub.s32 @!p0 $0x0, s1;
	[sflag:s0] =	ssyncset.done @!p0 $0x0  }
0x91: {  	[sflag:s0] =	ssyncadd.s32 @!p0 s1  }
0x92: {  	[bflag:$0x3] =	sbarrier.arrive $0xFFFF  }
0x93: {  	_ =	shalt  }

// kernel: kernel.25.cloned.1.call-start
scs
__scs_entry_jumppad:
0x0: {  	(pc) =	sbr.rel $0x88, $3  }
0x1: {  	(tag) =	ssettag $0x0;
	lr =	simm.s32 $0x1  }
0x2: {  	[smem:$0x3F94] =	sst lr;
	_ =	strace $0xD0000000  }
0x3: {  	_ = 	snop  }
0x4: {  	_ = 	snop  }
0x5: {  	_ = 	snop  }
0x6: {  	_ = 	snop  }
0x7: {  	_ = 	snop  }
__scs_overlays_trampoline_lowered:
0x8: {  	[smem:$0x3FA3] =	sst s0  }
0x9: {  	[smem:$0x3FA4] =	sst s1  }
0xa: {  	[smem:$0x3FA5] =	sst s2  }
0xb: {  	[smem:$0x3FA6] =	sst s3  }
0xc: {  	[smem:$0x3FA7] =	sst s4  }
0xd: {  	[smem:$0x3FA8] =	sst s5  }
0xe: {  	[smem:$0x3FA9] =	sst s6  }
0xf: {  	[smem:$0x3FAA] =	sst s7  }
0x10: {  	[smem:$0x3FAB] =	sst s8  }
0x11: {  	[smem:$0x3FAC] =	sst s9;
	s0 =	simm.s32 @!p0 $0x0  }
0x12: {  	s1 =	sld [smem:$0x3F92];
	s0 =	simm.s32 @p0 $0x1  }
0x13: {  	[smem:$0x3FAD] =	sst s0;
	s0 =	simm.s32 @!p1 $0x0  }
0x14: {  	s2 =	sld [smem:$0x3F91];
	s0 =	simm.s32 @p1 $0x1  }
0x15: {  	[smem:$0x3FAE] =	sst s0;
	s0 =	simm.s32 @!p2 $0x0  }
0x16: {  	s3 =	sld [smem:$0x3FDB];
	s0 =	simm.s32 @p2 $0x1  }
0x17: {  	s4 =	simm.s32 $0x1BF5;
	[smem:$0x3FB0] =	sst s0  }
0x18: {  	s0 =	sld [smem:$0x3F93];
	_ =	swait.ge [sflag:s4], $0x0  }
0x19: {  	s7 =	sld [smem:$0x3F94]  }
0x1a: {  	s8 =	sadd.s32 $0xFFFFE003, lr  }
0x1b: {  	s9 =	sadd.s32 $0xFFFFFEF7, lr;
	s5 =	simm.s32 $0xFFFFFFFF;
	p2 =	slt.u32 s8, $0xFFFFF086  }
0x1c: {  	p1 =	slt.u32 s9, $0xF7A;
	s5 =	simm.s32 @!p2 $0x0  }
0x1d: {  	s5 =	simm.s32 @p1 $0x1;
	p0 =	seq.s32 s7, s2  }
0x1e: {  	s7 =	smul.u32 @!p0 $0xF7A, s2;
	p2 =	seq.s32 @!p0 s5, $0x0  }
0x1f: {  	s9 =	smul.u32 $0xF7A, s1;
	s8 =	simm.s32 @!p0 $0x1BF5;
	p2 =	por !p2, p0  }
0x20: {  	[sflag:s8] =	ssyncset.s32 @!p0 $0xFFFFF086;
	s6 =	sadd.s32 @!p0 s3, s7;
	s7 =	simm.s32 @!p0 $0x108  }
0x21: {  	s3 =	sadd.s32 s3, s9;
	s6 =	sadd.s32 @!p0 $0x88, s6;
	s7 =	simm.s32 @p2 $0x1082  }
0x22: {  	[simem:s7], [sflag:s8] =	dma.local @!p0 [hbm:s6], $0xF7A  }
0x23: {  	s9 =	sor.u32 $0xD0000000, s2;
	s6 =	simm.s32 $0x108;
	_ =	swait.ge @!p0 [sflag:s8], $0x0  }
0x24: {  	s3 =	sadd.s32 $0x88, s3;
	s6 =	simm.s32 @!p1 $0x1082;
	[sflag:s4] =	ssyncset.s32 $0xFFFFF086  }
0x25: {  	[simem:s6], [sflag:s4] =	dma.local [hbm:s3], $0xF7A  }
0x26: {  	[smem:$0x3F94] =	sst s1;
	(tag) =	ssettag s2;
	_ =	strace s9  }
0x27: {  	s1 =	sld [smem:$0x3FA4]  }
0x28: {  	s2 =	sld [smem:$0x3FA5]  }
0x29: {  	s4 =	sld [smem:$0x3FA7]  }
0x2a: {  	p0 =	seq.s32 s5, $0x0;
	s5 =	sld [smem:$0x3FA8]  }
0x2b: {  	s6 =	sld [smem:$0x3FA9]  }
0x2c: {  	s7 =	sld [smem:$0x3FAA]  }
0x2d: {  	s3 =	simm.s32 $0x108;
	s8 =	sld [smem:$0x3FAB]  }
0x2e: {  	s3 =	simm.s32 @!p0 $0x1082;
	s9 =	sld [smem:$0x3FAC]  }
0x2f: {  	lr =	sadd.s32 s0, s3;
	s0 =	sld [smem:$0x3FA3]  }
0x30: {  	s3 =	sld [smem:$0x3FA6]  }
0x31: {  	[smem:$0x3FAF] =	sst s10  }
0x32: {  	s10 =	sld [smem:$0x3FAD];
	_ =	sdelay $0x3  }
0x33: {  	p0 =	seq.s32 s10, $0x1;
	s10 =	sld [smem:$0x3FAF];
	_ =	sdelay $0x3  }
0x34: {  	[smem:$0x3FAF] =	sst s10  }
0x35: {  	s10 =	sld [smem:$0x3FAE];
	_ =	sdelay $0x3  }
0x36: {  	p1 =	seq.s32 s10, $0x1;
	s10 =	sld [smem:$0x3FAF];
	_ =	sdelay $0x3  }
0x37: {  	[smem:$0x3FAF] =	sst s10  }
0x38: {  	s10 =	sld [smem:$0x3FB0]  }
0x39: {  	_ = 	snop;
	(pc) =	sbr.ind lr, $3  }
0x3a: {  	_ = 	snop  }
0x3b: {  	_ = 	snop  }
0x3c: {  	p2 =	seq.s32 s10, $0x1;
	s10 =	sld [smem:$0x3FAF]  }
0x3d: {  	_ =	shalt  }
0x3e: {  	_ =	shalt  }
0x3f: {  	_ =	shalt  }
0x40: {  	_ =	shalt  }
0x41: {  	_ =	shalt  }
0x42: {  	_ =	shalt  }
0x43: {  	_ =	shalt  }
0x44: {  	_ =	shalt  }
0x45: {  	_ =	shalt  }
0x46: {  	_ =	shalt  }
0x47: {  	_ =	shalt  }
0x48: {  	_ =	shalt  }
0x49: {  	_ =	shalt  }
0x4a: {  	_ =	shalt  }
0x4b: {  	_ =	shalt  }
0x4c: {  	_ =	shalt  }
0x4d: {  	_ =	shalt  }
0x4e: {  	_ =	shalt  }
0x4f: {  	_ =	shalt  }
0x50: {  	_ =	shalt  }
0x51: {  	_ =	shalt  }
0x52: {  	_ =	shalt  }
0x53: {  	_ =	shalt  }
0x54: {  	_ =	shalt  }
0x55: {  	_ =	shalt  }
0x56: {  	_ =	shalt  }
0x57: {  	_ =	shalt  }
0x58: {  	_ =	shalt  }
0x59: {  	_ =	shalt  }
0x5a: {  	_ =	shalt  }
0x5b: {  	_ =	shalt  }
0x5c: {  	_ =	shalt  }
0x5d: {  	_ =	shalt  }
0x5e: {  	_ =	shalt  }
0x5f: {  	_ =	shalt  }
0x60: {  	_ =	shalt  }
0x61: {  	_ =	shalt  }
0x62: {  	_ =	shalt  }
0x63: {  	_ =	shalt  }
0x64: {  	_ =	shalt  }
0x65: {  	_ =	shalt  }
0x66: {  	_ =	shalt  }
0x67: {  	_ =	shalt  }
0x68: {  	_ =	shalt  }
0x69: {  	_ =	shalt  }
0x6a: {  	_ =	shalt  }
0x6b: {  	_ =	shalt  }
0x6c: {  	_ =	shalt  }
0x6d: {  	_ =	shalt  }
0x6e: {  	_ =	shalt  }
0x6f: {  	_ =	shalt  }
0x70: {  	_ =	shalt  }
0x71: {  	_ =	shalt  }
0x72: {  	_ =	shalt  }
0x73: {  	_ =	shalt  }
0x74: {  	_ =	shalt  }
0x75: {  	_ =	shalt  }
0x76: {  	_ =	shalt  }
0x77: {  	_ =	shalt  }
0x78: {  	_ =	shalt  }
0x79: {  	_ =	shalt  }
0x7a: {  	_ =	shalt  }
0x7b: {  	_ =	shalt  }
0x7c: {  	_ =	shalt  }
0x7d: {  	_ =	shalt  }
0x7e: {  	_ =	shalt  }
0x7f: {  	_ =	shalt  }
0x80: {  	_ =	shalt  }
0x81: {  	_ =	shalt  }
0x82: {  	_ =	shalt  }
0x83: {  	_ =	shalt  }
0x84: {  	_ =	shalt  }
0x85: {  	_ =	shalt  }
0x86: {  	_ =	shalt  }
0x87: {  	_ =	shalt  }
.Lfunc_end0:
.L_simem_size_0:
called_computation.4_lowered:
.L_overlay_start_0:
0x88: {  	s2 =	sld [smem:$0x3FD9]  }
0x89: {  	s3 =	sld [smem:$0x3FFE];
	_ =	sdelay $0x1  }
0x8a: {  	s1 =	srdreg.scid  }
0x8b: {  	s0 =	sand.u32 $0x1, s1  }
0x8c: {  	s16 =	sshll.u32 s0, $0xA;
	s2 =	sadd.s32 s3, s2  }
0x8d: {  	s2 =	sadd.s32 s2, s16  }
0x8e: {  	[smem:$0x3FBB] =	sst s2  }
0x8f: {  	_ = 	snop  }
0x90: {  	(tm) =	ssettm $0x1  }
0x91: {  	s17 =	sld [smem:$0x3FFB];
	_ =	sdelay $0x3  }
0x92: {  	_ =	strace s17  }
0x93: {  	s2 =	sld [smem:$0x3FFC];
	_ =	sdelay $0x3  }
0x94: {  	_ =	strace s2  }
0x95: {  	s2 =	sld [smem:$0x3FFD];
	_ =	sdelay $0x3  }
0x96: {  	_ =	strace s2  }
0x97: {  	_ =	strace $0x8FFFFFFF  }
0x98: {  	s18 =	sld [smem:$0x3FDB];
	_ =	sdelay $0x1  }
0x99: {  	s19 =	simm.s32 $_scs_section_size  }
0x9a: {  	s4 =	simm.s32 $_size__tile_overlayer_lowered;
	s5 =	simm.s32 $_tile_overlayer_lowered  }
0x9b: {  	s22 =	simm.s32 $0x1BFF;
	s21 =	sshll.u32 s5, $0x1;
	s2 =	sadd.s32 s19, s18  }
0x9c: {  	s6 =	simm.s32 $0x0;
	s20 =	sshll.u32 s4, $0x1;
	s4 =	sadd.s32 s21, s2  }
0x9d: {  	[timem:s6], [sflag:s22] =	dma.local [hbm:s4], s20  }
0x9e: {  	_ =	swait.ge [sflag:s22], s20  }
0x9f: {  	s3 =	ssub.s32 $0x0, s20;
	[sflag:s22] =	ssyncset.done $0x0  }
0xa0: {  	[sflag:s22] =	ssyncadd.s32 s3;
	_ =	sdelay $0x1  }
0xa1: {  	s23 =	simm.s32 $0x1B8B  }
0xa2: {  	_ =	swait.ge [sflag:s23], $0x1  }
0xa3: {  	[sflag:s23] =	ssyncset.done $0x0  }
0xa4: {  	s25 =	simm.s32 $0x1B8E;
	s24 =	sld [smem:$0x3FFE];
	[sflag:s23] =	ssyncadd.s32 $0xFFFFFFFF  }
0xa5: {  	s26 =	simm.s32 $execute0_lowered;
	[smem:$0x3FD2] =	sst s25  }
0xa6: {  	s4 =	sshll.u32 s26, $0x1;
	_ =	strace $0x80000052;
	[dreg:$0x1] =	wrdreg $0xFFFFFFFF  }
0xa7: {  	s28 =	simm.s32 $_size_execute0_lowered;
	s2 =	sadd.s32 s2, s4;
	[dreg:$0x0] =	wrdreg $0x0  }
0xa8: {  	s4 =	sshll.u32 s28, $0x1;
	[dreg:$0x2] =	wrdreg s2  }
0xa9: {  	[dreg:$0x3] =	wrdreg s4  }
0xaa: {  	[dreg:$0x4] =	wrdreg $0xC0  }
0xab: {  	_ =	task [dreg:s6], $0x5FFFF  }
0xac: {  	[dreg:$0x1] =	wrdreg $0xFFFFFFFF  }
0xad: {  	[dreg:$0x0] =	wrdreg $0x60  }
0xae: {  	[dreg:$0x2] =	wrdreg s24  }
0xaf: {  	[dreg:$0x3] =	wrdreg $0x0  }
0xb0: {  	[dreg:$0x4] =	wrdreg $0x9  }
0xb1: {  	_ =	task.clear_ibuf [dreg:s6], $0x5FFFF;
	_ =	strace $0x90000052  }
0xb2: {  	s29 =	simm.s32 $0x9;
	_ =	strace $0x80000054  }
0xb3: {  	_ =	swait.ge [sflag:s29], $0x1  }
0xb4: {  	[sflag:s29] =	ssyncadd.s32 $0xFFFFFFFF  }
0xb5: {  	_ =	strace $0x90000054  }
0xb6: {  	_ =	sfence  }
0xb7: {  	s30 =	sld [smem:$0x0];
	_ =	sdelay $0x2  }
0xb8: {  	s31 =	sshll.u32 s1, $0xD;
	s1 =	sshrl.u32 s1, $0x2  }
0xb9: {  	s3 =	sand.u32 $0x4000, s31;
	s1 =	sadd.s32 s1, s30  }
0xba: {  	s0 =	sor.u32 s3, s0;
	s1 =	sshll.u32 s1, $0x11  }
0xbb: {  	s0 =	sor.u32 s1, s0  }
0xbc: {  	s0 =	sadd.s32 $0x8F2B, s0  }
0xbd: {  	[sflag:s0] =	ssyncadd.remote.s32 $0x1  }
0xbe: {  	_ =	sfence.sel $0xFFFF  }
0xbf: {  	[dreg:$0x0] =	wrdreg $0xFFFFFFFF;
	(pc) =	sbr.abs _section_cstart, $3  }
0xc0: {  	[dreg:$0x1] =	wrdreg $0xFFFFFFFF  }
0xc1: {  	_ =	task.clear_ibuf [dreg:s6], $0x2FFFF;
	_ =	strace $0x9FFFFFFF  }
0xc2: {  	(tm) =	ssettm $0x7FFFFFFF  }
0xc3: {  	_ =	shalt  }
tec
execute0_lowered:
.L_overlay_start_1:
0x0: {  	(tag) =	ssettag $0x1  }
0x1: {  	s0 =	rddreg [dreg:$0x0]  }
0x2: {  	s1 =	rddreg [dreg:$0x1]  }
0x3: {  	s2 =	srdreg.scid;
	s3 =	simm.s32 $0x0;
	s16 =	stileid.u32  }
0x4: {  	s15 =	simm.s32 $0x13880;
	s19 =	simm.s32 $0x17880;
	s28 =	simm.s32 $0x2  }
0x5: {  	s29 =	simm.s32 $0x4;
	s31 =	simm.s32 $0x0;
	s6 =	smul.u32 $0x2780, s16  }
0x6: {  	s2 =	sand.u32 $0x1, s2;
	[smem:$0x7FF] =	sst s3;
	s9 =	smul.u32 $0x4E200, s16  }
0x7: {  	s5 =	sshll.u32 s16, $0x1;
	s12 =	smul.u32 $0x7D00, s16;
	s30 =	sshll.u32 s16, $0x6  }
0x8: {  	s4 =	sshll.u32 s2, $0x4;
	_ =	strace $0x80000053;
	s7 =	sor.u32 s2, s5  }
0x9: {  	s20 =	ssub.s32 $0x2, s2;
	s2 =	smul.u32 $0x3E80, s2;
	s17 =	sor.u32 $0x1C05, s30  }
0xa: {  	s4 =	sor.u32 s16, s4;
	s5 =	sshll.u32 s7, $0xB;
	s7 =	smul.u32 $0x3E80, s7  }
0xb: {  	s11 =	sadd.s32 s6, s0;
	s21 =	sshrl.u32 s20, $0x1;
	s23 =	sshrl.u32 s9, $0x2  }
0xc: {  	s16 =	simm.s32 $0x5;
	s8 =	smul.u32 $0x2780, s4;
	s4 =	sadd.s32 $0x3C400, s0  }
0xd: {  	s10 =	sadd.s32 s5, s0;
	s5 =	sadd.s32 $0x5200, s0;
	s13 =	ssub.s32 s20, s21  }
0xe: {  	s18 =	sadd.s32 s23, s1;
	s2 =	sadd.s32 s2, s12;
	s25 =	sadd.s32 $0x14C00, s11  }
0xf: {  	s20 =	simm.s32 $0x50;
	s21 =	simm.s32 $0x17980;
	s22 =	sadd.s32 $0x8BA00, s10  }
0x10: {  	s24 =	sshrl.u32 s7, $0x3;
	[dreg:$0x4] =	wrdreg s25;
	s26 =	sadd.s32 $0x180, s2  }
0x11: {  	s12 =	smax.u32 s13, $0x1;
	s18 =	sshrl.u32 s18, $0x3;
	s25 =	simm.s32 $0x1  }
0x12: {  	s0 =	sadd.s32 s8, s0;
	[dreg:$0x3] =	wrdreg s22;
	s8 =	sadd.s32 s5, s24  }
0x13: {  	s14 =	sshrl.u32 s26, $0x3;
	s22 =	simm.s32 $0x17900;
	s24 =	simm.s32 $0x1A180  }
0x14: {  	s26 =	simm.s32 $0x3;
	s9 =	sadd.s32 $0x10, s8;
	s10 =	sadd.s32 $0x7C0, s8  }
0x15: {  	s11 =	sadd.s32 $0x9BA00, s0;
	s13 =	sadd.s32 s14, s5;
	s14 =	sadd.s32 $0x100, s2  }
.LBB2_1:
0x16: {  	s0 =	rddreg [dreg:$0x3]  }
0x17: {  	[tilespmem:s15], [sflag:$0x5] =	stream.linear.gather [hbm4b:s0+s3], $0x3E80, $0x38;
	[tilespmem:$0x1C980] =	vst v63  }
0x18: {  	_ =	swait.ge [sflag:s16], $0x3E80  }
0x19: {  	[sflag:s16] =	ssyncset.done $0x0  }
0x1a: {  	s23 =	rddreg [dreg:$0x4];
	[sflag:s16] =	ssyncadd.s32 $0xFFFFC180  }
0x1b: {  	[spmem:s18], [sflag:s17] =	dma.local [hbm:s23], $0x2710  }
0x1c: {  	_ =	swait.ge [sflag:s16], $0x2710  }
0x1d: {  	[sflag:s16] =	ssyncset.done $0x0  }
0x1e: {  	[sflag:s16] =	ssyncadd.s32 $0xFFFFD8F0  }
0x1f: {  	[tilespmem:s19], [sflag:$0x3] =	stream.linear.gather [hbm4b:s8+s3], $0x80, $0x38;
	[tilespmem:$0x1C980] =	vst v63  }
0x20: {  	_ = 	snop  }
0x21: {  	[tilespmem:s21], [sflag:$0x1] =	stream.indirect.gather [hbm4b:s4+s20], $0x80, s15, s20, $0xb8;
	[tilespmem:$0x1C980] =	vst v63  }
0x22: {  	_ = 	snop  }
0x23: {  	[tilespmem:s22], [sflag:$0x4] =	stream.linear.gather [hbm4b:s9+s3], $0x80, $0x38;
	[tilespmem:$0x1C980] =	vst v63  }
0x24: {  	s2 =	simm.s32 $0x13900  }
0x25: {  	[tilespmem:s24], [sflag:$0x2] =	stream.indirect.gather [hbm4b:s4+s20], $0x80, s2, s20, $0xb8;
	[tilespmem:$0x1C980] =	vst v63  }
0x26: {  	[bflag:$0x0] =	sbarrier.arrive $0xFFFF  }
0x27: {  	_ =	swait.ge [sflag:s25], $0x2800  }
0x28: {  	[sflag:s25] =	ssyncset.done $0x0  }
0x29: {  	[sflag:s25] =	ssyncadd.s32 $0xFFFFD800  }
0x2a: {  	_ =	swait.ge [sflag:s26], $0x80  }
0x2b: {  	[sflag:s26] =	ssyncset.done $0x0  }
0x2c: {  	[sflag:s26] =	ssyncadd.s32 $0xFFFFFF80  }
0x2d: {  	[spmem:s1] =	stream.indirect.scatter.add.f32 [tilespmem:s21], [sflag:$0x5], $0x80, s19, s20, $0xb8;
	[tilespmem:$0x1C980] =	vst v63  }
0x2e: {  	_ =	swait.ge [sflag:s16], $0x2800  }
0x2f: {  	s6 =	sshrl.u32 s14, $0x3;
	[sflag:s16] =	ssyncset.done $0x0  }
0x30: {  	s0 =	sadd.s32 s5, s6;
	[sflag:s16] =	ssyncadd.s32 $0xFFFFD800  }
0x31: {  	[tilespmem:s19], [sflag:$0x3] =	stream.linear.gather [hbm4b:s0+s3], $0x80, $0x38;
	[tilespmem:$0x1C980] =	vst v63  }
0x32: {  	s7 =	simm.s32 $0x13980  }
0x33: {  	[tilespmem:s21], [sflag:$0x1] =	stream.indirect.gather [hbm4b:s4+s20], $0x80, s7, s20, $0xb8;
	[tilespmem:$0x1C980] =	vst v63  }
0x34: {  	_ =	swait.ge [sflag:s28], $0x2800  }
0x35: {  	[sflag:s28] =	ssyncset.done $0x0  }
0x36: {  	[sflag:s28] =	ssyncadd.s32 $0xFFFFD800  }
0x37: {  	_ =	swait.ge [sflag:s29], $0x80  }
0x38: {  	[sflag:s29] =	ssyncset.done $0x0  }
0x39: {  	[sflag:s29] =	ssyncadd.s32 $0xFFFFFF80  }
0x3a: {  	[spmem:s1] =	stream.indirect.scatter.add.f32 [tilespmem:s24], [sflag:$0x5], $0x80, s22, s20, $0xb8;
	[tilespmem:$0x1C980] =	vst v63  }
0x3b: {  	_ =	swait.ge [sflag:s16], $0x2800  }
0x3c: {  	[sflag:s16] =	ssyncset.done $0x0  }
0x3d: {  	s30 =	sadd.s32 $0x100, s14;
	s23 =	sadd.s32 $0x0, s13;
	[sflag:s16] =	ssyncadd.s32 $0xFFFFD800  }
0x3e: {  	[tilespmem:s22], [sflag:$0x4] =	stream.linear.gather [hbm4b:s23+s3], $0x80, $0x38;
	[tilespmem:$0x1C980] =	vst v63  }
0x3f: {  	s2 =	simm.s32 $0x20;
	s0 =	simm.s32 $0x13A00;
	s23 =	simm.s32 $0x13B00  }
.LBB2_2:
0x40: {  	[tilespmem:s24], [sflag:$0x2] =	stream.indirect.gather [hbm4b:s4+s20], $0x80, s0, s20, $0xb8;
	[tilespmem:$0x1C980] =	vst v63  }
0x41: {  	s6 =	smov.u32 s2;
	s0 =	smov.u32 s23  }
0x42: {  	p0 =	sne.s32 s2, $0x780;
	s2 =	sadd.s32 $0x20, s2;
	_ =	swait.ge [sflag:s25], $0x2800  }
0x43: {  	[sflag:s25] =	ssyncset.done $0x0  }
0x44: {  	[sflag:s25] =	ssyncadd.s32 $0xFFFFD800  }
0x45: {  	_ =	swait.ge [sflag:s26], $0x80  }
0x46: {  	[sflag:s26] =	ssyncset.done $0x0  }
0x47: {  	[sflag:s26] =	ssyncadd.s32 $0xFFFFFF80  }
0x48: {  	[spmem:s1] =	stream.indirect.scatter.add.f32 [tilespmem:s21], [sflag:$0x5], $0x80, s19, s20, $0xb8;
	[tilespmem:$0x1C980] =	vst v63  }
0x49: {  	_ =	swait.ge [sflag:s16], $0x2800  }
0x4a: {  	s7 =	sshrl.u32 s30, $0x3;
	[sflag:s16] =	ssyncset.done $0x0  }
0x4b: {  	s7 =	sadd.s32 s5, s7;
	[sflag:s16] =	ssyncadd.s32 $0xFFFFD800  }
0x4c: {  	[tilespmem:s19], [sflag:$0x3] =	stream.linear.gather [hbm4b:s7+s3], $0x80, $0x38;
	[tilespmem:$0x1C980] =	vst v63  }
0x4d: {  	s7 =	sadd.s32 $0xFFFFFF80, s23  }
0x4e: {  	[tilespmem:s21], [sflag:$0x1] =	stream.indirect.gather [hbm4b:s4+s20], $0x80, s7, s20, $0xb8;
	[tilespmem:$0x1C980] =	vst v63  }
0x4f: {  	_ =	swait.ge [sflag:s28], $0x2800  }
0x50: {  	[sflag:s28] =	ssyncset.done $0x0  }
0x51: {  	[sflag:s28] =	ssyncadd.s32 $0xFFFFD800  }
0x52: {  	_ =	swait.ge [sflag:s29], $0x80  }
0x53: {  	[sflag:s29] =	ssyncset.done $0x0  }
0x54: {  	[sflag:s29] =	ssyncadd.s32 $0xFFFFFF80  }
0x55: {  	[spmem:s1] =	stream.indirect.scatter.add.f32 [tilespmem:s24], [sflag:$0x5], $0x80, s22, s20, $0xb8;
	[tilespmem:$0x1C980] =	vst v63  }
.Ltmp0:
0x56: {  	_ =	swait.ge [sflag:s16], $0x2800;
	(pc) =	sbr.rel @p0 .LBB2_2-.Ltmp0, $4  }
0x57: {  	[sflag:s16] =	ssyncset.done $0x0  }
0x58: {  	s6 =	sadd.s32 s6, s13;
	[sflag:s16] =	ssyncadd.s32 $0xFFFFD800  }
0x59: {  	[tilespmem:s22], [sflag:$0x4] =	stream.linear.gather [hbm4b:s6+s3], $0x80, $0x38;
	[tilespmem:$0x1C980] =	vst v63  }
0x5a: {  	s30 =	sadd.s32 $0x100, s30;
	s23 =	sadd.s32 $0x100, s23  }
0x5b: {  	[tilespmem:s24], [sflag:$0x2] =	stream.indirect.gather [hbm4b:s4+s20], $0x80, s0, s20, $0xb8;
	[tilespmem:$0x1C980] =	vst v63  }
0x5c: {  	_ =	swait.ge [sflag:s25], $0x2800  }
0x5d: {  	[sflag:s25] =	ssyncset.done $0x0  }
0x5e: {  	[sflag:s25] =	ssyncadd.s32 $0xFFFFD800  }
0x5f: {  	_ =	swait.ge [sflag:s26], $0x80  }
0x60: {  	[sflag:s26] =	ssyncset.done $0x0  }
0x61: {  	[sflag:s26] =	ssyncadd.s32 $0xFFFFFF80  }
0x62: {  	[spmem:s1] =	stream.indirect.scatter.add.f32 [tilespmem:s21], [sflag:$0x5], $0x80, s19, s20, $0xb8;
	[tilespmem:$0x1C980] =	vst v63  }
0x63: {  	_ =	swait.ge [sflag:s16], $0x2800  }
0x64: {  	[sflag:s16] =	ssyncset.done $0x0  }
0x65: {  	[sflag:s16] =	ssyncadd.s32 $0xFFFFD800  }
0x66: {  	[tilespmem:s19], [sflag:$0x3] =	stream.linear.gather [hbm4b:s10+s3], $0x80, $0x38;
	[tilespmem:$0x1C980] =	vst v63  }
0x67: {  	s30 =	simm.s32 $0x17680  }
0x68: {  	[tilespmem:s21], [sflag:$0x1] =	stream.indirect.gather [hbm4b:s4+s20], $0x80, s30, s20, $0xb8;
	[tilespmem:$0x1C980] =	vst v63  }
0x69: {  	_ =	swait.ge [sflag:s28], $0x2800  }
0x6a: {  	[sflag:s28] =	ssyncset.done $0x0  }
0x6b: {  	[sflag:s28] =	ssyncadd.s32 $0xFFFFD800  }
0x6c: {  	_ =	swait.ge [sflag:s29], $0x80  }
0x6d: {  	[sflag:s29] =	ssyncset.done $0x0  }
0x6e: {  	[sflag:s29] =	ssyncadd.s32 $0xFFFFFF80  }
0x6f: {  	[spmem:s1] =	stream.indirect.scatter.add.f32 [tilespmem:s24], [sflag:$0x5], $0x80, s22, s20, $0xb8;
	[tilespmem:$0x1C980] =	vst v63  }
0x70: {  	_ =	swait.ge [sflag:s16], $0x2800  }
0x71: {  	[sflag:s16] =	ssyncset.done $0x0  }
0x72: {  	[sflag:s16] =	ssyncadd.s32 $0xFFFFD800  }
0x73: {  	_ =	swait.ge [sflag:s25], $0x2800  }
0x74: {  	[sflag:s25] =	ssyncset.done $0x0  }
0x75: {  	[sflag:s25] =	ssyncadd.s32 $0xFFFFD800  }
0x76: {  	_ =	swait.ge [sflag:s26], $0x80  }
0x77: {  	[sflag:s26] =	ssyncset.done $0x0  }
0x78: {  	[sflag:s26] =	ssyncadd.s32 $0xFFFFFF80  }
0x79: {  	[spmem:s1] =	stream.indirect.scatter.add.f32 [tilespmem:s21], [sflag:$0x5], $0x80, s19, s20, $0xb8;
	[tilespmem:$0x1C980] =	vst v63  }
0x7a: {  	_ =	swait.ge [sflag:s16], $0x2800  }
0x7b: {  	s31 =	sadd.s32 $0x1, s31;
	[sflag:s16] =	ssyncset.done $0x0  }
0x7c: {  	p0 =	sne.s32 s31, s12;
	[sflag:s16] =	ssyncadd.s32 $0xFFFFD800  }
.Ltmp1:
0x7d: {  	[bflag:$0x0] =	sbarrier.arrive $0xFFFF;
	(pc) =	sbr.rel @p0 .LBB2_1-.Ltmp1, $4  }
0x7e: {  	[hbm:s11], [sflag:s17] =	dma.local [spmem:s18], $0x2710  }
0x7f: {  	_ =	swait.ge [sflag:s16], $0x2710  }
0x80: {  	[sflag:s16] =	ssyncset.done $0x0  }
0x81: {  	[sflag:s16] =	ssyncadd.s32 $0xFFFFD8F0  }
0x82: {  	_ =	sfence.sel $0x180000  }
0x83: {  	[bflag:$0x0] =	sbarrier.arrive $0xFFFF  }
0x84: {  	_ =	strace $0x90000053  }
0x85: {  	s0 =	stileid.u32;
	[bflag:$0x2] =	sbarrier.arrive $0xFFFF  }
0x86: {  	p0 =	sne.s32 s0, $0x0;
	s0 =	rddreg [dreg:$0x2]  }
0x87: {  	s0 =	sadd.s32 @!p0 $0x100000, s0  }
0x88: {  	[sflag:s0] =	ssyncadd.tile.s32 @!p0 $0x1;
	_ =	shalt  }
.Lfunc_end2:
_tile_overlayer_lowered:
.L_overlay_start_2:
0x89: {  	(tag) =	ssettag $0x2  }
0x8a: {  	s0 =	rddreg [dreg:$0x0];
	s2 =	stileid.u32  }
0x8b: {  	s1 =	rddreg [dreg:$0x1];
	p0 =	sne.s32 s2, $0x0  }
0x8c: {  	s3 =	rddreg [dreg:$0x2];
	[bflag:$0x3] =	sbarrier.arrive $0xFFFF;
	s2 =	simm.s32 @!p0 $0x1C05  }
0x8d: {  	[timem:s3], [sflag:s2] =	dma.local @!p0 [hbm:s0], s1  }
0x8e: {  	s0 =	simm.s32 @!p0 $0x5  }
0x8f: {  	_ =	swait.ge @!p0 [sflag:s0], s1  }
0x90: {  	s1 =	ssub.s32 @!p0 $0x0, s1;
	[sflag:s0] =	ssyncset.done @!p0 $0x0  }
0x91: {  	[sflag:s0] =	ssyncadd.s32 @!p0 s1  }
0x92: {  	[bflag:$0x3] =	sbarrier.arrive $0xFFFF  }
0x93: {  	_ =	shalt  }

</sc_bundles>
